<compile_context>
chip_gen: v7x
topology: tpu7x:2x2x1
jax: 0.10.2.dev20260603
libtpu: 0.0.44.dev20260713+nightly
codegen_flags: <defaults>
</compile_context>

<pallas_src>
import functools
from math import pi as PI

import jax
import jax.numpy as jnp
from jax import lax
from jax.experimental import pallas as pl
from jax.experimental.pallas import tpu as pltpu
from jax.experimental.pallas import tpu_sc as plsc

N = 4096
H = 128
FLT = 128
G = 50
L = 6
CUT = 5.0
K = 32
NB = 16
RB = 256
NRB = N // RB
EB = RB * K
E = N * K

_GAMMA = 0.5 / (CUT / (G - 1)) ** 2


def _ssp(x):
    return jnp.maximum(x, 0.0) + jnp.log1p(jnp.exp(-jnp.abs(x))) - 0.6931471805599453



CW = 512
NCH = N // CW


def _graph_kernel(pos_T, posf, bat_T, batf, bat2,
                  idx_o, w_o, md_s, cm_s):
    rb = pl.program_id(0)
    pT = pos_T[...]
    sq_r = jnp.sum(pT * pT, axis=0, keepdims=True)
    pTb = pT.astype(jnp.bfloat16).astype(jnp.float32)
    bT = bat_T[...]
    bmin = jnp.min(bT)
    bmax = jnp.max(bT)
    b2 = bat2[...]
    c0 = jnp.sum((b2 < bmin).astype(jnp.int32))
    c1 = jnp.sum((b2 <= bmax).astype(jnp.int32))
    ch_lo = c0 // CW
    nch = (c1 - 1) // CW - ch_lo + 1
    row_g = jax.lax.broadcasted_iota(jnp.int32, (1, RB), 1) + rb * RB
    cm_s[...] = jnp.full((NCH, RB), jnp.inf, jnp.float32)

    def build(i, _):
        base = (ch_lo + i) * CW
        pf = posf[pl.ds(base, CW), :]
        sq_c = jnp.sum(pf * pf, axis=1, keepdims=True)
        pfb = pf.astype(jnp.bfloat16).astype(jnp.float32)
        cross = (pfb[:, 0:1] * pTb[0:1, :] + pfb[:, 1:2] * pTb[1:2, :]
                 + pfb[:, 2:3] * pTb[2:3, :])
        d2 = sq_c + sq_r - 2.0 * cross
        dist = jnp.sqrt(jnp.maximum(d2, 1e-12))
        ci = jax.lax.broadcasted_iota(jnp.int32, (CW, RB), 0) + base
        bc = batf[pl.ds(base, CW), :]
        mask = (bc == bT) & (ci != row_g) & (dist <= CUT)
        mdc = jnp.where(mask, dist, jnp.inf)
        md_s[pl.ds(base, CW), :] = mdc
        cm_s[pl.ds(ch_lo + i, 1), :] = jnp.min(mdc, axis=0, keepdims=True)
        return 0

    jax.lax.fori_loop(0, nch, build, 0)

    for k in range(K):
        m = jnp.min(cm_s[...], axis=0, keepdims=True)

        def passB(i, j):
            base = (ch_lo + i) * CW
            chunk = md_s[pl.ds(base, CW), :]
            ci = jax.lax.broadcasted_iota(jnp.int32, (CW, RB), 0) + base
            cand = jnp.where(chunk == m, ci, N)
            return jnp.minimum(j, jnp.min(cand, axis=0, keepdims=True))

        j = jax.lax.fori_loop(0, nch, passB,
                              jnp.full((1, RB), N, jnp.int32))
        idx_o[k:k + 1, :] = j
        w_o[k:k + 1, :] = m

        def passC(i, _):
            base = (ch_lo + i) * CW
            chunk = md_s[pl.ds(base, CW), :]
            ci = jax.lax.broadcasted_iota(jnp.int32, (CW, RB), 0) + base
            upd = jnp.where(ci == j, jnp.inf, chunk)
            md_s[pl.ds(base, CW), :] = upd
            cm_s[pl.ds(ch_lo + i, 1), :] = jnp.min(upd, axis=0,
                                                   keepdims=True)
            return 0

        jax.lax.fori_loop(0, nch, passC, 0)

def _build_graph(pos, batch):
    pos_T = pos.T
    bat_T = batch.reshape(1, N).astype(jnp.int32)
    batf = batch.reshape(N, 1).astype(jnp.int32)
    bat2 = batch.reshape(N // 128, 128).astype(jnp.int32)
    return pl.pallas_call(
        _graph_kernel,
        grid=(NRB,),
        in_specs=[
            pl.BlockSpec((3, RB), lambda i: (0, i)),
            pl.BlockSpec((N, 3), lambda i: (0, 0)),
            pl.BlockSpec((1, RB), lambda i: (0, i)),
            pl.BlockSpec((N, 1), lambda i: (0, 0)),
            pl.BlockSpec((N // 128, 128), lambda i: (0, 0)),
        ],
        out_specs=[
            pl.BlockSpec((K, RB), lambda i: (i, 0)),
            pl.BlockSpec((K, RB), lambda i: (i, 0)),
        ],
        out_shape=[
            jax.ShapeDtypeStruct((NRB * K, RB), jnp.int32),
            jax.ShapeDtypeStruct((NRB * K, RB), jnp.float32),
        ],
        scratch_shapes=[
            pltpu.VMEM((N, RB), jnp.float32),
            pltpu.VMEM((NCH, RB), jnp.float32),
        ],
    )(pos_T, pos, bat_T, batf, bat2)



def _emb_lookup_sc(emb, z):
    info = plsc.get_sparse_core_info()
    nc, ns = info.num_cores, info.num_subcores
    nw = nc * ns
    bpw = N // nw
    mesh = plsc.VectorSubcoreMesh(core_axis_name="c", subcore_axis_name="s")

    @functools.partial(
        pl.kernel, mesh=mesh,
        out_type=jax.ShapeDtypeStruct((N, H), jnp.float32),
        scratch_types=[
            pltpu.VMEM((bpw,), jnp.int32),
            pltpu.VMEM((bpw, H), jnp.float32),
            pltpu.SemaphoreType.DMA,
        ],
    )
    def k(emb_hbm, z_hbm, out_hbm, idx_v, rows_v, sem):
        wid = lax.axis_index("s") * nc + lax.axis_index("c")
        base = wid * bpw
        pltpu.sync_copy(z_hbm.at[pl.ds(base, bpw)], idx_v)
        pltpu.async_copy(emb_hbm.at[idx_v], rows_v, sem).wait()
        pltpu.sync_copy(rows_v, out_hbm.at[pl.ds(base, bpw)])

    return k(emb, z.astype(jnp.int32))



def _edge_kernel(w_e, idx_e, eag_o):
    w = w_e[...]
    vm = jnp.isfinite(w)
    ew = jnp.where(vm, w, 0.0)
    offs = jax.lax.broadcasted_iota(
        jnp.int32, (EB, G), 1).astype(jnp.float32) * jnp.float32(CUT / (G - 1))
    diff = ew - offs
    ea = jnp.exp(-_GAMMA * diff * diff)
    x = ew * (PI / CUT)
    x2 = x * x
    cosx = 1.0 + x2 * (-0.5 + x2 * (1.0 / 24 + x2 * (-1.0 / 720
                                                     + x2 * (1.0 / 40320))))
    gate = 0.5 * (cosx + 1.0) * vm.astype(jnp.float32)
    idxf = idx_e[...].astype(jnp.float32)
    eag_o[...] = jnp.concatenate([ea, gate, idxf], axis=1)


def _build_edges(w, idx):
    w_e = w.reshape(E, 1)
    idx_e = idx.reshape(E, 1)
    return pl.pallas_call(
        _edge_kernel,
        grid=(NRB,),
        in_specs=[
            pl.BlockSpec((EB, 1), lambda i: (i, 0)),
            pl.BlockSpec((EB, 1), lambda i: (i, 0)),
        ],
        out_specs=pl.BlockSpec((EB, G + 2), lambda i: (i, 0)),
        out_shape=jax.ShapeDtypeStruct((E, G + 2), jnp.float32),
    )(w_e, idx_e)



def _bdot(a, b):
    return jax.lax.dot(a.astype(jnp.bfloat16), b.astype(jnp.bfloat16),
                       preferred_element_type=jnp.float32)


def _layers_kernel(h0, eag, w1, b1, w2, b2, cf1, cf2, cf2b, intw, intb,
                   h_out, h_s, xmb_s, acc_s):
    l = pl.program_id(0)
    ph = pl.program_id(1)

    @pl.when((l == 0) & (ph == 0))
    def _():
        h_s[...] = h0[...]

    @pl.when(ph == 0)
    def _():
        xmb_s[...] = _bdot(h_s[...], cf1[0]).astype(jnp.bfloat16)

    @pl.when(ph > 0)
    def _():
        rb = ph - 1
        eb = eag[...]
        ea = eb[:, 0:G]
        gate = eb[:, G:G + 1]
        idxf = eb[:, G + 1:G + 2]
        t = _ssp(_bdot(ea, w1[0]) + b1[0])
        wf = (_bdot(t, w2[0]) + b2[0]) * gate
        mn = jnp.min(idxf).astype(jnp.int32)
        mx = jnp.max(idxf).astype(jnp.int32)
        cb_lo = mn // RB
        ncb = mx // RB - cb_lo + 1
        acc_s[...] = jnp.zeros((EB, H), jnp.float32)
        ci0 = jax.lax.broadcasted_iota(
            jnp.int32, (EB, RB), 1).astype(jnp.bfloat16)
        one_b = jnp.ones((), jnp.bfloat16)
        zero_b = jnp.zeros((), jnp.bfloat16)

        def gath(i, _):
            base = (cb_lo + i) * RB
            diff_b = (idxf - base.astype(jnp.float32)).astype(jnp.bfloat16)
            oh = jnp.where(diff_b == ci0, one_b, zero_b)
            acc_s[...] += jax.lax.dot(
                oh, xmb_s[pl.ds(base, RB), :],
                preferred_element_type=jnp.float32)
            return 0

        jax.lax.fori_loop(0, ncb, gath, 0)
        msg = acc_s[...] * wf
        agg = msg[0:RB, :]
        for k in range(1, K):
            agg = agg + msg[k * RB:(k + 1) * RB, :]
        hc = _ssp(_bdot(agg, cf2[0]) + cf2b[0])
        hc = _bdot(hc, intw[0]) + intb[0]
        hn = h_s[pl.ds(rb * RB, RB), :] + hc
        h_s[pl.ds(rb * RB, RB), :] = hn

        @pl.when(l == L - 1)
        def _():
            h_out[...] = hn


def _run_layers(h0, eag, mlp_w1, mlp_b1, mlp_w2, mlp_b2,
                cf_lin1_w, cf_lin2_w, cf_lin2_b, int_lin_w, int_lin_b):
    b1 = mlp_b1.reshape(L, 1, FLT)
    b2 = mlp_b2.reshape(L, 1, FLT)
    cf2b = cf_lin2_b.reshape(L, 1, H)
    intb = int_lin_b.reshape(L, 1, H)

    def wspec(d1, d2):
        return pl.BlockSpec((1, d1, d2), lambda l, ph: (l, 0, 0))

    def espec(d):
        return pl.BlockSpec(
            (EB, d), lambda l, ph: (jnp.maximum(ph - 1, 0), 0))

    return pl.pallas_call(
        _layers_kernel,
        grid=(L, NRB + 1),
        in_specs=[
            pl.BlockSpec((N, H), lambda l, ph: (0, 0)),
            espec(G + 2),
            wspec(G, FLT), wspec(1, FLT),
            wspec(FLT, FLT), wspec(1, FLT),
            wspec(H, FLT),
            wspec(FLT, H), wspec(1, H),
            wspec(H, H), wspec(1, H),
        ],
        out_specs=pl.BlockSpec(
            (RB, H), lambda l, ph: (jnp.maximum(ph - 1, 0), 0)),
        out_shape=jax.ShapeDtypeStruct((N, H), jnp.float32),
        scratch_shapes=[
            pltpu.VMEM((N, H), jnp.float32),
            pltpu.VMEM((N, H), jnp.bfloat16),
            pltpu.VMEM((EB, H), jnp.float32),
        ],
        compiler_params=pltpu.CompilerParams(
            dimension_semantics=("arbitrary", "arbitrary")),
    )(h0, eag, mlp_w1, b1, mlp_w2, b2,
      cf_lin1_w, cf_lin2_w, cf2b, int_lin_w, intb)



def _readout_kernel(h, bat_c, o1w, o1b, o2w, o2b, out_o):
    y = _ssp(_bdot(h[...], o1w[...]) + o1b[...])
    y = _bdot(y, o2w[...]) + o2b[...]
    gi = jax.lax.broadcasted_iota(jnp.int32, (NB, N), 0)
    ind = (gi == bat_c[...]).astype(jnp.float32)
    out_o[...] = jax.lax.dot(ind, y, precision=jax.lax.Precision.HIGHEST)


def _readout(h, batch, out1_w, out1_b, out2_w, out2_b):
    bat_c = batch.reshape(1, N).astype(jnp.int32)
    return pl.pallas_call(
        _readout_kernel,
        in_specs=[pl.BlockSpec(x.shape, lambda: tuple([0] * x.ndim))
                  for x in (h, bat_c, out1_w,
                            out1_b.reshape(1, H // 2),
                            out2_w, out2_b.reshape(1, 1))],
        out_specs=pl.BlockSpec((NB, 1), lambda: (0, 0)),
        out_shape=jax.ShapeDtypeStruct((NB, 1), jnp.float32),
    )(h, bat_c, out1_w, out1_b.reshape(1, H // 2),
      out2_w, out2_b.reshape(1, 1))


def kernel(z, pos, batch, emb, mlp_w1, mlp_b1, mlp_w2, mlp_b2,
           cf_lin1_w, cf_lin2_w, cf_lin2_b, int_lin_w, int_lin_b,
           out1_w, out1_b, out2_w, out2_b):
    idx, w = _build_graph(pos, batch)
    h0 = _emb_lookup_sc(emb, z)
    eag = _build_edges(w, idx)
    h = _run_layers(h0, eag, mlp_w1, mlp_b1, mlp_w2, mlp_b2,
                    cf_lin1_w, cf_lin2_w, cf_lin2_b, int_lin_w, int_lin_b)
    return _readout(h, batch, out1_w, out1_b, out2_w, out2_b)

# --- scband reference (transcript-rebuilt; emitter-appended) ---
"""Pipeline reference for scband-sch-net-70944269795974 (READ-ONLY COPY).

The authoritative reference and input builder live on the scoring server;
editing this copy changes nothing except your own understanding.
"""

import jax, jax.numpy as jnp
import numpy as np
from math import pi as PI

N = 4096
H = 128
FLT = 128
G = 50
L = 6
CUT = 5.0
K = 32
NB = 16

def _ssp(x):
    return jax.nn.softplus(x) - jnp.log(2.0)

def setup_inputs(seed: int = 0) -> dict:
    key = jax.random.key(seed)
    ks = jax.random.split(key, 16)
    z = jax.random.randint(ks[0], (N,), 0, 100)
    pos = jax.random.uniform(ks[1], (N, 3), dtype=jnp.float32)
    batch = jnp.sort(jax.random.randint(ks[2], (N,), 0, NB))
    emb = jax.random.normal(ks[3], (100, H), dtype=jnp.float32)
    mlp_w1 = jax.random.normal(ks[4], (L, G, FLT), dtype=jnp.float32) / np.sqrt(G)
    mlp_b1 = jnp.zeros((L, FLT), dtype=jnp.float32)
    mlp_w2 = jax.random.normal(ks[5], (L, FLT, FLT), dtype=jnp.float32) / np.sqrt(FLT)
    mlp_b2 = jnp.zeros((L, FLT), dtype=jnp.float32)
    cf_lin1_w = jax.random.normal(ks[6], (L, H, FLT), dtype=jnp.float32) / np.sqrt(H)
    cf_lin2_w = jax.random.normal(ks[7], (L, FLT, H), dtype=jnp.float32) / np.sqrt(FLT)
    cf_lin2_b = jnp.zeros((L, H), dtype=jnp.float32)
    int_lin_w = jax.random.normal(ks[8], (L, H, H), dtype=jnp.float32) / np.sqrt(H)
    int_lin_b = jnp.zeros((L, H), dtype=jnp.float32)
    out1_w = jax.random.normal(ks[9], (H, H // 2), dtype=jnp.float32) / np.sqrt(H)
    out1_b = jnp.zeros((H // 2,), dtype=jnp.float32)
    out2_w = jax.random.normal(ks[10], (H // 2, 1), dtype=jnp.float32) / np.sqrt(H // 2)
    out2_b = jnp.zeros((1,), dtype=jnp.float32)
    return {"z": z, "pos": pos, "batch": batch, "emb": emb,
            "mlp_w1": mlp_w1, "mlp_b1": mlp_b1, "mlp_w2": mlp_w2, "mlp_b2": mlp_b2,
            "cf_lin1_w": cf_lin1_w, "cf_lin2_w": cf_lin2_w, "cf_lin2_b": cf_lin2_b,
            "int_lin_w": int_lin_w, "int_lin_b": int_lin_b,
            "out1_w": out1_w, "out1_b": out1_b, "out2_w": out2_w, "out2_b": out2_b}

def reference(z, pos, batch, emb, mlp_w1, mlp_b1, mlp_w2, mlp_b2,
              cf_lin1_w, cf_lin2_w, cf_lin2_b, int_lin_w, int_lin_b,
              out1_w, out1_b, out2_w, out2_b):
    # radius_graph: nearest max_num_neighbors within cutoff, same batch, no self-loops
    sq = jnp.sum(pos * pos, axis=1)
    D2 = sq[:, None] + sq[None, :] - 2.0 * (pos @ pos.T)
    dist_full = jnp.sqrt(jnp.maximum(D2, 1e-12))
    same = batch[:, None] == batch[None, :]
    eye = jnp.eye(N, dtype=bool)
    mask = same & (~eye) & (dist_full <= CUT)
    md = jnp.where(mask, dist_full, jnp.inf)
    neg, idx = jax.lax.top_k(-md, K)
    w = -neg  # [N, K] distances to nearest neighbors
    valid = jnp.isfinite(w)
    w = jnp.where(valid, w, 0.0)
    dst = jnp.repeat(jnp.arange(N), K)      # target nodes i
    src = idx.reshape(-1)                   # source nodes j
    ew = w.reshape(-1)                      # edge_weight (distances)
    vm = valid.reshape(-1).astype(jnp.float32)
    # GaussianSmearing
    offset = jnp.linspace(0.0, CUT, G)
    gamma = 0.5 / (offset[1] - offset[0]) ** 2
    edge_attr = jnp.exp(-gamma * (ew[:, None] - offset[None, :]) ** 2)
    # cosine cutoff envelope
    Cenv = 0.5 * (jnp.cos(ew * PI / CUT) + 1.0)
    h = emb[z]
    for i in range(L):
        Wf = _ssp(edge_attr @ mlp_w1[i] + mlp_b1[i]) @ mlp_w2[i] + mlp_b2[i]
        Wf = Wf * (Cenv * vm)[:, None]
        xm = h @ cf_lin1_w[i]
        msg = xm[src] * Wf
        agg = jax.ops.segment_sum(msg, dst, num_segments=N)
        hc = agg @ cf_lin2_w[i] + cf_lin2_b[i]
        hc = _ssp(hc)
        hc = hc @ int_lin_w[i] + int_lin_b[i]
        h = h + hc
    h = _ssp(h @ out1_w + out1_b)
    h = h @ out2_w + out2_b
    out = jax.ops.segment_sum(h, batch, num_segments=NB)
    return out

if __name__ == "__main__":
    import jax
    _d = setup_inputs()
    print(jax.jit(kernel)(*tuple(_d.values())))

</pallas_src>

<mosaic_0001>
#map = affine_map<(d0, d1) -> (0, 0)>
#map1 = affine_map<(d0, d1) -> (0)>
module attributes {stable_mosaic.version = 14 : i64} {
  func.func @k(%arg0: i32, %arg1: i32, %arg2: memref<100x128xf32, #tpu.memory_space<hbm>>, %arg3: memref<4096xi32, #tpu.memory_space<hbm>>, %arg4: memref<4096x128xf32, #tpu.memory_space<hbm>>, %arg5: memref<128xi32, #tpu.memory_space<vmem>>, %arg6: memref<128x128xf32, #tpu.memory_space<vmem>>, %arg7: memref<!tpu.dma_semaphore, #tpu.memory_space<semaphore_mem>>) attributes {dimension_semantics = [#tpu.dimension_semantics<core_parallel>, #tpu.dimension_semantics<subcore_parallel>], iteration_bounds = array<i64: 2, 16>, scalar_prefetch = 0 : i64, scratch_operands = 3 : i64, tpu.core_type = #tpu.core_type<sc_vector_subcore>, window_params = [{transform_indices = #map}, {transform_indices = #map1}, {transform_indices = #map}]} {
    %mul3A = arith.constant 2 : i32
    %mul3A_0 = arith.muli %arg1, %mul3A : i32
    %add3A = arith.addi %mul3A_0, %arg0 : i32
    %mul3A_1 = arith.constant 128 : i32
    %mul3A_2 = arith.muli %add3A, %mul3A_1 : i32
    "tpu.region"() ({
      %run_scoped3A = tpu.sem_alloc : memref<!tpu.dma_semaphore, #tpu.memory_space<semaphore_mem>>
      %dma_start3A_7 = tpu.memref_slice %arg3[%mul3A_2] : memref<4096xi32, #tpu.memory_space<hbm>> -> memref<128xi32, #tpu.memory_space<hbm>>
      %dma_start3A_8 = tpu.memref_slice %arg3[%mul3A_2] : memref<4096xi32, #tpu.memory_space<hbm>> -> memref<128xi32, #tpu.memory_space<hbm>>
      tpu.enqueue_dma source(%dma_start3A_8 : memref<128xi32, #tpu.memory_space<hbm>>) target(%arg5 : memref<128xi32, #tpu.memory_space<vmem>>) target_semaphore(%run_scoped3A : memref<!tpu.dma_semaphore, #tpu.memory_space<semaphore_mem>>)
      %dma_wait3A_9 = tpu.memref_slice %arg3[%mul3A_2] : memref<4096xi32, #tpu.memory_space<hbm>> -> memref<128xi32, #tpu.memory_space<hbm>>
      %dma_wait3A_10 = tpu.memref_slice %arg3[%mul3A_2] : memref<4096xi32, #tpu.memory_space<hbm>> -> memref<128xi32, #tpu.memory_space<hbm>>
      tpu.wait_dma2 semaphore(%run_scoped3A : memref<!tpu.dma_semaphore, #tpu.memory_space<semaphore_mem>>) src(%dma_wait3A_10 : memref<128xi32, #tpu.memory_space<hbm>>) dst(%arg5 : memref<128xi32, #tpu.memory_space<vmem>>)
      tpu.yield
    }) : () -> ()
    %dma_start3A = arith.constant 0 : i32
    %dma_start3A_3 = arith.constant 0 : i32
    %dma_start3A_4 = tpu.memref_slice %arg2[%dma_start3A, %dma_start3A_3] : memref<100x128xf32, #tpu.memory_space<hbm>> -> memref<100x128xf32, #tpu.memory_space<hbm>>
    tpu.enqueue_indirect_dma source(%dma_start3A_4 : memref<100x128xf32, #tpu.memory_space<hbm>>) target(%arg6 : memref<128x128xf32, #tpu.memory_space<vmem>>) offsets(%arg5 : memref<128xi32, #tpu.memory_space<vmem>>) semaphore(%arg7 : memref<!tpu.dma_semaphore, #tpu.memory_space<semaphore_mem>>)
    %dma_wait3A = arith.constant 0 : i32
    %dma_wait3A_5 = arith.constant 0 : i32
    %dma_wait3A_6 = tpu.memref_slice %arg2[%dma_wait3A, %dma_wait3A_5] : memref<100x128xf32, #tpu.memory_space<hbm>> -> memref<100x128xf32, #tpu.memory_space<hbm>>
    tpu.wait_indirect_dma semaphore(%arg7 : memref<!tpu.dma_semaphore, #tpu.memory_space<semaphore_mem>>) src(%dma_wait3A_6 : memref<100x128xf32, #tpu.memory_space<hbm>>) dst(%arg6 : memref<128x128xf32, #tpu.memory_space<vmem>>)
    "tpu.region"() ({
      %run_scoped3A = tpu.sem_alloc : memref<!tpu.dma_semaphore, #tpu.memory_space<semaphore_mem>>
      %dma_start3A_7 = arith.constant 0 : i32
      %dma_start3A_8 = tpu.memref_slice %arg4[%mul3A_2, %dma_start3A_7] : memref<4096x128xf32, #tpu.memory_space<hbm>> -> memref<128x128xf32, #tpu.memory_space<hbm>>
      %dma_start3A_9 = arith.constant 0 : i32
      %dma_start3A_10 = tpu.memref_slice %arg4[%mul3A_2, %dma_start3A_9] : memref<4096x128xf32, #tpu.memory_space<hbm>> -> memref<128x128xf32, #tpu.memory_space<hbm>>
      tpu.enqueue_dma source(%arg6 : memref<128x128xf32, #tpu.memory_space<vmem>>) target(%dma_start3A_10 : memref<128x128xf32, #tpu.memory_space<hbm>>) target_semaphore(%run_scoped3A : memref<!tpu.dma_semaphore, #tpu.memory_space<semaphore_mem>>)
      %dma_wait3A_11 = arith.constant 0 : i32
      %dma_wait3A_12 = tpu.memref_slice %arg4[%mul3A_2, %dma_wait3A_11] : memref<4096x128xf32, #tpu.memory_space<hbm>> -> memref<128x128xf32, #tpu.memory_space<hbm>>
      %dma_wait3A_13 = arith.constant 0 : i32
      %dma_wait3A_14 = tpu.memref_slice %arg4[%mul3A_2, %dma_wait3A_13] : memref<4096x128xf32, #tpu.memory_space<hbm>> -> memref<128x128xf32, #tpu.memory_space<hbm>>
      tpu.wait_dma2 semaphore(%run_scoped3A : memref<!tpu.dma_semaphore, #tpu.memory_space<semaphore_mem>>) src(%arg6 : memref<128x128xf32, #tpu.memory_space<vmem>>) dst(%dma_wait3A_14 : memref<128x128xf32, #tpu.memory_space<hbm>>)
      tpu.yield
    }) : () -> ()
    return
  }
}

module attributes {stable_mosaic.version = 14 : i64} {
  func.func @_graph_kernel(%arg0: i32, %arg1: memref<3x256xf32, #tpu.memory_space<vmem>>, %arg2: memref<4096x3xf32, #tpu.memory_space<vmem>>, %arg3: memref<1x256xi32, #tpu.memory_space<vmem>>, %arg4: memref<4096x1xi32, #tpu.memory_space<vmem>>, %arg5: memref<32x128xi32, #tpu.memory_space<vmem>>, %arg6: memref<32x256xi32, #tpu.memory_space<vmem>>, %arg7: memref<32x256xf32, #tpu.memory_space<vmem>>, %arg8: memref<4096x256xf32, #tpu.memory_space<vmem>>, %arg9: memref<8x256xf32, #tpu.memory_space<vmem>>) attributes {dimension_semantics = [#tpu.dimension_semantics<arbitrary>], iteration_bounds = array<i64: 16>, scalar_prefetch = 0 : i64, scratch_operands = 2 : i64, tpu.core_type = #tpu.core_type<tc>, window_params = [{transform_indices = @transform_0, window_bounds = array<i64: 3, 256>}, {pipeline_mode = #tpu.pipeline_mode<synchronous>, transform_indices = @transform_1, window_bounds = array<i64: 4096, 3>}, {transform_indices = @transform_2, window_bounds = array<i64: 1, 256>}, {pipeline_mode = #tpu.pipeline_mode<synchronous>, transform_indices = @transform_3, window_bounds = array<i64: 4096, 1>}, {pipeline_mode = #tpu.pipeline_mode<synchronous>, transform_indices = @transform_4, window_bounds = array<i64: 32, 128>}, {transform_indices = @transform_5, window_bounds = array<i64: 32, 256>}, {transform_indices = @transform_6, window_bounds = array<i64: 32, 256>}]} {
    %get3A = arith.constant 0 : index
    %get3A_0 = arith.constant 0 : index
    %get3A_1 = vector.load %arg1[%get3A, %get3A_0] : memref<3x256xf32, #tpu.memory_space<vmem>>, vector<3x256xf32>
    %mul3A = arith.mulf %get3A_1, %get3A_1 : vector<3x256xf32>
    %reduce_sum3A = arith.constant dense<0.000000e+00> : vector<256xf32>
    %reduce_sum3A_2 = vector.multi_reduction <add>, %mul3A, %reduce_sum3A [0] : vector<3x256xf32> to vector<256xf32>
    %broadcast_in_dim3A = vector.shape_cast %reduce_sum3A_2 : vector<256xf32> to vector<1x256xf32>
    %convert_element_type3A = arith.truncf %get3A_1 : vector<3x256xf32> to vector<3x256xbf16>
    %convert_element_type3A_3 = arith.extf %convert_element_type3A : vector<3x256xbf16> to vector<3x256xf32>
    %get3A_4 = arith.constant 0 : index
    %get3A_5 = arith.constant 0 : index
    %get3A_6 = vector.load %arg3[%get3A_4, %get3A_5] : memref<1x256xi32, #tpu.memory_space<vmem>>, vector<1x256xi32>
    %reduce_min3A = vector.shape_cast %get3A_6 : vector<1x256xi32> to vector<1x1x256xi32>
    %reduce_min3A_7 = arith.constant dense<2147483647> : vector<1xi32>
    %reduce_min3A_8 = vector.multi_reduction <minsi>, %reduce_min3A, %reduce_min3A_7 [1, 2] : vector<1x1x256xi32> to vector<1xi32>
    %reduce_min3A_9 = vector.shape_cast %reduce_min3A_8 : vector<1xi32> to vector<1x1x1xi32>
    %reduce_min3A_10 = vector.extract %reduce_min3A_9[0, 0, 0] : i32 from vector<1x1x1xi32>
    %reduce_max3A = vector.shape_cast %get3A_6 : vector<1x256xi32> to vector<1x1x256xi32>
    %reduce_max3A_11 = arith.constant dense<-2147483648> : vector<1xi32>
    %reduce_max3A_12 = vector.multi_reduction <maxsi>, %reduce_max3A, %reduce_max3A_11 [1, 2] : vector<1x1x256xi32> to vector<1xi32>
    %reduce_max3A_13 = vector.shape_cast %reduce_max3A_12 : vector<1xi32> to vector<1x1x1xi32>
    %reduce_max3A_14 = vector.extract %reduce_max3A_13[0, 0, 0] : i32 from vector<1x1x1xi32>
    %get3A_15 = arith.constant 0 : index
    %get3A_16 = arith.constant 0 : index
    %get3A_17 = vector.load %arg5[%get3A_15, %get3A_16] : memref<32x128xi32, #tpu.memory_space<vmem>>, vector<32x128xi32>
    %lt3A = vector.broadcast %reduce_min3A_10 : i32 to vector<32x128xi32>
    %lt3A_18 = arith.cmpi slt, %get3A_17, %lt3A : vector<32x128xi32>
    %convert_element_type3A_19 = arith.extui %lt3A_18 : vector<32x128xi1> to vector<32x128xi32>
    %reduce_sum3A_20 = vector.shape_cast %convert_element_type3A_19 : vector<32x128xi32> to vector<1x32x128xi32>
    %reduce_sum3A_21 = arith.constant dense<0> : vector<1xi32>
    %reduce_sum3A_22 = vector.multi_reduction <add>, %reduce_sum3A_20, %reduce_sum3A_21 [1, 2] : vector<1x32x128xi32> to vector<1xi32>
    %reduce_sum3A_23 = vector.shape_cast %reduce_sum3A_22 : vector<1xi32> to vector<1x1x1xi32>
    %reduce_sum3A_24 = vector.extract %reduce_sum3A_23[0, 0, 0] : i32 from vector<1x1x1xi32>
    %le3A = vector.broadcast %reduce_max3A_14 : i32 to vector<32x128xi32>
    %le3A_25 = arith.cmpi sle, %get3A_17, %le3A : vector<32x128xi32>
    %convert_element_type3A_26 = arith.extui %le3A_25 : vector<32x128xi1> to vector<32x128xi32>
    %reduce_sum3A_27 = vector.shape_cast %convert_element_type3A_26 : vector<32x128xi32> to vector<1x32x128xi32>
    %reduce_sum3A_28 = arith.constant dense<0> : vector<1xi32>
    %reduce_sum3A_29 = vector.multi_reduction <add>, %reduce_sum3A_27, %reduce_sum3A_28 [1, 2] : vector<1x32x128xi32> to vector<1xi32>
    %reduce_sum3A_30 = vector.shape_cast %reduce_sum3A_29 : vector<1xi32> to vector<1x1x1xi32>
    %reduce_sum3A_31 = vector.extract %reduce_sum3A_30[0, 0, 0] : i32 from vector<1x1x1xi32>
    %jit3A = arith.constant 512 : i32
    %div3A = arith.divsi %reduce_sum3A_24, %jit3A : i32
    %sign3A = arith.constant 0 : i32
    %sign3A_32 = arith.cmpi sgt, %reduce_sum3A_24, %sign3A : i32
    %sign3A_33 = arith.extui %sign3A_32 : i1 to i32
    %sign3A_34 = arith.constant 0 : i32
    %sign3A_35 = arith.cmpi slt, %reduce_sum3A_24, %sign3A_34 : i32
    %sign3A_36 = arith.extui %sign3A_35 : i1 to i32
    %sign3A_37 = arith.subi %sign3A_33, %sign3A_36 : i32
    %sign3A_38 = arith.constant 0 : i32
    %sign3A_39 = arith.cmpi sgt, %jit3A, %sign3A_38 : i32
    %sign3A_40 = arith.extui %sign3A_39 : i1 to i32
    %sign3A_41 = arith.constant 0 : i32
    %sign3A_42 = arith.cmpi slt, %jit3A, %sign3A_41 : i32
    %sign3A_43 = arith.extui %sign3A_42 : i1 to i32
    %sign3A_44 = arith.subi %sign3A_40, %sign3A_43 : i32
    %ne3A = arith.cmpi ne, %sign3A_37, %sign3A_44 : i32
    %rem3A = arith.remsi %reduce_sum3A_24, %jit3A : i32
    %ne3A_45 = arith.constant 0 : i32
    %ne3A_46 = arith.cmpi ne, %rem3A, %ne3A_45 : i32
    %and3A = arith.andi %ne3A, %ne3A_46 : i1
    %sub3A = arith.constant 1 : i32
    %sub3A_47 = arith.subi %div3A, %sub3A : i32
    %select_n3A = arith.select %and3A, %sub3A_47, %div3A : i32
    %sub3A_48 = arith.constant 1 : i32
    %sub3A_49 = arith.subi %reduce_sum3A_31, %sub3A_48 : i32
    %jit3A_50 = arith.constant 512 : i32
    %div3A_51 = arith.divsi %sub3A_49, %jit3A_50 : i32
    %sign3A_52 = arith.constant 0 : i32
    %sign3A_53 = arith.cmpi sgt, %sub3A_49, %sign3A_52 : i32
    %sign3A_54 = arith.extui %sign3A_53 : i1 to i32
    %sign3A_55 = arith.constant 0 : i32
    %sign3A_56 = arith.cmpi slt, %sub3A_49, %sign3A_55 : i32
    %sign3A_57 = arith.extui %sign3A_56 : i1 to i32
    %sign3A_58 = arith.subi %sign3A_54, %sign3A_57 : i32
    %sign3A_59 = arith.constant 0 : i32
    %sign3A_60 = arith.cmpi sgt, %jit3A_50, %sign3A_59 : i32
    %sign3A_61 = arith.extui %sign3A_60 : i1 to i32
    %sign3A_62 = arith.constant 0 : i32
    %sign3A_63 = arith.cmpi slt, %jit3A_50, %sign3A_62 : i32
    %sign3A_64 = arith.extui %sign3A_63 : i1 to i32
    %sign3A_65 = arith.subi %sign3A_61, %sign3A_64 : i32
    %ne3A_66 = arith.cmpi ne, %sign3A_58, %sign3A_65 : i32
    %rem3A_67 = arith.remsi %sub3A_49, %jit3A_50 : i32
    %ne3A_68 = arith.constant 0 : i32
    %ne3A_69 = arith.cmpi ne, %rem3A_67, %ne3A_68 : i32
    %and3A_70 = arith.andi %ne3A_66, %ne3A_69 : i1
    %sub3A_71 = arith.constant 1 : i32
    %sub3A_72 = arith.subi %div3A_51, %sub3A_71 : i32
    %select_n3A_73 = arith.select %and3A_70, %sub3A_72, %div3A_51 : i32
    %sub3A_74 = arith.subi %select_n3A_73, %select_n3A : i32
    %add3A = arith.constant 1 : i32
    %add3A_75 = arith.addi %sub3A_74, %add3A : i32
    %iota3A = tpu.iota {dimensions = array<i32: 1>} : vector<1x256xi32>
    %mul3A_76 = arith.constant 256 : i32
    %mul3A_77 = arith.muli %arg0, %mul3A_76 : i32
    %add3A_78 = vector.broadcast %mul3A_77 : i32 to vector<1x256xi32>
    %add3A_79 = arith.addi %iota3A, %add3A_78 : vector<1x256xi32>
    %broadcast_in_dim3A_80 = arith.constant 0x7F800000 : f32
    %broadcast_in_dim3A_81 = vector.broadcast %broadcast_in_dim3A_80 : f32 to vector<8x256xf32>
    %swap3A = arith.constant 0 : index
    %swap3A_82 = arith.constant 0 : index
    %swap3A_83 = vector.load %arg9[%swap3A, %swap3A_82] : memref<8x256xf32, #tpu.memory_space<vmem>>, vector<8x256xf32>
    tpu.vector_store %arg9[%swap3A, %swap3A_82], %broadcast_in_dim3A_81 {strides = array<i32>} : memref<8x256xf32, #tpu.memory_space<vmem>>, vector<8x256xf32>,
    %while3A = arith.constant 0 : i32
    %while3A_84 = arith.constant 0 : i32
    %while3A_85 = arith.subi %add3A_75, %while3A : i32
    %while3A_86 = arith.addi %while3A, %while3A_85 : i32
    %while3A_87 = arith.constant 1 : i32
    %while3A_88 = arith.divsi %while3A_85, %while3A_87 : i32
    %while3A_89 = arith.muli %while3A_88, %while3A_87 : i32
    %while3A_90 = arith.addi %while3A, %while3A_89 : i32
    %while3A_91 = arith.constant 1 : i32
    %while3A_92 = scf.for %while3A_1279 = %while3A to %while3A_90 step %while3A_91 iter_args(%while3A_1280 = %while3A_84) -> (i32)  : i32 {
      %add3A_1281 = arith.addi %select_n3A, %while3A_1279 : i32
      %mul3A_1282 = arith.constant 512 : i32
      %mul3A_1283 = arith.muli %add3A_1281, %mul3A_1282 : i32
      %get3A_1284 = arith.index_cast %mul3A_1283 : i32 to index
      %get3A_1285 = arith.constant 0 : index
      %get3A_1286 = vector.load %arg2[%get3A_1284, %get3A_1285] : memref<4096x3xf32, #tpu.memory_space<vmem>>, vector<512x3xf32>
      %mul3A_1287 = arith.mulf %get3A_1286, %get3A_1286 : vector<512x3xf32>
      %reduce_sum3A_1288 = arith.constant dense<0.000000e+00> : vector<512xf32>
      %reduce_sum3A_1289 = vector.multi_reduction <add>, %mul3A_1287, %reduce_sum3A_1288 [1] : vector<512x3xf32> to vector<512xf32>
      %broadcast_in_dim3A_1290 = vector.shape_cast %reduce_sum3A_1289 : vector<512xf32> to vector<512x1xf32>
      %convert_element_type3A_1291 = arith.truncf %get3A_1286 : vector<512x3xf32> to vector<512x3xbf16>
      %convert_element_type3A_1292 = arith.extf %convert_element_type3A_1291 : vector<512x3xbf16> to vector<512x3xf32>
      %slice3A = vector.extract_strided_slice %convert_element_type3A_1292 {offsets = [0, 0], sizes = [512, 1], strides = [1, 1]} : vector<512x3xf32> to vector<512x1xf32>
      %slice3A_1293 = vector.extract_strided_slice %convert_element_type3A_3 {offsets = [0, 0], sizes = [1, 256], strides = [1, 1]} : vector<3x256xf32> to vector<1x256xf32>
      %mul3A_1294 = vector.broadcast %slice3A : vector<512x1xf32> to vector<512x256xf32>
      %mul3A_1295 = vector.broadcast %slice3A_1293 : vector<1x256xf32> to vector<512x256xf32>
      %mul3A_1296 = arith.mulf %mul3A_1294, %mul3A_1295 : vector<512x256xf32>
      %slice3A_1297 = vector.extract_strided_slice %convert_element_type3A_1292 {offsets = [0, 1], sizes = [512, 1], strides = [1, 1]} : vector<512x3xf32> to vector<512x1xf32>
      %slice3A_1298 = vector.extract_strided_slice %convert_element_type3A_3 {offsets = [1, 0], sizes = [1, 256], strides = [1, 1]} : vector<3x256xf32> to vector<1x256xf32>
      %mul3A_1299 = vector.broadcast %slice3A_1297 : vector<512x1xf32> to vector<512x256xf32>
      %mul3A_1300 = vector.broadcast %slice3A_1298 : vector<1x256xf32> to vector<512x256xf32>
      %mul3A_1301 = arith.mulf %mul3A_1299, %mul3A_1300 : vector<512x256xf32>
      %add3A_1302 = arith.addf %mul3A_1296, %mul3A_1301 : vector<512x256xf32>
      %slice3A_1303 = vector.extract_strided_slice %convert_element_type3A_1292 {offsets = [0, 2], sizes = [512, 1], strides = [1, 1]} : vector<512x3xf32> to vector<512x1xf32>
      %slice3A_1304 = vector.extract_strided_slice %convert_element_type3A_3 {offsets = [2, 0], sizes = [1, 256], strides = [1, 1]} : vector<3x256xf32> to vector<1x256xf32>
      %mul3A_1305 = vector.broadcast %slice3A_1303 : vector<512x1xf32> to vector<512x256xf32>
      %mul3A_1306 = vector.broadcast %slice3A_1304 : vector<1x256xf32> to vector<512x256xf32>
      %mul3A_1307 = arith.mulf %mul3A_1305, %mul3A_1306 : vector<512x256xf32>
      %add3A_1308 = arith.addf %add3A_1302, %mul3A_1307 : vector<512x256xf32>
      %add3A_1309 = vector.broadcast %broadcast_in_dim3A_1290 : vector<512x1xf32> to vector<512x256xf32>
      %add3A_1310 = vector.broadcast %broadcast_in_dim3A : vector<1x256xf32> to vector<512x256xf32>
      %add3A_1311 = arith.addf %add3A_1309, %add3A_1310 : vector<512x256xf32>
      %mul3A_1312 = arith.constant 2.000000e+00 : f32
      %mul3A_1313 = vector.broadcast %mul3A_1312 : f32 to vector<512x256xf32>
      %mul3A_1314 = arith.mulf %mul3A_1313, %add3A_1308 : vector<512x256xf32>
      %sub3A_1315 = arith.subf %add3A_1311, %mul3A_1314 : vector<512x256xf32>
      %max3A = arith.constant 9.99999996E-13 : f32
      %max3A_1316 = vector.broadcast %max3A : f32 to vector<512x256xf32>
      %max3A_1317 = arith.maximumf %sub3A_1315, %max3A_1316 : vector<512x256xf32>
      %sqrt3A = math.sqrt %max3A_1317 : vector<512x256xf32>
      %iota3A_1318 = tpu.iota {dimensions = array<i32: 0>} : vector<512x256xi32>
      %add3A_1319 = vector.broadcast %mul3A_1283 : i32 to vector<512x256xi32>
      %add3A_1320 = arith.addi %iota3A_1318, %add3A_1319 : vector<512x256xi32>
      %get3A_1321 = arith.index_cast %mul3A_1283 : i32 to index
      %get3A_1322 = arith.constant 0 : index
      %get3A_1323 = vector.load %arg4[%get3A_1321, %get3A_1322] : memref<4096x1xi32, #tpu.memory_space<vmem>>, vector<512x1xi32>
      %eq3A = vector.broadcast %get3A_1323 : vector<512x1xi32> to vector<512x256xi32>
      %eq3A_1324 = vector.broadcast %get3A_6 : vector<1x256xi32> to vector<512x256xi32>
      %eq3A_1325 = arith.cmpi eq, %eq3A, %eq3A_1324 : vector<512x256xi32>
      %ne3A_1326 = vector.broadcast %add3A_79 : vector<1x256xi32> to vector<512x256xi32>
      %ne3A_1327 = arith.cmpi ne, %add3A_1320, %ne3A_1326 : vector<512x256xi32>
      %and3A_1328 = arith.andi %eq3A_1325, %ne3A_1327 : vector<512x256xi1>
      %le3A_1329 = arith.constant 5.000000e+00 : f32
      %le3A_1330 = vector.broadcast %le3A_1329 : f32 to vector<512x256xf32>
      %le3A_1331 = arith.cmpf ole, %sqrt3A, %le3A_1330 : vector<512x256xf32>
      %and3A_1332 = arith.andi %and3A_1328, %le3A_1331 : vector<512x256xi1>
      %jit3A_1333 = arith.constant 0x7F800000 : f32
      %broadcast_in_dim3A_1334 = vector.broadcast %jit3A_1333 : f32 to vector<512x256xf32>
      %select_n3A_1335 = arith.select %and3A_1332, %sqrt3A, %broadcast_in_dim3A_1334 : vector<512x256xi1>, vector<512x256xf32>
      %swap3A_1336 = arith.index_cast %mul3A_1283 : i32 to index
      %swap3A_1337 = arith.constant 0 : index
      %swap3A_1338 = vector.load %arg8[%swap3A_1336, %swap3A_1337] : memref<4096x256xf32, #tpu.memory_space<vmem>>, vector<512x256xf32>
      tpu.vector_store %arg8[%swap3A_1336, %swap3A_1337], %select_n3A_1335 {strides = array<i32>} : memref<4096x256xf32, #tpu.memory_space<vmem>>, vector<512x256xf32>,
      %reduce_min3A_1339 = arith.constant dense<0x7F800000> : vector<256xf32>
      %reduce_min3A_1340 = vector.multi_reduction <minimumf>, %select_n3A_1335, %reduce_min3A_1339 [0] : vector<512x256xf32> to vector<256xf32>
      %broadcast_in_dim3A_1341 = vector.shape_cast %reduce_min3A_1340 : vector<256xf32> to vector<1x256xf32>
      %add3A_1342 = arith.addi %select_n3A, %while3A_1279 : i32
      %swap3A_1343 = arith.index_cast %add3A_1342 : i32 to index
      %swap3A_1344 = arith.constant 0 : index
      %swap3A_1345 = vector.load %arg9[%swap3A_1343, %swap3A_1344] : memref<8x256xf32, #tpu.memory_space<vmem>>, vector<1x256xf32>
      tpu.vector_store %arg9[%swap3A_1343, %swap3A_1344], %broadcast_in_dim3A_1341 {strides = array<i32>} : memref<8x256xf32, #tpu.memory_space<vmem>>, vector<1x256xf32>,
      %while3A_1346 = arith.constant 0 : i32
      scf.yield %while3A_1346 : i32
    }
    %while3A_93 = arith.constant 1 : i32
    %while3A_94 = scf.for %while3A_1279 = %while3A_90 to %while3A_86 step %while3A_93 iter_args(%while3A_1280 = %while3A_92) -> (i32)  : i32 {
      %add3A_1281 = arith.addi %select_n3A, %while3A_1279 : i32
      %mul3A_1282 = arith.constant 512 : i32
      %mul3A_1283 = arith.muli %add3A_1281, %mul3A_1282 : i32
      %get3A_1284 = arith.index_cast %mul3A_1283 : i32 to index
      %get3A_1285 = arith.constant 0 : index
      %get3A_1286 = vector.load %arg2[%get3A_1284, %get3A_1285] : memref<4096x3xf32, #tpu.memory_space<vmem>>, vector<512x3xf32>
      %mul3A_1287 = arith.mulf %get3A_1286, %get3A_1286 : vector<512x3xf32>
      %reduce_sum3A_1288 = arith.constant dense<0.000000e+00> : vector<512xf32>
      %reduce_sum3A_1289 = vector.multi_reduction <add>, %mul3A_1287, %reduce_sum3A_1288 [1] : vector<512x3xf32> to vector<512xf32>
      %broadcast_in_dim3A_1290 = vector.shape_cast %reduce_sum3A_1289 : vector<512xf32> to vector<512x1xf32>
      %convert_element_type3A_1291 = arith.truncf %get3A_1286 : vector<512x3xf32> to vector<512x3xbf16>
      %convert_element_type3A_1292 = arith.extf %convert_element_type3A_1291 : vector<512x3xbf16> to vector<512x3xf32>
      %slice3A = vector.extract_strided_slice %convert_element_type3A_1292 {offsets = [0, 0], sizes = [512, 1], strides = [1, 1]} : vector<512x3xf32> to vector<512x1xf32>
      %slice3A_1293 = vector.extract_strided_slice %convert_element_type3A_3 {offsets = [0, 0], sizes = [1, 256], strides = [1, 1]} : vector<3x256xf32> to vector<1x256xf32>
      %mul3A_1294 = vector.broadcast %slice3A : vector<512x1xf32> to vector<512x256xf32>
      %mul3A_1295 = vector.broadcast %slice3A_1293 : vector<1x256xf32> to vector<512x256xf32>
      %mul3A_1296 = arith.mulf %mul3A_1294, %mul3A_1295 : vector<512x256xf32>
      %slice3A_1297 = vector.extract_strided_slice %convert_element_type3A_1292 {offsets = [0, 1], sizes = [512, 1], strides = [1, 1]} : vector<512x3xf32> to vector<512x1xf32>
      %slice3A_1298 = vector.extract_strided_slice %convert_element_type3A_3 {offsets = [1, 0], sizes = [1, 256], strides = [1, 1]} : vector<3x256xf32> to vector<1x256xf32>
      %mul3A_1299 = vector.broadcast %slice3A_1297 : vector<512x1xf32> to vector<512x256xf32>
      %mul3A_1300 = vector.broadcast %slice3A_1298 : vector<1x256xf32> to vector<512x256xf32>
      %mul3A_1301 = arith.mulf %mul3A_1299, %mul3A_1300 : vector<512x256xf32>
      %add3A_1302 = arith.addf %mul3A_1296, %mul3A_1301 : vector<512x256xf32>
      %slice3A_1303 = vector.extract_strided_slice %convert_element_type3A_1292 {offsets = [0, 2], sizes = [512, 1], strides = [1, 1]} : vector<512x3xf32> to vector<512x1xf32>
      %slice3A_1304 = vector.extract_strided_slice %convert_element_type3A_3 {offsets = [2, 0], sizes = [1, 256], strides = [1, 1]} : vector<3x256xf32> to vector<1x256xf32>
      %mul3A_1305 = vector.broadcast %slice3A_1303 : vector<512x1xf32> to vector<512x256xf32>
      %mul3A_1306 = vector.broadcast %slice3A_1304 : vector<1x256xf32> to vector<512x256xf32>
      %mul3A_1307 = arith.mulf %mul3A_1305, %mul3A_1306 : vector<512x256xf32>
      %add3A_1308 = arith.addf %add3A_1302, %mul3A_1307 : vector<512x256xf32>
      %add3A_1309 = vector.broadcast %broadcast_in_dim3A_1290 : vector<512x1xf32> to vector<512x256xf32>
      %add3A_1310 = vector.broadcast %broadcast_in_dim3A : vector<1x256xf32> to vector<512x256xf32>
      %add3A_1311 = arith.addf %add3A_1309, %add3A_1310 : vector<512x256xf32>
      %mul3A_1312 = arith.constant 2.000000e+00 : f32
      %mul3A_1313 = vector.broadcast %mul3A_1312 : f32 to vector<512x256xf32>
      %mul3A_1314 = arith.mulf %mul3A_1313, %add3A_1308 : vector<512x256xf32>
      %sub3A_1315 = arith.subf %add3A_1311, %mul3A_1314 : vector<512x256xf32>
      %max3A = arith.constant 9.99999996E-13 : f32
      %max3A_1316 = vector.broadcast %max3A : f32 to vector<512x256xf32>
      %max3A_1317 = arith.maximumf %sub3A_1315, %max3A_1316 : vector<512x256xf32>
      %sqrt3A = math.sqrt %max3A_1317 : vector<512x256xf32>
      %iota3A_1318 = tpu.iota {dimensions = array<i32: 0>} : vector<512x256xi32>
      %add3A_1319 = vector.broadcast %mul3A_1283 : i32 to vector<512x256xi32>
      %add3A_1320 = arith.addi %iota3A_1318, %add3A_1319 : vector<512x256xi32>
      %get3A_1321 = arith.index_cast %mul3A_1283 : i32 to index
      %get3A_1322 = arith.constant 0 : index
      %get3A_1323 = vector.load %arg4[%get3A_1321, %get3A_1322] : memref<4096x1xi32, #tpu.memory_space<vmem>>, vector<512x1xi32>
      %eq3A = vector.broadcast %get3A_1323 : vector<512x1xi32> to vector<512x256xi32>
      %eq3A_1324 = vector.broadcast %get3A_6 : vector<1x256xi32> to vector<512x256xi32>
      %eq3A_1325 = arith.cmpi eq, %eq3A, %eq3A_1324 : vector<512x256xi32>
      %ne3A_1326 = vector.broadcast %add3A_79 : vector<1x256xi32> to vector<512x256xi32>
      %ne3A_1327 = arith.cmpi ne, %add3A_1320, %ne3A_1326 : vector<512x256xi32>
      %and3A_1328 = arith.andi %eq3A_1325, %ne3A_1327 : vector<512x256xi1>
      %le3A_1329 = arith.constant 5.000000e+00 : f32
      %le3A_1330 = vector.broadcast %le3A_1329 : f32 to vector<512x256xf32>
      %le3A_1331 = arith.cmpf ole, %sqrt3A, %le3A_1330 : vector<512x256xf32>
      %and3A_1332 = arith.andi %and3A_1328, %le3A_1331 : vector<512x256xi1>
      %jit3A_1333 = arith.constant 0x7F800000 : f32
      %broadcast_in_dim3A_1334 = vector.broadcast %jit3A_1333 : f32 to vector<512x256xf32>
      %select_n3A_1335 = arith.select %and3A_1332, %sqrt3A, %broadcast_in_dim3A_1334 : vector<512x256xi1>, vector<512x256xf32>
      %swap3A_1336 = arith.index_cast %mul3A_1283 : i32 to index
      %swap3A_1337 = arith.constant 0 : index
      %swap3A_1338 = vector.load %arg8[%swap3A_1336, %swap3A_1337] : memref<4096x256xf32, #tpu.memory_space<vmem>>, vector<512x256xf32>
      tpu.vector_store %arg8[%swap3A_1336, %swap3A_1337], %select_n3A_1335 {strides = array<i32>} : memref<4096x256xf32, #tpu.memory_space<vmem>>, vector<512x256xf32>,
      %reduce_min3A_1339 = arith.constant dense<0x7F800000> : vector<256xf32>
      %reduce_min3A_1340 = vector.multi_reduction <minimumf>, %select_n3A_1335, %reduce_min3A_1339 [0] : vector<512x256xf32> to vector<256xf32>
      %broadcast_in_dim3A_1341 = vector.shape_cast %reduce_min3A_1340 : vector<256xf32> to vector<1x256xf32>
      %add3A_1342 = arith.addi %select_n3A, %while3A_1279 : i32
      %swap3A_1343 = arith.index_cast %add3A_1342 : i32 to index
      %swap3A_1344 = arith.constant 0 : index
      %swap3A_1345 = vector.load %arg9[%swap3A_1343, %swap3A_1344] : memref<8x256xf32, #tpu.memory_space<vmem>>, vector<1x256xf32>
      tpu.vector_store %arg9[%swap3A_1343, %swap3A_1344], %broadcast_in_dim3A_1341 {strides = array<i32>} : memref<8x256xf32, #tpu.memory_space<vmem>>, vector<1x256xf32>,
      %while3A_1346 = arith.constant 0 : i32
      scf.yield %while3A_1346 : i32
    }
    %get3A_95 = arith.constant 0 : index
    %get3A_96 = arith.constant 0 : index
    %get3A_97 = vector.load %arg9[%get3A_95, %get3A_96] : memref<8x256xf32, #tpu.memory_space<vmem>>, vector<8x256xf32>
    %reduce_min3A_98 = arith.constant dense<0x7F800000> : vector<256xf32>
    %reduce_min3A_99 = vector.multi_reduction <minimumf>, %get3A_97, %reduce_min3A_98 [0] : vector<8x256xf32> to vector<256xf32>
    %broadcast_in_dim3A_100 = vector.shape_cast %reduce_min3A_99 : vector<256xf32> to vector<1x256xf32>
    %broadcast_in_dim3A_101 = arith.constant 4096 : i32
    %broadcast_in_dim3A_102 = vector.broadcast %broadcast_in_dim3A_101 : i32 to vector<1x256xi32>
    %while3A_103 = arith.constant 0 : i32
    %while3A_104 = arith.subi %add3A_75, %while3A_103 : i32
    %while3A_105 = arith.addi %while3A_103, %while3A_104 : i32
    %while3A_106 = arith.constant 1 : i32
    %while3A_107 = arith.divsi %while3A_104, %while3A_106 : i32
    %while3A_108 = arith.muli %while3A_107, %while3A_106 : i32
    %while3A_109 = arith.addi %while3A_103, %while3A_108 : i32
    %while3A_110 = arith.constant 1 : i32
    %while3A_111 = scf.for %while3A_1279 = %while3A_103 to %while3A_109 step %while3A_110 iter_args(%while3A_1280 = %broadcast_in_dim3A_102) -> (vector<1x256xi32>)  : i32 {
      %add3A_1281 = arith.addi %select_n3A, %while3A_1279 : i32
      %mul3A_1282 = arith.constant 512 : i32
      %mul3A_1283 = arith.muli %add3A_1281, %mul3A_1282 : i32
      %get3A_1284 = arith.index_cast %mul3A_1283 : i32 to index
      %get3A_1285 = arith.constant 0 : index
      %get3A_1286 = vector.load %arg8[%get3A_1284, %get3A_1285] : memref<4096x256xf32, #tpu.memory_space<vmem>>, vector<512x256xf32>
      %iota3A_1287 = tpu.iota {dimensions = array<i32: 0>} : vector<512x256xi32>
      %add3A_1288 = vector.broadcast %mul3A_1283 : i32 to vector<512x256xi32>
      %add3A_1289 = arith.addi %iota3A_1287, %add3A_1288 : vector<512x256xi32>
      %eq3A = vector.broadcast %broadcast_in_dim3A_100 : vector<1x256xf32> to vector<512x256xf32>
      %eq3A_1290 = arith.cmpf oeq, %get3A_1286, %eq3A : vector<512x256xf32>
      %jit3A_1291 = arith.constant 4096 : i32
      %broadcast_in_dim3A_1292 = vector.broadcast %jit3A_1291 : i32 to vector<512x256xi32>
      %select_n3A_1293 = arith.select %eq3A_1290, %add3A_1289, %broadcast_in_dim3A_1292 : vector<512x256xi1>, vector<512x256xi32>
      %reduce_min3A_1294 = arith.constant dense<2147483647> : vector<256xi32>
      %reduce_min3A_1295 = vector.multi_reduction <minsi>, %select_n3A_1293, %reduce_min3A_1294 [0] : vector<512x256xi32> to vector<256xi32>
      %broadcast_in_dim3A_1296 = vector.shape_cast %reduce_min3A_1295 : vector<256xi32> to vector<1x256xi32>
      %min3A = arith.minsi %while3A_1280, %broadcast_in_dim3A_1296 : vector<1x256xi32>
      scf.yield %min3A : vector<1x256xi32>
    }
    %while3A_112 = arith.constant 1 : i32
    %while3A_113 = scf.for %while3A_1279 = %while3A_109 to %while3A_105 step %while3A_112 iter_args(%while3A_1280 = %while3A_111) -> (vector<1x256xi32>)  : i32 {
      %add3A_1281 = arith.addi %select_n3A, %while3A_1279 : i32
      %mul3A_1282 = arith.constant 512 : i32
      %mul3A_1283 = arith.muli %add3A_1281, %mul3A_1282 : i32
      %get3A_1284 = arith.index_cast %mul3A_1283 : i32 to index
      %get3A_1285 = arith.constant 0 : index
      %get3A_1286 = vector.load %arg8[%get3A_1284, %get3A_1285] : memref<4096x256xf32, #tpu.memory_space<vmem>>, vector<512x256xf32>
      %iota3A_1287 = tpu.iota {dimensions = array<i32: 0>} : vector<512x256xi32>
      %add3A_1288 = vector.broadcast %mul3A_1283 : i32 to vector<512x256xi32>
      %add3A_1289 = arith.addi %iota3A_1287, %add3A_1288 : vector<512x256xi32>
      %eq3A = vector.broadcast %broadcast_in_dim3A_100 : vector<1x256xf32> to vector<512x256xf32>
      %eq3A_1290 = arith.cmpf oeq, %get3A_1286, %eq3A : vector<512x256xf32>
      %jit3A_1291 = arith.constant 4096 : i32
      %broadcast_in_dim3A_1292 = vector.broadcast %jit3A_1291 : i32 to vector<512x256xi32>
      %select_n3A_1293 = arith.select %eq3A_1290, %add3A_1289, %broadcast_in_dim3A_1292 : vector<512x256xi1>, vector<512x256xi32>
      %reduce_min3A_1294 = arith.constant dense<2147483647> : vector<256xi32>
      %reduce_min3A_1295 = vector.multi_reduction <minsi>, %select_n3A_1293, %reduce_min3A_1294 [0] : vector<512x256xi32> to vector<256xi32>
      %broadcast_in_dim3A_1296 = vector.shape_cast %reduce_min3A_1295 : vector<256xi32> to vector<1x256xi32>
      %min3A = arith.minsi %while3A_1280, %broadcast_in_dim3A_1296 : vector<1x256xi32>
      scf.yield %min3A : vector<1x256xi32>
    }
    %swap3A_114 = arith.constant 0 : index
    %swap3A_115 = arith.constant 0 : index
    %swap3A_116 = vector.load %arg6[%swap3A_114, %swap3A_115] : memref<32x256xi32, #tpu.memory_space<vmem>>, vector<1x256xi32>
    tpu.vector_store %arg6[%swap3A_114, %swap3A_115], %while3A_113 {strides = array<i32>} : memref<32x256xi32, #tpu.memory_space<vmem>>, vector<1x256xi32>,
    %swap3A_117 = arith.constant 0 : index
    %swap3A_118 = arith.constant 0 : index
    %swap3A_119 = vector.load %arg7[%swap3A_117, %swap3A_118] : memref<32x256xf32, #tpu.memory_space<vmem>>, vector<1x256xf32>
    tpu.vector_store %arg7[%swap3A_117, %swap3A_118], %broadcast_in_dim3A_100 {strides = array<i32>} : memref<32x256xf32, #tpu.memory_space<vmem>>, vector<1x256xf32>,
    %while3A_120 = arith.constant 0 : i32
    %while3A_121 = arith.constant 0 : i32
    %while3A_122 = arith.subi %add3A_75, %while3A_120 : i32
    %while3A_123 = arith.addi %while3A_120, %while3A_122 : i32
    %while3A_124 = arith.constant 1 : i32
    %while3A_125 = arith.divsi %while3A_122, %while3A_124 : i32
    %while3A_126 = arith.muli %while3A_125, %while3A_124 : i32
    %while3A_127 = arith.addi %while3A_120, %while3A_126 : i32
    %while3A_128 = arith.constant 1 : i32
    %while3A_129 = scf.for %while3A_1279 = %while3A_120 to %while3A_127 step %while3A_128 iter_args(%while3A_1280 = %while3A_121) -> (i32)  : i32 {
      %add3A_1281 = arith.addi %select_n3A, %while3A_1279 : i32
      %mul3A_1282 = arith.constant 512 : i32
      %mul3A_1283 = arith.muli %add3A_1281, %mul3A_1282 : i32
      %get3A_1284 = arith.index_cast %mul3A_1283 : i32 to index
      %get3A_1285 = arith.constant 0 : index
      %get3A_1286 = vector.load %arg8[%get3A_1284, %get3A_1285] : memref<4096x256xf32, #tpu.memory_space<vmem>>, vector<512x256xf32>
      %iota3A_1287 = tpu.iota {dimensions = array<i32: 0>} : vector<512x256xi32>
      %add3A_1288 = vector.broadcast %mul3A_1283 : i32 to vector<512x256xi32>
      %add3A_1289 = arith.addi %iota3A_1287, %add3A_1288 : vector<512x256xi32>
      %eq3A = vector.broadcast %while3A_113 : vector<1x256xi32> to vector<512x256xi32>
      %eq3A_1290 = arith.cmpi eq, %add3A_1289, %eq3A : vector<512x256xi32>
      %jit3A_1291 = arith.constant 0x7F800000 : f32
      %broadcast_in_dim3A_1292 = vector.broadcast %jit3A_1291 : f32 to vector<512x256xf32>
      %select_n3A_1293 = arith.select %eq3A_1290, %broadcast_in_dim3A_1292, %get3A_1286 : vector<512x256xi1>, vector<512x256xf32>
      %swap3A_1294 = arith.index_cast %mul3A_1283 : i32 to index
      %swap3A_1295 = arith.constant 0 : index
      %swap3A_1296 = vector.load %arg8[%swap3A_1294, %swap3A_1295] : memref<4096x256xf32, #tpu.memory_space<vmem>>, vector<512x256xf32>
      tpu.vector_store %arg8[%swap3A_1294, %swap3A_1295], %select_n3A_1293 {strides = array<i32>} : memref<4096x256xf32, #tpu.memory_space<vmem>>, vector<512x256xf32>,
      %reduce_min3A_1297 = arith.constant dense<0x7F800000> : vector<256xf32>
      %reduce_min3A_1298 = vector.multi_reduction <minimumf>, %select_n3A_1293, %reduce_min3A_1297 [0] : vector<512x256xf32> to vector<256xf32>
      %broadcast_in_dim3A_1299 = vector.shape_cast %reduce_min3A_1298 : vector<256xf32> to vector<1x256xf32>
      %add3A_1300 = arith.addi %select_n3A, %while3A_1279 : i32
      %swap3A_1301 = arith.index_cast %add3A_1300 : i32 to index
      %swap3A_1302 = arith.constant 0 : index
      %swap3A_1303 = vector.load %arg9[%swap3A_1301, %swap3A_1302] : memref<8x256xf32, #tpu.memory_space<vmem>>, vector<1x256xf32>
      tpu.vector_store %arg9[%swap3A_1301, %swap3A_1302], %broadcast_in_dim3A_1299 {strides = array<i32>} : memref<8x256xf32, #tpu.memory_space<vmem>>, vector<1x256xf32>,
      %while3A_1304 = arith.constant 0 : i32
      scf.yield %while3A_1304 : i32
    }
    %while3A_130 = arith.constant 1 : i32
    %while3A_131 = scf.for %while3A_1279 = %while3A_127 to %while3A_123 step %while3A_130 iter_args(%while3A_1280 = %while3A_129) -> (i32)  : i32 {
      %add3A_1281 = arith.addi %select_n3A, %while3A_1279 : i32
      %mul3A_1282 = arith.constant 512 : i32
      %mul3A_1283 = arith.muli %add3A_1281, %mul3A_1282 : i32
      %get3A_1284 = arith.index_cast %mul3A_1283 : i32 to index
      %get3A_1285 = arith.constant 0 : index
      %get3A_1286 = vector.load %arg8[%get3A_1284, %get3A_1285] : memref<4096x256xf32, #tpu.memory_space<vmem>>, vector<512x256xf32>
      %iota3A_1287 = tpu.iota {dimensions = array<i32: 0>} : vector<512x256xi32>
      %add3A_1288 = vector.broadcast %mul3A_1283 : i32 to vector<512x256xi32>
      %add3A_1289 = arith.addi %iota3A_1287, %add3A_1288 : vector<512x256xi32>
      %eq3A = vector.broadcast %while3A_113 : vector<1x256xi32> to vector<512x256xi32>
      %eq3A_1290 = arith.cmpi eq, %add3A_1289, %eq3A : vector<512x256xi32>
      %jit3A_1291 = arith.constant 0x7F800000 : f32
      %broadcast_in_dim3A_1292 = vector.broadcast %jit3A_1291 : f32 to vector<512x256xf32>
      %select_n3A_1293 = arith.select %eq3A_1290, %broadcast_in_dim3A_1292, %get3A_1286 : vector<512x256xi1>, vector<512x256xf32>
      %swap3A_1294 = arith.index_cast %mul3A_1283 : i32 to index
      %swap3A_1295 = arith.constant 0 : index
      %swap3A_1296 = vector.load %arg8[%swap3A_1294, %swap3A_1295] : memref<4096x256xf32, #tpu.memory_space<vmem>>, vector<512x256xf32>
      tpu.vector_store %arg8[%swap3A_1294, %swap3A_1295], %select_n3A_1293 {strides = array<i32>} : memref<4096x256xf32, #tpu.memory_space<vmem>>, vector<512x256xf32>,
      %reduce_min3A_1297 = arith.constant dense<0x7F800000> : vector<256xf32>
      %reduce_min3A_1298 = vector.multi_reduction <minimumf>, %select_n3A_1293, %reduce_min3A_1297 [0] : vector<512x256xf32> to vector<256xf32>
      %broadcast_in_dim3A_1299 = vector.shape_cast %reduce_min3A_1298 : vector<256xf32> to vector<1x256xf32>
      %add3A_1300 = arith.addi %select_n3A, %while3A_1279 : i32
      %swap3A_1301 = arith.index_cast %add3A_1300 : i32 to index
      %swap3A_1302 = arith.constant 0 : index
      %swap3A_1303 = vector.load %arg9[%swap3A_1301, %swap3A_1302] : memref<8x256xf32, #tpu.memory_space<vmem>>, vector<1x256xf32>
      tpu.vector_store %arg9[%swap3A_1301, %swap3A_1302], %broadcast_in_dim3A_1299 {strides = array<i32>} : memref<8x256xf32, #tpu.memory_space<vmem>>, vector<1x256xf32>,
      %while3A_1304 = arith.constant 0 : i32
      scf.yield %while3A_1304 : i32
    }
    %get3A_132 = arith.constant 0 : index
    %get3A_133 = arith.constant 0 : index
    %get3A_134 = vector.load %arg9[%get3A_132, %get3A_133] : memref<8x256xf32, #tpu.memory_space<vmem>>, vector<8x256xf32>
    %reduce_min3A_135 = arith.constant dense<0x7F800000> : vector<256xf32>
    %reduce_min3A_136 = vector.multi_reduction <minimumf>, %get3A_134, %reduce_min3A_135 [0] : vector<8x256xf32> to vector<256xf32>
    %broadcast_in_dim3A_137 = vector.shape_cast %reduce_min3A_136 : vector<256xf32> to vector<1x256xf32>
    %broadcast_in_dim3A_138 = arith.constant 4096 : i32
    %broadcast_in_dim3A_139 = vector.broadcast %broadcast_in_dim3A_138 : i32 to vector<1x256xi32>
    %while3A_140 = arith.constant 0 : i32
    %while3A_141 = arith.subi %add3A_75, %while3A_140 : i32
    %while3A_142 = arith.addi %while3A_140, %while3A_141 : i32
    %while3A_143 = arith.constant 1 : i32
    %while3A_144 = arith.divsi %while3A_141, %while3A_143 : i32
    %while3A_145 = arith.muli %while3A_144, %while3A_143 : i32
    %while3A_146 = arith.addi %while3A_140, %while3A_145 : i32
    %while3A_147 = arith.constant 1 : i32
    %while3A_148 = scf.for %while3A_1279 = %while3A_140 to %while3A_146 step %while3A_147 iter_args(%while3A_1280 = %broadcast_in_dim3A_139) -> (vector<1x256xi32>)  : i32 {
      %add3A_1281 = arith.addi %select_n3A, %while3A_1279 : i32
      %mul3A_1282 = arith.constant 512 : i32
      %mul3A_1283 = arith.muli %add3A_1281, %mul3A_1282 : i32
      %get3A_1284 = arith.index_cast %mul3A_1283 : i32 to index
      %get3A_1285 = arith.constant 0 : index
      %get3A_1286 = vector.load %arg8[%get3A_1284, %get3A_1285] : memref<4096x256xf32, #tpu.memory_space<vmem>>, vector<512x256xf32>
      %iota3A_1287 = tpu.iota {dimensions = array<i32: 0>} : vector<512x256xi32>
      %add3A_1288 = vector.broadcast %mul3A_1283 : i32 to vector<512x256xi32>
      %add3A_1289 = arith.addi %iota3A_1287, %add3A_1288 : vector<512x256xi32>
      %eq3A = vector.broadcast %broadcast_in_dim3A_137 : vector<1x256xf32> to vector<512x256xf32>
      %eq3A_1290 = arith.cmpf oeq, %get3A_1286, %eq3A : vector<512x256xf32>
      %jit3A_1291 = arith.constant 4096 : i32
      %broadcast_in_dim3A_1292 = vector.broadcast %jit3A_1291 : i32 to vector<512x256xi32>
      %select_n3A_1293 = arith.select %eq3A_1290, %add3A_1289, %broadcast_in_dim3A_1292 : vector<512x256xi1>, vector<512x256xi32>
      %reduce_min3A_1294 = arith.constant dense<2147483647> : vector<256xi32>
      %reduce_min3A_1295 = vector.multi_reduction <minsi>, %select_n3A_1293, %reduce_min3A_1294 [0] : vector<512x256xi32> to vector<256xi32>
      %broadcast_in_dim3A_1296 = vector.shape_cast %reduce_min3A_1295 : vector<256xi32> to vector<1x256xi32>
      %min3A = arith.minsi %while3A_1280, %broadcast_in_dim3A_1296 : vector<1x256xi32>
      scf.yield %min3A : vector<1x256xi32>
    }
    %while3A_149 = arith.constant 1 : i32
    %while3A_150 = scf.for %while3A_1279 = %while3A_146 to %while3A_142 step %while3A_149 iter_args(%while3A_1280 = %while3A_148) -> (vector<1x256xi32>)  : i32 {
      %add3A_1281 = arith.addi %select_n3A, %while3A_1279 : i32
      %mul3A_1282 = arith.constant 512 : i32
      %mul3A_1283 = arith.muli %add3A_1281, %mul3A_1282 : i32
      %get3A_1284 = arith.index_cast %mul3A_1283 : i32 to index
      %get3A_1285 = arith.constant 0 : index
      %get3A_1286 = vector.load %arg8[%get3A_1284, %get3A_1285] : memref<4096x256xf32, #tpu.memory_space<vmem>>, vector<512x256xf32>
      %iota3A_1287 = tpu.iota {dimensions = array<i32: 0>} : vector<512x256xi32>
      %add3A_1288 = vector.broadcast %mul3A_1283 : i32 to vector<512x256xi32>
      %add3A_1289 = arith.addi %iota3A_1287, %add3A_1288 : vector<512x256xi32>
      %eq3A = vector.broadcast %broadcast_in_dim3A_137 : vector<1x256xf32> to vector<512x256xf32>
      %eq3A_1290 = arith.cmpf oeq, %get3A_1286, %eq3A : vector<512x256xf32>
      %jit3A_1291 = arith.constant 4096 : i32
      %broadcast_in_dim3A_1292 = vector.broadcast %jit3A_1291 : i32 to vector<512x256xi32>
      %select_n3A_1293 = arith.select %eq3A_1290, %add3A_1289, %broadcast_in_dim3A_1292 : vector<512x256xi1>, vector<512x256xi32>
      %reduce_min3A_1294 = arith.constant dense<2147483647> : vector<256xi32>
      %reduce_min3A_1295 = vector.multi_reduction <minsi>, %select_n3A_1293, %reduce_min3A_1294 [0] : vector<512x256xi32> to vector<256xi32>
      %broadcast_in_dim3A_1296 = vector.shape_cast %reduce_min3A_1295 : vector<256xi32> to vector<1x256xi32>
      %min3A = arith.minsi %while3A_1280, %broadcast_in_dim3A_1296 : vector<1x256xi32>
      scf.yield %min3A : vector<1x256xi32>
    }
    %swap3A_151 = arith.constant 1 : index
    %swap3A_152 = arith.constant 0 : index
    %swap3A_153 = vector.load %arg6[%swap3A_151, %swap3A_152] : memref<32x256xi32, #tpu.memory_space<vmem>>, vector<1x256xi32>
    tpu.vector_store %arg6[%swap3A_151, %swap3A_152], %while3A_150 {strides = array<i32>} : memref<32x256xi32, #tpu.memory_space<vmem>>, vector<1x256xi32>,
    %swap3A_154 = arith.constant 1 : index
    %swap3A_155 = arith.constant 0 : index
    %swap3A_156 = vector.load %arg7[%swap3A_154, %swap3A_155] : memref<32x256xf32, #tpu.memory_space<vmem>>, vector<1x256xf32>
    tpu.vector_store %arg7[%swap3A_154, %swap3A_155], %broadcast_in_dim3A_137 {strides = array<i32>} : memref<32x256xf32, #tpu.memory_space<vmem>>, vector<1x256xf32>,
    %while3A_157 = arith.constant 0 : i32
    %while3A_158 = arith.constant 0 : i32
    %while3A_159 = arith.subi %add3A_75, %while3A_157 : i32
    %while3A_160 = arith.addi %while3A_157, %while3A_159 : i32
    %while3A_161 = arith.constant 1 : i32
    %while3A_162 = arith.divsi %while3A_159, %while3A_161 : i32
    %while3A_163 = arith.muli %while3A_162, %while3A_161 : i32
    %while3A_164 = arith.addi %while3A_157, %while3A_163 : i32
    %while3A_165 = arith.constant 1 : i32
    %while3A_166 = scf.for %while3A_1279 = %while3A_157 to %while3A_164 step %while3A_165 iter_args(%while3A_1280 = %while3A_158) -> (i32)  : i32 {
      %add3A_1281 = arith.addi %select_n3A, %while3A_1279 : i32
      %mul3A_1282 = arith.constant 512 : i32
      %mul3A_1283 = arith.muli %add3A_1281, %mul3A_1282 : i32
      %get3A_1284 = arith.index_cast %mul3A_1283 : i32 to index
      %get3A_1285 = arith.constant 0 : index
      %get3A_1286 = vector.load %arg8[%get3A_1284, %get3A_1285] : memref<4096x256xf32, #tpu.memory_space<vmem>>, vector<512x256xf32>
      %iota3A_1287 = tpu.iota {dimensions = array<i32: 0>} : vector<512x256xi32>
      %add3A_1288 = vector.broadcast %mul3A_1283 : i32 to vector<512x256xi32>
      %add3A_1289 = arith.addi %iota3A_1287, %add3A_1288 : vector<512x256xi32>
      %eq3A = vector.broadcast %while3A_150 : vector<1x256xi32> to vector<512x256xi32>
      %eq3A_1290 = arith.cmpi eq, %add3A_1289, %eq3A : vector<512x256xi32>
      %jit3A_1291 = arith.constant 0x7F800000 : f32
      %broadcast_in_dim3A_1292 = vector.broadcast %jit3A_1291 : f32 to vector<512x256xf32>
      %select_n3A_1293 = arith.select %eq3A_1290, %broadcast_in_dim3A_1292, %get3A_1286 : vector<512x256xi1>, vector<512x256xf32>
      %swap3A_1294 = arith.index_cast %mul3A_1283 : i32 to index
      %swap3A_1295 = arith.constant 0 : index
      %swap3A_1296 = vector.load %arg8[%swap3A_1294, %swap3A_1295] : memref<4096x256xf32, #tpu.memory_space<vmem>>, vector<512x256xf32>
      tpu.vector_store %arg8[%swap3A_1294, %swap3A_1295], %select_n3A_1293 {strides = array<i32>} : memref<4096x256xf32, #tpu.memory_space<vmem>>, vector<512x256xf32>,
      %reduce_min3A_1297 = arith.constant dense<0x7F800000> : vector<256xf32>
      %reduce_min3A_1298 = vector.multi_reduction <minimumf>, %select_n3A_1293, %reduce_min3A_1297 [0] : vector<512x256xf32> to vector<256xf32>
      %broadcast_in_dim3A_1299 = vector.shape_cast %reduce_min3A_1298 : vector<256xf32> to vector<1x256xf32>
      %add3A_1300 = arith.addi %select_n3A, %while3A_1279 : i32
      %swap3A_1301 = arith.index_cast %add3A_1300 : i32 to index
      %swap3A_1302 = arith.constant 0 : index
      %swap3A_1303 = vector.load %arg9[%swap3A_1301, %swap3A_1302] : memref<8x256xf32, #tpu.memory_space<vmem>>, vector<1x256xf32>
      tpu.vector_store %arg9[%swap3A_1301, %swap3A_1302], %broadcast_in_dim3A_1299 {strides = array<i32>} : memref<8x256xf32, #tpu.memory_space<vmem>>, vector<1x256xf32>,
      %while3A_1304 = arith.constant 0 : i32
      scf.yield %while3A_1304 : i32
    }
    %while3A_167 = arith.constant 1 : i32
    %while3A_168 = scf.for %while3A_1279 = %while3A_164 to %while3A_160 step %while3A_167 iter_args(%while3A_1280 = %while3A_166) -> (i32)  : i32 {
      %add3A_1281 = arith.addi %select_n3A, %while3A_1279 : i32
      %mul3A_1282 = arith.constant 512 : i32
      %mul3A_1283 = arith.muli %add3A_1281, %mul3A_1282 : i32
      %get3A_1284 = arith.index_cast %mul3A_1283 : i32 to index
      %get3A_1285 = arith.constant 0 : index
      %get3A_1286 = vector.load %arg8[%get3A_1284, %get3A_1285] : memref<4096x256xf32, #tpu.memory_space<vmem>>, vector<512x256xf32>
      %iota3A_1287 = tpu.iota {dimensions = array<i32: 0>} : vector<512x256xi32>
      %add3A_1288 = vector.broadcast %mul3A_1283 : i32 to vector<512x256xi32>
      %add3A_1289 = arith.addi %iota3A_1287, %add3A_1288 : vector<512x256xi32>
      %eq3A = vector.broadcast %while3A_150 : vector<1x256xi32> to vector<512x256xi32>
      %eq3A_1290 = arith.cmpi eq, %add3A_1289, %eq3A : vector<512x256xi32>
      %jit3A_1291 = arith.constant 0x7F800000 : f32
      %broadcast_in_dim3A_1292 = vector.broadcast %jit3A_1291 : f32 to vector<512x256xf32>
      %select_n3A_1293 = arith.select %eq3A_1290, %broadcast_in_dim3A_1292, %get3A_1286 : vector<512x256xi1>, vector<512x256xf32>
      %swap3A_1294 = arith.index_cast %mul3A_1283 : i32 to index
      %swap3A_1295 = arith.constant 0 : index
      %swap3A_1296 = vector.load %arg8[%swap3A_1294, %swap3A_1295] : memref<4096x256xf32, #tpu.memory_space<vmem>>, vector<512x256xf32>
      tpu.vector_store %arg8[%swap3A_1294, %swap3A_1295], %select_n3A_1293 {strides = array<i32>} : memref<4096x256xf32, #tpu.memory_space<vmem>>, vector<512x256xf32>,
      %reduce_min3A_1297 = arith.constant dense<0x7F800000> : vector<256xf32>
      %reduce_min3A_1298 = vector.multi_reduction <minimumf>, %select_n3A_1293, %reduce_min3A_1297 [0] : vector<512x256xf32> to vector<256xf32>
      %broadcast_in_dim3A_1299 = vector.shape_cast %reduce_min3A_1298 : vector<256xf32> to vector<1x256xf32>
      %add3A_1300 = arith.addi %select_n3A, %while3A_1279 : i32
      %swap3A_1301 = arith.index_cast %add3A_1300 : i32 to index
      %swap3A_1302 = arith.constant 0 : index
      %swap3A_1303 = vector.load %arg9[%swap3A_1301, %swap3A_1302] : memref<8x256xf32, #tpu.memory_space<vmem>>, vector<1x256xf32>
      tpu.vector_store %arg9[%swap3A_1301, %swap3A_1302], %broadcast_in_dim3A_1299 {strides = array<i32>} : memref<8x256xf32, #tpu.memory_space<vmem>>, vector<1x256xf32>,
      %while3A_1304 = arith.constant 0 : i32
      scf.yield %while3A_1304 : i32
    }
    %get3A_169 = arith.constant 0 : index
    %get3A_170 = arith.constant 0 : index
    %get3A_171 = vector.load %arg9[%get3A_169, %get3A_170] : memref<8x256xf32, #tpu.memory_space<vmem>>, vector<8x256xf32>
    %reduce_min3A_172 = arith.constant dense<0x7F800000> : vector<256xf32>
    %reduce_min3A_173 = vector.multi_reduction <minimumf>, %get3A_171, %reduce_min3A_172 [0] : vector<8x256xf32> to vector<256xf32>
    %broadcast_in_dim3A_174 = vector.shape_cast %reduce_min3A_173 : vector<256xf32> to vector<1x256xf32>
    %broadcast_in_dim3A_175 = arith.constant 4096 : i32
    %broadcast_in_dim3A_176 = vector.broadcast %broadcast_in_dim3A_175 : i32 to vector<1x256xi32>
    %while3A_177 = arith.constant 0 : i32
    %while3A_178 = arith.subi %add3A_75, %while3A_177 : i32
    %while3A_179 = arith.addi %while3A_177, %while3A_178 : i32
    %while3A_180 = arith.constant 1 : i32
    %while3A_181 = arith.divsi %while3A_178, %while3A_180 : i32
    %while3A_182 = arith.muli %while3A_181, %while3A_180 : i32
    %while3A_183 = arith.addi %while3A_177, %while3A_182 : i32
    %while3A_184 = arith.constant 1 : i32
    %while3A_185 = scf.for %while3A_1279 = %while3A_177 to %while3A_183 step %while3A_184 iter_args(%while3A_1280 = %broadcast_in_dim3A_176) -> (vector<1x256xi32>)  : i32 {
      %add3A_1281 = arith.addi %select_n3A, %while3A_1279 : i32
      %mul3A_1282 = arith.constant 512 : i32
      %mul3A_1283 = arith.muli %add3A_1281, %mul3A_1282 : i32
      %get3A_1284 = arith.index_cast %mul3A_1283 : i32 to index
      %get3A_1285 = arith.constant 0 : index
      %get3A_1286 = vector.load %arg8[%get3A_1284, %get3A_1285] : memref<4096x256xf32, #tpu.memory_space<vmem>>, vector<512x256xf32>
      %iota3A_1287 = tpu.iota {dimensions = array<i32: 0>} : vector<512x256xi32>
      %add3A_1288 = vector.broadcast %mul3A_1283 : i32 to vector<512x256xi32>
      %add3A_1289 = arith.addi %iota3A_1287, %add3A_1288 : vector<512x256xi32>
      %eq3A = vector.broadcast %broadcast_in_dim3A_174 : vector<1x256xf32> to vector<512x256xf32>
      %eq3A_1290 = arith.cmpf oeq, %get3A_1286, %eq3A : vector<512x256xf32>
      %jit3A_1291 = arith.constant 4096 : i32
      %broadcast_in_dim3A_1292 = vector.broadcast %jit3A_1291 : i32 to vector<512x256xi32>
      %select_n3A_1293 = arith.select %eq3A_1290, %add3A_1289, %broadcast_in_dim3A_1292 : vector<512x256xi1>, vector<512x256xi32>
      %reduce_min3A_1294 = arith.constant dense<2147483647> : vector<256xi32>
      %reduce_min3A_1295 = vector.multi_reduction <minsi>, %select_n3A_1293, %reduce_min3A_1294 [0] : vector<512x256xi32> to vector<256xi32>
      %broadcast_in_dim3A_1296 = vector.shape_cast %reduce_min3A_1295 : vector<256xi32> to vector<1x256xi32>
      %min3A = arith.minsi %while3A_1280, %broadcast_in_dim3A_1296 : vector<1x256xi32>
      scf.yield %min3A : vector<1x256xi32>
    }
    %while3A_186 = arith.constant 1 : i32
    %while3A_187 = scf.for %while3A_1279 = %while3A_183 to %while3A_179 step %while3A_186 iter_args(%while3A_1280 = %while3A_185) -> (vector<1x256xi32>)  : i32 {
      %add3A_1281 = arith.addi %select_n3A, %while3A_1279 : i32
      %mul3A_1282 = arith.constant 512 : i32
      %mul3A_1283 = arith.muli %add3A_1281, %mul3A_1282 : i32
      %get3A_1284 = arith.index_cast %mul3A_1283 : i32 to index
      %get3A_1285 = arith.constant 0 : index
      %get3A_1286 = vector.load %arg8[%get3A_1284, %get3A_1285] : memref<4096x256xf32, #tpu.memory_space<vmem>>, vector<512x256xf32>
      %iota3A_1287 = tpu.iota {dimensions = array<i32: 0>} : vector<512x256xi32>
      %add3A_1288 = vector.broadcast %mul3A_1283 : i32 to vector<512x256xi32>
      %add3A_1289 = arith.addi %iota3A_1287, %add3A_1288 : vector<512x256xi32>
      %eq3A = vector.broadcast %broadcast_in_dim3A_174 : vector<1x256xf32> to vector<512x256xf32>
      %eq3A_1290 = arith.cmpf oeq, %get3A_1286, %eq3A : vector<512x256xf32>
      %jit3A_1291 = arith.constant 4096 : i32
      %broadcast_in_dim3A_1292 = vector.broadcast %jit3A_1291 : i32 to vector<512x256xi32>
      %select_n3A_1293 = arith.select %eq3A_1290, %add3A_1289, %broadcast_in_dim3A_1292 : vector<512x256xi1>, vector<512x256xi32>
      %reduce_min3A_1294 = arith.constant dense<2147483647> : vector<256xi32>
      %reduce_min3A_1295 = vector.multi_reduction <minsi>, %select_n3A_1293, %reduce_min3A_1294 [0] : vector<512x256xi32> to vector<256xi32>
      %broadcast_in_dim3A_1296 = vector.shape_cast %reduce_min3A_1295 : vector<256xi32> to vector<1x256xi32>
      %min3A = arith.minsi %while3A_1280, %broadcast_in_dim3A_1296 : vector<1x256xi32>
      scf.yield %min3A : vector<1x256xi32>
    }
    %swap3A_188 = arith.constant 2 : index
    %swap3A_189 = arith.constant 0 : index
    %swap3A_190 = vector.load %arg6[%swap3A_188, %swap3A_189] : memref<32x256xi32, #tpu.memory_space<vmem>>, vector<1x256xi32>
    tpu.vector_store %arg6[%swap3A_188, %swap3A_189], %while3A_187 {strides = array<i32>} : memref<32x256xi32, #tpu.memory_space<vmem>>, vector<1x256xi32>,
    %swap3A_191 = arith.constant 2 : index
    %swap3A_192 = arith.constant 0 : index
    %swap3A_193 = vector.load %arg7[%swap3A_191, %swap3A_192] : memref<32x256xf32, #tpu.memory_space<vmem>>, vector<1x256xf32>
    tpu.vector_store %arg7[%swap3A_191, %swap3A_192], %broadcast_in_dim3A_174 {strides = array<i32>} : memref<32x256xf32, #tpu.memory_space<vmem>>, vector<1x256xf32>,
    %while3A_194 = arith.constant 0 : i32
    %while3A_195 = arith.constant 0 : i32
    %while3A_196 = arith.subi %add3A_75, %while3A_194 : i32
    %while3A_197 = arith.addi %while3A_194, %while3A_196 : i32
    %while3A_198 = arith.constant 1 : i32
    %while3A_199 = arith.divsi %while3A_196, %while3A_198 : i32
    %while3A_200 = arith.muli %while3A_199, %while3A_198 : i32
    %while3A_201 = arith.addi %while3A_194, %while3A_200 : i32
    %while3A_202 = arith.constant 1 : i32
    %while3A_203 = scf.for %while3A_1279 = %while3A_194 to %while3A_201 step %while3A_202 iter_args(%while3A_1280 = %while3A_195) -> (i32)  : i32 {
      %add3A_1281 = arith.addi %select_n3A, %while3A_1279 : i32
      %mul3A_1282 = arith.constant 512 : i32
      %mul3A_1283 = arith.muli %add3A_1281, %mul3A_1282 : i32
      %get3A_1284 = arith.index_cast %mul3A_1283 : i32 to index
      %get3A_1285 = arith.constant 0 : index
      %get3A_1286 = vector.load %arg8[%get3A_1284, %get3A_1285] : memref<4096x256xf32, #tpu.memory_space<vmem>>, vector<512x256xf32>
      %iota3A_1287 = tpu.iota {dimensions = array<i32: 0>} : vector<512x256xi32>
      %add3A_1288 = vector.broadcast %mul3A_1283 : i32 to vector<512x256xi32>
      %add3A_1289 = arith.addi %iota3A_1287, %add3A_1288 : vector<512x256xi32>
      %eq3A = vector.broadcast %while3A_187 : vector<1x256xi32> to vector<512x256xi32>
      %eq3A_1290 = arith.cmpi eq, %add3A_1289, %eq3A : vector<512x256xi32>
      %jit3A_1291 = arith.constant 0x7F800000 : f32
      %broadcast_in_dim3A_1292 = vector.broadcast %jit3A_1291 : f32 to vector<512x256xf32>
      %select_n3A_1293 = arith.select %eq3A_1290, %broadcast_in_dim3A_1292, %get3A_1286 : vector<512x256xi1>, vector<512x256xf32>
      %swap3A_1294 = arith.index_cast %mul3A_1283 : i32 to index
      %swap3A_1295 = arith.constant 0 : index
      %swap3A_1296 = vector.load %arg8[%swap3A_1294, %swap3A_1295] : memref<4096x256xf32, #tpu.memory_space<vmem>>, vector<512x256xf32>
      tpu.vector_store %arg8[%swap3A_1294, %swap3A_1295], %select_n3A_1293 {strides = array<i32>} : memref<4096x256xf32, #tpu.memory_space<vmem>>, vector<512x256xf32>,
      %reduce_min3A_1297 = arith.constant dense<0x7F800000> : vector<256xf32>
      %reduce_min3A_1298 = vector.multi_reduction <minimumf>, %select_n3A_1293, %reduce_min3A_1297 [0] : vector<512x256xf32> to vector<256xf32>
      %broadcast_in_dim3A_1299 = vector.shape_cast %reduce_min3A_1298 : vector<256xf32> to vector<1x256xf32>
      %add3A_1300 = arith.addi %select_n3A, %while3A_1279 : i32
      %swap3A_1301 = arith.index_cast %add3A_1300 : i32 to index
      %swap3A_1302 = arith.constant 0 : index
      %swap3A_1303 = vector.load %arg9[%swap3A_1301, %swap3A_1302] : memref<8x256xf32, #tpu.memory_space<vmem>>, vector<1x256xf32>
      tpu.vector_store %arg9[%swap3A_1301, %swap3A_1302], %broadcast_in_dim3A_1299 {strides = array<i32>} : memref<8x256xf32, #tpu.memory_space<vmem>>, vector<1x256xf32>,
      %while3A_1304 = arith.constant 0 : i32
      scf.yield %while3A_1304 : i32
    }
    %while3A_204 = arith.constant 1 : i32
    %while3A_205 = scf.for %while3A_1279 = %while3A_201 to %while3A_197 step %while3A_204 iter_args(%while3A_1280 = %while3A_203) -> (i32)  : i32 {
      %add3A_1281 = arith.addi %select_n3A, %while3A_1279 : i32
      %mul3A_1282 = arith.constant 512 : i32
      %mul3A_1283 = arith.muli %add3A_1281, %mul3A_1282 : i32
      %get3A_1284 = arith.index_cast %mul3A_1283 : i32 to index
      %get3A_1285 = arith.constant 0 : index
      %get3A_1286 = vector.load %arg8[%get3A_1284, %get3A_1285] : memref<4096x256xf32, #tpu.memory_space<vmem>>, vector<512x256xf32>
      %iota3A_1287 = tpu.iota {dimensions = array<i32: 0>} : vector<512x256xi32>
      %add3A_1288 = vector.broadcast %mul3A_1283 : i32 to vector<512x256xi32>
      %add3A_1289 = arith.addi %iota3A_1287, %add3A_1288 : vector<512x256xi32>
      %eq3A = vector.broadcast %while3A_187 : vector<1x256xi32> to vector<512x256xi32>
      %eq3A_1290 = arith.cmpi eq, %add3A_1289, %eq3A : vector<512x256xi32>
      %jit3A_1291 = arith.constant 0x7F800000 : f32
      %broadcast_in_dim3A_1292 = vector.broadcast %jit3A_1291 : f32 to vector<512x256xf32>
      %select_n3A_1293 = arith.select %eq3A_1290, %broadcast_in_dim3A_1292, %get3A_1286 : vector<512x256xi1>, vector<512x256xf32>
      %swap3A_1294 = arith.index_cast %mul3A_1283 : i32 to index
      %swap3A_1295 = arith.constant 0 : index
      %swap3A_1296 = vector.load %arg8[%swap3A_1294, %swap3A_1295] : memref<4096x256xf32, #tpu.memory_space<vmem>>, vector<512x256xf32>
      tpu.vector_store %arg8[%swap3A_1294, %swap3A_1295], %select_n3A_1293 {strides = array<i32>} : memref<4096x256xf32, #tpu.memory_space<vmem>>, vector<512x256xf32>,
      %reduce_min3A_1297 = arith.constant dense<0x7F800000> : vector<256xf32>
      %reduce_min3A_1298 = vector.multi_reduction <minimumf>, %select_n3A_1293, %reduce_min3A_1297 [0] : vector<512x256xf32> to vector<256xf32>
      %broadcast_in_dim3A_1299 = vector.shape_cast %reduce_min3A_1298 : vector<256xf32> to vector<1x256xf32>
      %add3A_1300 = arith.addi %select_n3A, %while3A_1279 : i32
      %swap3A_1301 = arith.index_cast %add3A_1300 : i32 to index
      %swap3A_1302 = arith.constant 0 : index
      %swap3A_1303 = vector.load %arg9[%swap3A_1301, %swap3A_1302] : memref<8x256xf32, #tpu.memory_space<vmem>>, vector<1x256xf32>
      tpu.vector_store %arg9[%swap3A_1301, %swap3A_1302], %broadcast_in_dim3A_1299 {strides = array<i32>} : memref<8x256xf32, #tpu.memory_space<vmem>>, vector<1x256xf32>,
      %while3A_1304 = arith.constant 0 : i32
      scf.yield %while3A_1304 : i32
    }
    %get3A_206 = arith.constant 0 : index
    %get3A_207 = arith.constant 0 : index
    %get3A_208 = vector.load %arg9[%get3A_206, %get3A_207] : memref<8x256xf32, #tpu.memory_space<vmem>>, vector<8x256xf32>
    %reduce_min3A_209 = arith.constant dense<0x7F800000> : vector<256xf32>
    %reduce_min3A_210 = vector.multi_reduction <minimumf>, %get3A_208, %reduce_min3A_209 [0] : vector<8x256xf32> to vector<256xf32>
    %broadcast_in_dim3A_211 = vector.shape_cast %reduce_min3A_210 : vector<256xf32> to vector<1x256xf32>
    %broadcast_in_dim3A_212 = arith.constant 4096 : i32
    %broadcast_in_dim3A_213 = vector.broadcast %broadcast_in_dim3A_212 : i32 to vector<1x256xi32>
    %while3A_214 = arith.constant 0 : i32
    %while3A_215 = arith.subi %add3A_75, %while3A_214 : i32
    %while3A_216 = arith.addi %while3A_214, %while3A_215 : i32
    %while3A_217 = arith.constant 1 : i32
    %while3A_218 = arith.divsi %while3A_215, %while3A_217 : i32
    %while3A_219 = arith.muli %while3A_218, %while3A_217 : i32
    %while3A_220 = arith.addi %while3A_214, %while3A_219 : i32
    %while3A_221 = arith.constant 1 : i32
    %while3A_222 = scf.for %while3A_1279 = %while3A_214 to %while3A_220 step %while3A_221 iter_args(%while3A_1280 = %broadcast_in_dim3A_213) -> (vector<1x256xi32>)  : i32 {
      %add3A_1281 = arith.addi %select_n3A, %while3A_1279 : i32
      %mul3A_1282 = arith.constant 512 : i32
      %mul3A_1283 = arith.muli %add3A_1281, %mul3A_1282 : i32
      %get3A_1284 = arith.index_cast %mul3A_1283 : i32 to index
      %get3A_1285 = arith.constant 0 : index
      %get3A_1286 = vector.load %arg8[%get3A_1284, %get3A_1285] : memref<4096x256xf32, #tpu.memory_space<vmem>>, vector<512x256xf32>
      %iota3A_1287 = tpu.iota {dimensions = array<i32: 0>} : vector<512x256xi32>
      %add3A_1288 = vector.broadcast %mul3A_1283 : i32 to vector<512x256xi32>
      %add3A_1289 = arith.addi %iota3A_1287, %add3A_1288 : vector<512x256xi32>
      %eq3A = vector.broadcast %broadcast_in_dim3A_211 : vector<1x256xf32> to vector<512x256xf32>
      %eq3A_1290 = arith.cmpf oeq, %get3A_1286, %eq3A : vector<512x256xf32>
      %jit3A_1291 = arith.constant 4096 : i32
      %broadcast_in_dim3A_1292 = vector.broadcast %jit3A_1291 : i32 to vector<512x256xi32>
      %select_n3A_1293 = arith.select %eq3A_1290, %add3A_1289, %broadcast_in_dim3A_1292 : vector<512x256xi1>, vector<512x256xi32>
      %reduce_min3A_1294 = arith.constant dense<2147483647> : vector<256xi32>
      %reduce_min3A_1295 = vector.multi_reduction <minsi>, %select_n3A_1293, %reduce_min3A_1294 [0] : vector<512x256xi32> to vector<256xi32>
      %broadcast_in_dim3A_1296 = vector.shape_cast %reduce_min3A_1295 : vector<256xi32> to vector<1x256xi32>
      %min3A = arith.minsi %while3A_1280, %broadcast_in_dim3A_1296 : vector<1x256xi32>
      scf.yield %min3A : vector<1x256xi32>
    }
    %while3A_223 = arith.constant 1 : i32
    %while3A_224 = scf.for %while3A_1279 = %while3A_220 to %while3A_216 step %while3A_223 iter_args(%while3A_1280 = %while3A_222) -> (vector<1x256xi32>)  : i32 {
      %add3A_1281 = arith.addi %select_n3A, %while3A_1279 : i32
      %mul3A_1282 = arith.constant 512 : i32
      %mul3A_1283 = arith.muli %add3A_1281, %mul3A_1282 : i32
      %get3A_1284 = arith.index_cast %mul3A_1283 : i32 to index
      %get3A_1285 = arith.constant 0 : index
      %get3A_1286 = vector.load %arg8[%get3A_1284, %get3A_1285] : memref<4096x256xf32, #tpu.memory_space<vmem>>, vector<512x256xf32>
      %iota3A_1287 = tpu.iota {dimensions = array<i32: 0>} : vector<512x256xi32>
      %add3A_1288 = vector.broadcast %mul3A_1283 : i32 to vector<512x256xi32>
      %add3A_1289 = arith.addi %iota3A_1287, %add3A_1288 : vector<512x256xi32>
      %eq3A = vector.broadcast %broadcast_in_dim3A_211 : vector<1x256xf32> to vector<512x256xf32>
      %eq3A_1290 = arith.cmpf oeq, %get3A_1286, %eq3A : vector<512x256xf32>
      %jit3A_1291 = arith.constant 4096 : i32
      %broadcast_in_dim3A_1292 = vector.broadcast %jit3A_1291 : i32 to vector<512x256xi32>
      %select_n3A_1293 = arith.select %eq3A_1290, %add3A_1289, %broadcast_in_dim3A_1292 : vector<512x256xi1>, vector<512x256xi32>
      %reduce_min3A_1294 = arith.constant dense<2147483647> : vector<256xi32>
      %reduce_min3A_1295 = vector.multi_reduction <minsi>, %select_n3A_1293, %reduce_min3A_1294 [0] : vector<512x256xi32> to vector<256xi32>
      %broadcast_in_dim3A_1296 = vector.shape_cast %reduce_min3A_1295 : vector<256xi32> to vector<1x256xi32>
      %min3A = arith.minsi %while3A_1280, %broadcast_in_dim3A_1296 : vector<1x256xi32>
      scf.yield %min3A : vector<1x256xi32>
    }
    %swap3A_225 = arith.constant 3 : index
    %swap3A_226 = arith.constant 0 : index
    %swap3A_227 = vector.load %arg6[%swap3A_225, %swap3A_226] : memref<32x256xi32, #tpu.memory_space<vmem>>, vector<1x256xi32>
    tpu.vector_store %arg6[%swap3A_225, %swap3A_226], %while3A_224 {strides = array<i32>} : memref<32x256xi32, #tpu.memory_space<vmem>>, vector<1x256xi32>,
    %swap3A_228 = arith.constant 3 : index
    %swap3A_229 = arith.constant 0 : index
    %swap3A_230 = vector.load %arg7[%swap3A_228, %swap3A_229] : memref<32x256xf32, #tpu.memory_space<vmem>>, vector<1x256xf32>
    tpu.vector_store %arg7[%swap3A_228, %swap3A_229], %broadcast_in_dim3A_211 {strides = array<i32>} : memref<32x256xf32, #tpu.memory_space<vmem>>, vector<1x256xf32>,
    %while3A_231 = arith.constant 0 : i32
    %while3A_232 = arith.constant 0 : i32
    %while3A_233 = arith.subi %add3A_75, %while3A_231 : i32
    %while3A_234 = arith.addi %while3A_231, %while3A_233 : i32
    %while3A_235 = arith.constant 1 : i32
    %while3A_236 = arith.divsi %while3A_233, %while3A_235 : i32
    %while3A_237 = arith.muli %while3A_236, %while3A_235 : i32
    %while3A_238 = arith.addi %while3A_231, %while3A_237 : i32
    %while3A_239 = arith.constant 1 : i32
    %while3A_240 = scf.for %while3A_1279 = %while3A_231 to %while3A_238 step %while3A_239 iter_args(%while3A_1280 = %while3A_232) -> (i32)  : i32 {
      %add3A_1281 = arith.addi %select_n3A, %while3A_1279 : i32
      %mul3A_1282 = arith.constant 512 : i32
      %mul3A_1283 = arith.muli %add3A_1281, %mul3A_1282 : i32
      %get3A_1284 = arith.index_cast %mul3A_1283 : i32 to index
      %get3A_1285 = arith.constant 0 : index
      %get3A_1286 = vector.load %arg8[%get3A_1284, %get3A_1285] : memref<4096x256xf32, #tpu.memory_space<vmem>>, vector<512x256xf32>
      %iota3A_1287 = tpu.iota {dimensions = array<i32: 0>} : vector<512x256xi32>
      %add3A_1288 = vector.broadcast %mul3A_1283 : i32 to vector<512x256xi32>
      %add3A_1289 = arith.addi %iota3A_1287, %add3A_1288 : vector<512x256xi32>
      %eq3A = vector.broadcast %while3A_224 : vector<1x256xi32> to vector<512x256xi32>
      %eq3A_1290 = arith.cmpi eq, %add3A_1289, %eq3A : vector<512x256xi32>
      %jit3A_1291 = arith.constant 0x7F800000 : f32
      %broadcast_in_dim3A_1292 = vector.broadcast %jit3A_1291 : f32 to vector<512x256xf32>
      %select_n3A_1293 = arith.select %eq3A_1290, %broadcast_in_dim3A_1292, %get3A_1286 : vector<512x256xi1>, vector<512x256xf32>
      %swap3A_1294 = arith.index_cast %mul3A_1283 : i32 to index
      %swap3A_1295 = arith.constant 0 : index
      %swap3A_1296 = vector.load %arg8[%swap3A_1294, %swap3A_1295] : memref<4096x256xf32, #tpu.memory_space<vmem>>, vector<512x256xf32>
      tpu.vector_store %arg8[%swap3A_1294, %swap3A_1295], %select_n3A_1293 {strides = array<i32>} : memref<4096x256xf32, #tpu.memory_space<vmem>>, vector<512x256xf32>,
      %reduce_min3A_1297 = arith.constant dense<0x7F800000> : vector<256xf32>
      %reduce_min3A_1298 = vector.multi_reduction <minimumf>, %select_n3A_1293, %reduce_min3A_1297 [0] : vector<512x256xf32> to vector<256xf32>
      %broadcast_in_dim3A_1299 = vector.shape_cast %reduce_min3A_1298 : vector<256xf32> to vector<1x256xf32>
      %add3A_1300 = arith.addi %select_n3A, %while3A_1279 : i32
      %swap3A_1301 = arith.index_cast %add3A_1300 : i32 to index
      %swap3A_1302 = arith.constant 0 : index
      %swap3A_1303 = vector.load %arg9[%swap3A_1301, %swap3A_1302] : memref<8x256xf32, #tpu.memory_space<vmem>>, vector<1x256xf32>
      tpu.vector_store %arg9[%swap3A_1301, %swap3A_1302], %broadcast_in_dim3A_1299 {strides = array<i32>} : memref<8x256xf32, #tpu.memory_space<vmem>>, vector<1x256xf32>,
      %while3A_1304 = arith.constant 0 : i32
      scf.yield %while3A_1304 : i32
    }
    %while3A_241 = arith.constant 1 : i32
    %while3A_242 = scf.for %while3A_1279 = %while3A_238 to %while3A_234 step %while3A_241 iter_args(%while3A_1280 = %while3A_240) -> (i32)  : i32 {
      %add3A_1281 = arith.addi %select_n3A, %while3A_1279 : i32
      %mul3A_1282 = arith.constant 512 : i32
      %mul3A_1283 = arith.muli %add3A_1281, %mul3A_1282 : i32
      %get3A_1284 = arith.index_cast %mul3A_1283 : i32 to index
      %get3A_1285 = arith.constant 0 : index
      %get3A_1286 = vector.load %arg8[%get3A_1284, %get3A_1285] : memref<4096x256xf32, #tpu.memory_space<vmem>>, vector<512x256xf32>
      %iota3A_1287 = tpu.iota {dimensions = array<i32: 0>} : vector<512x256xi32>
      %add3A_1288 = vector.broadcast %mul3A_1283 : i32 to vector<512x256xi32>
      %add3A_1289 = arith.addi %iota3A_1287, %add3A_1288 : vector<512x256xi32>
      %eq3A = vector.broadcast %while3A_224 : vector<1x256xi32> to vector<512x256xi32>
      %eq3A_1290 = arith.cmpi eq, %add3A_1289, %eq3A : vector<512x256xi32>
      %jit3A_1291 = arith.constant 0x7F800000 : f32
      %broadcast_in_dim3A_1292 = vector.broadcast %jit3A_1291 : f32 to vector<512x256xf32>
      %select_n3A_1293 = arith.select %eq3A_1290, %broadcast_in_dim3A_1292, %get3A_1286 : vector<512x256xi1>, vector<512x256xf32>
      %swap3A_1294 = arith.index_cast %mul3A_1283 : i32 to index
      %swap3A_1295 = arith.constant 0 : index
      %swap3A_1296 = vector.load %arg8[%swap3A_1294, %swap3A_1295] : memref<4096x256xf32, #tpu.memory_space<vmem>>, vector<512x256xf32>
      tpu.vector_store %arg8[%swap3A_1294, %swap3A_1295], %select_n3A_1293 {strides = array<i32>} : memref<4096x256xf32, #tpu.memory_space<vmem>>, vector<512x256xf32>,
      %reduce_min3A_1297 = arith.constant dense<0x7F800000> : vector<256xf32>
      %reduce_min3A_1298 = vector.multi_reduction <minimumf>, %select_n3A_1293, %reduce_min3A_1297 [0] : vector<512x256xf32> to vector<256xf32>
      %broadcast_in_dim3A_1299 = vector.shape_cast %reduce_min3A_1298 : vector<256xf32> to vector<1x256xf32>
      %add3A_1300 = arith.addi %select_n3A, %while3A_1279 : i32
      %swap3A_1301 = arith.index_cast %add3A_1300 : i32 to index
      %swap3A_1302 = arith.constant 0 : index
      %swap3A_1303 = vector.load %arg9[%swap3A_1301, %swap3A_1302] : memref<8x256xf32, #tpu.memory_space<vmem>>, vector<1x256xf32>
      tpu.vector_store %arg9[%swap3A_1301, %swap3A_1302], %broadcast_in_dim3A_1299 {strides = array<i32>} : memref<8x256xf32, #tpu.memory_space<vmem>>, vector<1x256xf32>,
      %while3A_1304 = arith.constant 0 : i32
      scf.yield %while3A_1304 : i32
    }
    %get3A_243 = arith.constant 0 : index
    %get3A_244 = arith.constant 0 : index
    %get3A_245 = vector.load %arg9[%get3A_243, %get3A_244] : memref<8x256xf32, #tpu.memory_space<vmem>>, vector<8x256xf32>
    %reduce_min3A_246 = arith.constant dense<0x7F800000> : vector<256xf32>
    %reduce_min3A_247 = vector.multi_reduction <minimumf>, %get3A_245, %reduce_min3A_246 [0] : vector<8x256xf32> to vector<256xf32>
    %broadcast_in_dim3A_248 = vector.shape_cast %reduce_min3A_247 : vector<256xf32> to vector<1x256xf32>
    %broadcast_in_dim3A_249 = arith.constant 4096 : i32
    %broadcast_in_dim3A_250 = vector.broadcast %broadcast_in_dim3A_249 : i32 to vector<1x256xi32>
    %while3A_251 = arith.constant 0 : i32
    %while3A_252 = arith.subi %add3A_75, %while3A_251 : i32
    %while3A_253 = arith.addi %while3A_251, %while3A_252 : i32
    %while3A_254 = arith.constant 1 : i32
    %while3A_255 = arith.divsi %while3A_252, %while3A_254 : i32
    %while3A_256 = arith.muli %while3A_255, %while3A_254 : i32
    %while3A_257 = arith.addi %while3A_251, %while3A_256 : i32
    %while3A_258 = arith.constant 1 : i32
    %while3A_259 = scf.for %while3A_1279 = %while3A_251 to %while3A_257 step %while3A_258 iter_args(%while3A_1280 = %broadcast_in_dim3A_250) -> (vector<1x256xi32>)  : i32 {
      %add3A_1281 = arith.addi %select_n3A, %while3A_1279 : i32
      %mul3A_1282 = arith.constant 512 : i32
      %mul3A_1283 = arith.muli %add3A_1281, %mul3A_1282 : i32
      %get3A_1284 = arith.index_cast %mul3A_1283 : i32 to index
      %get3A_1285 = arith.constant 0 : index
      %get3A_1286 = vector.load %arg8[%get3A_1284, %get3A_1285] : memref<4096x256xf32, #tpu.memory_space<vmem>>, vector<512x256xf32>
      %iota3A_1287 = tpu.iota {dimensions = array<i32: 0>} : vector<512x256xi32>
      %add3A_1288 = vector.broadcast %mul3A_1283 : i32 to vector<512x256xi32>
      %add3A_1289 = arith.addi %iota3A_1287, %add3A_1288 : vector<512x256xi32>
      %eq3A = vector.broadcast %broadcast_in_dim3A_248 : vector<1x256xf32> to vector<512x256xf32>
      %eq3A_1290 = arith.cmpf oeq, %get3A_1286, %eq3A : vector<512x256xf32>
      %jit3A_1291 = arith.constant 4096 : i32
      %broadcast_in_dim3A_1292 = vector.broadcast %jit3A_1291 : i32 to vector<512x256xi32>
      %select_n3A_1293 = arith.select %eq3A_1290, %add3A_1289, %broadcast_in_dim3A_1292 : vector<512x256xi1>, vector<512x256xi32>
      %reduce_min3A_1294 = arith.constant dense<2147483647> : vector<256xi32>
      %reduce_min3A_1295 = vector.multi_reduction <minsi>, %select_n3A_1293, %reduce_min3A_1294 [0] : vector<512x256xi32> to vector<256xi32>
      %broadcast_in_dim3A_1296 = vector.shape_cast %reduce_min3A_1295 : vector<256xi32> to vector<1x256xi32>
      %min3A = arith.minsi %while3A_1280, %broadcast_in_dim3A_1296 : vector<1x256xi32>
      scf.yield %min3A : vector<1x256xi32>
    }
    %while3A_260 = arith.constant 1 : i32
    %while3A_261 = scf.for %while3A_1279 = %while3A_257 to %while3A_253 step %while3A_260 iter_args(%while3A_1280 = %while3A_259) -> (vector<1x256xi32>)  : i32 {
      %add3A_1281 = arith.addi %select_n3A, %while3A_1279 : i32
      %mul3A_1282 = arith.constant 512 : i32
      %mul3A_1283 = arith.muli %add3A_1281, %mul3A_1282 : i32
      %get3A_1284 = arith.index_cast %mul3A_1283 : i32 to index
      %get3A_1285 = arith.constant 0 : index
      %get3A_1286 = vector.load %arg8[%get3A_1284, %get3A_1285] : memref<4096x256xf32, #tpu.memory_space<vmem>>, vector<512x256xf32>
      %iota3A_1287 = tpu.iota {dimensions = array<i32: 0>} : vector<512x256xi32>
      %add3A_1288 = vector.broadcast %mul3A_1283 : i32 to vector<512x256xi32>
      %add3A_1289 = arith.addi %iota3A_1287, %add3A_1288 : vector<512x256xi32>
      %eq3A = vector.broadcast %broadcast_in_dim3A_248 : vector<1x256xf32> to vector<512x256xf32>
      %eq3A_1290 = arith.cmpf oeq, %get3A_1286, %eq3A : vector<512x256xf32>
      %jit3A_1291 = arith.constant 4096 : i32
      %broadcast_in_dim3A_1292 = vector.broadcast %jit3A_1291 : i32 to vector<512x256xi32>
      %select_n3A_1293 = arith.select %eq3A_1290, %add3A_1289, %broadcast_in_dim3A_1292 : vector<512x256xi1>, vector<512x256xi32>
      %reduce_min3A_1294 = arith.constant dense<2147483647> : vector<256xi32>
      %reduce_min3A_1295 = vector.multi_reduction <minsi>, %select_n3A_1293, %reduce_min3A_1294 [0] : vector<512x256xi32> to vector<256xi32>
      %broadcast_in_dim3A_1296 = vector.shape_cast %reduce_min3A_1295 : vector<256xi32> to vector<1x256xi32>
      %min3A = arith.minsi %while3A_1280, %broadcast_in_dim3A_1296 : vector<1x256xi32>
      scf.yield %min3A : vector<1x256xi32>
    }
    %swap3A_262 = arith.constant 4 : index
    %swap3A_263 = arith.constant 0 : index
    %swap3A_264 = vector.load %arg6[%swap3A_262, %swap3A_263] : memref<32x256xi32, #tpu.memory_space<vmem>>, vector<1x256xi32>
    tpu.vector_store %arg6[%swap3A_262, %swap3A_263], %while3A_261 {strides = array<i32>} : memref<32x256xi32, #tpu.memory_space<vmem>>, vector<1x256xi32>,
    %swap3A_265 = arith.constant 4 : index
    %swap3A_266 = arith.constant 0 : index
    %swap3A_267 = vector.load %arg7[%swap3A_265, %swap3A_266] : memref<32x256xf32, #tpu.memory_space<vmem>>, vector<1x256xf32>
    tpu.vector_store %arg7[%swap3A_265, %swap3A_266], %broadcast_in_dim3A_248 {strides = array<i32>} : memref<32x256xf32, #tpu.memory_space<vmem>>, vector<1x256xf32>,
    %while3A_268 = arith.constant 0 : i32
    %while3A_269 = arith.constant 0 : i32
    %while3A_270 = arith.subi %add3A_75, %while3A_268 : i32
    %while3A_271 = arith.addi %while3A_268, %while3A_270 : i32
    %while3A_272 = arith.constant 1 : i32
    %while3A_273 = arith.divsi %while3A_270, %while3A_272 : i32
    %while3A_274 = arith.muli %while3A_273, %while3A_272 : i32
    %while3A_275 = arith.addi %while3A_268, %while3A_274 : i32
    %while3A_276 = arith.constant 1 : i32
    %while3A_277 = scf.for %while3A_1279 = %while3A_268 to %while3A_275 step %while3A_276 iter_args(%while3A_1280 = %while3A_269) -> (i32)  : i32 {
      %add3A_1281 = arith.addi %select_n3A, %while3A_1279 : i32
      %mul3A_1282 = arith.constant 512 : i32
      %mul3A_1283 = arith.muli %add3A_1281, %mul3A_1282 : i32
      %get3A_1284 = arith.index_cast %mul3A_1283 : i32 to index
      %get3A_1285 = arith.constant 0 : index
      %get3A_1286 = vector.load %arg8[%get3A_1284, %get3A_1285] : memref<4096x256xf32, #tpu.memory_space<vmem>>, vector<512x256xf32>
      %iota3A_1287 = tpu.iota {dimensions = array<i32: 0>} : vector<512x256xi32>
      %add3A_1288 = vector.broadcast %mul3A_1283 : i32 to vector<512x256xi32>
      %add3A_1289 = arith.addi %iota3A_1287, %add3A_1288 : vector<512x256xi32>
      %eq3A = vector.broadcast %while3A_261 : vector<1x256xi32> to vector<512x256xi32>
      %eq3A_1290 = arith.cmpi eq, %add3A_1289, %eq3A : vector<512x256xi32>
      %jit3A_1291 = arith.constant 0x7F800000 : f32
      %broadcast_in_dim3A_1292 = vector.broadcast %jit3A_1291 : f32 to vector<512x256xf32>
      %select_n3A_1293 = arith.select %eq3A_1290, %broadcast_in_dim3A_1292, %get3A_1286 : vector<512x256xi1>, vector<512x256xf32>
      %swap3A_1294 = arith.index_cast %mul3A_1283 : i32 to index
      %swap3A_1295 = arith.constant 0 : index
      %swap3A_1296 = vector.load %arg8[%swap3A_1294, %swap3A_1295] : memref<4096x256xf32, #tpu.memory_space<vmem>>, vector<512x256xf32>
      tpu.vector_store %arg8[%swap3A_1294, %swap3A_1295], %select_n3A_1293 {strides = array<i32>} : memref<4096x256xf32, #tpu.memory_space<vmem>>, vector<512x256xf32>,
      %reduce_min3A_1297 = arith.constant dense<0x7F800000> : vector<256xf32>
      %reduce_min3A_1298 = vector.multi_reduction <minimumf>, %select_n3A_1293, %reduce_min3A_1297 [0] : vector<512x256xf32> to vector<256xf32>
      %broadcast_in_dim3A_1299 = vector.shape_cast %reduce_min3A_1298 : vector<256xf32> to vector<1x256xf32>
      %add3A_1300 = arith.addi %select_n3A, %while3A_1279 : i32
      %swap3A_1301 = arith.index_cast %add3A_1300 : i32 to index
      %swap3A_1302 = arith.constant 0 : index
      %swap3A_1303 = vector.load %arg9[%swap3A_1301, %swap3A_1302] : memref<8x256xf32, #tpu.memory_space<vmem>>, vector<1x256xf32>
      tpu.vector_store %arg9[%swap3A_1301, %swap3A_1302], %broadcast_in_dim3A_1299 {strides = array<i32>} : memref<8x256xf32, #tpu.memory_space<vmem>>, vector<1x256xf32>,
      %while3A_1304 = arith.constant 0 : i32
      scf.yield %while3A_1304 : i32
    }
    %while3A_278 = arith.constant 1 : i32
    %while3A_279 = scf.for %while3A_1279 = %while3A_275 to %while3A_271 step %while3A_278 iter_args(%while3A_1280 = %while3A_277) -> (i32)  : i32 {
      %add3A_1281 = arith.addi %select_n3A, %while3A_1279 : i32
      %mul3A_1282 = arith.constant 512 : i32
      %mul3A_1283 = arith.muli %add3A_1281, %mul3A_1282 : i32
      %get3A_1284 = arith.index_cast %mul3A_1283 : i32 to index
      %get3A_1285 = arith.constant 0 : index
      %get3A_1286 = vector.load %arg8[%get3A_1284, %get3A_1285] : memref<4096x256xf32, #tpu.memory_space<vmem>>, vector<512x256xf32>
      %iota3A_1287 = tpu.iota {dimensions = array<i32: 0>} : vector<512x256xi32>
      %add3A_1288 = vector.broadcast %mul3A_1283 : i32 to vector<512x256xi32>
      %add3A_1289 = arith.addi %iota3A_1287, %add3A_1288 : vector<512x256xi32>
      %eq3A = vector.broadcast %while3A_261 : vector<1x256xi32> to vector<512x256xi32>
      %eq3A_1290 = arith.cmpi eq, %add3A_1289, %eq3A : vector<512x256xi32>
      %jit3A_1291 = arith.constant 0x7F800000 : f32
      %broadcast_in_dim3A_1292 = vector.broadcast %jit3A_1291 : f32 to vector<512x256xf32>
      %select_n3A_1293 = arith.select %eq3A_1290, %broadcast_in_dim3A_1292, %get3A_1286 : vector<512x256xi1>, vector<512x256xf32>
      %swap3A_1294 = arith.index_cast %mul3A_1283 : i32 to index
      %swap3A_1295 = arith.constant 0 : index
      %swap3A_1296 = vector.load %arg8[%swap3A_1294, %swap3A_1295] : memref<4096x256xf32, #tpu.memory_space<vmem>>, vector<512x256xf32>
      tpu.vector_store %arg8[%swap3A_1294, %swap3A_1295], %select_n3A_1293 {strides = array<i32>} : memref<4096x256xf32, #tpu.memory_space<vmem>>, vector<512x256xf32>,
      %reduce_min3A_1297 = arith.constant dense<0x7F800000> : vector<256xf32>
      %reduce_min3A_1298 = vector.multi_reduction <minimumf>, %select_n3A_1293, %reduce_min3A_1297 [0] : vector<512x256xf32> to vector<256xf32>
      %broadcast_in_dim3A_1299 = vector.shape_cast %reduce_min3A_1298 : vector<256xf32> to vector<1x256xf32>
      %add3A_1300 = arith.addi %select_n3A, %while3A_1279 : i32
      %swap3A_1301 = arith.index_cast %add3A_1300 : i32 to index
      %swap3A_1302 = arith.constant 0 : index
      %swap3A_1303 = vector.load %arg9[%swap3A_1301, %swap3A_1302] : memref<8x256xf32, #tpu.memory_space<vmem>>, vector<1x256xf32>
      tpu.vector_store %arg9[%swap3A_1301, %swap3A_1302], %broadcast_in_dim3A_1299 {strides = array<i32>} : memref<8x256xf32, #tpu.memory_space<vmem>>, vector<1x256xf32>,
      %while3A_1304 = arith.constant 0 : i32
      scf.yield %while3A_1304 : i32
    }
    %get3A_280 = arith.constant 0 : index
    %get3A_281 = arith.constant 0 : index
    %get3A_282 = vector.load %arg9[%get3A_280, %get3A_281] : memref<8x256xf32, #tpu.memory_space<vmem>>, vector<8x256xf32>
    %reduce_min3A_283 = arith.constant dense<0x7F800000> : vector<256xf32>
    %reduce_min3A_284 = vector.multi_reduction <minimumf>, %get3A_282, %reduce_min3A_283 [0] : vector<8x256xf32> to vector<256xf32>
    %broadcast_in_dim3A_285 = vector.shape_cast %reduce_min3A_284 : vector<256xf32> to vector<1x256xf32>
    %broadcast_in_dim3A_286 = arith.constant 4096 : i32
    %broadcast_in_dim3A_287 = vector.broadcast %broadcast_in_dim3A_286 : i32 to vector<1x256xi32>
    %while3A_288 = arith.constant 0 : i32
    %while3A_289 = arith.subi %add3A_75, %while3A_288 : i32
    %while3A_290 = arith.addi %while3A_288, %while3A_289 : i32
    %while3A_291 = arith.constant 1 : i32
    %while3A_292 = arith.divsi %while3A_289, %while3A_291 : i32
    %while3A_293 = arith.muli %while3A_292, %while3A_291 : i32
    %while3A_294 = arith.addi %while3A_288, %while3A_293 : i32
    %while3A_295 = arith.constant 1 : i32
    %while3A_296 = scf.for %while3A_1279 = %while3A_288 to %while3A_294 step %while3A_295 iter_args(%while3A_1280 = %broadcast_in_dim3A_287) -> (vector<1x256xi32>)  : i32 {
      %add3A_1281 = arith.addi %select_n3A, %while3A_1279 : i32
      %mul3A_1282 = arith.constant 512 : i32
      %mul3A_1283 = arith.muli %add3A_1281, %mul3A_1282 : i32
      %get3A_1284 = arith.index_cast %mul3A_1283 : i32 to index
      %get3A_1285 = arith.constant 0 : index
      %get3A_1286 = vector.load %arg8[%get3A_1284, %get3A_1285] : memref<4096x256xf32, #tpu.memory_space<vmem>>, vector<512x256xf32>
      %iota3A_1287 = tpu.iota {dimensions = array<i32: 0>} : vector<512x256xi32>
      %add3A_1288 = vector.broadcast %mul3A_1283 : i32 to vector<512x256xi32>
      %add3A_1289 = arith.addi %iota3A_1287, %add3A_1288 : vector<512x256xi32>
      %eq3A = vector.broadcast %broadcast_in_dim3A_285 : vector<1x256xf32> to vector<512x256xf32>
      %eq3A_1290 = arith.cmpf oeq, %get3A_1286, %eq3A : vector<512x256xf32>
      %jit3A_1291 = arith.constant 4096 : i32
      %broadcast_in_dim3A_1292 = vector.broadcast %jit3A_1291 : i32 to vector<512x256xi32>
      %select_n3A_1293 = arith.select %eq3A_1290, %add3A_1289, %broadcast_in_dim3A_1292 : vector<512x256xi1>, vector<512x256xi32>
      %reduce_min3A_1294 = arith.constant dense<2147483647> : vector<256xi32>
      %reduce_min3A_1295 = vector.multi_reduction <minsi>, %select_n3A_1293, %reduce_min3A_1294 [0] : vector<512x256xi32> to vector<256xi32>
      %broadcast_in_dim3A_1296 = vector.shape_cast %reduce_min3A_1295 : vector<256xi32> to vector<1x256xi32>
      %min3A = arith.minsi %while3A_1280, %broadcast_in_dim3A_1296 : vector<1x256xi32>
      scf.yield %min3A : vector<1x256xi32>
    }
    %while3A_297 = arith.constant 1 : i32
    %while3A_298 = scf.for %while3A_1279 = %while3A_294 to %while3A_290 step %while3A_297 iter_args(%while3A_1280 = %while3A_296) -> (vector<1x256xi32>)  : i32 {
      %add3A_1281 = arith.addi %select_n3A, %while3A_1279 : i32
      %mul3A_1282 = arith.constant 512 : i32
      %mul3A_1283 = arith.muli %add3A_1281, %mul3A_1282 : i32
      %get3A_1284 = arith.index_cast %mul3A_1283 : i32 to index
      %get3A_1285 = arith.constant 0 : index
      %get3A_1286 = vector.load %arg8[%get3A_1284, %get3A_1285] : memref<4096x256xf32, #tpu.memory_space<vmem>>, vector<512x256xf32>
      %iota3A_1287 = tpu.iota {dimensions = array<i32: 0>} : vector<512x256xi32>
      %add3A_1288 = vector.broadcast %mul3A_1283 : i32 to vector<512x256xi32>
      %add3A_1289 = arith.addi %iota3A_1287, %add3A_1288 : vector<512x256xi32>
      %eq3A = vector.broadcast %broadcast_in_dim3A_285 : vector<1x256xf32> to vector<512x256xf32>
      %eq3A_1290 = arith.cmpf oeq, %get3A_1286, %eq3A : vector<512x256xf32>
      %jit3A_1291 = arith.constant 4096 : i32
      %broadcast_in_dim3A_1292 = vector.broadcast %jit3A_1291 : i32 to vector<512x256xi32>
      %select_n3A_1293 = arith.select %eq3A_1290, %add3A_1289, %broadcast_in_dim3A_1292 : vector<512x256xi1>, vector<512x256xi32>
      %reduce_min3A_1294 = arith.constant dense<2147483647> : vector<256xi32>
      %reduce_min3A_1295 = vector.multi_reduction <minsi>, %select_n3A_1293, %reduce_min3A_1294 [0] : vector<512x256xi32> to vector<256xi32>
      %broadcast_in_dim3A_1296 = vector.shape_cast %reduce_min3A_1295 : vector<256xi32> to vector<1x256xi32>
      %min3A = arith.minsi %while3A_1280, %broadcast_in_dim3A_1296 : vector<1x256xi32>
      scf.yield %min3A : vector<1x256xi32>
    }
    %swap3A_299 = arith.constant 5 : index
    %swap3A_300 = arith.constant 0 : index
    %swap3A_301 = vector.load %arg6[%swap3A_299, %swap3A_300] : memref<32x256xi32, #tpu.memory_space<vmem>>, vector<1x256xi32>
    tpu.vector_store %arg6[%swap3A_299, %swap3A_300], %while3A_298 {strides = array<i32>} : memref<32x256xi32, #tpu.memory_space<vmem>>, vector<1x256xi32>,
    %swap3A_302 = arith.constant 5 : index
    %swap3A_303 = arith.constant 0 : index
    %swap3A_304 = vector.load %arg7[%swap3A_302, %swap3A_303] : memref<32x256xf32, #tpu.memory_space<vmem>>, vector<1x256xf32>
    tpu.vector_store %arg7[%swap3A_302, %swap3A_303], %broadcast_in_dim3A_285 {strides = array<i32>} : memref<32x256xf32, #tpu.memory_space<vmem>>, vector<1x256xf32>,
    %while3A_305 = arith.constant 0 : i32
    %while3A_306 = arith.constant 0 : i32
    %while3A_307 = arith.subi %add3A_75, %while3A_305 : i32
    %while3A_308 = arith.addi %while3A_305, %while3A_307 : i32
    %while3A_309 = arith.constant 1 : i32
    %while3A_310 = arith.divsi %while3A_307, %while3A_309 : i32
    %while3A_311 = arith.muli %while3A_310, %while3A_309 : i32
    %while3A_312 = arith.addi %while3A_305, %while3A_311 : i32
    %while3A_313 = arith.constant 1 : i32
    %while3A_314 = scf.for %while3A_1279 = %while3A_305 to %while3A_312 step %while3A_313 iter_args(%while3A_1280 = %while3A_306) -> (i32)  : i32 {
      %add3A_1281 = arith.addi %select_n3A, %while3A_1279 : i32
      %mul3A_1282 = arith.constant 512 : i32
      %mul3A_1283 = arith.muli %add3A_1281, %mul3A_1282 : i32
      %get3A_1284 = arith.index_cast %mul3A_1283 : i32 to index
      %get3A_1285 = arith.constant 0 : index
      %get3A_1286 = vector.load %arg8[%get3A_1284, %get3A_1285] : memref<4096x256xf32, #tpu.memory_space<vmem>>, vector<512x256xf32>
      %iota3A_1287 = tpu.iota {dimensions = array<i32: 0>} : vector<512x256xi32>
      %add3A_1288 = vector.broadcast %mul3A_1283 : i32 to vector<512x256xi32>
      %add3A_1289 = arith.addi %iota3A_1287, %add3A_1288 : vector<512x256xi32>
      %eq3A = vector.broadcast %while3A_298 : vector<1x256xi32> to vector<512x256xi32>
      %eq3A_1290 = arith.cmpi eq, %add3A_1289, %eq3A : vector<512x256xi32>
      %jit3A_1291 = arith.constant 0x7F800000 : f32
      %broadcast_in_dim3A_1292 = vector.broadcast %jit3A_1291 : f32 to vector<512x256xf32>
      %select_n3A_1293 = arith.select %eq3A_1290, %broadcast_in_dim3A_1292, %get3A_1286 : vector<512x256xi1>, vector<512x256xf32>
      %swap3A_1294 = arith.index_cast %mul3A_1283 : i32 to index
      %swap3A_1295 = arith.constant 0 : index
      %swap3A_1296 = vector.load %arg8[%swap3A_1294, %swap3A_1295] : memref<4096x256xf32, #tpu.memory_space<vmem>>, vector<512x256xf32>
      tpu.vector_store %arg8[%swap3A_1294, %swap3A_1295], %select_n3A_1293 {strides = array<i32>} : memref<4096x256xf32, #tpu.memory_space<vmem>>, vector<512x256xf32>,
      %reduce_min3A_1297 = arith.constant dense<0x7F800000> : vector<256xf32>
      %reduce_min3A_1298 = vector.multi_reduction <minimumf>, %select_n3A_1293, %reduce_min3A_1297 [0] : vector<512x256xf32> to vector<256xf32>
      %broadcast_in_dim3A_1299 = vector.shape_cast %reduce_min3A_1298 : vector<256xf32> to vector<1x256xf32>
      %add3A_1300 = arith.addi %select_n3A, %while3A_1279 : i32
      %swap3A_1301 = arith.index_cast %add3A_1300 : i32 to index
      %swap3A_1302 = arith.constant 0 : index
      %swap3A_1303 = vector.load %arg9[%swap3A_1301, %swap3A_1302] : memref<8x256xf32, #tpu.memory_space<vmem>>, vector<1x256xf32>
      tpu.vector_store %arg9[%swap3A_1301, %swap3A_1302], %broadcast_in_dim3A_1299 {strides = array<i32>} : memref<8x256xf32, #tpu.memory_space<vmem>>, vector<1x256xf32>,
      %while3A_1304 = arith.constant 0 : i32
      scf.yield %while3A_1304 : i32
    }
    %while3A_315 = arith.constant 1 : i32
    %while3A_316 = scf.for %while3A_1279 = %while3A_312 to %while3A_308 step %while3A_315 iter_args(%while3A_1280 = %while3A_314) -> (i32)  : i32 {
      %add3A_1281 = arith.addi %select_n3A, %while3A_1279 : i32
      %mul3A_1282 = arith.constant 512 : i32
      %mul3A_1283 = arith.muli %add3A_1281, %mul3A_1282 : i32
      %get3A_1284 = arith.index_cast %mul3A_1283 : i32 to index
      %get3A_1285 = arith.constant 0 : index
      %get3A_1286 = vector.load %arg8[%get3A_1284, %get3A_1285] : memref<4096x256xf32, #tpu.memory_space<vmem>>, vector<512x256xf32>
      %iota3A_1287 = tpu.iota {dimensions = array<i32: 0>} : vector<512x256xi32>
      %add3A_1288 = vector.broadcast %mul3A_1283 : i32 to vector<512x256xi32>
      %add3A_1289 = arith.addi %iota3A_1287, %add3A_1288 : vector<512x256xi32>
      %eq3A = vector.broadcast %while3A_298 : vector<1x256xi32> to vector<512x256xi32>
      %eq3A_1290 = arith.cmpi eq, %add3A_1289, %eq3A : vector<512x256xi32>
      %jit3A_1291 = arith.constant 0x7F800000 : f32
      %broadcast_in_dim3A_1292 = vector.broadcast %jit3A_1291 : f32 to vector<512x256xf32>
      %select_n3A_1293 = arith.select %eq3A_1290, %broadcast_in_dim3A_1292, %get3A_1286 : vector<512x256xi1>, vector<512x256xf32>
      %swap3A_1294 = arith.index_cast %mul3A_1283 : i32 to index
      %swap3A_1295 = arith.constant 0 : index
      %swap3A_1296 = vector.load %arg8[%swap3A_1294, %swap3A_1295] : memref<4096x256xf32, #tpu.memory_space<vmem>>, vector<512x256xf32>
      tpu.vector_store %arg8[%swap3A_1294, %swap3A_1295], %select_n3A_1293 {strides = array<i32>} : memref<4096x256xf32, #tpu.memory_space<vmem>>, vector<512x256xf32>,
      %reduce_min3A_1297 = arith.constant dense<0x7F800000> : vector<256xf32>
      %reduce_min3A_1298 = vector.multi_reduction <minimumf>, %select_n3A_1293, %reduce_min3A_1297 [0] : vector<512x256xf32> to vector<256xf32>
      %broadcast_in_dim3A_1299 = vector.shape_cast %reduce_min3A_1298 : vector<256xf32> to vector<1x256xf32>
      %add3A_1300 = arith.addi %select_n3A, %while3A_1279 : i32
      %swap3A_1301 = arith.index_cast %add3A_1300 : i32 to index
      %swap3A_1302 = arith.constant 0 : index
      %swap3A_1303 = vector.load %arg9[%swap3A_1301, %swap3A_1302] : memref<8x256xf32, #tpu.memory_space<vmem>>, vector<1x256xf32>
      tpu.vector_store %arg9[%swap3A_1301, %swap3A_1302], %broadcast_in_dim3A_1299 {strides = array<i32>} : memref<8x256xf32, #tpu.memory_space<vmem>>, vector<1x256xf32>,
      %while3A_1304 = arith.constant 0 : i32
      scf.yield %while3A_1304 : i32
    }
    %get3A_317 = arith.constant 0 : index
    %get3A_318 = arith.constant 0 : index
    %get3A_319 = vector.load %arg9[%get3A_317, %get3A_318] : memref<8x256xf32, #tpu.memory_space<vmem>>, vector<8x256xf32>
    %reduce_min3A_320 = arith.constant dense<0x7F800000> : vector<256xf32>
    %reduce_min3A_321 = vector.multi_reduction <minimumf>, %get3A_319, %reduce_min3A_320 [0] : vector<8x256xf32> to vector<256xf32>
    %broadcast_in_dim3A_322 = vector.shape_cast %reduce_min3A_321 : vector<256xf32> to vector<1x256xf32>
    %broadcast_in_dim3A_323 = arith.constant 4096 : i32
    %broadcast_in_dim3A_324 = vector.broadcast %broadcast_in_dim3A_323 : i32 to vector<1x256xi32>
    %while3A_325 = arith.constant 0 : i32
    %while3A_326 = arith.subi %add3A_75, %while3A_325 : i32
    %while3A_327 = arith.addi %while3A_325, %while3A_326 : i32
    %while3A_328 = arith.constant 1 : i32
    %while3A_329 = arith.divsi %while3A_326, %while3A_328 : i32
    %while3A_330 = arith.muli %while3A_329, %while3A_328 : i32
    %while3A_331 = arith.addi %while3A_325, %while3A_330 : i32
    %while3A_332 = arith.constant 1 : i32
    %while3A_333 = scf.for %while3A_1279 = %while3A_325 to %while3A_331 step %while3A_332 iter_args(%while3A_1280 = %broadcast_in_dim3A_324) -> (vector<1x256xi32>)  : i32 {
      %add3A_1281 = arith.addi %select_n3A, %while3A_1279 : i32
      %mul3A_1282 = arith.constant 512 : i32
      %mul3A_1283 = arith.muli %add3A_1281, %mul3A_1282 : i32
      %get3A_1284 = arith.index_cast %mul3A_1283 : i32 to index
      %get3A_1285 = arith.constant 0 : index
      %get3A_1286 = vector.load %arg8[%get3A_1284, %get3A_1285] : memref<4096x256xf32, #tpu.memory_space<vmem>>, vector<512x256xf32>
      %iota3A_1287 = tpu.iota {dimensions = array<i32: 0>} : vector<512x256xi32>
      %add3A_1288 = vector.broadcast %mul3A_1283 : i32 to vector<512x256xi32>
      %add3A_1289 = arith.addi %iota3A_1287, %add3A_1288 : vector<512x256xi32>
      %eq3A = vector.broadcast %broadcast_in_dim3A_322 : vector<1x256xf32> to vector<512x256xf32>
      %eq3A_1290 = arith.cmpf oeq, %get3A_1286, %eq3A : vector<512x256xf32>
      %jit3A_1291 = arith.constant 4096 : i32
      %broadcast_in_dim3A_1292 = vector.broadcast %jit3A_1291 : i32 to vector<512x256xi32>
      %select_n3A_1293 = arith.select %eq3A_1290, %add3A_1289, %broadcast_in_dim3A_1292 : vector<512x256xi1>, vector<512x256xi32>
      %reduce_min3A_1294 = arith.constant dense<2147483647> : vector<256xi32>
      %reduce_min3A_1295 = vector.multi_reduction <minsi>, %select_n3A_1293, %reduce_min3A_1294 [0] : vector<512x256xi32> to vector<256xi32>
      %broadcast_in_dim3A_1296 = vector.shape_cast %reduce_min3A_1295 : vector<256xi32> to vector<1x256xi32>
      %min3A = arith.minsi %while3A_1280, %broadcast_in_dim3A_1296 : vector<1x256xi32>
      scf.yield %min3A : vector<1x256xi32>
    }
    %while3A_334 = arith.constant 1 : i32
    %while3A_335 = scf.for %while3A_1279 = %while3A_331 to %while3A_327 step %while3A_334 iter_args(%while3A_1280 = %while3A_333) -> (vector<1x256xi32>)  : i32 {
      %add3A_1281 = arith.addi %select_n3A, %while3A_1279 : i32
      %mul3A_1282 = arith.constant 512 : i32
      %mul3A_1283 = arith.muli %add3A_1281, %mul3A_1282 : i32
      %get3A_1284 = arith.index_cast %mul3A_1283 : i32 to index
      %get3A_1285 = arith.constant 0 : index
      %get3A_1286 = vector.load %arg8[%get3A_1284, %get3A_1285] : memref<4096x256xf32, #tpu.memory_space<vmem>>, vector<512x256xf32>
      %iota3A_1287 = tpu.iota {dimensions = array<i32: 0>} : vector<512x256xi32>
      %add3A_1288 = vector.broadcast %mul3A_1283 : i32 to vector<512x256xi32>
      %add3A_1289 = arith.addi %iota3A_1287, %add3A_1288 : vector<512x256xi32>
      %eq3A = vector.broadcast %broadcast_in_dim3A_322 : vector<1x256xf32> to vector<512x256xf32>
      %eq3A_1290 = arith.cmpf oeq, %get3A_1286, %eq3A : vector<512x256xf32>
      %jit3A_1291 = arith.constant 4096 : i32
      %broadcast_in_dim3A_1292 = vector.broadcast %jit3A_1291 : i32 to vector<512x256xi32>
      %select_n3A_1293 = arith.select %eq3A_1290, %add3A_1289, %broadcast_in_dim3A_1292 : vector<512x256xi1>, vector<512x256xi32>
      %reduce_min3A_1294 = arith.constant dense<2147483647> : vector<256xi32>
      %reduce_min3A_1295 = vector.multi_reduction <minsi>, %select_n3A_1293, %reduce_min3A_1294 [0] : vector<512x256xi32> to vector<256xi32>
      %broadcast_in_dim3A_1296 = vector.shape_cast %reduce_min3A_1295 : vector<256xi32> to vector<1x256xi32>
      %min3A = arith.minsi %while3A_1280, %broadcast_in_dim3A_1296 : vector<1x256xi32>
      scf.yield %min3A : vector<1x256xi32>
    }
    %swap3A_336 = arith.constant 6 : index
    %swap3A_337 = arith.constant 0 : index
    %swap3A_338 = vector.load %arg6[%swap3A_336, %swap3A_337] : memref<32x256xi32, #tpu.memory_space<vmem>>, vector<1x256xi32>
    tpu.vector_store %arg6[%swap3A_336, %swap3A_337], %while3A_335 {strides = array<i32>} : memref<32x256xi32, #tpu.memory_space<vmem>>, vector<1x256xi32>,
    %swap3A_339 = arith.constant 6 : index
    %swap3A_340 = arith.constant 0 : index
    %swap3A_341 = vector.load %arg7[%swap3A_339, %swap3A_340] : memref<32x256xf32, #tpu.memory_space<vmem>>, vector<1x256xf32>
    tpu.vector_store %arg7[%swap3A_339, %swap3A_340], %broadcast_in_dim3A_322 {strides = array<i32>} : memref<32x256xf32, #tpu.memory_space<vmem>>, vector<1x256xf32>,
    %while3A_342 = arith.constant 0 : i32
    %while3A_343 = arith.constant 0 : i32
    %while3A_344 = arith.subi %add3A_75, %while3A_342 : i32
    %while3A_345 = arith.addi %while3A_342, %while3A_344 : i32
    %while3A_346 = arith.constant 1 : i32
    %while3A_347 = arith.divsi %while3A_344, %while3A_346 : i32
    %while3A_348 = arith.muli %while3A_347, %while3A_346 : i32
    %while3A_349 = arith.addi %while3A_342, %while3A_348 : i32
    %while3A_350 = arith.constant 1 : i32
    %while3A_351 = scf.for %while3A_1279 = %while3A_342 to %while3A_349 step %while3A_350 iter_args(%while3A_1280 = %while3A_343) -> (i32)  : i32 {
      %add3A_1281 = arith.addi %select_n3A, %while3A_1279 : i32
      %mul3A_1282 = arith.constant 512 : i32
      %mul3A_1283 = arith.muli %add3A_1281, %mul3A_1282 : i32
      %get3A_1284 = arith.index_cast %mul3A_1283 : i32 to index
      %get3A_1285 = arith.constant 0 : index
      %get3A_1286 = vector.load %arg8[%get3A_1284, %get3A_1285] : memref<4096x256xf32, #tpu.memory_space<vmem>>, vector<512x256xf32>
      %iota3A_1287 = tpu.iota {dimensions = array<i32: 0>} : vector<512x256xi32>
      %add3A_1288 = vector.broadcast %mul3A_1283 : i32 to vector<512x256xi32>
      %add3A_1289 = arith.addi %iota3A_1287, %add3A_1288 : vector<512x256xi32>
      %eq3A = vector.broadcast %while3A_335 : vector<1x256xi32> to vector<512x256xi32>
      %eq3A_1290 = arith.cmpi eq, %add3A_1289, %eq3A : vector<512x256xi32>
      %jit3A_1291 = arith.constant 0x7F800000 : f32
      %broadcast_in_dim3A_1292 = vector.broadcast %jit3A_1291 : f32 to vector<512x256xf32>
      %select_n3A_1293 = arith.select %eq3A_1290, %broadcast_in_dim3A_1292, %get3A_1286 : vector<512x256xi1>, vector<512x256xf32>
      %swap3A_1294 = arith.index_cast %mul3A_1283 : i32 to index
      %swap3A_1295 = arith.constant 0 : index
      %swap3A_1296 = vector.load %arg8[%swap3A_1294, %swap3A_1295] : memref<4096x256xf32, #tpu.memory_space<vmem>>, vector<512x256xf32>
      tpu.vector_store %arg8[%swap3A_1294, %swap3A_1295], %select_n3A_1293 {strides = array<i32>} : memref<4096x256xf32, #tpu.memory_space<vmem>>, vector<512x256xf32>,
      %reduce_min3A_1297 = arith.constant dense<0x7F800000> : vector<256xf32>
      %reduce_min3A_1298 = vector.multi_reduction <minimumf>, %select_n3A_1293, %reduce_min3A_1297 [0] : vector<512x256xf32> to vector<256xf32>
      %broadcast_in_dim3A_1299 = vector.shape_cast %reduce_min3A_1298 : vector<256xf32> to vector<1x256xf32>
      %add3A_1300 = arith.addi %select_n3A, %while3A_1279 : i32
      %swap3A_1301 = arith.index_cast %add3A_1300 : i32 to index
      %swap3A_1302 = arith.constant 0 : index
      %swap3A_1303 = vector.load %arg9[%swap3A_1301, %swap3A_1302] : memref<8x256xf32, #tpu.memory_space<vmem>>, vector<1x256xf32>
      tpu.vector_store %arg9[%swap3A_1301, %swap3A_1302], %broadcast_in_dim3A_1299 {strides = array<i32>} : memref<8x256xf32, #tpu.memory_space<vmem>>, vector<1x256xf32>,
      %while3A_1304 = arith.constant 0 : i32
      scf.yield %while3A_1304 : i32
    }
    %while3A_352 = arith.constant 1 : i32
    %while3A_353 = scf.for %while3A_1279 = %while3A_349 to %while3A_345 step %while3A_352 iter_args(%while3A_1280 = %while3A_351) -> (i32)  : i32 {
      %add3A_1281 = arith.addi %select_n3A, %while3A_1279 : i32
      %mul3A_1282 = arith.constant 512 : i32
      %mul3A_1283 = arith.muli %add3A_1281, %mul3A_1282 : i32
      %get3A_1284 = arith.index_cast %mul3A_1283 : i32 to index
      %get3A_1285 = arith.constant 0 : index
      %get3A_1286 = vector.load %arg8[%get3A_1284, %get3A_1285] : memref<4096x256xf32, #tpu.memory_space<vmem>>, vector<512x256xf32>
      %iota3A_1287 = tpu.iota {dimensions = array<i32: 0>} : vector<512x256xi32>
      %add3A_1288 = vector.broadcast %mul3A_1283 : i32 to vector<512x256xi32>
      %add3A_1289 = arith.addi %iota3A_1287, %add3A_1288 : vector<512x256xi32>
      %eq3A = vector.broadcast %while3A_335 : vector<1x256xi32> to vector<512x256xi32>
      %eq3A_1290 = arith.cmpi eq, %add3A_1289, %eq3A : vector<512x256xi32>
      %jit3A_1291 = arith.constant 0x7F800000 : f32
      %broadcast_in_dim3A_1292 = vector.broadcast %jit3A_1291 : f32 to vector<512x256xf32>
      %select_n3A_1293 = arith.select %eq3A_1290, %broadcast_in_dim3A_1292, %get3A_1286 : vector<512x256xi1>, vector<512x256xf32>
      %swap3A_1294 = arith.index_cast %mul3A_1283 : i32 to index
      %swap3A_1295 = arith.constant 0 : index
      %swap3A_1296 = vector.load %arg8[%swap3A_1294, %swap3A_1295] : memref<4096x256xf32, #tpu.memory_space<vmem>>, vector<512x256xf32>
      tpu.vector_store %arg8[%swap3A_1294, %swap3A_1295], %select_n3A_1293 {strides = array<i32>} : memref<4096x256xf32, #tpu.memory_space<vmem>>, vector<512x256xf32>,
      %reduce_min3A_1297 = arith.constant dense<0x7F800000> : vector<256xf32>
      %reduce_min3A_1298 = vector.multi_reduction <minimumf>, %select_n3A_1293, %reduce_min3A_1297 [0] : vector<512x256xf32> to vector<256xf32>
      %broadcast_in_dim3A_1299 = vector.shape_cast %reduce_min3A_1298 : vector<256xf32> to vector<1x256xf32>
      %add3A_1300 = arith.addi %select_n3A, %while3A_1279 : i32
      %swap3A_1301 = arith.index_cast %add3A_1300 : i32 to index
      %swap3A_1302 = arith.constant 0 : index
      %swap3A_1303 = vector.load %arg9[%swap3A_1301, %swap3A_1302] : memref<8x256xf32, #tpu.memory_space<vmem>>, vector<1x256xf32>
      tpu.vector_store %arg9[%swap3A_1301, %swap3A_1302], %broadcast_in_dim3A_1299 {strides = array<i32>} : memref<8x256xf32, #tpu.memory_space<vmem>>, vector<1x256xf32>,
      %while3A_1304 = arith.constant 0 : i32
      scf.yield %while3A_1304 : i32
    }
    %get3A_354 = arith.constant 0 : index
    %get3A_355 = arith.constant 0 : index
    %get3A_356 = vector.load %arg9[%get3A_354, %get3A_355] : memref<8x256xf32, #tpu.memory_space<vmem>>, vector<8x256xf32>
    %reduce_min3A_357 = arith.constant dense<0x7F800000> : vector<256xf32>
    %reduce_min3A_358 = vector.multi_reduction <minimumf>, %get3A_356, %reduce_min3A_357 [0] : vector<8x256xf32> to vector<256xf32>
    %broadcast_in_dim3A_359 = vector.shape_cast %reduce_min3A_358 : vector<256xf32> to vector<1x256xf32>
    %broadcast_in_dim3A_360 = arith.constant 4096 : i32
    %broadcast_in_dim3A_361 = vector.broadcast %broadcast_in_dim3A_360 : i32 to vector<1x256xi32>
    %while3A_362 = arith.constant 0 : i32
    %while3A_363 = arith.subi %add3A_75, %while3A_362 : i32
    %while3A_364 = arith.addi %while3A_362, %while3A_363 : i32
    %while3A_365 = arith.constant 1 : i32
    %while3A_366 = arith.divsi %while3A_363, %while3A_365 : i32
    %while3A_367 = arith.muli %while3A_366, %while3A_365 : i32
    %while3A_368 = arith.addi %while3A_362, %while3A_367 : i32
    %while3A_369 = arith.constant 1 : i32
    %while3A_370 = scf.for %while3A_1279 = %while3A_362 to %while3A_368 step %while3A_369 iter_args(%while3A_1280 = %broadcast_in_dim3A_361) -> (vector<1x256xi32>)  : i32 {
      %add3A_1281 = arith.addi %select_n3A, %while3A_1279 : i32
      %mul3A_1282 = arith.constant 512 : i32
      %mul3A_1283 = arith.muli %add3A_1281, %mul3A_1282 : i32
      %get3A_1284 = arith.index_cast %mul3A_1283 : i32 to index
      %get3A_1285 = arith.constant 0 : index
      %get3A_1286 = vector.load %arg8[%get3A_1284, %get3A_1285] : memref<4096x256xf32, #tpu.memory_space<vmem>>, vector<512x256xf32>
      %iota3A_1287 = tpu.iota {dimensions = array<i32: 0>} : vector<512x256xi32>
      %add3A_1288 = vector.broadcast %mul3A_1283 : i32 to vector<512x256xi32>
      %add3A_1289 = arith.addi %iota3A_1287, %add3A_1288 : vector<512x256xi32>
      %eq3A = vector.broadcast %broadcast_in_dim3A_359 : vector<1x256xf32> to vector<512x256xf32>
      %eq3A_1290 = arith.cmpf oeq, %get3A_1286, %eq3A : vector<512x256xf32>
      %jit3A_1291 = arith.constant 4096 : i32
      %broadcast_in_dim3A_1292 = vector.broadcast %jit3A_1291 : i32 to vector<512x256xi32>
      %select_n3A_1293 = arith.select %eq3A_1290, %add3A_1289, %broadcast_in_dim3A_1292 : vector<512x256xi1>, vector<512x256xi32>
      %reduce_min3A_1294 = arith.constant dense<2147483647> : vector<256xi32>
      %reduce_min3A_1295 = vector.multi_reduction <minsi>, %select_n3A_1293, %reduce_min3A_1294 [0] : vector<512x256xi32> to vector<256xi32>
      %broadcast_in_dim3A_1296 = vector.shape_cast %reduce_min3A_1295 : vector<256xi32> to vector<1x256xi32>
      %min3A = arith.minsi %while3A_1280, %broadcast_in_dim3A_1296 : vector<1x256xi32>
      scf.yield %min3A : vector<1x256xi32>
    }
    %while3A_371 = arith.constant 1 : i32
    %while3A_372 = scf.for %while3A_1279 = %while3A_368 to %while3A_364 step %while3A_371 iter_args(%while3A_1280 = %while3A_370) -> (vector<1x256xi32>)  : i32 {
      %add3A_1281 = arith.addi %select_n3A, %while3A_1279 : i32
      %mul3A_1282 = arith.constant 512 : i32
      %mul3A_1283 = arith.muli %add3A_1281, %mul3A_1282 : i32
      %get3A_1284 = arith.index_cast %mul3A_1283 : i32 to index
      %get3A_1285 = arith.constant 0 : index
      %get3A_1286 = vector.load %arg8[%get3A_1284, %get3A_1285] : memref<4096x256xf32, #tpu.memory_space<vmem>>, vector<512x256xf32>
      %iota3A_1287 = tpu.iota {dimensions = array<i32: 0>} : vector<512x256xi32>
      %add3A_1288 = vector.broadcast %mul3A_1283 : i32 to vector<512x256xi32>
      %add3A_1289 = arith.addi %iota3A_1287, %add3A_1288 : vector<512x256xi32>
      %eq3A = vector.broadcast %broadcast_in_dim3A_359 : vector<1x256xf32> to vector<512x256xf32>
      %eq3A_1290 = arith.cmpf oeq, %get3A_1286, %eq3A : vector<512x256xf32>
      %jit3A_1291 = arith.constant 4096 : i32
      %broadcast_in_dim3A_1292 = vector.broadcast %jit3A_1291 : i32 to vector<512x256xi32>
      %select_n3A_1293 = arith.select %eq3A_1290, %add3A_1289, %broadcast_in_dim3A_1292 : vector<512x256xi1>, vector<512x256xi32>
      %reduce_min3A_1294 = arith.constant dense<2147483647> : vector<256xi32>
      %reduce_min3A_1295 = vector.multi_reduction <minsi>, %select_n3A_1293, %reduce_min3A_1294 [0] : vector<512x256xi32> to vector<256xi32>
      %broadcast_in_dim3A_1296 = vector.shape_cast %reduce_min3A_1295 : vector<256xi32> to vector<1x256xi32>
      %min3A = arith.minsi %while3A_1280, %broadcast_in_dim3A_1296 : vector<1x256xi32>
      scf.yield %min3A : vector<1x256xi32>
    }
    %swap3A_373 = arith.constant 7 : index
    %swap3A_374 = arith.constant 0 : index
    %swap3A_375 = vector.load %arg6[%swap3A_373, %swap3A_374] : memref<32x256xi32, #tpu.memory_space<vmem>>, vector<1x256xi32>
    tpu.vector_store %arg6[%swap3A_373, %swap3A_374], %while3A_372 {strides = array<i32>} : memref<32x256xi32, #tpu.memory_space<vmem>>, vector<1x256xi32>,
    %swap3A_376 = arith.constant 7 : index
    %swap3A_377 = arith.constant 0 : index
    %swap3A_378 = vector.load %arg7[%swap3A_376, %swap3A_377] : memref<32x256xf32, #tpu.memory_space<vmem>>, vector<1x256xf32>
    tpu.vector_store %arg7[%swap3A_376, %swap3A_377], %broadcast_in_dim3A_359 {strides = array<i32>} : memref<32x256xf32, #tpu.memory_space<vmem>>, vector<1x256xf32>,
    %while3A_379 = arith.constant 0 : i32
    %while3A_380 = arith.constant 0 : i32
    %while3A_381 = arith.subi %add3A_75, %while3A_379 : i32
    %while3A_382 = arith.addi %while3A_379, %while3A_381 : i32
    %while3A_383 = arith.constant 1 : i32
    %while3A_384 = arith.divsi %while3A_381, %while3A_383 : i32
    %while3A_385 = arith.muli %while3A_384, %while3A_383 : i32
    %while3A_386 = arith.addi %while3A_379, %while3A_385 : i32
    %while3A_387 = arith.constant 1 : i32
    %while3A_388 = scf.for %while3A_1279 = %while3A_379 to %while3A_386 step %while3A_387 iter_args(%while3A_1280 = %while3A_380) -> (i32)  : i32 {
      %add3A_1281 = arith.addi %select_n3A, %while3A_1279 : i32
      %mul3A_1282 = arith.constant 512 : i32
      %mul3A_1283 = arith.muli %add3A_1281, %mul3A_1282 : i32
      %get3A_1284 = arith.index_cast %mul3A_1283 : i32 to index
      %get3A_1285 = arith.constant 0 : index
      %get3A_1286 = vector.load %arg8[%get3A_1284, %get3A_1285] : memref<4096x256xf32, #tpu.memory_space<vmem>>, vector<512x256xf32>
      %iota3A_1287 = tpu.iota {dimensions = array<i32: 0>} : vector<512x256xi32>
      %add3A_1288 = vector.broadcast %mul3A_1283 : i32 to vector<512x256xi32>
      %add3A_1289 = arith.addi %iota3A_1287, %add3A_1288 : vector<512x256xi32>
      %eq3A = vector.broadcast %while3A_372 : vector<1x256xi32> to vector<512x256xi32>
      %eq3A_1290 = arith.cmpi eq, %add3A_1289, %eq3A : vector<512x256xi32>
      %jit3A_1291 = arith.constant 0x7F800000 : f32
      %broadcast_in_dim3A_1292 = vector.broadcast %jit3A_1291 : f32 to vector<512x256xf32>
      %select_n3A_1293 = arith.select %eq3A_1290, %broadcast_in_dim3A_1292, %get3A_1286 : vector<512x256xi1>, vector<512x256xf32>
      %swap3A_1294 = arith.index_cast %mul3A_1283 : i32 to index
      %swap3A_1295 = arith.constant 0 : index
      %swap3A_1296 = vector.load %arg8[%swap3A_1294, %swap3A_1295] : memref<4096x256xf32, #tpu.memory_space<vmem>>, vector<512x256xf32>
      tpu.vector_store %arg8[%swap3A_1294, %swap3A_1295], %select_n3A_1293 {strides = array<i32>} : memref<4096x256xf32, #tpu.memory_space<vmem>>, vector<512x256xf32>,
      %reduce_min3A_1297 = arith.constant dense<0x7F800000> : vector<256xf32>
      %reduce_min3A_1298 = vector.multi_reduction <minimumf>, %select_n3A_1293, %reduce_min3A_1297 [0] : vector<512x256xf32> to vector<256xf32>
      %broadcast_in_dim3A_1299 = vector.shape_cast %reduce_min3A_1298 : vector<256xf32> to vector<1x256xf32>
      %add3A_1300 = arith.addi %select_n3A, %while3A_1279 : i32
      %swap3A_1301 = arith.index_cast %add3A_1300 : i32 to index
      %swap3A_1302 = arith.constant 0 : index
      %swap3A_1303 = vector.load %arg9[%swap3A_1301, %swap3A_1302] : memref<8x256xf32, #tpu.memory_space<vmem>>, vector<1x256xf32>
      tpu.vector_store %arg9[%swap3A_1301, %swap3A_1302], %broadcast_in_dim3A_1299 {strides = array<i32>} : memref<8x256xf32, #tpu.memory_space<vmem>>, vector<1x256xf32>,
      %while3A_1304 = arith.constant 0 : i32
      scf.yield %while3A_1304 : i32
    }
    %while3A_389 = arith.constant 1 : i32
    %while3A_390 = scf.for %while3A_1279 = %while3A_386 to %while3A_382 step %while3A_389 iter_args(%while3A_1280 = %while3A_388) -> (i32)  : i32 {
      %add3A_1281 = arith.addi %select_n3A, %while3A_1279 : i32
      %mul3A_1282 = arith.constant 512 : i32
      %mul3A_1283 = arith.muli %add3A_1281, %mul3A_1282 : i32
      %get3A_1284 = arith.index_cast %mul3A_1283 : i32 to index
      %get3A_1285 = arith.constant 0 : index
      %get3A_1286 = vector.load %arg8[%get3A_1284, %get3A_1285] : memref<4096x256xf32, #tpu.memory_space<vmem>>, vector<512x256xf32>
      %iota3A_1287 = tpu.iota {dimensions = array<i32: 0>} : vector<512x256xi32>
      %add3A_1288 = vector.broadcast %mul3A_1283 : i32 to vector<512x256xi32>
      %add3A_1289 = arith.addi %iota3A_1287, %add3A_1288 : vector<512x256xi32>
      %eq3A = vector.broadcast %while3A_372 : vector<1x256xi32> to vector<512x256xi32>
      %eq3A_1290 = arith.cmpi eq, %add3A_1289, %eq3A : vector<512x256xi32>
      %jit3A_1291 = arith.constant 0x7F800000 : f32
      %broadcast_in_dim3A_1292 = vector.broadcast %jit3A_1291 : f32 to vector<512x256xf32>
      %select_n3A_1293 = arith.select %eq3A_1290, %broadcast_in_dim3A_1292, %get3A_1286 : vector<512x256xi1>, vector<512x256xf32>
      %swap3A_1294 = arith.index_cast %mul3A_1283 : i32 to index
      %swap3A_1295 = arith.constant 0 : index
      %swap3A_1296 = vector.load %arg8[%swap3A_1294, %swap3A_1295] : memref<4096x256xf32, #tpu.memory_space<vmem>>, vector<512x256xf32>
      tpu.vector_store %arg8[%swap3A_1294, %swap3A_1295], %select_n3A_1293 {strides = array<i32>} : memref<4096x256xf32, #tpu.memory_space<vmem>>, vector<512x256xf32>,
      %reduce_min3A_1297 = arith.constant dense<0x7F800000> : vector<256xf32>
      %reduce_min3A_1298 = vector.multi_reduction <minimumf>, %select_n3A_1293, %reduce_min3A_1297 [0] : vector<512x256xf32> to vector<256xf32>
      %broadcast_in_dim3A_1299 = vector.shape_cast %reduce_min3A_1298 : vector<256xf32> to vector<1x256xf32>
      %add3A_1300 = arith.addi %select_n3A, %while3A_1279 : i32
      %swap3A_1301 = arith.index_cast %add3A_1300 : i32 to index
      %swap3A_1302 = arith.constant 0 : index
      %swap3A_1303 = vector.load %arg9[%swap3A_1301, %swap3A_1302] : memref<8x256xf32, #tpu.memory_space<vmem>>, vector<1x256xf32>
      tpu.vector_store %arg9[%swap3A_1301, %swap3A_1302], %broadcast_in_dim3A_1299 {strides = array<i32>} : memref<8x256xf32, #tpu.memory_space<vmem>>, vector<1x256xf32>,
      %while3A_1304 = arith.constant 0 : i32
      scf.yield %while3A_1304 : i32
    }
    %get3A_391 = arith.constant 0 : index
    %get3A_392 = arith.constant 0 : index
    %get3A_393 = vector.load %arg9[%get3A_391, %get3A_392] : memref<8x256xf32, #tpu.memory_space<vmem>>, vector<8x256xf32>
    %reduce_min3A_394 = arith.constant dense<0x7F800000> : vector<256xf32>
    %reduce_min3A_395 = vector.multi_reduction <minimumf>, %get3A_393, %reduce_min3A_394 [0] : vector<8x256xf32> to vector<256xf32>
    %broadcast_in_dim3A_396 = vector.shape_cast %reduce_min3A_395 : vector<256xf32> to vector<1x256xf32>
    %broadcast_in_dim3A_397 = arith.constant 4096 : i32
    %broadcast_in_dim3A_398 = vector.broadcast %broadcast_in_dim3A_397 : i32 to vector<1x256xi32>
    %while3A_399 = arith.constant 0 : i32
    %while3A_400 = arith.subi %add3A_75, %while3A_399 : i32
    %while3A_401 = arith.addi %while3A_399, %while3A_400 : i32
    %while3A_402 = arith.constant 1 : i32
    %while3A_403 = arith.divsi %while3A_400, %while3A_402 : i32
    %while3A_404 = arith.muli %while3A_403, %while3A_402 : i32
    %while3A_405 = arith.addi %while3A_399, %while3A_404 : i32
    %while3A_406 = arith.constant 1 : i32
    %while3A_407 = scf.for %while3A_1279 = %while3A_399 to %while3A_405 step %while3A_406 iter_args(%while3A_1280 = %broadcast_in_dim3A_398) -> (vector<1x256xi32>)  : i32 {
      %add3A_1281 = arith.addi %select_n3A, %while3A_1279 : i32
      %mul3A_1282 = arith.constant 512 : i32
      %mul3A_1283 = arith.muli %add3A_1281, %mul3A_1282 : i32
      %get3A_1284 = arith.index_cast %mul3A_1283 : i32 to index
      %get3A_1285 = arith.constant 0 : index
      %get3A_1286 = vector.load %arg8[%get3A_1284, %get3A_1285] : memref<4096x256xf32, #tpu.memory_space<vmem>>, vector<512x256xf32>
      %iota3A_1287 = tpu.iota {dimensions = array<i32: 0>} : vector<512x256xi32>
      %add3A_1288 = vector.broadcast %mul3A_1283 : i32 to vector<512x256xi32>
      %add3A_1289 = arith.addi %iota3A_1287, %add3A_1288 : vector<512x256xi32>
      %eq3A = vector.broadcast %broadcast_in_dim3A_396 : vector<1x256xf32> to vector<512x256xf32>
      %eq3A_1290 = arith.cmpf oeq, %get3A_1286, %eq3A : vector<512x256xf32>
      %jit3A_1291 = arith.constant 4096 : i32
      %broadcast_in_dim3A_1292 = vector.broadcast %jit3A_1291 : i32 to vector<512x256xi32>
      %select_n3A_1293 = arith.select %eq3A_1290, %add3A_1289, %broadcast_in_dim3A_1292 : vector<512x256xi1>, vector<512x256xi32>
      %reduce_min3A_1294 = arith.constant dense<2147483647> : vector<256xi32>
      %reduce_min3A_1295 = vector.multi_reduction <minsi>, %select_n3A_1293, %reduce_min3A_1294 [0] : vector<512x256xi32> to vector<256xi32>
      %broadcast_in_dim3A_1296 = vector.shape_cast %reduce_min3A_1295 : vector<256xi32> to vector<1x256xi32>
      %min3A = arith.minsi %while3A_1280, %broadcast_in_dim3A_1296 : vector<1x256xi32>
      scf.yield %min3A : vector<1x256xi32>
    }
    %while3A_408 = arith.constant 1 : i32
    %while3A_409 = scf.for %while3A_1279 = %while3A_405 to %while3A_401 step %while3A_408 iter_args(%while3A_1280 = %while3A_407) -> (vector<1x256xi32>)  : i32 {
      %add3A_1281 = arith.addi %select_n3A, %while3A_1279 : i32
      %mul3A_1282 = arith.constant 512 : i32
      %mul3A_1283 = arith.muli %add3A_1281, %mul3A_1282 : i32
      %get3A_1284 = arith.index_cast %mul3A_1283 : i32 to index
      %get3A_1285 = arith.constant 0 : index
      %get3A_1286 = vector.load %arg8[%get3A_1284, %get3A_1285] : memref<4096x256xf32, #tpu.memory_space<vmem>>, vector<512x256xf32>
      %iota3A_1287 = tpu.iota {dimensions = array<i32: 0>} : vector<512x256xi32>
      %add3A_1288 = vector.broadcast %mul3A_1283 : i32 to vector<512x256xi32>
      %add3A_1289 = arith.addi %iota3A_1287, %add3A_1288 : vector<512x256xi32>
      %eq3A = vector.broadcast %broadcast_in_dim3A_396 : vector<1x256xf32> to vector<512x256xf32>
      %eq3A_1290 = arith.cmpf oeq, %get3A_1286, %eq3A : vector<512x256xf32>
      %jit3A_1291 = arith.constant 4096 : i32
      %broadcast_in_dim3A_1292 = vector.broadcast %jit3A_1291 : i32 to vector<512x256xi32>
      %select_n3A_1293 = arith.select %eq3A_1290, %add3A_1289, %broadcast_in_dim3A_1292 : vector<512x256xi1>, vector<512x256xi32>
      %reduce_min3A_1294 = arith.constant dense<2147483647> : vector<256xi32>
      %reduce_min3A_1295 = vector.multi_reduction <minsi>, %select_n3A_1293, %reduce_min3A_1294 [0] : vector<512x256xi32> to vector<256xi32>
      %broadcast_in_dim3A_1296 = vector.shape_cast %reduce_min3A_1295 : vector<256xi32> to vector<1x256xi32>
      %min3A = arith.minsi %while3A_1280, %broadcast_in_dim3A_1296 : vector<1x256xi32>
      scf.yield %min3A : vector<1x256xi32>
    }
    %swap3A_410 = arith.constant 8 : index
    %swap3A_411 = arith.constant 0 : index
    %swap3A_412 = vector.load %arg6[%swap3A_410, %swap3A_411] : memref<32x256xi32, #tpu.memory_space<vmem>>, vector<1x256xi32>
    tpu.vector_store %arg6[%swap3A_410, %swap3A_411], %while3A_409 {strides = array<i32>} : memref<32x256xi32, #tpu.memory_space<vmem>>, vector<1x256xi32>,
    %swap3A_413 = arith.constant 8 : index
    %swap3A_414 = arith.constant 0 : index
    %swap3A_415 = vector.load %arg7[%swap3A_413, %swap3A_414] : memref<32x256xf32, #tpu.memory_space<vmem>>, vector<1x256xf32>
    tpu.vector_store %arg7[%swap3A_413, %swap3A_414], %broadcast_in_dim3A_396 {strides = array<i32>} : memref<32x256xf32, #tpu.memory_space<vmem>>, vector<1x256xf32>,
    %while3A_416 = arith.constant 0 : i32
    %while3A_417 = arith.constant 0 : i32
    %while3A_418 = arith.subi %add3A_75, %while3A_416 : i32
    %while3A_419 = arith.addi %while3A_416, %while3A_418 : i32
    %while3A_420 = arith.constant 1 : i32
    %while3A_421 = arith.divsi %while3A_418, %while3A_420 : i32
    %while3A_422 = arith.muli %while3A_421, %while3A_420 : i32
    %while3A_423 = arith.addi %while3A_416, %while3A_422 : i32
    %while3A_424 = arith.constant 1 : i32
    %while3A_425 = scf.for %while3A_1279 = %while3A_416 to %while3A_423 step %while3A_424 iter_args(%while3A_1280 = %while3A_417) -> (i32)  : i32 {
      %add3A_1281 = arith.addi %select_n3A, %while3A_1279 : i32
      %mul3A_1282 = arith.constant 512 : i32
      %mul3A_1283 = arith.muli %add3A_1281, %mul3A_1282 : i32
      %get3A_1284 = arith.index_cast %mul3A_1283 : i32 to index
      %get3A_1285 = arith.constant 0 : index
      %get3A_1286 = vector.load %arg8[%get3A_1284, %get3A_1285] : memref<4096x256xf32, #tpu.memory_space<vmem>>, vector<512x256xf32>
      %iota3A_1287 = tpu.iota {dimensions = array<i32: 0>} : vector<512x256xi32>
      %add3A_1288 = vector.broadcast %mul3A_1283 : i32 to vector<512x256xi32>
      %add3A_1289 = arith.addi %iota3A_1287, %add3A_1288 : vector<512x256xi32>
      %eq3A = vector.broadcast %while3A_409 : vector<1x256xi32> to vector<512x256xi32>
      %eq3A_1290 = arith.cmpi eq, %add3A_1289, %eq3A : vector<512x256xi32>
      %jit3A_1291 = arith.constant 0x7F800000 : f32
      %broadcast_in_dim3A_1292 = vector.broadcast %jit3A_1291 : f32 to vector<512x256xf32>
      %select_n3A_1293 = arith.select %eq3A_1290, %broadcast_in_dim3A_1292, %get3A_1286 : vector<512x256xi1>, vector<512x256xf32>
      %swap3A_1294 = arith.index_cast %mul3A_1283 : i32 to index
      %swap3A_1295 = arith.constant 0 : index
      %swap3A_1296 = vector.load %arg8[%swap3A_1294, %swap3A_1295] : memref<4096x256xf32, #tpu.memory_space<vmem>>, vector<512x256xf32>
      tpu.vector_store %arg8[%swap3A_1294, %swap3A_1295], %select_n3A_1293 {strides = array<i32>} : memref<4096x256xf32, #tpu.memory_space<vmem>>, vector<512x256xf32>,
      %reduce_min3A_1297 = arith.constant dense<0x7F800000> : vector<256xf32>
      %reduce_min3A_1298 = vector.multi_reduction <minimumf>, %select_n3A_1293, %reduce_min3A_1297 [0] : vector<512x256xf32> to vector<256xf32>
      %broadcast_in_dim3A_1299 = vector.shape_cast %reduce_min3A_1298 : vector<256xf32> to vector<1x256xf32>
      %add3A_1300 = arith.addi %select_n3A, %while3A_1279 : i32
      %swap3A_1301 = arith.index_cast %add3A_1300 : i32 to index
      %swap3A_1302 = arith.constant 0 : index
      %swap3A_1303 = vector.load %arg9[%swap3A_1301, %swap3A_1302] : memref<8x256xf32, #tpu.memory_space<vmem>>, vector<1x256xf32>
      tpu.vector_store %arg9[%swap3A_1301, %swap3A_1302], %broadcast_in_dim3A_1299 {strides = array<i32>} : memref<8x256xf32, #tpu.memory_space<vmem>>, vector<1x256xf32>,
      %while3A_1304 = arith.constant 0 : i32
      scf.yield %while3A_1304 : i32
    }
    %while3A_426 = arith.constant 1 : i32
    %while3A_427 = scf.for %while3A_1279 = %while3A_423 to %while3A_419 step %while3A_426 iter_args(%while3A_1280 = %while3A_425) -> (i32)  : i32 {
      %add3A_1281 = arith.addi %select_n3A, %while3A_1279 : i32
      %mul3A_1282 = arith.constant 512 : i32
      %mul3A_1283 = arith.muli %add3A_1281, %mul3A_1282 : i32
      %get3A_1284 = arith.index_cast %mul3A_1283 : i32 to index
      %get3A_1285 = arith.constant 0 : index
      %get3A_1286 = vector.load %arg8[%get3A_1284, %get3A_1285] : memref<4096x256xf32, #tpu.memory_space<vmem>>, vector<512x256xf32>
      %iota3A_1287 = tpu.iota {dimensions = array<i32: 0>} : vector<512x256xi32>
      %add3A_1288 = vector.broadcast %mul3A_1283 : i32 to vector<512x256xi32>
      %add3A_1289 = arith.addi %iota3A_1287, %add3A_1288 : vector<512x256xi32>
      %eq3A = vector.broadcast %while3A_409 : vector<1x256xi32> to vector<512x256xi32>
      %eq3A_1290 = arith.cmpi eq, %add3A_1289, %eq3A : vector<512x256xi32>
      %jit3A_1291 = arith.constant 0x7F800000 : f32
      %broadcast_in_dim3A_1292 = vector.broadcast %jit3A_1291 : f32 to vector<512x256xf32>
      %select_n3A_1293 = arith.select %eq3A_1290, %broadcast_in_dim3A_1292, %get3A_1286 : vector<512x256xi1>, vector<512x256xf32>
      %swap3A_1294 = arith.index_cast %mul3A_1283 : i32 to index
      %swap3A_1295 = arith.constant 0 : index
      %swap3A_1296 = vector.load %arg8[%swap3A_1294, %swap3A_1295] : memref<4096x256xf32, #tpu.memory_space<vmem>>, vector<512x256xf32>
      tpu.vector_store %arg8[%swap3A_1294, %swap3A_1295], %select_n3A_1293 {strides = array<i32>} : memref<4096x256xf32, #tpu.memory_space<vmem>>, vector<512x256xf32>,
      %reduce_min3A_1297 = arith.constant dense<0x7F800000> : vector<256xf32>
      %reduce_min3A_1298 = vector.multi_reduction <minimumf>, %select_n3A_1293, %reduce_min3A_1297 [0] : vector<512x256xf32> to vector<256xf32>
      %broadcast_in_dim3A_1299 = vector.shape_cast %reduce_min3A_1298 : vector<256xf32> to vector<1x256xf32>
      %add3A_1300 = arith.addi %select_n3A, %while3A_1279 : i32
      %swap3A_1301 = arith.index_cast %add3A_1300 : i32 to index
      %swap3A_1302 = arith.constant 0 : index
      %swap3A_1303 = vector.load %arg9[%swap3A_1301, %swap3A_1302] : memref<8x256xf32, #tpu.memory_space<vmem>>, vector<1x256xf32>
      tpu.vector_store %arg9[%swap3A_1301, %swap3A_1302], %broadcast_in_dim3A_1299 {strides = array<i32>} : memref<8x256xf32, #tpu.memory_space<vmem>>, vector<1x256xf32>,
      %while3A_1304 = arith.constant 0 : i32
      scf.yield %while3A_1304 : i32
    }
    %get3A_428 = arith.constant 0 : index
    %get3A_429 = arith.constant 0 : index
    %get3A_430 = vector.load %arg9[%get3A_428, %get3A_429] : memref<8x256xf32, #tpu.memory_space<vmem>>, vector<8x256xf32>
    %reduce_min3A_431 = arith.constant dense<0x7F800000> : vector<256xf32>
    %reduce_min3A_432 = vector.multi_reduction <minimumf>, %get3A_430, %reduce_min3A_431 [0] : vector<8x256xf32> to vector<256xf32>
    %broadcast_in_dim3A_433 = vector.shape_cast %reduce_min3A_432 : vector<256xf32> to vector<1x256xf32>
    %broadcast_in_dim3A_434 = arith.constant 4096 : i32
    %broadcast_in_dim3A_435 = vector.broadcast %broadcast_in_dim3A_434 : i32 to vector<1x256xi32>
    %while3A_436 = arith.constant 0 : i32
    %while3A_437 = arith.subi %add3A_75, %while3A_436 : i32
    %while3A_438 = arith.addi %while3A_436, %while3A_437 : i32
    %while3A_439 = arith.constant 1 : i32
    %while3A_440 = arith.divsi %while3A_437, %while3A_439 : i32
    %while3A_441 = arith.muli %while3A_440, %while3A_439 : i32
    %while3A_442 = arith.addi %while3A_436, %while3A_441 : i32
    %while3A_443 = arith.constant 1 : i32
    %while3A_444 = scf.for %while3A_1279 = %while3A_436 to %while3A_442 step %while3A_443 iter_args(%while3A_1280 = %broadcast_in_dim3A_435) -> (vector<1x256xi32>)  : i32 {
      %add3A_1281 = arith.addi %select_n3A, %while3A_1279 : i32
      %mul3A_1282 = arith.constant 512 : i32
      %mul3A_1283 = arith.muli %add3A_1281, %mul3A_1282 : i32
      %get3A_1284 = arith.index_cast %mul3A_1283 : i32 to index
      %get3A_1285 = arith.constant 0 : index
      %get3A_1286 = vector.load %arg8[%get3A_1284, %get3A_1285] : memref<4096x256xf32, #tpu.memory_space<vmem>>, vector<512x256xf32>
      %iota3A_1287 = tpu.iota {dimensions = array<i32: 0>} : vector<512x256xi32>
      %add3A_1288 = vector.broadcast %mul3A_1283 : i32 to vector<512x256xi32>
      %add3A_1289 = arith.addi %iota3A_1287, %add3A_1288 : vector<512x256xi32>
      %eq3A = vector.broadcast %broadcast_in_dim3A_433 : vector<1x256xf32> to vector<512x256xf32>
      %eq3A_1290 = arith.cmpf oeq, %get3A_1286, %eq3A : vector<512x256xf32>
      %jit3A_1291 = arith.constant 4096 : i32
      %broadcast_in_dim3A_1292 = vector.broadcast %jit3A_1291 : i32 to vector<512x256xi32>
      %select_n3A_1293 = arith.select %eq3A_1290, %add3A_1289, %broadcast_in_dim3A_1292 : vector<512x256xi1>, vector<512x256xi32>
      %reduce_min3A_1294 = arith.constant dense<2147483647> : vector<256xi32>
      %reduce_min3A_1295 = vector.multi_reduction <minsi>, %select_n3A_1293, %reduce_min3A_1294 [0] : vector<512x256xi32> to vector<256xi32>
      %broadcast_in_dim3A_1296 = vector.shape_cast %reduce_min3A_1295 : vector<256xi32> to vector<1x256xi32>
      %min3A = arith.minsi %while3A_1280, %broadcast_in_dim3A_1296 : vector<1x256xi32>
      scf.yield %min3A : vector<1x256xi32>
    }
    %while3A_445 = arith.constant 1 : i32
    %while3A_446 = scf.for %while3A_1279 = %while3A_442 to %while3A_438 step %while3A_445 iter_args(%while3A_1280 = %while3A_444) -> (vector<1x256xi32>)  : i32 {
      %add3A_1281 = arith.addi %select_n3A, %while3A_1279 : i32
      %mul3A_1282 = arith.constant 512 : i32
      %mul3A_1283 = arith.muli %add3A_1281, %mul3A_1282 : i32
      %get3A_1284 = arith.index_cast %mul3A_1283 : i32 to index
      %get3A_1285 = arith.constant 0 : index
      %get3A_1286 = vector.load %arg8[%get3A_1284, %get3A_1285] : memref<4096x256xf32, #tpu.memory_space<vmem>>, vector<512x256xf32>
      %iota3A_1287 = tpu.iota {dimensions = array<i32: 0>} : vector<512x256xi32>
      %add3A_1288 = vector.broadcast %mul3A_1283 : i32 to vector<512x256xi32>
      %add3A_1289 = arith.addi %iota3A_1287, %add3A_1288 : vector<512x256xi32>
      %eq3A = vector.broadcast %broadcast_in_dim3A_433 : vector<1x256xf32> to vector<512x256xf32>
      %eq3A_1290 = arith.cmpf oeq, %get3A_1286, %eq3A : vector<512x256xf32>
      %jit3A_1291 = arith.constant 4096 : i32
      %broadcast_in_dim3A_1292 = vector.broadcast %jit3A_1291 : i32 to vector<512x256xi32>
      %select_n3A_1293 = arith.select %eq3A_1290, %add3A_1289, %broadcast_in_dim3A_1292 : vector<512x256xi1>, vector<512x256xi32>
      %reduce_min3A_1294 = arith.constant dense<2147483647> : vector<256xi32>
      %reduce_min3A_1295 = vector.multi_reduction <minsi>, %select_n3A_1293, %reduce_min3A_1294 [0] : vector<512x256xi32> to vector<256xi32>
      %broadcast_in_dim3A_1296 = vector.shape_cast %reduce_min3A_1295 : vector<256xi32> to vector<1x256xi32>
      %min3A = arith.minsi %while3A_1280, %broadcast_in_dim3A_1296 : vector<1x256xi32>
      scf.yield %min3A : vector<1x256xi32>
    }
    %swap3A_447 = arith.constant 9 : index
    %swap3A_448 = arith.constant 0 : index
    %swap3A_449 = vector.load %arg6[%swap3A_447, %swap3A_448] : memref<32x256xi32, #tpu.memory_space<vmem>>, vector<1x256xi32>
    tpu.vector_store %arg6[%swap3A_447, %swap3A_448], %while3A_446 {strides = array<i32>} : memref<32x256xi32, #tpu.memory_space<vmem>>, vector<1x256xi32>,
    %swap3A_450 = arith.constant 9 : index
    %swap3A_451 = arith.constant 0 : index
    %swap3A_452 = vector.load %arg7[%swap3A_450, %swap3A_451] : memref<32x256xf32, #tpu.memory_space<vmem>>, vector<1x256xf32>
    tpu.vector_store %arg7[%swap3A_450, %swap3A_451], %broadcast_in_dim3A_433 {strides = array<i32>} : memref<32x256xf32, #tpu.memory_space<vmem>>, vector<1x256xf32>,
    %while3A_453 = arith.constant 0 : i32
    %while3A_454 = arith.constant 0 : i32
    %while3A_455 = arith.subi %add3A_75, %while3A_453 : i32
    %while3A_456 = arith.addi %while3A_453, %while3A_455 : i32
    %while3A_457 = arith.constant 1 : i32
    %while3A_458 = arith.divsi %while3A_455, %while3A_457 : i32
    %while3A_459 = arith.muli %while3A_458, %while3A_457 : i32
    %while3A_460 = arith.addi %while3A_453, %while3A_459 : i32
    %while3A_461 = arith.constant 1 : i32
    %while3A_462 = scf.for %while3A_1279 = %while3A_453 to %while3A_460 step %while3A_461 iter_args(%while3A_1280 = %while3A_454) -> (i32)  : i32 {
      %add3A_1281 = arith.addi %select_n3A, %while3A_1279 : i32
      %mul3A_1282 = arith.constant 512 : i32
      %mul3A_1283 = arith.muli %add3A_1281, %mul3A_1282 : i32
      %get3A_1284 = arith.index_cast %mul3A_1283 : i32 to index
      %get3A_1285 = arith.constant 0 : index
      %get3A_1286 = vector.load %arg8[%get3A_1284, %get3A_1285] : memref<4096x256xf32, #tpu.memory_space<vmem>>, vector<512x256xf32>
      %iota3A_1287 = tpu.iota {dimensions = array<i32: 0>} : vector<512x256xi32>
      %add3A_1288 = vector.broadcast %mul3A_1283 : i32 to vector<512x256xi32>
      %add3A_1289 = arith.addi %iota3A_1287, %add3A_1288 : vector<512x256xi32>
      %eq3A = vector.broadcast %while3A_446 : vector<1x256xi32> to vector<512x256xi32>
      %eq3A_1290 = arith.cmpi eq, %add3A_1289, %eq3A : vector<512x256xi32>
      %jit3A_1291 = arith.constant 0x7F800000 : f32
      %broadcast_in_dim3A_1292 = vector.broadcast %jit3A_1291 : f32 to vector<512x256xf32>
      %select_n3A_1293 = arith.select %eq3A_1290, %broadcast_in_dim3A_1292, %get3A_1286 : vector<512x256xi1>, vector<512x256xf32>
      %swap3A_1294 = arith.index_cast %mul3A_1283 : i32 to index
      %swap3A_1295 = arith.constant 0 : index
      %swap3A_1296 = vector.load %arg8[%swap3A_1294, %swap3A_1295] : memref<4096x256xf32, #tpu.memory_space<vmem>>, vector<512x256xf32>
      tpu.vector_store %arg8[%swap3A_1294, %swap3A_1295], %select_n3A_1293 {strides = array<i32>} : memref<4096x256xf32, #tpu.memory_space<vmem>>, vector<512x256xf32>,
      %reduce_min3A_1297 = arith.constant dense<0x7F800000> : vector<256xf32>
      %reduce_min3A_1298 = vector.multi_reduction <minimumf>, %select_n3A_1293, %reduce_min3A_1297 [0] : vector<512x256xf32> to vector<256xf32>
      %broadcast_in_dim3A_1299 = vector.shape_cast %reduce_min3A_1298 : vector<256xf32> to vector<1x256xf32>
      %add3A_1300 = arith.addi %select_n3A, %while3A_1279 : i32
      %swap3A_1301 = arith.index_cast %add3A_1300 : i32 to index
      %swap3A_1302 = arith.constant 0 : index
      %swap3A_1303 = vector.load %arg9[%swap3A_1301, %swap3A_1302] : memref<8x256xf32, #tpu.memory_space<vmem>>, vector<1x256xf32>
      tpu.vector_store %arg9[%swap3A_1301, %swap3A_1302], %broadcast_in_dim3A_1299 {strides = array<i32>} : memref<8x256xf32, #tpu.memory_space<vmem>>, vector<1x256xf32>,
      %while3A_1304 = arith.constant 0 : i32
      scf.yield %while3A_1304 : i32
    }
    %while3A_463 = arith.constant 1 : i32
    %while3A_464 = scf.for %while3A_1279 = %while3A_460 to %while3A_456 step %while3A_463 iter_args(%while3A_1280 = %while3A_462) -> (i32)  : i32 {
      %add3A_1281 = arith.addi %select_n3A, %while3A_1279 : i32
      %mul3A_1282 = arith.constant 512 : i32
      %mul3A_1283 = arith.muli %add3A_1281, %mul3A_1282 : i32
      %get3A_1284 = arith.index_cast %mul3A_1283 : i32 to index
      %get3A_1285 = arith.constant 0 : index
      %get3A_1286 = vector.load %arg8[%get3A_1284, %get3A_1285] : memref<4096x256xf32, #tpu.memory_space<vmem>>, vector<512x256xf32>
      %iota3A_1287 = tpu.iota {dimensions = array<i32: 0>} : vector<512x256xi32>
      %add3A_1288 = vector.broadcast %mul3A_1283 : i32 to vector<512x256xi32>
      %add3A_1289 = arith.addi %iota3A_1287, %add3A_1288 : vector<512x256xi32>
      %eq3A = vector.broadcast %while3A_446 : vector<1x256xi32> to vector<512x256xi32>
      %eq3A_1290 = arith.cmpi eq, %add3A_1289, %eq3A : vector<512x256xi32>
      %jit3A_1291 = arith.constant 0x7F800000 : f32
      %broadcast_in_dim3A_1292 = vector.broadcast %jit3A_1291 : f32 to vector<512x256xf32>
      %select_n3A_1293 = arith.select %eq3A_1290, %broadcast_in_dim3A_1292, %get3A_1286 : vector<512x256xi1>, vector<512x256xf32>
      %swap3A_1294 = arith.index_cast %mul3A_1283 : i32 to index
      %swap3A_1295 = arith.constant 0 : index
      %swap3A_1296 = vector.load %arg8[%swap3A_1294, %swap3A_1295] : memref<4096x256xf32, #tpu.memory_space<vmem>>, vector<512x256xf32>
      tpu.vector_store %arg8[%swap3A_1294, %swap3A_1295], %select_n3A_1293 {strides = array<i32>} : memref<4096x256xf32, #tpu.memory_space<vmem>>, vector<512x256xf32>,
      %reduce_min3A_1297 = arith.constant dense<0x7F800000> : vector<256xf32>
      %reduce_min3A_1298 = vector.multi_reduction <minimumf>, %select_n3A_1293, %reduce_min3A_1297 [0] : vector<512x256xf32> to vector<256xf32>
      %broadcast_in_dim3A_1299 = vector.shape_cast %reduce_min3A_1298 : vector<256xf32> to vector<1x256xf32>
      %add3A_1300 = arith.addi %select_n3A, %while3A_1279 : i32
      %swap3A_1301 = arith.index_cast %add3A_1300 : i32 to index
      %swap3A_1302 = arith.constant 0 : index
      %swap3A_1303 = vector.load %arg9[%swap3A_1301, %swap3A_1302] : memref<8x256xf32, #tpu.memory_space<vmem>>, vector<1x256xf32>
      tpu.vector_store %arg9[%swap3A_1301, %swap3A_1302], %broadcast_in_dim3A_1299 {strides = array<i32>} : memref<8x256xf32, #tpu.memory_space<vmem>>, vector<1x256xf32>,
      %while3A_1304 = arith.constant 0 : i32
      scf.yield %while3A_1304 : i32
    }
    %get3A_465 = arith.constant 0 : index
    %get3A_466 = arith.constant 0 : index
    %get3A_467 = vector.load %arg9[%get3A_465, %get3A_466] : memref<8x256xf32, #tpu.memory_space<vmem>>, vector<8x256xf32>
    %reduce_min3A_468 = arith.constant dense<0x7F800000> : vector<256xf32>
    %reduce_min3A_469 = vector.multi_reduction <minimumf>, %get3A_467, %reduce_min3A_468 [0] : vector<8x256xf32> to vector<256xf32>
    %broadcast_in_dim3A_470 = vector.shape_cast %reduce_min3A_469 : vector<256xf32> to vector<1x256xf32>
    %broadcast_in_dim3A_471 = arith.constant 4096 : i32
    %broadcast_in_dim3A_472 = vector.broadcast %broadcast_in_dim3A_471 : i32 to vector<1x256xi32>
    %while3A_473 = arith.constant 0 : i32
    %while3A_474 = arith.subi %add3A_75, %while3A_473 : i32
    %while3A_475 = arith.addi %while3A_473, %while3A_474 : i32
    %while3A_476 = arith.constant 1 : i32
    %while3A_477 = arith.divsi %while3A_474, %while3A_476 : i32
    %while3A_478 = arith.muli %while3A_477, %while3A_476 : i32
    %while3A_479 = arith.addi %while3A_473, %while3A_478 : i32
    %while3A_480 = arith.constant 1 : i32
    %while3A_481 = scf.for %while3A_1279 = %while3A_473 to %while3A_479 step %while3A_480 iter_args(%while3A_1280 = %broadcast_in_dim3A_472) -> (vector<1x256xi32>)  : i32 {
      %add3A_1281 = arith.addi %select_n3A, %while3A_1279 : i32
      %mul3A_1282 = arith.constant 512 : i32
      %mul3A_1283 = arith.muli %add3A_1281, %mul3A_1282 : i32
      %get3A_1284 = arith.index_cast %mul3A_1283 : i32 to index
      %get3A_1285 = arith.constant 0 : index
      %get3A_1286 = vector.load %arg8[%get3A_1284, %get3A_1285] : memref<4096x256xf32, #tpu.memory_space<vmem>>, vector<512x256xf32>
      %iota3A_1287 = tpu.iota {dimensions = array<i32: 0>} : vector<512x256xi32>
      %add3A_1288 = vector.broadcast %mul3A_1283 : i32 to vector<512x256xi32>
      %add3A_1289 = arith.addi %iota3A_1287, %add3A_1288 : vector<512x256xi32>
      %eq3A = vector.broadcast %broadcast_in_dim3A_470 : vector<1x256xf32> to vector<512x256xf32>
      %eq3A_1290 = arith.cmpf oeq, %get3A_1286, %eq3A : vector<512x256xf32>
      %jit3A_1291 = arith.constant 4096 : i32
      %broadcast_in_dim3A_1292 = vector.broadcast %jit3A_1291 : i32 to vector<512x256xi32>
      %select_n3A_1293 = arith.select %eq3A_1290, %add3A_1289, %broadcast_in_dim3A_1292 : vector<512x256xi1>, vector<512x256xi32>
      %reduce_min3A_1294 = arith.constant dense<2147483647> : vector<256xi32>
      %reduce_min3A_1295 = vector.multi_reduction <minsi>, %select_n3A_1293, %reduce_min3A_1294 [0] : vector<512x256xi32> to vector<256xi32>
      %broadcast_in_dim3A_1296 = vector.shape_cast %reduce_min3A_1295 : vector<256xi32> to vector<1x256xi32>
      %min3A = arith.minsi %while3A_1280, %broadcast_in_dim3A_1296 : vector<1x256xi32>
      scf.yield %min3A : vector<1x256xi32>
    }
    %while3A_482 = arith.constant 1 : i32
    %while3A_483 = scf.for %while3A_1279 = %while3A_479 to %while3A_475 step %while3A_482 iter_args(%while3A_1280 = %while3A_481) -> (vector<1x256xi32>)  : i32 {
      %add3A_1281 = arith.addi %select_n3A, %while3A_1279 : i32
      %mul3A_1282 = arith.constant 512 : i32
      %mul3A_1283 = arith.muli %add3A_1281, %mul3A_1282 : i32
      %get3A_1284 = arith.index_cast %mul3A_1283 : i32 to index
      %get3A_1285 = arith.constant 0 : index
      %get3A_1286 = vector.load %arg8[%get3A_1284, %get3A_1285] : memref<4096x256xf32, #tpu.memory_space<vmem>>, vector<512x256xf32>
      %iota3A_1287 = tpu.iota {dimensions = array<i32: 0>} : vector<512x256xi32>
      %add3A_1288 = vector.broadcast %mul3A_1283 : i32 to vector<512x256xi32>
      %add3A_1289 = arith.addi %iota3A_1287, %add3A_1288 : vector<512x256xi32>
      %eq3A = vector.broadcast %broadcast_in_dim3A_470 : vector<1x256xf32> to vector<512x256xf32>
      %eq3A_1290 = arith.cmpf oeq, %get3A_1286, %eq3A : vector<512x256xf32>
      %jit3A_1291 = arith.constant 4096 : i32
      %broadcast_in_dim3A_1292 = vector.broadcast %jit3A_1291 : i32 to vector<512x256xi32>
      %select_n3A_1293 = arith.select %eq3A_1290, %add3A_1289, %broadcast_in_dim3A_1292 : vector<512x256xi1>, vector<512x256xi32>
      %reduce_min3A_1294 = arith.constant dense<2147483647> : vector<256xi32>
      %reduce_min3A_1295 = vector.multi_reduction <minsi>, %select_n3A_1293, %reduce_min3A_1294 [0] : vector<512x256xi32> to vector<256xi32>
      %broadcast_in_dim3A_1296 = vector.shape_cast %reduce_min3A_1295 : vector<256xi32> to vector<1x256xi32>
      %min3A = arith.minsi %while3A_1280, %broadcast_in_dim3A_1296 : vector<1x256xi32>
      scf.yield %min3A : vector<1x256xi32>
    }
    %swap3A_484 = arith.constant 10 : index
    %swap3A_485 = arith.constant 0 : index
    %swap3A_486 = vector.load %arg6[%swap3A_484, %swap3A_485] : memref<32x256xi32, #tpu.memory_space<vmem>>, vector<1x256xi32>
    tpu.vector_store %arg6[%swap3A_484, %swap3A_485], %while3A_483 {strides = array<i32>} : memref<32x256xi32, #tpu.memory_space<vmem>>, vector<1x256xi32>,
    %swap3A_487 = arith.constant 10 : index
    %swap3A_488 = arith.constant 0 : index
    %swap3A_489 = vector.load %arg7[%swap3A_487, %swap3A_488] : memref<32x256xf32, #tpu.memory_space<vmem>>, vector<1x256xf32>
    tpu.vector_store %arg7[%swap3A_487, %swap3A_488], %broadcast_in_dim3A_470 {strides = array<i32>} : memref<32x256xf32, #tpu.memory_space<vmem>>, vector<1x256xf32>,
    %while3A_490 = arith.constant 0 : i32
    %while3A_491 = arith.constant 0 : i32
    %while3A_492 = arith.subi %add3A_75, %while3A_490 : i32
    %while3A_493 = arith.addi %while3A_490, %while3A_492 : i32
    %while3A_494 = arith.constant 1 : i32
    %while3A_495 = arith.divsi %while3A_492, %while3A_494 : i32
    %while3A_496 = arith.muli %while3A_495, %while3A_494 : i32
    %while3A_497 = arith.addi %while3A_490, %while3A_496 : i32
    %while3A_498 = arith.constant 1 : i32
    %while3A_499 = scf.for %while3A_1279 = %while3A_490 to %while3A_497 step %while3A_498 iter_args(%while3A_1280 = %while3A_491) -> (i32)  : i32 {
      %add3A_1281 = arith.addi %select_n3A, %while3A_1279 : i32
      %mul3A_1282 = arith.constant 512 : i32
      %mul3A_1283 = arith.muli %add3A_1281, %mul3A_1282 : i32
      %get3A_1284 = arith.index_cast %mul3A_1283 : i32 to index
      %get3A_1285 = arith.constant 0 : index
      %get3A_1286 = vector.load %arg8[%get3A_1284, %get3A_1285] : memref<4096x256xf32, #tpu.memory_space<vmem>>, vector<512x256xf32>
      %iota3A_1287 = tpu.iota {dimensions = array<i32: 0>} : vector<512x256xi32>
      %add3A_1288 = vector.broadcast %mul3A_1283 : i32 to vector<512x256xi32>
      %add3A_1289 = arith.addi %iota3A_1287, %add3A_1288 : vector<512x256xi32>
      %eq3A = vector.broadcast %while3A_483 : vector<1x256xi32> to vector<512x256xi32>
      %eq3A_1290 = arith.cmpi eq, %add3A_1289, %eq3A : vector<512x256xi32>
      %jit3A_1291 = arith.constant 0x7F800000 : f32
      %broadcast_in_dim3A_1292 = vector.broadcast %jit3A_1291 : f32 to vector<512x256xf32>
      %select_n3A_1293 = arith.select %eq3A_1290, %broadcast_in_dim3A_1292, %get3A_1286 : vector<512x256xi1>, vector<512x256xf32>
      %swap3A_1294 = arith.index_cast %mul3A_1283 : i32 to index
      %swap3A_1295 = arith.constant 0 : index
      %swap3A_1296 = vector.load %arg8[%swap3A_1294, %swap3A_1295] : memref<4096x256xf32, #tpu.memory_space<vmem>>, vector<512x256xf32>
      tpu.vector_store %arg8[%swap3A_1294, %swap3A_1295], %select_n3A_1293 {strides = array<i32>} : memref<4096x256xf32, #tpu.memory_space<vmem>>, vector<512x256xf32>,
      %reduce_min3A_1297 = arith.constant dense<0x7F800000> : vector<256xf32>
      %reduce_min3A_1298 = vector.multi_reduction <minimumf>, %select_n3A_1293, %reduce_min3A_1297 [0] : vector<512x256xf32> to vector<256xf32>
      %broadcast_in_dim3A_1299 = vector.shape_cast %reduce_min3A_1298 : vector<256xf32> to vector<1x256xf32>
      %add3A_1300 = arith.addi %select_n3A, %while3A_1279 : i32
      %swap3A_1301 = arith.index_cast %add3A_1300 : i32 to index
      %swap3A_1302 = arith.constant 0 : index
      %swap3A_1303 = vector.load %arg9[%swap3A_1301, %swap3A_1302] : memref<8x256xf32, #tpu.memory_space<vmem>>, vector<1x256xf32>
      tpu.vector_store %arg9[%swap3A_1301, %swap3A_1302], %broadcast_in_dim3A_1299 {strides = array<i32>} : memref<8x256xf32, #tpu.memory_space<vmem>>, vector<1x256xf32>,
      %while3A_1304 = arith.constant 0 : i32
      scf.yield %while3A_1304 : i32
    }
    %while3A_500 = arith.constant 1 : i32
    %while3A_501 = scf.for %while3A_1279 = %while3A_497 to %while3A_493 step %while3A_500 iter_args(%while3A_1280 = %while3A_499) -> (i32)  : i32 {
      %add3A_1281 = arith.addi %select_n3A, %while3A_1279 : i32
      %mul3A_1282 = arith.constant 512 : i32
      %mul3A_1283 = arith.muli %add3A_1281, %mul3A_1282 : i32
      %get3A_1284 = arith.index_cast %mul3A_1283 : i32 to index
      %get3A_1285 = arith.constant 0 : index
      %get3A_1286 = vector.load %arg8[%get3A_1284, %get3A_1285] : memref<4096x256xf32, #tpu.memory_space<vmem>>, vector<512x256xf32>
      %iota3A_1287 = tpu.iota {dimensions = array<i32: 0>} : vector<512x256xi32>
      %add3A_1288 = vector.broadcast %mul3A_1283 : i32 to vector<512x256xi32>
      %add3A_1289 = arith.addi %iota3A_1287, %add3A_1288 : vector<512x256xi32>
      %eq3A = vector.broadcast %while3A_483 : vector<1x256xi32> to vector<512x256xi32>
      %eq3A_1290 = arith.cmpi eq, %add3A_1289, %eq3A : vector<512x256xi32>
      %jit3A_1291 = arith.constant 0x7F800000 : f32
      %broadcast_in_dim3A_1292 = vector.broadcast %jit3A_1291 : f32 to vector<512x256xf32>
      %select_n3A_1293 = arith.select %eq3A_1290, %broadcast_in_dim3A_1292, %get3A_1286 : vector<512x256xi1>, vector<512x256xf32>
      %swap3A_1294 = arith.index_cast %mul3A_1283 : i32 to index
      %swap3A_1295 = arith.constant 0 : index
      %swap3A_1296 = vector.load %arg8[%swap3A_1294, %swap3A_1295] : memref<4096x256xf32, #tpu.memory_space<vmem>>, vector<512x256xf32>
      tpu.vector_store %arg8[%swap3A_1294, %swap3A_1295], %select_n3A_1293 {strides = array<i32>} : memref<4096x256xf32, #tpu.memory_space<vmem>>, vector<512x256xf32>,
      %reduce_min3A_1297 = arith.constant dense<0x7F800000> : vector<256xf32>
      %reduce_min3A_1298 = vector.multi_reduction <minimumf>, %select_n3A_1293, %reduce_min3A_1297 [0] : vector<512x256xf32> to vector<256xf32>
      %broadcast_in_dim3A_1299 = vector.shape_cast %reduce_min3A_1298 : vector<256xf32> to vector<1x256xf32>
      %add3A_1300 = arith.addi %select_n3A, %while3A_1279 : i32
      %swap3A_1301 = arith.index_cast %add3A_1300 : i32 to index
      %swap3A_1302 = arith.constant 0 : index
      %swap3A_1303 = vector.load %arg9[%swap3A_1301, %swap3A_1302] : memref<8x256xf32, #tpu.memory_space<vmem>>, vector<1x256xf32>
      tpu.vector_store %arg9[%swap3A_1301, %swap3A_1302], %broadcast_in_dim3A_1299 {strides = array<i32>} : memref<8x256xf32, #tpu.memory_space<vmem>>, vector<1x256xf32>,
      %while3A_1304 = arith.constant 0 : i32
      scf.yield %while3A_1304 : i32
    }
    %get3A_502 = arith.constant 0 : index
    %get3A_503 = arith.constant 0 : index
    %get3A_504 = vector.load %arg9[%get3A_502, %get3A_503] : memref<8x256xf32, #tpu.memory_space<vmem>>, vector<8x256xf32>
    %reduce_min3A_505 = arith.constant dense<0x7F800000> : vector<256xf32>
    %reduce_min3A_506 = vector.multi_reduction <minimumf>, %get3A_504, %reduce_min3A_505 [0] : vector<8x256xf32> to vector<256xf32>
    %broadcast_in_dim3A_507 = vector.shape_cast %reduce_min3A_506 : vector<256xf32> to vector<1x256xf32>
    %broadcast_in_dim3A_508 = arith.constant 4096 : i32
    %broadcast_in_dim3A_509 = vector.broadcast %broadcast_in_dim3A_508 : i32 to vector<1x256xi32>
    %while3A_510 = arith.constant 0 : i32
    %while3A_511 = arith.subi %add3A_75, %while3A_510 : i32
    %while3A_512 = arith.addi %while3A_510, %while3A_511 : i32
    %while3A_513 = arith.constant 1 : i32
    %while3A_514 = arith.divsi %while3A_511, %while3A_513 : i32
    %while3A_515 = arith.muli %while3A_514, %while3A_513 : i32
    %while3A_516 = arith.addi %while3A_510, %while3A_515 : i32
    %while3A_517 = arith.constant 1 : i32
    %while3A_518 = scf.for %while3A_1279 = %while3A_510 to %while3A_516 step %while3A_517 iter_args(%while3A_1280 = %broadcast_in_dim3A_509) -> (vector<1x256xi32>)  : i32 {
      %add3A_1281 = arith.addi %select_n3A, %while3A_1279 : i32
      %mul3A_1282 = arith.constant 512 : i32
      %mul3A_1283 = arith.muli %add3A_1281, %mul3A_1282 : i32
      %get3A_1284 = arith.index_cast %mul3A_1283 : i32 to index
      %get3A_1285 = arith.constant 0 : index
      %get3A_1286 = vector.load %arg8[%get3A_1284, %get3A_1285] : memref<4096x256xf32, #tpu.memory_space<vmem>>, vector<512x256xf32>
      %iota3A_1287 = tpu.iota {dimensions = array<i32: 0>} : vector<512x256xi32>
      %add3A_1288 = vector.broadcast %mul3A_1283 : i32 to vector<512x256xi32>
      %add3A_1289 = arith.addi %iota3A_1287, %add3A_1288 : vector<512x256xi32>
      %eq3A = vector.broadcast %broadcast_in_dim3A_507 : vector<1x256xf32> to vector<512x256xf32>
      %eq3A_1290 = arith.cmpf oeq, %get3A_1286, %eq3A : vector<512x256xf32>
      %jit3A_1291 = arith.constant 4096 : i32
      %broadcast_in_dim3A_1292 = vector.broadcast %jit3A_1291 : i32 to vector<512x256xi32>
      %select_n3A_1293 = arith.select %eq3A_1290, %add3A_1289, %broadcast_in_dim3A_1292 : vector<512x256xi1>, vector<512x256xi32>
      %reduce_min3A_1294 = arith.constant dense<2147483647> : vector<256xi32>
      %reduce_min3A_1295 = vector.multi_reduction <minsi>, %select_n3A_1293, %reduce_min3A_1294 [0] : vector<512x256xi32> to vector<256xi32>
      %broadcast_in_dim3A_1296 = vector.shape_cast %reduce_min3A_1295 : vector<256xi32> to vector<1x256xi32>
      %min3A = arith.minsi %while3A_1280, %broadcast_in_dim3A_1296 : vector<1x256xi32>
      scf.yield %min3A : vector<1x256xi32>
    }
    %while3A_519 = arith.constant 1 : i32
    %while3A_520 = scf.for %while3A_1279 = %while3A_516 to %while3A_512 step %while3A_519 iter_args(%while3A_1280 = %while3A_518) -> (vector<1x256xi32>)  : i32 {
      %add3A_1281 = arith.addi %select_n3A, %while3A_1279 : i32
      %mul3A_1282 = arith.constant 512 : i32
      %mul3A_1283 = arith.muli %add3A_1281, %mul3A_1282 : i32
      %get3A_1284 = arith.index_cast %mul3A_1283 : i32 to index
      %get3A_1285 = arith.constant 0 : index
      %get3A_1286 = vector.load %arg8[%get3A_1284, %get3A_1285] : memref<4096x256xf32, #tpu.memory_space<vmem>>, vector<512x256xf32>
      %iota3A_1287 = tpu.iota {dimensions = array<i32: 0>} : vector<512x256xi32>
      %add3A_1288 = vector.broadcast %mul3A_1283 : i32 to vector<512x256xi32>
      %add3A_1289 = arith.addi %iota3A_1287, %add3A_1288 : vector<512x256xi32>
      %eq3A = vector.broadcast %broadcast_in_dim3A_507 : vector<1x256xf32> to vector<512x256xf32>
      %eq3A_1290 = arith.cmpf oeq, %get3A_1286, %eq3A : vector<512x256xf32>
      %jit3A_1291 = arith.constant 4096 : i32
      %broadcast_in_dim3A_1292 = vector.broadcast %jit3A_1291 : i32 to vector<512x256xi32>
      %select_n3A_1293 = arith.select %eq3A_1290, %add3A_1289, %broadcast_in_dim3A_1292 : vector<512x256xi1>, vector<512x256xi32>
      %reduce_min3A_1294 = arith.constant dense<2147483647> : vector<256xi32>
      %reduce_min3A_1295 = vector.multi_reduction <minsi>, %select_n3A_1293, %reduce_min3A_1294 [0] : vector<512x256xi32> to vector<256xi32>
      %broadcast_in_dim3A_1296 = vector.shape_cast %reduce_min3A_1295 : vector<256xi32> to vector<1x256xi32>
      %min3A = arith.minsi %while3A_1280, %broadcast_in_dim3A_1296 : vector<1x256xi32>
      scf.yield %min3A : vector<1x256xi32>
    }
    %swap3A_521 = arith.constant 11 : index
    %swap3A_522 = arith.constant 0 : index
    %swap3A_523 = vector.load %arg6[%swap3A_521, %swap3A_522] : memref<32x256xi32, #tpu.memory_space<vmem>>, vector<1x256xi32>
    tpu.vector_store %arg6[%swap3A_521, %swap3A_522], %while3A_520 {strides = array<i32>} : memref<32x256xi32, #tpu.memory_space<vmem>>, vector<1x256xi32>,
    %swap3A_524 = arith.constant 11 : index
    %swap3A_525 = arith.constant 0 : index
    %swap3A_526 = vector.load %arg7[%swap3A_524, %swap3A_525] : memref<32x256xf32, #tpu.memory_space<vmem>>, vector<1x256xf32>
    tpu.vector_store %arg7[%swap3A_524, %swap3A_525], %broadcast_in_dim3A_507 {strides = array<i32>} : memref<32x256xf32, #tpu.memory_space<vmem>>, vector<1x256xf32>,
    %while3A_527 = arith.constant 0 : i32
    %while3A_528 = arith.constant 0 : i32
    %while3A_529 = arith.subi %add3A_75, %while3A_527 : i32
    %while3A_530 = arith.addi %while3A_527, %while3A_529 : i32
    %while3A_531 = arith.constant 1 : i32
    %while3A_532 = arith.divsi %while3A_529, %while3A_531 : i32
    %while3A_533 = arith.muli %while3A_532, %while3A_531 : i32
    %while3A_534 = arith.addi %while3A_527, %while3A_533 : i32
    %while3A_535 = arith.constant 1 : i32
    %while3A_536 = scf.for %while3A_1279 = %while3A_527 to %while3A_534 step %while3A_535 iter_args(%while3A_1280 = %while3A_528) -> (i32)  : i32 {
      %add3A_1281 = arith.addi %select_n3A, %while3A_1279 : i32
      %mul3A_1282 = arith.constant 512 : i32
      %mul3A_1283 = arith.muli %add3A_1281, %mul3A_1282 : i32
      %get3A_1284 = arith.index_cast %mul3A_1283 : i32 to index
      %get3A_1285 = arith.constant 0 : index
      %get3A_1286 = vector.load %arg8[%get3A_1284, %get3A_1285] : memref<4096x256xf32, #tpu.memory_space<vmem>>, vector<512x256xf32>
      %iota3A_1287 = tpu.iota {dimensions = array<i32: 0>} : vector<512x256xi32>
      %add3A_1288 = vector.broadcast %mul3A_1283 : i32 to vector<512x256xi32>
      %add3A_1289 = arith.addi %iota3A_1287, %add3A_1288 : vector<512x256xi32>
      %eq3A = vector.broadcast %while3A_520 : vector<1x256xi32> to vector<512x256xi32>
      %eq3A_1290 = arith.cmpi eq, %add3A_1289, %eq3A : vector<512x256xi32>
      %jit3A_1291 = arith.constant 0x7F800000 : f32
      %broadcast_in_dim3A_1292 = vector.broadcast %jit3A_1291 : f32 to vector<512x256xf32>
      %select_n3A_1293 = arith.select %eq3A_1290, %broadcast_in_dim3A_1292, %get3A_1286 : vector<512x256xi1>, vector<512x256xf32>
      %swap3A_1294 = arith.index_cast %mul3A_1283 : i32 to index
      %swap3A_1295 = arith.constant 0 : index
      %swap3A_1296 = vector.load %arg8[%swap3A_1294, %swap3A_1295] : memref<4096x256xf32, #tpu.memory_space<vmem>>, vector<512x256xf32>
      tpu.vector_store %arg8[%swap3A_1294, %swap3A_1295], %select_n3A_1293 {strides = array<i32>} : memref<4096x256xf32, #tpu.memory_space<vmem>>, vector<512x256xf32>,
      %reduce_min3A_1297 = arith.constant dense<0x7F800000> : vector<256xf32>
      %reduce_min3A_1298 = vector.multi_reduction <minimumf>, %select_n3A_1293, %reduce_min3A_1297 [0] : vector<512x256xf32> to vector<256xf32>
      %broadcast_in_dim3A_1299 = vector.shape_cast %reduce_min3A_1298 : vector<256xf32> to vector<1x256xf32>
      %add3A_1300 = arith.addi %select_n3A, %while3A_1279 : i32
      %swap3A_1301 = arith.index_cast %add3A_1300 : i32 to index
      %swap3A_1302 = arith.constant 0 : index
      %swap3A_1303 = vector.load %arg9[%swap3A_1301, %swap3A_1302] : memref<8x256xf32, #tpu.memory_space<vmem>>, vector<1x256xf32>
      tpu.vector_store %arg9[%swap3A_1301, %swap3A_1302], %broadcast_in_dim3A_1299 {strides = array<i32>} : memref<8x256xf32, #tpu.memory_space<vmem>>, vector<1x256xf32>,
      %while3A_1304 = arith.constant 0 : i32
      scf.yield %while3A_1304 : i32
    }
    %while3A_537 = arith.constant 1 : i32
    %while3A_538 = scf.for %while3A_1279 = %while3A_534 to %while3A_530 step %while3A_537 iter_args(%while3A_1280 = %while3A_536) -> (i32)  : i32 {
      %add3A_1281 = arith.addi %select_n3A, %while3A_1279 : i32
      %mul3A_1282 = arith.constant 512 : i32
      %mul3A_1283 = arith.muli %add3A_1281, %mul3A_1282 : i32
      %get3A_1284 = arith.index_cast %mul3A_1283 : i32 to index
      %get3A_1285 = arith.constant 0 : index
      %get3A_1286 = vector.load %arg8[%get3A_1284, %get3A_1285] : memref<4096x256xf32, #tpu.memory_space<vmem>>, vector<512x256xf32>
      %iota3A_1287 = tpu.iota {dimensions = array<i32: 0>} : vector<512x256xi32>
      %add3A_1288 = vector.broadcast %mul3A_1283 : i32 to vector<512x256xi32>
      %add3A_1289 = arith.addi %iota3A_1287, %add3A_1288 : vector<512x256xi32>
      %eq3A = vector.broadcast %while3A_520 : vector<1x256xi32> to vector<512x256xi32>
      %eq3A_1290 = arith.cmpi eq, %add3A_1289, %eq3A : vector<512x256xi32>
      %jit3A_1291 = arith.constant 0x7F800000 : f32
      %broadcast_in_dim3A_1292 = vector.broadcast %jit3A_1291 : f32 to vector<512x256xf32>
      %select_n3A_1293 = arith.select %eq3A_1290, %broadcast_in_dim3A_1292, %get3A_1286 : vector<512x256xi1>, vector<512x256xf32>
      %swap3A_1294 = arith.index_cast %mul3A_1283 : i32 to index
      %swap3A_1295 = arith.constant 0 : index
      %swap3A_1296 = vector.load %arg8[%swap3A_1294, %swap3A_1295] : memref<4096x256xf32, #tpu.memory_space<vmem>>, vector<512x256xf32>
      tpu.vector_store %arg8[%swap3A_1294, %swap3A_1295], %select_n3A_1293 {strides = array<i32>} : memref<4096x256xf32, #tpu.memory_space<vmem>>, vector<512x256xf32>,
      %reduce_min3A_1297 = arith.constant dense<0x7F800000> : vector<256xf32>
      %reduce_min3A_1298 = vector.multi_reduction <minimumf>, %select_n3A_1293, %reduce_min3A_1297 [0] : vector<512x256xf32> to vector<256xf32>
      %broadcast_in_dim3A_1299 = vector.shape_cast %reduce_min3A_1298 : vector<256xf32> to vector<1x256xf32>
      %add3A_1300 = arith.addi %select_n3A, %while3A_1279 : i32
      %swap3A_1301 = arith.index_cast %add3A_1300 : i32 to index
      %swap3A_1302 = arith.constant 0 : index
      %swap3A_1303 = vector.load %arg9[%swap3A_1301, %swap3A_1302] : memref<8x256xf32, #tpu.memory_space<vmem>>, vector<1x256xf32>
      tpu.vector_store %arg9[%swap3A_1301, %swap3A_1302], %broadcast_in_dim3A_1299 {strides = array<i32>} : memref<8x256xf32, #tpu.memory_space<vmem>>, vector<1x256xf32>,
      %while3A_1304 = arith.constant 0 : i32
      scf.yield %while3A_1304 : i32
    }
    %get3A_539 = arith.constant 0 : index
    %get3A_540 = arith.constant 0 : index
    %get3A_541 = vector.load %arg9[%get3A_539, %get3A_540] : memref<8x256xf32, #tpu.memory_space<vmem>>, vector<8x256xf32>
    %reduce_min3A_542 = arith.constant dense<0x7F800000> : vector<256xf32>
    %reduce_min3A_543 = vector.multi_reduction <minimumf>, %get3A_541, %reduce_min3A_542 [0] : vector<8x256xf32> to vector<256xf32>
    %broadcast_in_dim3A_544 = vector.shape_cast %reduce_min3A_543 : vector<256xf32> to vector<1x256xf32>
    %broadcast_in_dim3A_545 = arith.constant 4096 : i32
    %broadcast_in_dim3A_546 = vector.broadcast %broadcast_in_dim3A_545 : i32 to vector<1x256xi32>
    %while3A_547 = arith.constant 0 : i32
    %while3A_548 = arith.subi %add3A_75, %while3A_547 : i32
    %while3A_549 = arith.addi %while3A_547, %while3A_548 : i32
    %while3A_550 = arith.constant 1 : i32
    %while3A_551 = arith.divsi %while3A_548, %while3A_550 : i32
    %while3A_552 = arith.muli %while3A_551, %while3A_550 : i32
    %while3A_553 = arith.addi %while3A_547, %while3A_552 : i32
    %while3A_554 = arith.constant 1 : i32
    %while3A_555 = scf.for %while3A_1279 = %while3A_547 to %while3A_553 step %while3A_554 iter_args(%while3A_1280 = %broadcast_in_dim3A_546) -> (vector<1x256xi32>)  : i32 {
      %add3A_1281 = arith.addi %select_n3A, %while3A_1279 : i32
      %mul3A_1282 = arith.constant 512 : i32
      %mul3A_1283 = arith.muli %add3A_1281, %mul3A_1282 : i32
      %get3A_1284 = arith.index_cast %mul3A_1283 : i32 to index
      %get3A_1285 = arith.constant 0 : index
      %get3A_1286 = vector.load %arg8[%get3A_1284, %get3A_1285] : memref<4096x256xf32, #tpu.memory_space<vmem>>, vector<512x256xf32>
      %iota3A_1287 = tpu.iota {dimensions = array<i32: 0>} : vector<512x256xi32>
      %add3A_1288 = vector.broadcast %mul3A_1283 : i32 to vector<512x256xi32>
      %add3A_1289 = arith.addi %iota3A_1287, %add3A_1288 : vector<512x256xi32>
      %eq3A = vector.broadcast %broadcast_in_dim3A_544 : vector<1x256xf32> to vector<512x256xf32>
      %eq3A_1290 = arith.cmpf oeq, %get3A_1286, %eq3A : vector<512x256xf32>
      %jit3A_1291 = arith.constant 4096 : i32
      %broadcast_in_dim3A_1292 = vector.broadcast %jit3A_1291 : i32 to vector<512x256xi32>
      %select_n3A_1293 = arith.select %eq3A_1290, %add3A_1289, %broadcast_in_dim3A_1292 : vector<512x256xi1>, vector<512x256xi32>
      %reduce_min3A_1294 = arith.constant dense<2147483647> : vector<256xi32>
      %reduce_min3A_1295 = vector.multi_reduction <minsi>, %select_n3A_1293, %reduce_min3A_1294 [0] : vector<512x256xi32> to vector<256xi32>
      %broadcast_in_dim3A_1296 = vector.shape_cast %reduce_min3A_1295 : vector<256xi32> to vector<1x256xi32>
      %min3A = arith.minsi %while3A_1280, %broadcast_in_dim3A_1296 : vector<1x256xi32>
      scf.yield %min3A : vector<1x256xi32>
    }
    %while3A_556 = arith.constant 1 : i32
    %while3A_557 = scf.for %while3A_1279 = %while3A_553 to %while3A_549 step %while3A_556 iter_args(%while3A_1280 = %while3A_555) -> (vector<1x256xi32>)  : i32 {
      %add3A_1281 = arith.addi %select_n3A, %while3A_1279 : i32
      %mul3A_1282 = arith.constant 512 : i32
      %mul3A_1283 = arith.muli %add3A_1281, %mul3A_1282 : i32
      %get3A_1284 = arith.index_cast %mul3A_1283 : i32 to index
      %get3A_1285 = arith.constant 0 : index
      %get3A_1286 = vector.load %arg8[%get3A_1284, %get3A_1285] : memref<4096x256xf32, #tpu.memory_space<vmem>>, vector<512x256xf32>
      %iota3A_1287 = tpu.iota {dimensions = array<i32: 0>} : vector<512x256xi32>
      %add3A_1288 = vector.broadcast %mul3A_1283 : i32 to vector<512x256xi32>
      %add3A_1289 = arith.addi %iota3A_1287, %add3A_1288 : vector<512x256xi32>
      %eq3A = vector.broadcast %broadcast_in_dim3A_544 : vector<1x256xf32> to vector<512x256xf32>
      %eq3A_1290 = arith.cmpf oeq, %get3A_1286, %eq3A : vector<512x256xf32>
      %jit3A_1291 = arith.constant 4096 : i32
      %broadcast_in_dim3A_1292 = vector.broadcast %jit3A_1291 : i32 to vector<512x256xi32>
      %select_n3A_1293 = arith.select %eq3A_1290, %add3A_1289, %broadcast_in_dim3A_1292 : vector<512x256xi1>, vector<512x256xi32>
      %reduce_min3A_1294 = arith.constant dense<2147483647> : vector<256xi32>
      %reduce_min3A_1295 = vector.multi_reduction <minsi>, %select_n3A_1293, %reduce_min3A_1294 [0] : vector<512x256xi32> to vector<256xi32>
      %broadcast_in_dim3A_1296 = vector.shape_cast %reduce_min3A_1295 : vector<256xi32> to vector<1x256xi32>
      %min3A = arith.minsi %while3A_1280, %broadcast_in_dim3A_1296 : vector<1x256xi32>
      scf.yield %min3A : vector<1x256xi32>
    }
    %swap3A_558 = arith.constant 12 : index
    %swap3A_559 = arith.constant 0 : index
    %swap3A_560 = vector.load %arg6[%swap3A_558, %swap3A_559] : memref<32x256xi32, #tpu.memory_space<vmem>>, vector<1x256xi32>
    tpu.vector_store %arg6[%swap3A_558, %swap3A_559], %while3A_557 {strides = array<i32>} : memref<32x256xi32, #tpu.memory_space<vmem>>, vector<1x256xi32>,
    %swap3A_561 = arith.constant 12 : index
    %swap3A_562 = arith.constant 0 : index
    %swap3A_563 = vector.load %arg7[%swap3A_561, %swap3A_562] : memref<32x256xf32, #tpu.memory_space<vmem>>, vector<1x256xf32>
    tpu.vector_store %arg7[%swap3A_561, %swap3A_562], %broadcast_in_dim3A_544 {strides = array<i32>} : memref<32x256xf32, #tpu.memory_space<vmem>>, vector<1x256xf32>,
    %while3A_564 = arith.constant 0 : i32
    %while3A_565 = arith.constant 0 : i32
    %while3A_566 = arith.subi %add3A_75, %while3A_564 : i32
    %while3A_567 = arith.addi %while3A_564, %while3A_566 : i32
    %while3A_568 = arith.constant 1 : i32
    %while3A_569 = arith.divsi %while3A_566, %while3A_568 : i32
    %while3A_570 = arith.muli %while3A_569, %while3A_568 : i32
    %while3A_571 = arith.addi %while3A_564, %while3A_570 : i32
    %while3A_572 = arith.constant 1 : i32
    %while3A_573 = scf.for %while3A_1279 = %while3A_564 to %while3A_571 step %while3A_572 iter_args(%while3A_1280 = %while3A_565) -> (i32)  : i32 {
      %add3A_1281 = arith.addi %select_n3A, %while3A_1279 : i32
      %mul3A_1282 = arith.constant 512 : i32
      %mul3A_1283 = arith.muli %add3A_1281, %mul3A_1282 : i32
      %get3A_1284 = arith.index_cast %mul3A_1283 : i32 to index
      %get3A_1285 = arith.constant 0 : index
      %get3A_1286 = vector.load %arg8[%get3A_1284, %get3A_1285] : memref<4096x256xf32, #tpu.memory_space<vmem>>, vector<512x256xf32>
      %iota3A_1287 = tpu.iota {dimensions = array<i32: 0>} : vector<512x256xi32>
      %add3A_1288 = vector.broadcast %mul3A_1283 : i32 to vector<512x256xi32>
      %add3A_1289 = arith.addi %iota3A_1287, %add3A_1288 : vector<512x256xi32>
      %eq3A = vector.broadcast %while3A_557 : vector<1x256xi32> to vector<512x256xi32>
      %eq3A_1290 = arith.cmpi eq, %add3A_1289, %eq3A : vector<512x256xi32>
      %jit3A_1291 = arith.constant 0x7F800000 : f32
      %broadcast_in_dim3A_1292 = vector.broadcast %jit3A_1291 : f32 to vector<512x256xf32>
      %select_n3A_1293 = arith.select %eq3A_1290, %broadcast_in_dim3A_1292, %get3A_1286 : vector<512x256xi1>, vector<512x256xf32>
      %swap3A_1294 = arith.index_cast %mul3A_1283 : i32 to index
      %swap3A_1295 = arith.constant 0 : index
      %swap3A_1296 = vector.load %arg8[%swap3A_1294, %swap3A_1295] : memref<4096x256xf32, #tpu.memory_space<vmem>>, vector<512x256xf32>
      tpu.vector_store %arg8[%swap3A_1294, %swap3A_1295], %select_n3A_1293 {strides = array<i32>} : memref<4096x256xf32, #tpu.memory_space<vmem>>, vector<512x256xf32>,
      %reduce_min3A_1297 = arith.constant dense<0x7F800000> : vector<256xf32>
      %reduce_min3A_1298 = vector.multi_reduction <minimumf>, %select_n3A_1293, %reduce_min3A_1297 [0] : vector<512x256xf32> to vector<256xf32>
      %broadcast_in_dim3A_1299 = vector.shape_cast %reduce_min3A_1298 : vector<256xf32> to vector<1x256xf32>
      %add3A_1300 = arith.addi %select_n3A, %while3A_1279 : i32
      %swap3A_1301 = arith.index_cast %add3A_1300 : i32 to index
      %swap3A_1302 = arith.constant 0 : index
      %swap3A_1303 = vector.load %arg9[%swap3A_1301, %swap3A_1302] : memref<8x256xf32, #tpu.memory_space<vmem>>, vector<1x256xf32>
      tpu.vector_store %arg9[%swap3A_1301, %swap3A_1302], %broadcast_in_dim3A_1299 {strides = array<i32>} : memref<8x256xf32, #tpu.memory_space<vmem>>, vector<1x256xf32>,
      %while3A_1304 = arith.constant 0 : i32
      scf.yield %while3A_1304 : i32
    }
    %while3A_574 = arith.constant 1 : i32
    %while3A_575 = scf.for %while3A_1279 = %while3A_571 to %while3A_567 step %while3A_574 iter_args(%while3A_1280 = %while3A_573) -> (i32)  : i32 {
      %add3A_1281 = arith.addi %select_n3A, %while3A_1279 : i32
      %mul3A_1282 = arith.constant 512 : i32
      %mul3A_1283 = arith.muli %add3A_1281, %mul3A_1282 : i32
      %get3A_1284 = arith.index_cast %mul3A_1283 : i32 to index
      %get3A_1285 = arith.constant 0 : index
      %get3A_1286 = vector.load %arg8[%get3A_1284, %get3A_1285] : memref<4096x256xf32, #tpu.memory_space<vmem>>, vector<512x256xf32>
      %iota3A_1287 = tpu.iota {dimensions = array<i32: 0>} : vector<512x256xi32>
      %add3A_1288 = vector.broadcast %mul3A_1283 : i32 to vector<512x256xi32>
      %add3A_1289 = arith.addi %iota3A_1287, %add3A_1288 : vector<512x256xi32>
      %eq3A = vector.broadcast %while3A_557 : vector<1x256xi32> to vector<512x256xi32>
      %eq3A_1290 = arith.cmpi eq, %add3A_1289, %eq3A : vector<512x256xi32>
      %jit3A_1291 = arith.constant 0x7F800000 : f32
      %broadcast_in_dim3A_1292 = vector.broadcast %jit3A_1291 : f32 to vector<512x256xf32>
      %select_n3A_1293 = arith.select %eq3A_1290, %broadcast_in_dim3A_1292, %get3A_1286 : vector<512x256xi1>, vector<512x256xf32>
      %swap3A_1294 = arith.index_cast %mul3A_1283 : i32 to index
      %swap3A_1295 = arith.constant 0 : index
      %swap3A_1296 = vector.load %arg8[%swap3A_1294, %swap3A_1295] : memref<4096x256xf32, #tpu.memory_space<vmem>>, vector<512x256xf32>
      tpu.vector_store %arg8[%swap3A_1294, %swap3A_1295], %select_n3A_1293 {strides = array<i32>} : memref<4096x256xf32, #tpu.memory_space<vmem>>, vector<512x256xf32>,
      %reduce_min3A_1297 = arith.constant dense<0x7F800000> : vector<256xf32>
      %reduce_min3A_1298 = vector.multi_reduction <minimumf>, %select_n3A_1293, %reduce_min3A_1297 [0] : vector<512x256xf32> to vector<256xf32>
      %broadcast_in_dim3A_1299 = vector.shape_cast %reduce_min3A_1298 : vector<256xf32> to vector<1x256xf32>
      %add3A_1300 = arith.addi %select_n3A, %while3A_1279 : i32
      %swap3A_1301 = arith.index_cast %add3A_1300 : i32 to index
      %swap3A_1302 = arith.constant 0 : index
      %swap3A_1303 = vector.load %arg9[%swap3A_1301, %swap3A_1302] : memref<8x256xf32, #tpu.memory_space<vmem>>, vector<1x256xf32>
      tpu.vector_store %arg9[%swap3A_1301, %swap3A_1302], %broadcast_in_dim3A_1299 {strides = array<i32>} : memref<8x256xf32, #tpu.memory_space<vmem>>, vector<1x256xf32>,
      %while3A_1304 = arith.constant 0 : i32
      scf.yield %while3A_1304 : i32
    }
    %get3A_576 = arith.constant 0 : index
    %get3A_577 = arith.constant 0 : index
    %get3A_578 = vector.load %arg9[%get3A_576, %get3A_577] : memref<8x256xf32, #tpu.memory_space<vmem>>, vector<8x256xf32>
    %reduce_min3A_579 = arith.constant dense<0x7F800000> : vector<256xf32>
    %reduce_min3A_580 = vector.multi_reduction <minimumf>, %get3A_578, %reduce_min3A_579 [0] : vector<8x256xf32> to vector<256xf32>
    %broadcast_in_dim3A_581 = vector.shape_cast %reduce_min3A_580 : vector<256xf32> to vector<1x256xf32>
    %broadcast_in_dim3A_582 = arith.constant 4096 : i32
    %broadcast_in_dim3A_583 = vector.broadcast %broadcast_in_dim3A_582 : i32 to vector<1x256xi32>
    %while3A_584 = arith.constant 0 : i32
    %while3A_585 = arith.subi %add3A_75, %while3A_584 : i32
    %while3A_586 = arith.addi %while3A_584, %while3A_585 : i32
    %while3A_587 = arith.constant 1 : i32
    %while3A_588 = arith.divsi %while3A_585, %while3A_587 : i32
    %while3A_589 = arith.muli %while3A_588, %while3A_587 : i32
    %while3A_590 = arith.addi %while3A_584, %while3A_589 : i32
    %while3A_591 = arith.constant 1 : i32
    %while3A_592 = scf.for %while3A_1279 = %while3A_584 to %while3A_590 step %while3A_591 iter_args(%while3A_1280 = %broadcast_in_dim3A_583) -> (vector<1x256xi32>)  : i32 {
      %add3A_1281 = arith.addi %select_n3A, %while3A_1279 : i32
      %mul3A_1282 = arith.constant 512 : i32
      %mul3A_1283 = arith.muli %add3A_1281, %mul3A_1282 : i32
      %get3A_1284 = arith.index_cast %mul3A_1283 : i32 to index
      %get3A_1285 = arith.constant 0 : index
      %get3A_1286 = vector.load %arg8[%get3A_1284, %get3A_1285] : memref<4096x256xf32, #tpu.memory_space<vmem>>, vector<512x256xf32>
      %iota3A_1287 = tpu.iota {dimensions = array<i32: 0>} : vector<512x256xi32>
      %add3A_1288 = vector.broadcast %mul3A_1283 : i32 to vector<512x256xi32>
      %add3A_1289 = arith.addi %iota3A_1287, %add3A_1288 : vector<512x256xi32>
      %eq3A = vector.broadcast %broadcast_in_dim3A_581 : vector<1x256xf32> to vector<512x256xf32>
      %eq3A_1290 = arith.cmpf oeq, %get3A_1286, %eq3A : vector<512x256xf32>
      %jit3A_1291 = arith.constant 4096 : i32
      %broadcast_in_dim3A_1292 = vector.broadcast %jit3A_1291 : i32 to vector<512x256xi32>
      %select_n3A_1293 = arith.select %eq3A_1290, %add3A_1289, %broadcast_in_dim3A_1292 : vector<512x256xi1>, vector<512x256xi32>
      %reduce_min3A_1294 = arith.constant dense<2147483647> : vector<256xi32>
      %reduce_min3A_1295 = vector.multi_reduction <minsi>, %select_n3A_1293, %reduce_min3A_1294 [0] : vector<512x256xi32> to vector<256xi32>
      %broadcast_in_dim3A_1296 = vector.shape_cast %reduce_min3A_1295 : vector<256xi32> to vector<1x256xi32>
      %min3A = arith.minsi %while3A_1280, %broadcast_in_dim3A_1296 : vector<1x256xi32>
      scf.yield %min3A : vector<1x256xi32>
    }
    %while3A_593 = arith.constant 1 : i32
    %while3A_594 = scf.for %while3A_1279 = %while3A_590 to %while3A_586 step %while3A_593 iter_args(%while3A_1280 = %while3A_592) -> (vector<1x256xi32>)  : i32 {
      %add3A_1281 = arith.addi %select_n3A, %while3A_1279 : i32
      %mul3A_1282 = arith.constant 512 : i32
      %mul3A_1283 = arith.muli %add3A_1281, %mul3A_1282 : i32
      %get3A_1284 = arith.index_cast %mul3A_1283 : i32 to index
      %get3A_1285 = arith.constant 0 : index
      %get3A_1286 = vector.load %arg8[%get3A_1284, %get3A_1285] : memref<4096x256xf32, #tpu.memory_space<vmem>>, vector<512x256xf32>
      %iota3A_1287 = tpu.iota {dimensions = array<i32: 0>} : vector<512x256xi32>
      %add3A_1288 = vector.broadcast %mul3A_1283 : i32 to vector<512x256xi32>
      %add3A_1289 = arith.addi %iota3A_1287, %add3A_1288 : vector<512x256xi32>
      %eq3A = vector.broadcast %broadcast_in_dim3A_581 : vector<1x256xf32> to vector<512x256xf32>
      %eq3A_1290 = arith.cmpf oeq, %get3A_1286, %eq3A : vector<512x256xf32>
      %jit3A_1291 = arith.constant 4096 : i32
      %broadcast_in_dim3A_1292 = vector.broadcast %jit3A_1291 : i32 to vector<512x256xi32>
      %select_n3A_1293 = arith.select %eq3A_1290, %add3A_1289, %broadcast_in_dim3A_1292 : vector<512x256xi1>, vector<512x256xi32>
      %reduce_min3A_1294 = arith.constant dense<2147483647> : vector<256xi32>
      %reduce_min3A_1295 = vector.multi_reduction <minsi>, %select_n3A_1293, %reduce_min3A_1294 [0] : vector<512x256xi32> to vector<256xi32>
      %broadcast_in_dim3A_1296 = vector.shape_cast %reduce_min3A_1295 : vector<256xi32> to vector<1x256xi32>
      %min3A = arith.minsi %while3A_1280, %broadcast_in_dim3A_1296 : vector<1x256xi32>
      scf.yield %min3A : vector<1x256xi32>
    }
    %swap3A_595 = arith.constant 13 : index
    %swap3A_596 = arith.constant 0 : index
    %swap3A_597 = vector.load %arg6[%swap3A_595, %swap3A_596] : memref<32x256xi32, #tpu.memory_space<vmem>>, vector<1x256xi32>
    tpu.vector_store %arg6[%swap3A_595, %swap3A_596], %while3A_594 {strides = array<i32>} : memref<32x256xi32, #tpu.memory_space<vmem>>, vector<1x256xi32>,
    %swap3A_598 = arith.constant 13 : index
    %swap3A_599 = arith.constant 0 : index
    %swap3A_600 = vector.load %arg7[%swap3A_598, %swap3A_599] : memref<32x256xf32, #tpu.memory_space<vmem>>, vector<1x256xf32>
    tpu.vector_store %arg7[%swap3A_598, %swap3A_599], %broadcast_in_dim3A_581 {strides = array<i32>} : memref<32x256xf32, #tpu.memory_space<vmem>>, vector<1x256xf32>,
    %while3A_601 = arith.constant 0 : i32
    %while3A_602 = arith.constant 0 : i32
    %while3A_603 = arith.subi %add3A_75, %while3A_601 : i32
    %while3A_604 = arith.addi %while3A_601, %while3A_603 : i32
    %while3A_605 = arith.constant 1 : i32
    %while3A_606 = arith.divsi %while3A_603, %while3A_605 : i32
    %while3A_607 = arith.muli %while3A_606, %while3A_605 : i32
    %while3A_608 = arith.addi %while3A_601, %while3A_607 : i32
    %while3A_609 = arith.constant 1 : i32
    %while3A_610 = scf.for %while3A_1279 = %while3A_601 to %while3A_608 step %while3A_609 iter_args(%while3A_1280 = %while3A_602) -> (i32)  : i32 {
      %add3A_1281 = arith.addi %select_n3A, %while3A_1279 : i32
      %mul3A_1282 = arith.constant 512 : i32
      %mul3A_1283 = arith.muli %add3A_1281, %mul3A_1282 : i32
      %get3A_1284 = arith.index_cast %mul3A_1283 : i32 to index
      %get3A_1285 = arith.constant 0 : index
      %get3A_1286 = vector.load %arg8[%get3A_1284, %get3A_1285] : memref<4096x256xf32, #tpu.memory_space<vmem>>, vector<512x256xf32>
      %iota3A_1287 = tpu.iota {dimensions = array<i32: 0>} : vector<512x256xi32>
      %add3A_1288 = vector.broadcast %mul3A_1283 : i32 to vector<512x256xi32>
      %add3A_1289 = arith.addi %iota3A_1287, %add3A_1288 : vector<512x256xi32>
      %eq3A = vector.broadcast %while3A_594 : vector<1x256xi32> to vector<512x256xi32>
      %eq3A_1290 = arith.cmpi eq, %add3A_1289, %eq3A : vector<512x256xi32>
      %jit3A_1291 = arith.constant 0x7F800000 : f32
      %broadcast_in_dim3A_1292 = vector.broadcast %jit3A_1291 : f32 to vector<512x256xf32>
      %select_n3A_1293 = arith.select %eq3A_1290, %broadcast_in_dim3A_1292, %get3A_1286 : vector<512x256xi1>, vector<512x256xf32>
      %swap3A_1294 = arith.index_cast %mul3A_1283 : i32 to index
      %swap3A_1295 = arith.constant 0 : index
      %swap3A_1296 = vector.load %arg8[%swap3A_1294, %swap3A_1295] : memref<4096x256xf32, #tpu.memory_space<vmem>>, vector<512x256xf32>
      tpu.vector_store %arg8[%swap3A_1294, %swap3A_1295], %select_n3A_1293 {strides = array<i32>} : memref<4096x256xf32, #tpu.memory_space<vmem>>, vector<512x256xf32>,
      %reduce_min3A_1297 = arith.constant dense<0x7F800000> : vector<256xf32>
      %reduce_min3A_1298 = vector.multi_reduction <minimumf>, %select_n3A_1293, %reduce_min3A_1297 [0] : vector<512x256xf32> to vector<256xf32>
      %broadcast_in_dim3A_1299 = vector.shape_cast %reduce_min3A_1298 : vector<256xf32> to vector<1x256xf32>
      %add3A_1300 = arith.addi %select_n3A, %while3A_1279 : i32
      %swap3A_1301 = arith.index_cast %add3A_1300 : i32 to index
      %swap3A_1302 = arith.constant 0 : index
      %swap3A_1303 = vector.load %arg9[%swap3A_1301, %swap3A_1302] : memref<8x256xf32, #tpu.memory_space<vmem>>, vector<1x256xf32>
      tpu.vector_store %arg9[%swap3A_1301, %swap3A_1302], %broadcast_in_dim3A_1299 {strides = array<i32>} : memref<8x256xf32, #tpu.memory_space<vmem>>, vector<1x256xf32>,
      %while3A_1304 = arith.constant 0 : i32
      scf.yield %while3A_1304 : i32
    }
    %while3A_611 = arith.constant 1 : i32
    %while3A_612 = scf.for %while3A_1279 = %while3A_608 to %while3A_604 step %while3A_611 iter_args(%while3A_1280 = %while3A_610) -> (i32)  : i32 {
      %add3A_1281 = arith.addi %select_n3A, %while3A_1279 : i32
      %mul3A_1282 = arith.constant 512 : i32
      %mul3A_1283 = arith.muli %add3A_1281, %mul3A_1282 : i32
      %get3A_1284 = arith.index_cast %mul3A_1283 : i32 to index
      %get3A_1285 = arith.constant 0 : index
      %get3A_1286 = vector.load %arg8[%get3A_1284, %get3A_1285] : memref<4096x256xf32, #tpu.memory_space<vmem>>, vector<512x256xf32>
      %iota3A_1287 = tpu.iota {dimensions = array<i32: 0>} : vector<512x256xi32>
      %add3A_1288 = vector.broadcast %mul3A_1283 : i32 to vector<512x256xi32>
      %add3A_1289 = arith.addi %iota3A_1287, %add3A_1288 : vector<512x256xi32>
      %eq3A = vector.broadcast %while3A_594 : vector<1x256xi32> to vector<512x256xi32>
      %eq3A_1290 = arith.cmpi eq, %add3A_1289, %eq3A : vector<512x256xi32>
      %jit3A_1291 = arith.constant 0x7F800000 : f32
      %broadcast_in_dim3A_1292 = vector.broadcast %jit3A_1291 : f32 to vector<512x256xf32>
      %select_n3A_1293 = arith.select %eq3A_1290, %broadcast_in_dim3A_1292, %get3A_1286 : vector<512x256xi1>, vector<512x256xf32>
      %swap3A_1294 = arith.index_cast %mul3A_1283 : i32 to index
      %swap3A_1295 = arith.constant 0 : index
      %swap3A_1296 = vector.load %arg8[%swap3A_1294, %swap3A_1295] : memref<4096x256xf32, #tpu.memory_space<vmem>>, vector<512x256xf32>
      tpu.vector_store %arg8[%swap3A_1294, %swap3A_1295], %select_n3A_1293 {strides = array<i32>} : memref<4096x256xf32, #tpu.memory_space<vmem>>, vector<512x256xf32>,
      %reduce_min3A_1297 = arith.constant dense<0x7F800000> : vector<256xf32>
      %reduce_min3A_1298 = vector.multi_reduction <minimumf>, %select_n3A_1293, %reduce_min3A_1297 [0] : vector<512x256xf32> to vector<256xf32>
      %broadcast_in_dim3A_1299 = vector.shape_cast %reduce_min3A_1298 : vector<256xf32> to vector<1x256xf32>
      %add3A_1300 = arith.addi %select_n3A, %while3A_1279 : i32
      %swap3A_1301 = arith.index_cast %add3A_1300 : i32 to index
      %swap3A_1302 = arith.constant 0 : index
      %swap3A_1303 = vector.load %arg9[%swap3A_1301, %swap3A_1302] : memref<8x256xf32, #tpu.memory_space<vmem>>, vector<1x256xf32>
      tpu.vector_store %arg9[%swap3A_1301, %swap3A_1302], %broadcast_in_dim3A_1299 {strides = array<i32>} : memref<8x256xf32, #tpu.memory_space<vmem>>, vector<1x256xf32>,
      %while3A_1304 = arith.constant 0 : i32
      scf.yield %while3A_1304 : i32
    }
    %get3A_613 = arith.constant 0 : index
    %get3A_614 = arith.constant 0 : index
    %get3A_615 = vector.load %arg9[%get3A_613, %get3A_614] : memref<8x256xf32, #tpu.memory_space<vmem>>, vector<8x256xf32>
    %reduce_min3A_616 = arith.constant dense<0x7F800000> : vector<256xf32>
    %reduce_min3A_617 = vector.multi_reduction <minimumf>, %get3A_615, %reduce_min3A_616 [0] : vector<8x256xf32> to vector<256xf32>
    %broadcast_in_dim3A_618 = vector.shape_cast %reduce_min3A_617 : vector<256xf32> to vector<1x256xf32>
    %broadcast_in_dim3A_619 = arith.constant 4096 : i32
    %broadcast_in_dim3A_620 = vector.broadcast %broadcast_in_dim3A_619 : i32 to vector<1x256xi32>
    %while3A_621 = arith.constant 0 : i32
    %while3A_622 = arith.subi %add3A_75, %while3A_621 : i32
    %while3A_623 = arith.addi %while3A_621, %while3A_622 : i32
    %while3A_624 = arith.constant 1 : i32
    %while3A_625 = arith.divsi %while3A_622, %while3A_624 : i32
    %while3A_626 = arith.muli %while3A_625, %while3A_624 : i32
    %while3A_627 = arith.addi %while3A_621, %while3A_626 : i32
    %while3A_628 = arith.constant 1 : i32
    %while3A_629 = scf.for %while3A_1279 = %while3A_621 to %while3A_627 step %while3A_628 iter_args(%while3A_1280 = %broadcast_in_dim3A_620) -> (vector<1x256xi32>)  : i32 {
      %add3A_1281 = arith.addi %select_n3A, %while3A_1279 : i32
      %mul3A_1282 = arith.constant 512 : i32
      %mul3A_1283 = arith.muli %add3A_1281, %mul3A_1282 : i32
      %get3A_1284 = arith.index_cast %mul3A_1283 : i32 to index
      %get3A_1285 = arith.constant 0 : index
      %get3A_1286 = vector.load %arg8[%get3A_1284, %get3A_1285] : memref<4096x256xf32, #tpu.memory_space<vmem>>, vector<512x256xf32>
      %iota3A_1287 = tpu.iota {dimensions = array<i32: 0>} : vector<512x256xi32>
      %add3A_1288 = vector.broadcast %mul3A_1283 : i32 to vector<512x256xi32>
      %add3A_1289 = arith.addi %iota3A_1287, %add3A_1288 : vector<512x256xi32>
      %eq3A = vector.broadcast %broadcast_in_dim3A_618 : vector<1x256xf32> to vector<512x256xf32>
      %eq3A_1290 = arith.cmpf oeq, %get3A_1286, %eq3A : vector<512x256xf32>
      %jit3A_1291 = arith.constant 4096 : i32
      %broadcast_in_dim3A_1292 = vector.broadcast %jit3A_1291 : i32 to vector<512x256xi32>
      %select_n3A_1293 = arith.select %eq3A_1290, %add3A_1289, %broadcast_in_dim3A_1292 : vector<512x256xi1>, vector<512x256xi32>
      %reduce_min3A_1294 = arith.constant dense<2147483647> : vector<256xi32>
      %reduce_min3A_1295 = vector.multi_reduction <minsi>, %select_n3A_1293, %reduce_min3A_1294 [0] : vector<512x256xi32> to vector<256xi32>
      %broadcast_in_dim3A_1296 = vector.shape_cast %reduce_min3A_1295 : vector<256xi32> to vector<1x256xi32>
      %min3A = arith.minsi %while3A_1280, %broadcast_in_dim3A_1296 : vector<1x256xi32>
      scf.yield %min3A : vector<1x256xi32>
    }
    %while3A_630 = arith.constant 1 : i32
    %while3A_631 = scf.for %while3A_1279 = %while3A_627 to %while3A_623 step %while3A_630 iter_args(%while3A_1280 = %while3A_629) -> (vector<1x256xi32>)  : i32 {
      %add3A_1281 = arith.addi %select_n3A, %while3A_1279 : i32
      %mul3A_1282 = arith.constant 512 : i32
      %mul3A_1283 = arith.muli %add3A_1281, %mul3A_1282 : i32
      %get3A_1284 = arith.index_cast %mul3A_1283 : i32 to index
      %get3A_1285 = arith.constant 0 : index
      %get3A_1286 = vector.load %arg8[%get3A_1284, %get3A_1285] : memref<4096x256xf32, #tpu.memory_space<vmem>>, vector<512x256xf32>
      %iota3A_1287 = tpu.iota {dimensions = array<i32: 0>} : vector<512x256xi32>
      %add3A_1288 = vector.broadcast %mul3A_1283 : i32 to vector<512x256xi32>
      %add3A_1289 = arith.addi %iota3A_1287, %add3A_1288 : vector<512x256xi32>
      %eq3A = vector.broadcast %broadcast_in_dim3A_618 : vector<1x256xf32> to vector<512x256xf32>
      %eq3A_1290 = arith.cmpf oeq, %get3A_1286, %eq3A : vector<512x256xf32>
      %jit3A_1291 = arith.constant 4096 : i32
      %broadcast_in_dim3A_1292 = vector.broadcast %jit3A_1291 : i32 to vector<512x256xi32>
      %select_n3A_1293 = arith.select %eq3A_1290, %add3A_1289, %broadcast_in_dim3A_1292 : vector<512x256xi1>, vector<512x256xi32>
      %reduce_min3A_1294 = arith.constant dense<2147483647> : vector<256xi32>
      %reduce_min3A_1295 = vector.multi_reduction <minsi>, %select_n3A_1293, %reduce_min3A_1294 [0] : vector<512x256xi32> to vector<256xi32>
      %broadcast_in_dim3A_1296 = vector.shape_cast %reduce_min3A_1295 : vector<256xi32> to vector<1x256xi32>
      %min3A = arith.minsi %while3A_1280, %broadcast_in_dim3A_1296 : vector<1x256xi32>
      scf.yield %min3A : vector<1x256xi32>
    }
    %swap3A_632 = arith.constant 14 : index
    %swap3A_633 = arith.constant 0 : index
    %swap3A_634 = vector.load %arg6[%swap3A_632, %swap3A_633] : memref<32x256xi32, #tpu.memory_space<vmem>>, vector<1x256xi32>
    tpu.vector_store %arg6[%swap3A_632, %swap3A_633], %while3A_631 {strides = array<i32>} : memref<32x256xi32, #tpu.memory_space<vmem>>, vector<1x256xi32>,
    %swap3A_635 = arith.constant 14 : index
    %swap3A_636 = arith.constant 0 : index
    %swap3A_637 = vector.load %arg7[%swap3A_635, %swap3A_636] : memref<32x256xf32, #tpu.memory_space<vmem>>, vector<1x256xf32>
    tpu.vector_store %arg7[%swap3A_635, %swap3A_636], %broadcast_in_dim3A_618 {strides = array<i32>} : memref<32x256xf32, #tpu.memory_space<vmem>>, vector<1x256xf32>,
    %while3A_638 = arith.constant 0 : i32
    %while3A_639 = arith.constant 0 : i32
    %while3A_640 = arith.subi %add3A_75, %while3A_638 : i32
    %while3A_641 = arith.addi %while3A_638, %while3A_640 : i32
    %while3A_642 = arith.constant 1 : i32
    %while3A_643 = arith.divsi %while3A_640, %while3A_642 : i32
    %while3A_644 = arith.muli %while3A_643, %while3A_642 : i32
    %while3A_645 = arith.addi %while3A_638, %while3A_644 : i32
    %while3A_646 = arith.constant 1 : i32
    %while3A_647 = scf.for %while3A_1279 = %while3A_638 to %while3A_645 step %while3A_646 iter_args(%while3A_1280 = %while3A_639) -> (i32)  : i32 {
      %add3A_1281 = arith.addi %select_n3A, %while3A_1279 : i32
      %mul3A_1282 = arith.constant 512 : i32
      %mul3A_1283 = arith.muli %add3A_1281, %mul3A_1282 : i32
      %get3A_1284 = arith.index_cast %mul3A_1283 : i32 to index
      %get3A_1285 = arith.constant 0 : index
      %get3A_1286 = vector.load %arg8[%get3A_1284, %get3A_1285] : memref<4096x256xf32, #tpu.memory_space<vmem>>, vector<512x256xf32>
      %iota3A_1287 = tpu.iota {dimensions = array<i32: 0>} : vector<512x256xi32>
      %add3A_1288 = vector.broadcast %mul3A_1283 : i32 to vector<512x256xi32>
      %add3A_1289 = arith.addi %iota3A_1287, %add3A_1288 : vector<512x256xi32>
      %eq3A = vector.broadcast %while3A_631 : vector<1x256xi32> to vector<512x256xi32>
      %eq3A_1290 = arith.cmpi eq, %add3A_1289, %eq3A : vector<512x256xi32>
      %jit3A_1291 = arith.constant 0x7F800000 : f32
      %broadcast_in_dim3A_1292 = vector.broadcast %jit3A_1291 : f32 to vector<512x256xf32>
      %select_n3A_1293 = arith.select %eq3A_1290, %broadcast_in_dim3A_1292, %get3A_1286 : vector<512x256xi1>, vector<512x256xf32>
      %swap3A_1294 = arith.index_cast %mul3A_1283 : i32 to index
      %swap3A_1295 = arith.constant 0 : index
      %swap3A_1296 = vector.load %arg8[%swap3A_1294, %swap3A_1295] : memref<4096x256xf32, #tpu.memory_space<vmem>>, vector<512x256xf32>
      tpu.vector_store %arg8[%swap3A_1294, %swap3A_1295], %select_n3A_1293 {strides = array<i32>} : memref<4096x256xf32, #tpu.memory_space<vmem>>, vector<512x256xf32>,
      %reduce_min3A_1297 = arith.constant dense<0x7F800000> : vector<256xf32>
      %reduce_min3A_1298 = vector.multi_reduction <minimumf>, %select_n3A_1293, %reduce_min3A_1297 [0] : vector<512x256xf32> to vector<256xf32>
      %broadcast_in_dim3A_1299 = vector.shape_cast %reduce_min3A_1298 : vector<256xf32> to vector<1x256xf32>
      %add3A_1300 = arith.addi %select_n3A, %while3A_1279 : i32
      %swap3A_1301 = arith.index_cast %add3A_1300 : i32 to index
      %swap3A_1302 = arith.constant 0 : index
      %swap3A_1303 = vector.load %arg9[%swap3A_1301, %swap3A_1302] : memref<8x256xf32, #tpu.memory_space<vmem>>, vector<1x256xf32>
      tpu.vector_store %arg9[%swap3A_1301, %swap3A_1302], %broadcast_in_dim3A_1299 {strides = array<i32>} : memref<8x256xf32, #tpu.memory_space<vmem>>, vector<1x256xf32>,
      %while3A_1304 = arith.constant 0 : i32
      scf.yield %while3A_1304 : i32
    }
    %while3A_648 = arith.constant 1 : i32
    %while3A_649 = scf.for %while3A_1279 = %while3A_645 to %while3A_641 step %while3A_648 iter_args(%while3A_1280 = %while3A_647) -> (i32)  : i32 {
      %add3A_1281 = arith.addi %select_n3A, %while3A_1279 : i32
      %mul3A_1282 = arith.constant 512 : i32
      %mul3A_1283 = arith.muli %add3A_1281, %mul3A_1282 : i32
      %get3A_1284 = arith.index_cast %mul3A_1283 : i32 to index
      %get3A_1285 = arith.constant 0 : index
      %get3A_1286 = vector.load %arg8[%get3A_1284, %get3A_1285] : memref<4096x256xf32, #tpu.memory_space<vmem>>, vector<512x256xf32>
      %iota3A_1287 = tpu.iota {dimensions = array<i32: 0>} : vector<512x256xi32>
      %add3A_1288 = vector.broadcast %mul3A_1283 : i32 to vector<512x256xi32>
      %add3A_1289 = arith.addi %iota3A_1287, %add3A_1288 : vector<512x256xi32>
      %eq3A = vector.broadcast %while3A_631 : vector<1x256xi32> to vector<512x256xi32>
      %eq3A_1290 = arith.cmpi eq, %add3A_1289, %eq3A : vector<512x256xi32>
      %jit3A_1291 = arith.constant 0x7F800000 : f32
      %broadcast_in_dim3A_1292 = vector.broadcast %jit3A_1291 : f32 to vector<512x256xf32>
      %select_n3A_1293 = arith.select %eq3A_1290, %broadcast_in_dim3A_1292, %get3A_1286 : vector<512x256xi1>, vector<512x256xf32>
      %swap3A_1294 = arith.index_cast %mul3A_1283 : i32 to index
      %swap3A_1295 = arith.constant 0 : index
      %swap3A_1296 = vector.load %arg8[%swap3A_1294, %swap3A_1295] : memref<4096x256xf32, #tpu.memory_space<vmem>>, vector<512x256xf32>
      tpu.vector_store %arg8[%swap3A_1294, %swap3A_1295], %select_n3A_1293 {strides = array<i32>} : memref<4096x256xf32, #tpu.memory_space<vmem>>, vector<512x256xf32>,
      %reduce_min3A_1297 = arith.constant dense<0x7F800000> : vector<256xf32>
      %reduce_min3A_1298 = vector.multi_reduction <minimumf>, %select_n3A_1293, %reduce_min3A_1297 [0] : vector<512x256xf32> to vector<256xf32>
      %broadcast_in_dim3A_1299 = vector.shape_cast %reduce_min3A_1298 : vector<256xf32> to vector<1x256xf32>
      %add3A_1300 = arith.addi %select_n3A, %while3A_1279 : i32
      %swap3A_1301 = arith.index_cast %add3A_1300 : i32 to index
      %swap3A_1302 = arith.constant 0 : index
      %swap3A_1303 = vector.load %arg9[%swap3A_1301, %swap3A_1302] : memref<8x256xf32, #tpu.memory_space<vmem>>, vector<1x256xf32>
      tpu.vector_store %arg9[%swap3A_1301, %swap3A_1302], %broadcast_in_dim3A_1299 {strides = array<i32>} : memref<8x256xf32, #tpu.memory_space<vmem>>, vector<1x256xf32>,
      %while3A_1304 = arith.constant 0 : i32
      scf.yield %while3A_1304 : i32
    }
    %get3A_650 = arith.constant 0 : index
    %get3A_651 = arith.constant 0 : index
    %get3A_652 = vector.load %arg9[%get3A_650, %get3A_651] : memref<8x256xf32, #tpu.memory_space<vmem>>, vector<8x256xf32>
    %reduce_min3A_653 = arith.constant dense<0x7F800000> : vector<256xf32>
    %reduce_min3A_654 = vector.multi_reduction <minimumf>, %get3A_652, %reduce_min3A_653 [0] : vector<8x256xf32> to vector<256xf32>
    %broadcast_in_dim3A_655 = vector.shape_cast %reduce_min3A_654 : vector<256xf32> to vector<1x256xf32>
    %broadcast_in_dim3A_656 = arith.constant 4096 : i32
    %broadcast_in_dim3A_657 = vector.broadcast %broadcast_in_dim3A_656 : i32 to vector<1x256xi32>
    %while3A_658 = arith.constant 0 : i32
    %while3A_659 = arith.subi %add3A_75, %while3A_658 : i32
    %while3A_660 = arith.addi %while3A_658, %while3A_659 : i32
    %while3A_661 = arith.constant 1 : i32
    %while3A_662 = arith.divsi %while3A_659, %while3A_661 : i32
    %while3A_663 = arith.muli %while3A_662, %while3A_661 : i32
    %while3A_664 = arith.addi %while3A_658, %while3A_663 : i32
    %while3A_665 = arith.constant 1 : i32
    %while3A_666 = scf.for %while3A_1279 = %while3A_658 to %while3A_664 step %while3A_665 iter_args(%while3A_1280 = %broadcast_in_dim3A_657) -> (vector<1x256xi32>)  : i32 {
      %add3A_1281 = arith.addi %select_n3A, %while3A_1279 : i32
      %mul3A_1282 = arith.constant 512 : i32
      %mul3A_1283 = arith.muli %add3A_1281, %mul3A_1282 : i32
      %get3A_1284 = arith.index_cast %mul3A_1283 : i32 to index
      %get3A_1285 = arith.constant 0 : index
      %get3A_1286 = vector.load %arg8[%get3A_1284, %get3A_1285] : memref<4096x256xf32, #tpu.memory_space<vmem>>, vector<512x256xf32>
      %iota3A_1287 = tpu.iota {dimensions = array<i32: 0>} : vector<512x256xi32>
      %add3A_1288 = vector.broadcast %mul3A_1283 : i32 to vector<512x256xi32>
      %add3A_1289 = arith.addi %iota3A_1287, %add3A_1288 : vector<512x256xi32>
      %eq3A = vector.broadcast %broadcast_in_dim3A_655 : vector<1x256xf32> to vector<512x256xf32>
      %eq3A_1290 = arith.cmpf oeq, %get3A_1286, %eq3A : vector<512x256xf32>
      %jit3A_1291 = arith.constant 4096 : i32
      %broadcast_in_dim3A_1292 = vector.broadcast %jit3A_1291 : i32 to vector<512x256xi32>
      %select_n3A_1293 = arith.select %eq3A_1290, %add3A_1289, %broadcast_in_dim3A_1292 : vector<512x256xi1>, vector<512x256xi32>
      %reduce_min3A_1294 = arith.constant dense<2147483647> : vector<256xi32>
      %reduce_min3A_1295 = vector.multi_reduction <minsi>, %select_n3A_1293, %reduce_min3A_1294 [0] : vector<512x256xi32> to vector<256xi32>
      %broadcast_in_dim3A_1296 = vector.shape_cast %reduce_min3A_1295 : vector<256xi32> to vector<1x256xi32>
      %min3A = arith.minsi %while3A_1280, %broadcast_in_dim3A_1296 : vector<1x256xi32>
      scf.yield %min3A : vector<1x256xi32>
    }
    %while3A_667 = arith.constant 1 : i32
    %while3A_668 = scf.for %while3A_1279 = %while3A_664 to %while3A_660 step %while3A_667 iter_args(%while3A_1280 = %while3A_666) -> (vector<1x256xi32>)  : i32 {
      %add3A_1281 = arith.addi %select_n3A, %while3A_1279 : i32
      %mul3A_1282 = arith.constant 512 : i32
      %mul3A_1283 = arith.muli %add3A_1281, %mul3A_1282 : i32
      %get3A_1284 = arith.index_cast %mul3A_1283 : i32 to index
      %get3A_1285 = arith.constant 0 : index
      %get3A_1286 = vector.load %arg8[%get3A_1284, %get3A_1285] : memref<4096x256xf32, #tpu.memory_space<vmem>>, vector<512x256xf32>
      %iota3A_1287 = tpu.iota {dimensions = array<i32: 0>} : vector<512x256xi32>
      %add3A_1288 = vector.broadcast %mul3A_1283 : i32 to vector<512x256xi32>
      %add3A_1289 = arith.addi %iota3A_1287, %add3A_1288 : vector<512x256xi32>
      %eq3A = vector.broadcast %broadcast_in_dim3A_655 : vector<1x256xf32> to vector<512x256xf32>
      %eq3A_1290 = arith.cmpf oeq, %get3A_1286, %eq3A : vector<512x256xf32>
      %jit3A_1291 = arith.constant 4096 : i32
      %broadcast_in_dim3A_1292 = vector.broadcast %jit3A_1291 : i32 to vector<512x256xi32>
      %select_n3A_1293 = arith.select %eq3A_1290, %add3A_1289, %broadcast_in_dim3A_1292 : vector<512x256xi1>, vector<512x256xi32>
      %reduce_min3A_1294 = arith.constant dense<2147483647> : vector<256xi32>
      %reduce_min3A_1295 = vector.multi_reduction <minsi>, %select_n3A_1293, %reduce_min3A_1294 [0] : vector<512x256xi32> to vector<256xi32>
      %broadcast_in_dim3A_1296 = vector.shape_cast %reduce_min3A_1295 : vector<256xi32> to vector<1x256xi32>
      %min3A = arith.minsi %while3A_1280, %broadcast_in_dim3A_1296 : vector<1x256xi32>
      scf.yield %min3A : vector<1x256xi32>
    }
    %swap3A_669 = arith.constant 15 : index
    %swap3A_670 = arith.constant 0 : index
    %swap3A_671 = vector.load %arg6[%swap3A_669, %swap3A_670] : memref<32x256xi32, #tpu.memory_space<vmem>>, vector<1x256xi32>
    tpu.vector_store %arg6[%swap3A_669, %swap3A_670], %while3A_668 {strides = array<i32>} : memref<32x256xi32, #tpu.memory_space<vmem>>, vector<1x256xi32>,
    %swap3A_672 = arith.constant 15 : index
    %swap3A_673 = arith.constant 0 : index
    %swap3A_674 = vector.load %arg7[%swap3A_672, %swap3A_673] : memref<32x256xf32, #tpu.memory_space<vmem>>, vector<1x256xf32>
    tpu.vector_store %arg7[%swap3A_672, %swap3A_673], %broadcast_in_dim3A_655 {strides = array<i32>} : memref<32x256xf32, #tpu.memory_space<vmem>>, vector<1x256xf32>,
    %while3A_675 = arith.constant 0 : i32
    %while3A_676 = arith.constant 0 : i32
    %while3A_677 = arith.subi %add3A_75, %while3A_675 : i32
    %while3A_678 = arith.addi %while3A_675, %while3A_677 : i32
    %while3A_679 = arith.constant 1 : i32
    %while3A_680 = arith.divsi %while3A_677, %while3A_679 : i32
    %while3A_681 = arith.muli %while3A_680, %while3A_679 : i32
    %while3A_682 = arith.addi %while3A_675, %while3A_681 : i32
    %while3A_683 = arith.constant 1 : i32
    %while3A_684 = scf.for %while3A_1279 = %while3A_675 to %while3A_682 step %while3A_683 iter_args(%while3A_1280 = %while3A_676) -> (i32)  : i32 {
      %add3A_1281 = arith.addi %select_n3A, %while3A_1279 : i32
      %mul3A_1282 = arith.constant 512 : i32
      %mul3A_1283 = arith.muli %add3A_1281, %mul3A_1282 : i32
      %get3A_1284 = arith.index_cast %mul3A_1283 : i32 to index
      %get3A_1285 = arith.constant 0 : index
      %get3A_1286 = vector.load %arg8[%get3A_1284, %get3A_1285] : memref<4096x256xf32, #tpu.memory_space<vmem>>, vector<512x256xf32>
      %iota3A_1287 = tpu.iota {dimensions = array<i32: 0>} : vector<512x256xi32>
      %add3A_1288 = vector.broadcast %mul3A_1283 : i32 to vector<512x256xi32>
      %add3A_1289 = arith.addi %iota3A_1287, %add3A_1288 : vector<512x256xi32>
      %eq3A = vector.broadcast %while3A_668 : vector<1x256xi32> to vector<512x256xi32>
      %eq3A_1290 = arith.cmpi eq, %add3A_1289, %eq3A : vector<512x256xi32>
      %jit3A_1291 = arith.constant 0x7F800000 : f32
      %broadcast_in_dim3A_1292 = vector.broadcast %jit3A_1291 : f32 to vector<512x256xf32>
      %select_n3A_1293 = arith.select %eq3A_1290, %broadcast_in_dim3A_1292, %get3A_1286 : vector<512x256xi1>, vector<512x256xf32>
      %swap3A_1294 = arith.index_cast %mul3A_1283 : i32 to index
      %swap3A_1295 = arith.constant 0 : index
      %swap3A_1296 = vector.load %arg8[%swap3A_1294, %swap3A_1295] : memref<4096x256xf32, #tpu.memory_space<vmem>>, vector<512x256xf32>
      tpu.vector_store %arg8[%swap3A_1294, %swap3A_1295], %select_n3A_1293 {strides = array<i32>} : memref<4096x256xf32, #tpu.memory_space<vmem>>, vector<512x256xf32>,
      %reduce_min3A_1297 = arith.constant dense<0x7F800000> : vector<256xf32>
      %reduce_min3A_1298 = vector.multi_reduction <minimumf>, %select_n3A_1293, %reduce_min3A_1297 [0] : vector<512x256xf32> to vector<256xf32>
      %broadcast_in_dim3A_1299 = vector.shape_cast %reduce_min3A_1298 : vector<256xf32> to vector<1x256xf32>
      %add3A_1300 = arith.addi %select_n3A, %while3A_1279 : i32
      %swap3A_1301 = arith.index_cast %add3A_1300 : i32 to index
      %swap3A_1302 = arith.constant 0 : index
      %swap3A_1303 = vector.load %arg9[%swap3A_1301, %swap3A_1302] : memref<8x256xf32, #tpu.memory_space<vmem>>, vector<1x256xf32>
      tpu.vector_store %arg9[%swap3A_1301, %swap3A_1302], %broadcast_in_dim3A_1299 {strides = array<i32>} : memref<8x256xf32, #tpu.memory_space<vmem>>, vector<1x256xf32>,
      %while3A_1304 = arith.constant 0 : i32
      scf.yield %while3A_1304 : i32
    }
    %while3A_685 = arith.constant 1 : i32
    %while3A_686 = scf.for %while3A_1279 = %while3A_682 to %while3A_678 step %while3A_685 iter_args(%while3A_1280 = %while3A_684) -> (i32)  : i32 {
      %add3A_1281 = arith.addi %select_n3A, %while3A_1279 : i32
      %mul3A_1282 = arith.constant 512 : i32
      %mul3A_1283 = arith.muli %add3A_1281, %mul3A_1282 : i32
      %get3A_1284 = arith.index_cast %mul3A_1283 : i32 to index
      %get3A_1285 = arith.constant 0 : index
      %get3A_1286 = vector.load %arg8[%get3A_1284, %get3A_1285] : memref<4096x256xf32, #tpu.memory_space<vmem>>, vector<512x256xf32>
      %iota3A_1287 = tpu.iota {dimensions = array<i32: 0>} : vector<512x256xi32>
      %add3A_1288 = vector.broadcast %mul3A_1283 : i32 to vector<512x256xi32>
      %add3A_1289 = arith.addi %iota3A_1287, %add3A_1288 : vector<512x256xi32>
      %eq3A = vector.broadcast %while3A_668 : vector<1x256xi32> to vector<512x256xi32>
      %eq3A_1290 = arith.cmpi eq, %add3A_1289, %eq3A : vector<512x256xi32>
      %jit3A_1291 = arith.constant 0x7F800000 : f32
      %broadcast_in_dim3A_1292 = vector.broadcast %jit3A_1291 : f32 to vector<512x256xf32>
      %select_n3A_1293 = arith.select %eq3A_1290, %broadcast_in_dim3A_1292, %get3A_1286 : vector<512x256xi1>, vector<512x256xf32>
      %swap3A_1294 = arith.index_cast %mul3A_1283 : i32 to index
      %swap3A_1295 = arith.constant 0 : index
      %swap3A_1296 = vector.load %arg8[%swap3A_1294, %swap3A_1295] : memref<4096x256xf32, #tpu.memory_space<vmem>>, vector<512x256xf32>
      tpu.vector_store %arg8[%swap3A_1294, %swap3A_1295], %select_n3A_1293 {strides = array<i32>} : memref<4096x256xf32, #tpu.memory_space<vmem>>, vector<512x256xf32>,
      %reduce_min3A_1297 = arith.constant dense<0x7F800000> : vector<256xf32>
      %reduce_min3A_1298 = vector.multi_reduction <minimumf>, %select_n3A_1293, %reduce_min3A_1297 [0] : vector<512x256xf32> to vector<256xf32>
      %broadcast_in_dim3A_1299 = vector.shape_cast %reduce_min3A_1298 : vector<256xf32> to vector<1x256xf32>
      %add3A_1300 = arith.addi %select_n3A, %while3A_1279 : i32
      %swap3A_1301 = arith.index_cast %add3A_1300 : i32 to index
      %swap3A_1302 = arith.constant 0 : index
      %swap3A_1303 = vector.load %arg9[%swap3A_1301, %swap3A_1302] : memref<8x256xf32, #tpu.memory_space<vmem>>, vector<1x256xf32>
      tpu.vector_store %arg9[%swap3A_1301, %swap3A_1302], %broadcast_in_dim3A_1299 {strides = array<i32>} : memref<8x256xf32, #tpu.memory_space<vmem>>, vector<1x256xf32>,
      %while3A_1304 = arith.constant 0 : i32
      scf.yield %while3A_1304 : i32
    }
    %get3A_687 = arith.constant 0 : index
    %get3A_688 = arith.constant 0 : index
    %get3A_689 = vector.load %arg9[%get3A_687, %get3A_688] : memref<8x256xf32, #tpu.memory_space<vmem>>, vector<8x256xf32>
    %reduce_min3A_690 = arith.constant dense<0x7F800000> : vector<256xf32>
    %reduce_min3A_691 = vector.multi_reduction <minimumf>, %get3A_689, %reduce_min3A_690 [0] : vector<8x256xf32> to vector<256xf32>
    %broadcast_in_dim3A_692 = vector.shape_cast %reduce_min3A_691 : vector<256xf32> to vector<1x256xf32>
    %broadcast_in_dim3A_693 = arith.constant 4096 : i32
    %broadcast_in_dim3A_694 = vector.broadcast %broadcast_in_dim3A_693 : i32 to vector<1x256xi32>
    %while3A_695 = arith.constant 0 : i32
    %while3A_696 = arith.subi %add3A_75, %while3A_695 : i32
    %while3A_697 = arith.addi %while3A_695, %while3A_696 : i32
    %while3A_698 = arith.constant 1 : i32
    %while3A_699 = arith.divsi %while3A_696, %while3A_698 : i32
    %while3A_700 = arith.muli %while3A_699, %while3A_698 : i32
    %while3A_701 = arith.addi %while3A_695, %while3A_700 : i32
    %while3A_702 = arith.constant 1 : i32
    %while3A_703 = scf.for %while3A_1279 = %while3A_695 to %while3A_701 step %while3A_702 iter_args(%while3A_1280 = %broadcast_in_dim3A_694) -> (vector<1x256xi32>)  : i32 {
      %add3A_1281 = arith.addi %select_n3A, %while3A_1279 : i32
      %mul3A_1282 = arith.constant 512 : i32
      %mul3A_1283 = arith.muli %add3A_1281, %mul3A_1282 : i32
      %get3A_1284 = arith.index_cast %mul3A_1283 : i32 to index
      %get3A_1285 = arith.constant 0 : index
      %get3A_1286 = vector.load %arg8[%get3A_1284, %get3A_1285] : memref<4096x256xf32, #tpu.memory_space<vmem>>, vector<512x256xf32>
      %iota3A_1287 = tpu.iota {dimensions = array<i32: 0>} : vector<512x256xi32>
      %add3A_1288 = vector.broadcast %mul3A_1283 : i32 to vector<512x256xi32>
      %add3A_1289 = arith.addi %iota3A_1287, %add3A_1288 : vector<512x256xi32>
      %eq3A = vector.broadcast %broadcast_in_dim3A_692 : vector<1x256xf32> to vector<512x256xf32>
      %eq3A_1290 = arith.cmpf oeq, %get3A_1286, %eq3A : vector<512x256xf32>
      %jit3A_1291 = arith.constant 4096 : i32
      %broadcast_in_dim3A_1292 = vector.broadcast %jit3A_1291 : i32 to vector<512x256xi32>
      %select_n3A_1293 = arith.select %eq3A_1290, %add3A_1289, %broadcast_in_dim3A_1292 : vector<512x256xi1>, vector<512x256xi32>
      %reduce_min3A_1294 = arith.constant dense<2147483647> : vector<256xi32>
      %reduce_min3A_1295 = vector.multi_reduction <minsi>, %select_n3A_1293, %reduce_min3A_1294 [0] : vector<512x256xi32> to vector<256xi32>
      %broadcast_in_dim3A_1296 = vector.shape_cast %reduce_min3A_1295 : vector<256xi32> to vector<1x256xi32>
      %min3A = arith.minsi %while3A_1280, %broadcast_in_dim3A_1296 : vector<1x256xi32>
      scf.yield %min3A : vector<1x256xi32>
    }
    %while3A_704 = arith.constant 1 : i32
    %while3A_705 = scf.for %while3A_1279 = %while3A_701 to %while3A_697 step %while3A_704 iter_args(%while3A_1280 = %while3A_703) -> (vector<1x256xi32>)  : i32 {
      %add3A_1281 = arith.addi %select_n3A, %while3A_1279 : i32
      %mul3A_1282 = arith.constant 512 : i32
      %mul3A_1283 = arith.muli %add3A_1281, %mul3A_1282 : i32
      %get3A_1284 = arith.index_cast %mul3A_1283 : i32 to index
      %get3A_1285 = arith.constant 0 : index
      %get3A_1286 = vector.load %arg8[%get3A_1284, %get3A_1285] : memref<4096x256xf32, #tpu.memory_space<vmem>>, vector<512x256xf32>
      %iota3A_1287 = tpu.iota {dimensions = array<i32: 0>} : vector<512x256xi32>
      %add3A_1288 = vector.broadcast %mul3A_1283 : i32 to vector<512x256xi32>
      %add3A_1289 = arith.addi %iota3A_1287, %add3A_1288 : vector<512x256xi32>
      %eq3A = vector.broadcast %broadcast_in_dim3A_692 : vector<1x256xf32> to vector<512x256xf32>
      %eq3A_1290 = arith.cmpf oeq, %get3A_1286, %eq3A : vector<512x256xf32>
      %jit3A_1291 = arith.constant 4096 : i32
      %broadcast_in_dim3A_1292 = vector.broadcast %jit3A_1291 : i32 to vector<512x256xi32>
      %select_n3A_1293 = arith.select %eq3A_1290, %add3A_1289, %broadcast_in_dim3A_1292 : vector<512x256xi1>, vector<512x256xi32>
      %reduce_min3A_1294 = arith.constant dense<2147483647> : vector<256xi32>
      %reduce_min3A_1295 = vector.multi_reduction <minsi>, %select_n3A_1293, %reduce_min3A_1294 [0] : vector<512x256xi32> to vector<256xi32>
      %broadcast_in_dim3A_1296 = vector.shape_cast %reduce_min3A_1295 : vector<256xi32> to vector<1x256xi32>
      %min3A = arith.minsi %while3A_1280, %broadcast_in_dim3A_1296 : vector<1x256xi32>
      scf.yield %min3A : vector<1x256xi32>
    }
    %swap3A_706 = arith.constant 16 : index
    %swap3A_707 = arith.constant 0 : index
    %swap3A_708 = vector.load %arg6[%swap3A_706, %swap3A_707] : memref<32x256xi32, #tpu.memory_space<vmem>>, vector<1x256xi32>
    tpu.vector_store %arg6[%swap3A_706, %swap3A_707], %while3A_705 {strides = array<i32>} : memref<32x256xi32, #tpu.memory_space<vmem>>, vector<1x256xi32>,
    %swap3A_709 = arith.constant 16 : index
    %swap3A_710 = arith.constant 0 : index
    %swap3A_711 = vector.load %arg7[%swap3A_709, %swap3A_710] : memref<32x256xf32, #tpu.memory_space<vmem>>, vector<1x256xf32>
    tpu.vector_store %arg7[%swap3A_709, %swap3A_710], %broadcast_in_dim3A_692 {strides = array<i32>} : memref<32x256xf32, #tpu.memory_space<vmem>>, vector<1x256xf32>,
    %while3A_712 = arith.constant 0 : i32
    %while3A_713 = arith.constant 0 : i32
    %while3A_714 = arith.subi %add3A_75, %while3A_712 : i32
    %while3A_715 = arith.addi %while3A_712, %while3A_714 : i32
    %while3A_716 = arith.constant 1 : i32
    %while3A_717 = arith.divsi %while3A_714, %while3A_716 : i32
    %while3A_718 = arith.muli %while3A_717, %while3A_716 : i32
    %while3A_719 = arith.addi %while3A_712, %while3A_718 : i32
    %while3A_720 = arith.constant 1 : i32
    %while3A_721 = scf.for %while3A_1279 = %while3A_712 to %while3A_719 step %while3A_720 iter_args(%while3A_1280 = %while3A_713) -> (i32)  : i32 {
      %add3A_1281 = arith.addi %select_n3A, %while3A_1279 : i32
      %mul3A_1282 = arith.constant 512 : i32
      %mul3A_1283 = arith.muli %add3A_1281, %mul3A_1282 : i32
      %get3A_1284 = arith.index_cast %mul3A_1283 : i32 to index
      %get3A_1285 = arith.constant 0 : index
      %get3A_1286 = vector.load %arg8[%get3A_1284, %get3A_1285] : memref<4096x256xf32, #tpu.memory_space<vmem>>, vector<512x256xf32>
      %iota3A_1287 = tpu.iota {dimensions = array<i32: 0>} : vector<512x256xi32>
      %add3A_1288 = vector.broadcast %mul3A_1283 : i32 to vector<512x256xi32>
      %add3A_1289 = arith.addi %iota3A_1287, %add3A_1288 : vector<512x256xi32>
      %eq3A = vector.broadcast %while3A_705 : vector<1x256xi32> to vector<512x256xi32>
      %eq3A_1290 = arith.cmpi eq, %add3A_1289, %eq3A : vector<512x256xi32>
      %jit3A_1291 = arith.constant 0x7F800000 : f32
      %broadcast_in_dim3A_1292 = vector.broadcast %jit3A_1291 : f32 to vector<512x256xf32>
      %select_n3A_1293 = arith.select %eq3A_1290, %broadcast_in_dim3A_1292, %get3A_1286 : vector<512x256xi1>, vector<512x256xf32>
      %swap3A_1294 = arith.index_cast %mul3A_1283 : i32 to index
      %swap3A_1295 = arith.constant 0 : index
      %swap3A_1296 = vector.load %arg8[%swap3A_1294, %swap3A_1295] : memref<4096x256xf32, #tpu.memory_space<vmem>>, vector<512x256xf32>
      tpu.vector_store %arg8[%swap3A_1294, %swap3A_1295], %select_n3A_1293 {strides = array<i32>} : memref<4096x256xf32, #tpu.memory_space<vmem>>, vector<512x256xf32>,
      %reduce_min3A_1297 = arith.constant dense<0x7F800000> : vector<256xf32>
      %reduce_min3A_1298 = vector.multi_reduction <minimumf>, %select_n3A_1293, %reduce_min3A_1297 [0] : vector<512x256xf32> to vector<256xf32>
      %broadcast_in_dim3A_1299 = vector.shape_cast %reduce_min3A_1298 : vector<256xf32> to vector<1x256xf32>
      %add3A_1300 = arith.addi %select_n3A, %while3A_1279 : i32
      %swap3A_1301 = arith.index_cast %add3A_1300 : i32 to index
      %swap3A_1302 = arith.constant 0 : index
      %swap3A_1303 = vector.load %arg9[%swap3A_1301, %swap3A_1302] : memref<8x256xf32, #tpu.memory_space<vmem>>, vector<1x256xf32>
      tpu.vector_store %arg9[%swap3A_1301, %swap3A_1302], %broadcast_in_dim3A_1299 {strides = array<i32>} : memref<8x256xf32, #tpu.memory_space<vmem>>, vector<1x256xf32>,
      %while3A_1304 = arith.constant 0 : i32
      scf.yield %while3A_1304 : i32
    }
    %while3A_722 = arith.constant 1 : i32
    %while3A_723 = scf.for %while3A_1279 = %while3A_719 to %while3A_715 step %while3A_722 iter_args(%while3A_1280 = %while3A_721) -> (i32)  : i32 {
      %add3A_1281 = arith.addi %select_n3A, %while3A_1279 : i32
      %mul3A_1282 = arith.constant 512 : i32
      %mul3A_1283 = arith.muli %add3A_1281, %mul3A_1282 : i32
      %get3A_1284 = arith.index_cast %mul3A_1283 : i32 to index
      %get3A_1285 = arith.constant 0 : index
      %get3A_1286 = vector.load %arg8[%get3A_1284, %get3A_1285] : memref<4096x256xf32, #tpu.memory_space<vmem>>, vector<512x256xf32>
      %iota3A_1287 = tpu.iota {dimensions = array<i32: 0>} : vector<512x256xi32>
      %add3A_1288 = vector.broadcast %mul3A_1283 : i32 to vector<512x256xi32>
      %add3A_1289 = arith.addi %iota3A_1287, %add3A_1288 : vector<512x256xi32>
      %eq3A = vector.broadcast %while3A_705 : vector<1x256xi32> to vector<512x256xi32>
      %eq3A_1290 = arith.cmpi eq, %add3A_1289, %eq3A : vector<512x256xi32>
      %jit3A_1291 = arith.constant 0x7F800000 : f32
      %broadcast_in_dim3A_1292 = vector.broadcast %jit3A_1291 : f32 to vector<512x256xf32>
      %select_n3A_1293 = arith.select %eq3A_1290, %broadcast_in_dim3A_1292, %get3A_1286 : vector<512x256xi1>, vector<512x256xf32>
      %swap3A_1294 = arith.index_cast %mul3A_1283 : i32 to index
      %swap3A_1295 = arith.constant 0 : index
      %swap3A_1296 = vector.load %arg8[%swap3A_1294, %swap3A_1295] : memref<4096x256xf32, #tpu.memory_space<vmem>>, vector<512x256xf32>
      tpu.vector_store %arg8[%swap3A_1294, %swap3A_1295], %select_n3A_1293 {strides = array<i32>} : memref<4096x256xf32, #tpu.memory_space<vmem>>, vector<512x256xf32>,
      %reduce_min3A_1297 = arith.constant dense<0x7F800000> : vector<256xf32>
      %reduce_min3A_1298 = vector.multi_reduction <minimumf>, %select_n3A_1293, %reduce_min3A_1297 [0] : vector<512x256xf32> to vector<256xf32>
      %broadcast_in_dim3A_1299 = vector.shape_cast %reduce_min3A_1298 : vector<256xf32> to vector<1x256xf32>
      %add3A_1300 = arith.addi %select_n3A, %while3A_1279 : i32
      %swap3A_1301 = arith.index_cast %add3A_1300 : i32 to index
      %swap3A_1302 = arith.constant 0 : index
      %swap3A_1303 = vector.load %arg9[%swap3A_1301, %swap3A_1302] : memref<8x256xf32, #tpu.memory_space<vmem>>, vector<1x256xf32>
      tpu.vector_store %arg9[%swap3A_1301, %swap3A_1302], %broadcast_in_dim3A_1299 {strides = array<i32>} : memref<8x256xf32, #tpu.memory_space<vmem>>, vector<1x256xf32>,
      %while3A_1304 = arith.constant 0 : i32
      scf.yield %while3A_1304 : i32
    }
    %get3A_724 = arith.constant 0 : index
    %get3A_725 = arith.constant 0 : index
    %get3A_726 = vector.load %arg9[%get3A_724, %get3A_725] : memref<8x256xf32, #tpu.memory_space<vmem>>, vector<8x256xf32>
    %reduce_min3A_727 = arith.constant dense<0x7F800000> : vector<256xf32>
    %reduce_min3A_728 = vector.multi_reduction <minimumf>, %get3A_726, %reduce_min3A_727 [0] : vector<8x256xf32> to vector<256xf32>
    %broadcast_in_dim3A_729 = vector.shape_cast %reduce_min3A_728 : vector<256xf32> to vector<1x256xf32>
    %broadcast_in_dim3A_730 = arith.constant 4096 : i32
    %broadcast_in_dim3A_731 = vector.broadcast %broadcast_in_dim3A_730 : i32 to vector<1x256xi32>
    %while3A_732 = arith.constant 0 : i32
    %while3A_733 = arith.subi %add3A_75, %while3A_732 : i32
    %while3A_734 = arith.addi %while3A_732, %while3A_733 : i32
    %while3A_735 = arith.constant 1 : i32
    %while3A_736 = arith.divsi %while3A_733, %while3A_735 : i32
    %while3A_737 = arith.muli %while3A_736, %while3A_735 : i32
    %while3A_738 = arith.addi %while3A_732, %while3A_737 : i32
    %while3A_739 = arith.constant 1 : i32
    %while3A_740 = scf.for %while3A_1279 = %while3A_732 to %while3A_738 step %while3A_739 iter_args(%while3A_1280 = %broadcast_in_dim3A_731) -> (vector<1x256xi32>)  : i32 {
      %add3A_1281 = arith.addi %select_n3A, %while3A_1279 : i32
      %mul3A_1282 = arith.constant 512 : i32
      %mul3A_1283 = arith.muli %add3A_1281, %mul3A_1282 : i32
      %get3A_1284 = arith.index_cast %mul3A_1283 : i32 to index
      %get3A_1285 = arith.constant 0 : index
      %get3A_1286 = vector.load %arg8[%get3A_1284, %get3A_1285] : memref<4096x256xf32, #tpu.memory_space<vmem>>, vector<512x256xf32>
      %iota3A_1287 = tpu.iota {dimensions = array<i32: 0>} : vector<512x256xi32>
      %add3A_1288 = vector.broadcast %mul3A_1283 : i32 to vector<512x256xi32>
      %add3A_1289 = arith.addi %iota3A_1287, %add3A_1288 : vector<512x256xi32>
      %eq3A = vector.broadcast %broadcast_in_dim3A_729 : vector<1x256xf32> to vector<512x256xf32>
      %eq3A_1290 = arith.cmpf oeq, %get3A_1286, %eq3A : vector<512x256xf32>
      %jit3A_1291 = arith.constant 4096 : i32
      %broadcast_in_dim3A_1292 = vector.broadcast %jit3A_1291 : i32 to vector<512x256xi32>
      %select_n3A_1293 = arith.select %eq3A_1290, %add3A_1289, %broadcast_in_dim3A_1292 : vector<512x256xi1>, vector<512x256xi32>
      %reduce_min3A_1294 = arith.constant dense<2147483647> : vector<256xi32>
      %reduce_min3A_1295 = vector.multi_reduction <minsi>, %select_n3A_1293, %reduce_min3A_1294 [0] : vector<512x256xi32> to vector<256xi32>
      %broadcast_in_dim3A_1296 = vector.shape_cast %reduce_min3A_1295 : vector<256xi32> to vector<1x256xi32>
      %min3A = arith.minsi %while3A_1280, %broadcast_in_dim3A_1296 : vector<1x256xi32>
      scf.yield %min3A : vector<1x256xi32>
    }
    %while3A_741 = arith.constant 1 : i32
    %while3A_742 = scf.for %while3A_1279 = %while3A_738 to %while3A_734 step %while3A_741 iter_args(%while3A_1280 = %while3A_740) -> (vector<1x256xi32>)  : i32 {
      %add3A_1281 = arith.addi %select_n3A, %while3A_1279 : i32
      %mul3A_1282 = arith.constant 512 : i32
      %mul3A_1283 = arith.muli %add3A_1281, %mul3A_1282 : i32
      %get3A_1284 = arith.index_cast %mul3A_1283 : i32 to index
      %get3A_1285 = arith.constant 0 : index
      %get3A_1286 = vector.load %arg8[%get3A_1284, %get3A_1285] : memref<4096x256xf32, #tpu.memory_space<vmem>>, vector<512x256xf32>
      %iota3A_1287 = tpu.iota {dimensions = array<i32: 0>} : vector<512x256xi32>
      %add3A_1288 = vector.broadcast %mul3A_1283 : i32 to vector<512x256xi32>
      %add3A_1289 = arith.addi %iota3A_1287, %add3A_1288 : vector<512x256xi32>
      %eq3A = vector.broadcast %broadcast_in_dim3A_729 : vector<1x256xf32> to vector<512x256xf32>
      %eq3A_1290 = arith.cmpf oeq, %get3A_1286, %eq3A : vector<512x256xf32>
      %jit3A_1291 = arith.constant 4096 : i32
      %broadcast_in_dim3A_1292 = vector.broadcast %jit3A_1291 : i32 to vector<512x256xi32>
      %select_n3A_1293 = arith.select %eq3A_1290, %add3A_1289, %broadcast_in_dim3A_1292 : vector<512x256xi1>, vector<512x256xi32>
      %reduce_min3A_1294 = arith.constant dense<2147483647> : vector<256xi32>
      %reduce_min3A_1295 = vector.multi_reduction <minsi>, %select_n3A_1293, %reduce_min3A_1294 [0] : vector<512x256xi32> to vector<256xi32>
      %broadcast_in_dim3A_1296 = vector.shape_cast %reduce_min3A_1295 : vector<256xi32> to vector<1x256xi32>
      %min3A = arith.minsi %while3A_1280, %broadcast_in_dim3A_1296 : vector<1x256xi32>
      scf.yield %min3A : vector<1x256xi32>
    }
    %swap3A_743 = arith.constant 17 : index
    %swap3A_744 = arith.constant 0 : index
    %swap3A_745 = vector.load %arg6[%swap3A_743, %swap3A_744] : memref<32x256xi32, #tpu.memory_space<vmem>>, vector<1x256xi32>
    tpu.vector_store %arg6[%swap3A_743, %swap3A_744], %while3A_742 {strides = array<i32>} : memref<32x256xi32, #tpu.memory_space<vmem>>, vector<1x256xi32>,
    %swap3A_746 = arith.constant 17 : index
    %swap3A_747 = arith.constant 0 : index
    %swap3A_748 = vector.load %arg7[%swap3A_746, %swap3A_747] : memref<32x256xf32, #tpu.memory_space<vmem>>, vector<1x256xf32>
    tpu.vector_store %arg7[%swap3A_746, %swap3A_747], %broadcast_in_dim3A_729 {strides = array<i32>} : memref<32x256xf32, #tpu.memory_space<vmem>>, vector<1x256xf32>,
    %while3A_749 = arith.constant 0 : i32
    %while3A_750 = arith.constant 0 : i32
    %while3A_751 = arith.subi %add3A_75, %while3A_749 : i32
    %while3A_752 = arith.addi %while3A_749, %while3A_751 : i32
    %while3A_753 = arith.constant 1 : i32
    %while3A_754 = arith.divsi %while3A_751, %while3A_753 : i32
    %while3A_755 = arith.muli %while3A_754, %while3A_753 : i32
    %while3A_756 = arith.addi %while3A_749, %while3A_755 : i32
    %while3A_757 = arith.constant 1 : i32
    %while3A_758 = scf.for %while3A_1279 = %while3A_749 to %while3A_756 step %while3A_757 iter_args(%while3A_1280 = %while3A_750) -> (i32)  : i32 {
      %add3A_1281 = arith.addi %select_n3A, %while3A_1279 : i32
      %mul3A_1282 = arith.constant 512 : i32
      %mul3A_1283 = arith.muli %add3A_1281, %mul3A_1282 : i32
      %get3A_1284 = arith.index_cast %mul3A_1283 : i32 to index
      %get3A_1285 = arith.constant 0 : index
      %get3A_1286 = vector.load %arg8[%get3A_1284, %get3A_1285] : memref<4096x256xf32, #tpu.memory_space<vmem>>, vector<512x256xf32>
      %iota3A_1287 = tpu.iota {dimensions = array<i32: 0>} : vector<512x256xi32>
      %add3A_1288 = vector.broadcast %mul3A_1283 : i32 to vector<512x256xi32>
      %add3A_1289 = arith.addi %iota3A_1287, %add3A_1288 : vector<512x256xi32>
      %eq3A = vector.broadcast %while3A_742 : vector<1x256xi32> to vector<512x256xi32>
      %eq3A_1290 = arith.cmpi eq, %add3A_1289, %eq3A : vector<512x256xi32>
      %jit3A_1291 = arith.constant 0x7F800000 : f32
      %broadcast_in_dim3A_1292 = vector.broadcast %jit3A_1291 : f32 to vector<512x256xf32>
      %select_n3A_1293 = arith.select %eq3A_1290, %broadcast_in_dim3A_1292, %get3A_1286 : vector<512x256xi1>, vector<512x256xf32>
      %swap3A_1294 = arith.index_cast %mul3A_1283 : i32 to index
      %swap3A_1295 = arith.constant 0 : index
      %swap3A_1296 = vector.load %arg8[%swap3A_1294, %swap3A_1295] : memref<4096x256xf32, #tpu.memory_space<vmem>>, vector<512x256xf32>
      tpu.vector_store %arg8[%swap3A_1294, %swap3A_1295], %select_n3A_1293 {strides = array<i32>} : memref<4096x256xf32, #tpu.memory_space<vmem>>, vector<512x256xf32>,
      %reduce_min3A_1297 = arith.constant dense<0x7F800000> : vector<256xf32>
      %reduce_min3A_1298 = vector.multi_reduction <minimumf>, %select_n3A_1293, %reduce_min3A_1297 [0] : vector<512x256xf32> to vector<256xf32>
      %broadcast_in_dim3A_1299 = vector.shape_cast %reduce_min3A_1298 : vector<256xf32> to vector<1x256xf32>
      %add3A_1300 = arith.addi %select_n3A, %while3A_1279 : i32
      %swap3A_1301 = arith.index_cast %add3A_1300 : i32 to index
      %swap3A_1302 = arith.constant 0 : index
      %swap3A_1303 = vector.load %arg9[%swap3A_1301, %swap3A_1302] : memref<8x256xf32, #tpu.memory_space<vmem>>, vector<1x256xf32>
      tpu.vector_store %arg9[%swap3A_1301, %swap3A_1302], %broadcast_in_dim3A_1299 {strides = array<i32>} : memref<8x256xf32, #tpu.memory_space<vmem>>, vector<1x256xf32>,
      %while3A_1304 = arith.constant 0 : i32
      scf.yield %while3A_1304 : i32
    }
    %while3A_759 = arith.constant 1 : i32
    %while3A_760 = scf.for %while3A_1279 = %while3A_756 to %while3A_752 step %while3A_759 iter_args(%while3A_1280 = %while3A_758) -> (i32)  : i32 {
      %add3A_1281 = arith.addi %select_n3A, %while3A_1279 : i32
      %mul3A_1282 = arith.constant 512 : i32
      %mul3A_1283 = arith.muli %add3A_1281, %mul3A_1282 : i32
      %get3A_1284 = arith.index_cast %mul3A_1283 : i32 to index
      %get3A_1285 = arith.constant 0 : index
      %get3A_1286 = vector.load %arg8[%get3A_1284, %get3A_1285] : memref<4096x256xf32, #tpu.memory_space<vmem>>, vector<512x256xf32>
      %iota3A_1287 = tpu.iota {dimensions = array<i32: 0>} : vector<512x256xi32>
      %add3A_1288 = vector.broadcast %mul3A_1283 : i32 to vector<512x256xi32>
      %add3A_1289 = arith.addi %iota3A_1287, %add3A_1288 : vector<512x256xi32>
      %eq3A = vector.broadcast %while3A_742 : vector<1x256xi32> to vector<512x256xi32>
      %eq3A_1290 = arith.cmpi eq, %add3A_1289, %eq3A : vector<512x256xi32>
      %jit3A_1291 = arith.constant 0x7F800000 : f32
      %broadcast_in_dim3A_1292 = vector.broadcast %jit3A_1291 : f32 to vector<512x256xf32>
      %select_n3A_1293 = arith.select %eq3A_1290, %broadcast_in_dim3A_1292, %get3A_1286 : vector<512x256xi1>, vector<512x256xf32>
      %swap3A_1294 = arith.index_cast %mul3A_1283 : i32 to index
      %swap3A_1295 = arith.constant 0 : index
      %swap3A_1296 = vector.load %arg8[%swap3A_1294, %swap3A_1295] : memref<4096x256xf32, #tpu.memory_space<vmem>>, vector<512x256xf32>
      tpu.vector_store %arg8[%swap3A_1294, %swap3A_1295], %select_n3A_1293 {strides = array<i32>} : memref<4096x256xf32, #tpu.memory_space<vmem>>, vector<512x256xf32>,
      %reduce_min3A_1297 = arith.constant dense<0x7F800000> : vector<256xf32>
      %reduce_min3A_1298 = vector.multi_reduction <minimumf>, %select_n3A_1293, %reduce_min3A_1297 [0] : vector<512x256xf32> to vector<256xf32>
      %broadcast_in_dim3A_1299 = vector.shape_cast %reduce_min3A_1298 : vector<256xf32> to vector<1x256xf32>
      %add3A_1300 = arith.addi %select_n3A, %while3A_1279 : i32
      %swap3A_1301 = arith.index_cast %add3A_1300 : i32 to index
      %swap3A_1302 = arith.constant 0 : index
      %swap3A_1303 = vector.load %arg9[%swap3A_1301, %swap3A_1302] : memref<8x256xf32, #tpu.memory_space<vmem>>, vector<1x256xf32>
      tpu.vector_store %arg9[%swap3A_1301, %swap3A_1302], %broadcast_in_dim3A_1299 {strides = array<i32>} : memref<8x256xf32, #tpu.memory_space<vmem>>, vector<1x256xf32>,
      %while3A_1304 = arith.constant 0 : i32
      scf.yield %while3A_1304 : i32
    }
    %get3A_761 = arith.constant 0 : index
    %get3A_762 = arith.constant 0 : index
    %get3A_763 = vector.load %arg9[%get3A_761, %get3A_762] : memref<8x256xf32, #tpu.memory_space<vmem>>, vector<8x256xf32>
    %reduce_min3A_764 = arith.constant dense<0x7F800000> : vector<256xf32>
    %reduce_min3A_765 = vector.multi_reduction <minimumf>, %get3A_763, %reduce_min3A_764 [0] : vector<8x256xf32> to vector<256xf32>
    %broadcast_in_dim3A_766 = vector.shape_cast %reduce_min3A_765 : vector<256xf32> to vector<1x256xf32>
    %broadcast_in_dim3A_767 = arith.constant 4096 : i32
    %broadcast_in_dim3A_768 = vector.broadcast %broadcast_in_dim3A_767 : i32 to vector<1x256xi32>
    %while3A_769 = arith.constant 0 : i32
    %while3A_770 = arith.subi %add3A_75, %while3A_769 : i32
    %while3A_771 = arith.addi %while3A_769, %while3A_770 : i32
    %while3A_772 = arith.constant 1 : i32
    %while3A_773 = arith.divsi %while3A_770, %while3A_772 : i32
    %while3A_774 = arith.muli %while3A_773, %while3A_772 : i32
    %while3A_775 = arith.addi %while3A_769, %while3A_774 : i32
    %while3A_776 = arith.constant 1 : i32
    %while3A_777 = scf.for %while3A_1279 = %while3A_769 to %while3A_775 step %while3A_776 iter_args(%while3A_1280 = %broadcast_in_dim3A_768) -> (vector<1x256xi32>)  : i32 {
      %add3A_1281 = arith.addi %select_n3A, %while3A_1279 : i32
      %mul3A_1282 = arith.constant 512 : i32
      %mul3A_1283 = arith.muli %add3A_1281, %mul3A_1282 : i32
      %get3A_1284 = arith.index_cast %mul3A_1283 : i32 to index
      %get3A_1285 = arith.constant 0 : index
      %get3A_1286 = vector.load %arg8[%get3A_1284, %get3A_1285] : memref<4096x256xf32, #tpu.memory_space<vmem>>, vector<512x256xf32>
      %iota3A_1287 = tpu.iota {dimensions = array<i32: 0>} : vector<512x256xi32>
      %add3A_1288 = vector.broadcast %mul3A_1283 : i32 to vector<512x256xi32>
      %add3A_1289 = arith.addi %iota3A_1287, %add3A_1288 : vector<512x256xi32>
      %eq3A = vector.broadcast %broadcast_in_dim3A_766 : vector<1x256xf32> to vector<512x256xf32>
      %eq3A_1290 = arith.cmpf oeq, %get3A_1286, %eq3A : vector<512x256xf32>
      %jit3A_1291 = arith.constant 4096 : i32
      %broadcast_in_dim3A_1292 = vector.broadcast %jit3A_1291 : i32 to vector<512x256xi32>
      %select_n3A_1293 = arith.select %eq3A_1290, %add3A_1289, %broadcast_in_dim3A_1292 : vector<512x256xi1>, vector<512x256xi32>
      %reduce_min3A_1294 = arith.constant dense<2147483647> : vector<256xi32>
      %reduce_min3A_1295 = vector.multi_reduction <minsi>, %select_n3A_1293, %reduce_min3A_1294 [0] : vector<512x256xi32> to vector<256xi32>
      %broadcast_in_dim3A_1296 = vector.shape_cast %reduce_min3A_1295 : vector<256xi32> to vector<1x256xi32>
      %min3A = arith.minsi %while3A_1280, %broadcast_in_dim3A_1296 : vector<1x256xi32>
      scf.yield %min3A : vector<1x256xi32>
    }
    %while3A_778 = arith.constant 1 : i32
    %while3A_779 = scf.for %while3A_1279 = %while3A_775 to %while3A_771 step %while3A_778 iter_args(%while3A_1280 = %while3A_777) -> (vector<1x256xi32>)  : i32 {
      %add3A_1281 = arith.addi %select_n3A, %while3A_1279 : i32
      %mul3A_1282 = arith.constant 512 : i32
      %mul3A_1283 = arith.muli %add3A_1281, %mul3A_1282 : i32
      %get3A_1284 = arith.index_cast %mul3A_1283 : i32 to index
      %get3A_1285 = arith.constant 0 : index
      %get3A_1286 = vector.load %arg8[%get3A_1284, %get3A_1285] : memref<4096x256xf32, #tpu.memory_space<vmem>>, vector<512x256xf32>
      %iota3A_1287 = tpu.iota {dimensions = array<i32: 0>} : vector<512x256xi32>
      %add3A_1288 = vector.broadcast %mul3A_1283 : i32 to vector<512x256xi32>
      %add3A_1289 = arith.addi %iota3A_1287, %add3A_1288 : vector<512x256xi32>
      %eq3A = vector.broadcast %broadcast_in_dim3A_766 : vector<1x256xf32> to vector<512x256xf32>
      %eq3A_1290 = arith.cmpf oeq, %get3A_1286, %eq3A : vector<512x256xf32>
      %jit3A_1291 = arith.constant 4096 : i32
      %broadcast_in_dim3A_1292 = vector.broadcast %jit3A_1291 : i32 to vector<512x256xi32>
      %select_n3A_1293 = arith.select %eq3A_1290, %add3A_1289, %broadcast_in_dim3A_1292 : vector<512x256xi1>, vector<512x256xi32>
      %reduce_min3A_1294 = arith.constant dense<2147483647> : vector<256xi32>
      %reduce_min3A_1295 = vector.multi_reduction <minsi>, %select_n3A_1293, %reduce_min3A_1294 [0] : vector<512x256xi32> to vector<256xi32>
      %broadcast_in_dim3A_1296 = vector.shape_cast %reduce_min3A_1295 : vector<256xi32> to vector<1x256xi32>
      %min3A = arith.minsi %while3A_1280, %broadcast_in_dim3A_1296 : vector<1x256xi32>
      scf.yield %min3A : vector<1x256xi32>
    }
    %swap3A_780 = arith.constant 18 : index
    %swap3A_781 = arith.constant 0 : index
    %swap3A_782 = vector.load %arg6[%swap3A_780, %swap3A_781] : memref<32x256xi32, #tpu.memory_space<vmem>>, vector<1x256xi32>
    tpu.vector_store %arg6[%swap3A_780, %swap3A_781], %while3A_779 {strides = array<i32>} : memref<32x256xi32, #tpu.memory_space<vmem>>, vector<1x256xi32>,
    %swap3A_783 = arith.constant 18 : index
    %swap3A_784 = arith.constant 0 : index
    %swap3A_785 = vector.load %arg7[%swap3A_783, %swap3A_784] : memref<32x256xf32, #tpu.memory_space<vmem>>, vector<1x256xf32>
    tpu.vector_store %arg7[%swap3A_783, %swap3A_784], %broadcast_in_dim3A_766 {strides = array<i32>} : memref<32x256xf32, #tpu.memory_space<vmem>>, vector<1x256xf32>,
    %while3A_786 = arith.constant 0 : i32
    %while3A_787 = arith.constant 0 : i32
    %while3A_788 = arith.subi %add3A_75, %while3A_786 : i32
    %while3A_789 = arith.addi %while3A_786, %while3A_788 : i32
    %while3A_790 = arith.constant 1 : i32
    %while3A_791 = arith.divsi %while3A_788, %while3A_790 : i32
    %while3A_792 = arith.muli %while3A_791, %while3A_790 : i32
    %while3A_793 = arith.addi %while3A_786, %while3A_792 : i32
    %while3A_794 = arith.constant 1 : i32
    %while3A_795 = scf.for %while3A_1279 = %while3A_786 to %while3A_793 step %while3A_794 iter_args(%while3A_1280 = %while3A_787) -> (i32)  : i32 {
      %add3A_1281 = arith.addi %select_n3A, %while3A_1279 : i32
      %mul3A_1282 = arith.constant 512 : i32
      %mul3A_1283 = arith.muli %add3A_1281, %mul3A_1282 : i32
      %get3A_1284 = arith.index_cast %mul3A_1283 : i32 to index
      %get3A_1285 = arith.constant 0 : index
      %get3A_1286 = vector.load %arg8[%get3A_1284, %get3A_1285] : memref<4096x256xf32, #tpu.memory_space<vmem>>, vector<512x256xf32>
      %iota3A_1287 = tpu.iota {dimensions = array<i32: 0>} : vector<512x256xi32>
      %add3A_1288 = vector.broadcast %mul3A_1283 : i32 to vector<512x256xi32>
      %add3A_1289 = arith.addi %iota3A_1287, %add3A_1288 : vector<512x256xi32>
      %eq3A = vector.broadcast %while3A_779 : vector<1x256xi32> to vector<512x256xi32>
      %eq3A_1290 = arith.cmpi eq, %add3A_1289, %eq3A : vector<512x256xi32>
      %jit3A_1291 = arith.constant 0x7F800000 : f32
      %broadcast_in_dim3A_1292 = vector.broadcast %jit3A_1291 : f32 to vector<512x256xf32>
      %select_n3A_1293 = arith.select %eq3A_1290, %broadcast_in_dim3A_1292, %get3A_1286 : vector<512x256xi1>, vector<512x256xf32>
      %swap3A_1294 = arith.index_cast %mul3A_1283 : i32 to index
      %swap3A_1295 = arith.constant 0 : index
      %swap3A_1296 = vector.load %arg8[%swap3A_1294, %swap3A_1295] : memref<4096x256xf32, #tpu.memory_space<vmem>>, vector<512x256xf32>
      tpu.vector_store %arg8[%swap3A_1294, %swap3A_1295], %select_n3A_1293 {strides = array<i32>} : memref<4096x256xf32, #tpu.memory_space<vmem>>, vector<512x256xf32>,
      %reduce_min3A_1297 = arith.constant dense<0x7F800000> : vector<256xf32>
      %reduce_min3A_1298 = vector.multi_reduction <minimumf>, %select_n3A_1293, %reduce_min3A_1297 [0] : vector<512x256xf32> to vector<256xf32>
      %broadcast_in_dim3A_1299 = vector.shape_cast %reduce_min3A_1298 : vector<256xf32> to vector<1x256xf32>
      %add3A_1300 = arith.addi %select_n3A, %while3A_1279 : i32
      %swap3A_1301 = arith.index_cast %add3A_1300 : i32 to index
      %swap3A_1302 = arith.constant 0 : index
      %swap3A_1303 = vector.load %arg9[%swap3A_1301, %swap3A_1302] : memref<8x256xf32, #tpu.memory_space<vmem>>, vector<1x256xf32>
      tpu.vector_store %arg9[%swap3A_1301, %swap3A_1302], %broadcast_in_dim3A_1299 {strides = array<i32>} : memref<8x256xf32, #tpu.memory_space<vmem>>, vector<1x256xf32>,
      %while3A_1304 = arith.constant 0 : i32
      scf.yield %while3A_1304 : i32
    }
    %while3A_796 = arith.constant 1 : i32
    %while3A_797 = scf.for %while3A_1279 = %while3A_793 to %while3A_789 step %while3A_796 iter_args(%while3A_1280 = %while3A_795) -> (i32)  : i32 {
      %add3A_1281 = arith.addi %select_n3A, %while3A_1279 : i32
      %mul3A_1282 = arith.constant 512 : i32
      %mul3A_1283 = arith.muli %add3A_1281, %mul3A_1282 : i32
      %get3A_1284 = arith.index_cast %mul3A_1283 : i32 to index
      %get3A_1285 = arith.constant 0 : index
      %get3A_1286 = vector.load %arg8[%get3A_1284, %get3A_1285] : memref<4096x256xf32, #tpu.memory_space<vmem>>, vector<512x256xf32>
      %iota3A_1287 = tpu.iota {dimensions = array<i32: 0>} : vector<512x256xi32>
      %add3A_1288 = vector.broadcast %mul3A_1283 : i32 to vector<512x256xi32>
      %add3A_1289 = arith.addi %iota3A_1287, %add3A_1288 : vector<512x256xi32>
      %eq3A = vector.broadcast %while3A_779 : vector<1x256xi32> to vector<512x256xi32>
      %eq3A_1290 = arith.cmpi eq, %add3A_1289, %eq3A : vector<512x256xi32>
      %jit3A_1291 = arith.constant 0x7F800000 : f32
      %broadcast_in_dim3A_1292 = vector.broadcast %jit3A_1291 : f32 to vector<512x256xf32>
      %select_n3A_1293 = arith.select %eq3A_1290, %broadcast_in_dim3A_1292, %get3A_1286 : vector<512x256xi1>, vector<512x256xf32>
      %swap3A_1294 = arith.index_cast %mul3A_1283 : i32 to index
      %swap3A_1295 = arith.constant 0 : index
      %swap3A_1296 = vector.load %arg8[%swap3A_1294, %swap3A_1295] : memref<4096x256xf32, #tpu.memory_space<vmem>>, vector<512x256xf32>
      tpu.vector_store %arg8[%swap3A_1294, %swap3A_1295], %select_n3A_1293 {strides = array<i32>} : memref<4096x256xf32, #tpu.memory_space<vmem>>, vector<512x256xf32>,
      %reduce_min3A_1297 = arith.constant dense<0x7F800000> : vector<256xf32>
      %reduce_min3A_1298 = vector.multi_reduction <minimumf>, %select_n3A_1293, %reduce_min3A_1297 [0] : vector<512x256xf32> to vector<256xf32>
      %broadcast_in_dim3A_1299 = vector.shape_cast %reduce_min3A_1298 : vector<256xf32> to vector<1x256xf32>
      %add3A_1300 = arith.addi %select_n3A, %while3A_1279 : i32
      %swap3A_1301 = arith.index_cast %add3A_1300 : i32 to index
      %swap3A_1302 = arith.constant 0 : index
      %swap3A_1303 = vector.load %arg9[%swap3A_1301, %swap3A_1302] : memref<8x256xf32, #tpu.memory_space<vmem>>, vector<1x256xf32>
      tpu.vector_store %arg9[%swap3A_1301, %swap3A_1302], %broadcast_in_dim3A_1299 {strides = array<i32>} : memref<8x256xf32, #tpu.memory_space<vmem>>, vector<1x256xf32>,
      %while3A_1304 = arith.constant 0 : i32
      scf.yield %while3A_1304 : i32
    }
    %get3A_798 = arith.constant 0 : index
    %get3A_799 = arith.constant 0 : index
    %get3A_800 = vector.load %arg9[%get3A_798, %get3A_799] : memref<8x256xf32, #tpu.memory_space<vmem>>, vector<8x256xf32>
    %reduce_min3A_801 = arith.constant dense<0x7F800000> : vector<256xf32>
    %reduce_min3A_802 = vector.multi_reduction <minimumf>, %get3A_800, %reduce_min3A_801 [0] : vector<8x256xf32> to vector<256xf32>
    %broadcast_in_dim3A_803 = vector.shape_cast %reduce_min3A_802 : vector<256xf32> to vector<1x256xf32>
    %broadcast_in_dim3A_804 = arith.constant 4096 : i32
    %broadcast_in_dim3A_805 = vector.broadcast %broadcast_in_dim3A_804 : i32 to vector<1x256xi32>
    %while3A_806 = arith.constant 0 : i32
    %while3A_807 = arith.subi %add3A_75, %while3A_806 : i32
    %while3A_808 = arith.addi %while3A_806, %while3A_807 : i32
    %while3A_809 = arith.constant 1 : i32
    %while3A_810 = arith.divsi %while3A_807, %while3A_809 : i32
    %while3A_811 = arith.muli %while3A_810, %while3A_809 : i32
    %while3A_812 = arith.addi %while3A_806, %while3A_811 : i32
    %while3A_813 = arith.constant 1 : i32
    %while3A_814 = scf.for %while3A_1279 = %while3A_806 to %while3A_812 step %while3A_813 iter_args(%while3A_1280 = %broadcast_in_dim3A_805) -> (vector<1x256xi32>)  : i32 {
      %add3A_1281 = arith.addi %select_n3A, %while3A_1279 : i32
      %mul3A_1282 = arith.constant 512 : i32
      %mul3A_1283 = arith.muli %add3A_1281, %mul3A_1282 : i32
      %get3A_1284 = arith.index_cast %mul3A_1283 : i32 to index
      %get3A_1285 = arith.constant 0 : index
      %get3A_1286 = vector.load %arg8[%get3A_1284, %get3A_1285] : memref<4096x256xf32, #tpu.memory_space<vmem>>, vector<512x256xf32>
      %iota3A_1287 = tpu.iota {dimensions = array<i32: 0>} : vector<512x256xi32>
      %add3A_1288 = vector.broadcast %mul3A_1283 : i32 to vector<512x256xi32>
      %add3A_1289 = arith.addi %iota3A_1287, %add3A_1288 : vector<512x256xi32>
      %eq3A = vector.broadcast %broadcast_in_dim3A_803 : vector<1x256xf32> to vector<512x256xf32>
      %eq3A_1290 = arith.cmpf oeq, %get3A_1286, %eq3A : vector<512x256xf32>
      %jit3A_1291 = arith.constant 4096 : i32
      %broadcast_in_dim3A_1292 = vector.broadcast %jit3A_1291 : i32 to vector<512x256xi32>
      %select_n3A_1293 = arith.select %eq3A_1290, %add3A_1289, %broadcast_in_dim3A_1292 : vector<512x256xi1>, vector<512x256xi32>
      %reduce_min3A_1294 = arith.constant dense<2147483647> : vector<256xi32>
      %reduce_min3A_1295 = vector.multi_reduction <minsi>, %select_n3A_1293, %reduce_min3A_1294 [0] : vector<512x256xi32> to vector<256xi32>
      %broadcast_in_dim3A_1296 = vector.shape_cast %reduce_min3A_1295 : vector<256xi32> to vector<1x256xi32>
      %min3A = arith.minsi %while3A_1280, %broadcast_in_dim3A_1296 : vector<1x256xi32>
      scf.yield %min3A : vector<1x256xi32>
    }
    %while3A_815 = arith.constant 1 : i32
    %while3A_816 = scf.for %while3A_1279 = %while3A_812 to %while3A_808 step %while3A_815 iter_args(%while3A_1280 = %while3A_814) -> (vector<1x256xi32>)  : i32 {
      %add3A_1281 = arith.addi %select_n3A, %while3A_1279 : i32
      %mul3A_1282 = arith.constant 512 : i32
      %mul3A_1283 = arith.muli %add3A_1281, %mul3A_1282 : i32
      %get3A_1284 = arith.index_cast %mul3A_1283 : i32 to index
      %get3A_1285 = arith.constant 0 : index
      %get3A_1286 = vector.load %arg8[%get3A_1284, %get3A_1285] : memref<4096x256xf32, #tpu.memory_space<vmem>>, vector<512x256xf32>
      %iota3A_1287 = tpu.iota {dimensions = array<i32: 0>} : vector<512x256xi32>
      %add3A_1288 = vector.broadcast %mul3A_1283 : i32 to vector<512x256xi32>
      %add3A_1289 = arith.addi %iota3A_1287, %add3A_1288 : vector<512x256xi32>
      %eq3A = vector.broadcast %broadcast_in_dim3A_803 : vector<1x256xf32> to vector<512x256xf32>
      %eq3A_1290 = arith.cmpf oeq, %get3A_1286, %eq3A : vector<512x256xf32>
      %jit3A_1291 = arith.constant 4096 : i32
      %broadcast_in_dim3A_1292 = vector.broadcast %jit3A_1291 : i32 to vector<512x256xi32>
      %select_n3A_1293 = arith.select %eq3A_1290, %add3A_1289, %broadcast_in_dim3A_1292 : vector<512x256xi1>, vector<512x256xi32>
      %reduce_min3A_1294 = arith.constant dense<2147483647> : vector<256xi32>
      %reduce_min3A_1295 = vector.multi_reduction <minsi>, %select_n3A_1293, %reduce_min3A_1294 [0] : vector<512x256xi32> to vector<256xi32>
      %broadcast_in_dim3A_1296 = vector.shape_cast %reduce_min3A_1295 : vector<256xi32> to vector<1x256xi32>
      %min3A = arith.minsi %while3A_1280, %broadcast_in_dim3A_1296 : vector<1x256xi32>
      scf.yield %min3A : vector<1x256xi32>
    }
    %swap3A_817 = arith.constant 19 : index
    %swap3A_818 = arith.constant 0 : index
    %swap3A_819 = vector.load %arg6[%swap3A_817, %swap3A_818] : memref<32x256xi32, #tpu.memory_space<vmem>>, vector<1x256xi32>
    tpu.vector_store %arg6[%swap3A_817, %swap3A_818], %while3A_816 {strides = array<i32>} : memref<32x256xi32, #tpu.memory_space<vmem>>, vector<1x256xi32>,
    %swap3A_820 = arith.constant 19 : index
    %swap3A_821 = arith.constant 0 : index
    %swap3A_822 = vector.load %arg7[%swap3A_820, %swap3A_821] : memref<32x256xf32, #tpu.memory_space<vmem>>, vector<1x256xf32>
    tpu.vector_store %arg7[%swap3A_820, %swap3A_821], %broadcast_in_dim3A_803 {strides = array<i32>} : memref<32x256xf32, #tpu.memory_space<vmem>>, vector<1x256xf32>,
    %while3A_823 = arith.constant 0 : i32
    %while3A_824 = arith.constant 0 : i32
    %while3A_825 = arith.subi %add3A_75, %while3A_823 : i32
    %while3A_826 = arith.addi %while3A_823, %while3A_825 : i32
    %while3A_827 = arith.constant 1 : i32
    %while3A_828 = arith.divsi %while3A_825, %while3A_827 : i32
    %while3A_829 = arith.muli %while3A_828, %while3A_827 : i32
    %while3A_830 = arith.addi %while3A_823, %while3A_829 : i32
    %while3A_831 = arith.constant 1 : i32
    %while3A_832 = scf.for %while3A_1279 = %while3A_823 to %while3A_830 step %while3A_831 iter_args(%while3A_1280 = %while3A_824) -> (i32)  : i32 {
      %add3A_1281 = arith.addi %select_n3A, %while3A_1279 : i32
      %mul3A_1282 = arith.constant 512 : i32
      %mul3A_1283 = arith.muli %add3A_1281, %mul3A_1282 : i32
      %get3A_1284 = arith.index_cast %mul3A_1283 : i32 to index
      %get3A_1285 = arith.constant 0 : index
      %get3A_1286 = vector.load %arg8[%get3A_1284, %get3A_1285] : memref<4096x256xf32, #tpu.memory_space<vmem>>, vector<512x256xf32>
      %iota3A_1287 = tpu.iota {dimensions = array<i32: 0>} : vector<512x256xi32>
      %add3A_1288 = vector.broadcast %mul3A_1283 : i32 to vector<512x256xi32>
      %add3A_1289 = arith.addi %iota3A_1287, %add3A_1288 : vector<512x256xi32>
      %eq3A = vector.broadcast %while3A_816 : vector<1x256xi32> to vector<512x256xi32>
      %eq3A_1290 = arith.cmpi eq, %add3A_1289, %eq3A : vector<512x256xi32>
      %jit3A_1291 = arith.constant 0x7F800000 : f32
      %broadcast_in_dim3A_1292 = vector.broadcast %jit3A_1291 : f32 to vector<512x256xf32>
      %select_n3A_1293 = arith.select %eq3A_1290, %broadcast_in_dim3A_1292, %get3A_1286 : vector<512x256xi1>, vector<512x256xf32>
      %swap3A_1294 = arith.index_cast %mul3A_1283 : i32 to index
      %swap3A_1295 = arith.constant 0 : index
      %swap3A_1296 = vector.load %arg8[%swap3A_1294, %swap3A_1295] : memref<4096x256xf32, #tpu.memory_space<vmem>>, vector<512x256xf32>
      tpu.vector_store %arg8[%swap3A_1294, %swap3A_1295], %select_n3A_1293 {strides = array<i32>} : memref<4096x256xf32, #tpu.memory_space<vmem>>, vector<512x256xf32>,
      %reduce_min3A_1297 = arith.constant dense<0x7F800000> : vector<256xf32>
      %reduce_min3A_1298 = vector.multi_reduction <minimumf>, %select_n3A_1293, %reduce_min3A_1297 [0] : vector<512x256xf32> to vector<256xf32>
      %broadcast_in_dim3A_1299 = vector.shape_cast %reduce_min3A_1298 : vector<256xf32> to vector<1x256xf32>
      %add3A_1300 = arith.addi %select_n3A, %while3A_1279 : i32
      %swap3A_1301 = arith.index_cast %add3A_1300 : i32 to index
      %swap3A_1302 = arith.constant 0 : index
      %swap3A_1303 = vector.load %arg9[%swap3A_1301, %swap3A_1302] : memref<8x256xf32, #tpu.memory_space<vmem>>, vector<1x256xf32>
      tpu.vector_store %arg9[%swap3A_1301, %swap3A_1302], %broadcast_in_dim3A_1299 {strides = array<i32>} : memref<8x256xf32, #tpu.memory_space<vmem>>, vector<1x256xf32>,
      %while3A_1304 = arith.constant 0 : i32
      scf.yield %while3A_1304 : i32
    }
    %while3A_833 = arith.constant 1 : i32
    %while3A_834 = scf.for %while3A_1279 = %while3A_830 to %while3A_826 step %while3A_833 iter_args(%while3A_1280 = %while3A_832) -> (i32)  : i32 {
      %add3A_1281 = arith.addi %select_n3A, %while3A_1279 : i32
      %mul3A_1282 = arith.constant 512 : i32
      %mul3A_1283 = arith.muli %add3A_1281, %mul3A_1282 : i32
      %get3A_1284 = arith.index_cast %mul3A_1283 : i32 to index
      %get3A_1285 = arith.constant 0 : index
      %get3A_1286 = vector.load %arg8[%get3A_1284, %get3A_1285] : memref<4096x256xf32, #tpu.memory_space<vmem>>, vector<512x256xf32>
      %iota3A_1287 = tpu.iota {dimensions = array<i32: 0>} : vector<512x256xi32>
      %add3A_1288 = vector.broadcast %mul3A_1283 : i32 to vector<512x256xi32>
      %add3A_1289 = arith.addi %iota3A_1287, %add3A_1288 : vector<512x256xi32>
      %eq3A = vector.broadcast %while3A_816 : vector<1x256xi32> to vector<512x256xi32>
      %eq3A_1290 = arith.cmpi eq, %add3A_1289, %eq3A : vector<512x256xi32>
      %jit3A_1291 = arith.constant 0x7F800000 : f32
      %broadcast_in_dim3A_1292 = vector.broadcast %jit3A_1291 : f32 to vector<512x256xf32>
      %select_n3A_1293 = arith.select %eq3A_1290, %broadcast_in_dim3A_1292, %get3A_1286 : vector<512x256xi1>, vector<512x256xf32>
      %swap3A_1294 = arith.index_cast %mul3A_1283 : i32 to index
      %swap3A_1295 = arith.constant 0 : index
      %swap3A_1296 = vector.load %arg8[%swap3A_1294, %swap3A_1295] : memref<4096x256xf32, #tpu.memory_space<vmem>>, vector<512x256xf32>
      tpu.vector_store %arg8[%swap3A_1294, %swap3A_1295], %select_n3A_1293 {strides = array<i32>} : memref<4096x256xf32, #tpu.memory_space<vmem>>, vector<512x256xf32>,
      %reduce_min3A_1297 = arith.constant dense<0x7F800000> : vector<256xf32>
      %reduce_min3A_1298 = vector.multi_reduction <minimumf>, %select_n3A_1293, %reduce_min3A_1297 [0] : vector<512x256xf32> to vector<256xf32>
      %broadcast_in_dim3A_1299 = vector.shape_cast %reduce_min3A_1298 : vector<256xf32> to vector<1x256xf32>
      %add3A_1300 = arith.addi %select_n3A, %while3A_1279 : i32
      %swap3A_1301 = arith.index_cast %add3A_1300 : i32 to index
      %swap3A_1302 = arith.constant 0 : index
      %swap3A_1303 = vector.load %arg9[%swap3A_1301, %swap3A_1302] : memref<8x256xf32, #tpu.memory_space<vmem>>, vector<1x256xf32>
      tpu.vector_store %arg9[%swap3A_1301, %swap3A_1302], %broadcast_in_dim3A_1299 {strides = array<i32>} : memref<8x256xf32, #tpu.memory_space<vmem>>, vector<1x256xf32>,
      %while3A_1304 = arith.constant 0 : i32
      scf.yield %while3A_1304 : i32
    }
    %get3A_835 = arith.constant 0 : index
    %get3A_836 = arith.constant 0 : index
    %get3A_837 = vector.load %arg9[%get3A_835, %get3A_836] : memref<8x256xf32, #tpu.memory_space<vmem>>, vector<8x256xf32>
    %reduce_min3A_838 = arith.constant dense<0x7F800000> : vector<256xf32>
    %reduce_min3A_839 = vector.multi_reduction <minimumf>, %get3A_837, %reduce_min3A_838 [0] : vector<8x256xf32> to vector<256xf32>
    %broadcast_in_dim3A_840 = vector.shape_cast %reduce_min3A_839 : vector<256xf32> to vector<1x256xf32>
    %broadcast_in_dim3A_841 = arith.constant 4096 : i32
    %broadcast_in_dim3A_842 = vector.broadcast %broadcast_in_dim3A_841 : i32 to vector<1x256xi32>
    %while3A_843 = arith.constant 0 : i32
    %while3A_844 = arith.subi %add3A_75, %while3A_843 : i32
    %while3A_845 = arith.addi %while3A_843, %while3A_844 : i32
    %while3A_846 = arith.constant 1 : i32
    %while3A_847 = arith.divsi %while3A_844, %while3A_846 : i32
    %while3A_848 = arith.muli %while3A_847, %while3A_846 : i32
    %while3A_849 = arith.addi %while3A_843, %while3A_848 : i32
    %while3A_850 = arith.constant 1 : i32
    %while3A_851 = scf.for %while3A_1279 = %while3A_843 to %while3A_849 step %while3A_850 iter_args(%while3A_1280 = %broadcast_in_dim3A_842) -> (vector<1x256xi32>)  : i32 {
      %add3A_1281 = arith.addi %select_n3A, %while3A_1279 : i32
      %mul3A_1282 = arith.constant 512 : i32
      %mul3A_1283 = arith.muli %add3A_1281, %mul3A_1282 : i32
      %get3A_1284 = arith.index_cast %mul3A_1283 : i32 to index
      %get3A_1285 = arith.constant 0 : index
      %get3A_1286 = vector.load %arg8[%get3A_1284, %get3A_1285] : memref<4096x256xf32, #tpu.memory_space<vmem>>, vector<512x256xf32>
      %iota3A_1287 = tpu.iota {dimensions = array<i32: 0>} : vector<512x256xi32>
      %add3A_1288 = vector.broadcast %mul3A_1283 : i32 to vector<512x256xi32>
      %add3A_1289 = arith.addi %iota3A_1287, %add3A_1288 : vector<512x256xi32>
      %eq3A = vector.broadcast %broadcast_in_dim3A_840 : vector<1x256xf32> to vector<512x256xf32>
      %eq3A_1290 = arith.cmpf oeq, %get3A_1286, %eq3A : vector<512x256xf32>
      %jit3A_1291 = arith.constant 4096 : i32
      %broadcast_in_dim3A_1292 = vector.broadcast %jit3A_1291 : i32 to vector<512x256xi32>
      %select_n3A_1293 = arith.select %eq3A_1290, %add3A_1289, %broadcast_in_dim3A_1292 : vector<512x256xi1>, vector<512x256xi32>
      %reduce_min3A_1294 = arith.constant dense<2147483647> : vector<256xi32>
      %reduce_min3A_1295 = vector.multi_reduction <minsi>, %select_n3A_1293, %reduce_min3A_1294 [0] : vector<512x256xi32> to vector<256xi32>
      %broadcast_in_dim3A_1296 = vector.shape_cast %reduce_min3A_1295 : vector<256xi32> to vector<1x256xi32>
      %min3A = arith.minsi %while3A_1280, %broadcast_in_dim3A_1296 : vector<1x256xi32>
      scf.yield %min3A : vector<1x256xi32>
    }
    %while3A_852 = arith.constant 1 : i32
    %while3A_853 = scf.for %while3A_1279 = %while3A_849 to %while3A_845 step %while3A_852 iter_args(%while3A_1280 = %while3A_851) -> (vector<1x256xi32>)  : i32 {
      %add3A_1281 = arith.addi %select_n3A, %while3A_1279 : i32
      %mul3A_1282 = arith.constant 512 : i32
      %mul3A_1283 = arith.muli %add3A_1281, %mul3A_1282 : i32
      %get3A_1284 = arith.index_cast %mul3A_1283 : i32 to index
      %get3A_1285 = arith.constant 0 : index
      %get3A_1286 = vector.load %arg8[%get3A_1284, %get3A_1285] : memref<4096x256xf32, #tpu.memory_space<vmem>>, vector<512x256xf32>
      %iota3A_1287 = tpu.iota {dimensions = array<i32: 0>} : vector<512x256xi32>
      %add3A_1288 = vector.broadcast %mul3A_1283 : i32 to vector<512x256xi32>
      %add3A_1289 = arith.addi %iota3A_1287, %add3A_1288 : vector<512x256xi32>
      %eq3A = vector.broadcast %broadcast_in_dim3A_840 : vector<1x256xf32> to vector<512x256xf32>
      %eq3A_1290 = arith.cmpf oeq, %get3A_1286, %eq3A : vector<512x256xf32>
      %jit3A_1291 = arith.constant 4096 : i32
      %broadcast_in_dim3A_1292 = vector.broadcast %jit3A_1291 : i32 to vector<512x256xi32>
      %select_n3A_1293 = arith.select %eq3A_1290, %add3A_1289, %broadcast_in_dim3A_1292 : vector<512x256xi1>, vector<512x256xi32>
      %reduce_min3A_1294 = arith.constant dense<2147483647> : vector<256xi32>
      %reduce_min3A_1295 = vector.multi_reduction <minsi>, %select_n3A_1293, %reduce_min3A_1294 [0] : vector<512x256xi32> to vector<256xi32>
      %broadcast_in_dim3A_1296 = vector.shape_cast %reduce_min3A_1295 : vector<256xi32> to vector<1x256xi32>
      %min3A = arith.minsi %while3A_1280, %broadcast_in_dim3A_1296 : vector<1x256xi32>
      scf.yield %min3A : vector<1x256xi32>
    }
    %swap3A_854 = arith.constant 20 : index
    %swap3A_855 = arith.constant 0 : index
    %swap3A_856 = vector.load %arg6[%swap3A_854, %swap3A_855] : memref<32x256xi32, #tpu.memory_space<vmem>>, vector<1x256xi32>
    tpu.vector_store %arg6[%swap3A_854, %swap3A_855], %while3A_853 {strides = array<i32>} : memref<32x256xi32, #tpu.memory_space<vmem>>, vector<1x256xi32>,
    %swap3A_857 = arith.constant 20 : index
    %swap3A_858 = arith.constant 0 : index
    %swap3A_859 = vector.load %arg7[%swap3A_857, %swap3A_858] : memref<32x256xf32, #tpu.memory_space<vmem>>, vector<1x256xf32>
    tpu.vector_store %arg7[%swap3A_857, %swap3A_858], %broadcast_in_dim3A_840 {strides = array<i32>} : memref<32x256xf32, #tpu.memory_space<vmem>>, vector<1x256xf32>,
    %while3A_860 = arith.constant 0 : i32
    %while3A_861 = arith.constant 0 : i32
    %while3A_862 = arith.subi %add3A_75, %while3A_860 : i32
    %while3A_863 = arith.addi %while3A_860, %while3A_862 : i32
    %while3A_864 = arith.constant 1 : i32
    %while3A_865 = arith.divsi %while3A_862, %while3A_864 : i32
    %while3A_866 = arith.muli %while3A_865, %while3A_864 : i32
    %while3A_867 = arith.addi %while3A_860, %while3A_866 : i32
    %while3A_868 = arith.constant 1 : i32
    %while3A_869 = scf.for %while3A_1279 = %while3A_860 to %while3A_867 step %while3A_868 iter_args(%while3A_1280 = %while3A_861) -> (i32)  : i32 {
      %add3A_1281 = arith.addi %select_n3A, %while3A_1279 : i32
      %mul3A_1282 = arith.constant 512 : i32
      %mul3A_1283 = arith.muli %add3A_1281, %mul3A_1282 : i32
      %get3A_1284 = arith.index_cast %mul3A_1283 : i32 to index
      %get3A_1285 = arith.constant 0 : index
      %get3A_1286 = vector.load %arg8[%get3A_1284, %get3A_1285] : memref<4096x256xf32, #tpu.memory_space<vmem>>, vector<512x256xf32>
      %iota3A_1287 = tpu.iota {dimensions = array<i32: 0>} : vector<512x256xi32>
      %add3A_1288 = vector.broadcast %mul3A_1283 : i32 to vector<512x256xi32>
      %add3A_1289 = arith.addi %iota3A_1287, %add3A_1288 : vector<512x256xi32>
      %eq3A = vector.broadcast %while3A_853 : vector<1x256xi32> to vector<512x256xi32>
      %eq3A_1290 = arith.cmpi eq, %add3A_1289, %eq3A : vector<512x256xi32>
      %jit3A_1291 = arith.constant 0x7F800000 : f32
      %broadcast_in_dim3A_1292 = vector.broadcast %jit3A_1291 : f32 to vector<512x256xf32>
      %select_n3A_1293 = arith.select %eq3A_1290, %broadcast_in_dim3A_1292, %get3A_1286 : vector<512x256xi1>, vector<512x256xf32>
      %swap3A_1294 = arith.index_cast %mul3A_1283 : i32 to index
      %swap3A_1295 = arith.constant 0 : index
      %swap3A_1296 = vector.load %arg8[%swap3A_1294, %swap3A_1295] : memref<4096x256xf32, #tpu.memory_space<vmem>>, vector<512x256xf32>
      tpu.vector_store %arg8[%swap3A_1294, %swap3A_1295], %select_n3A_1293 {strides = array<i32>} : memref<4096x256xf32, #tpu.memory_space<vmem>>, vector<512x256xf32>,
      %reduce_min3A_1297 = arith.constant dense<0x7F800000> : vector<256xf32>
      %reduce_min3A_1298 = vector.multi_reduction <minimumf>, %select_n3A_1293, %reduce_min3A_1297 [0] : vector<512x256xf32> to vector<256xf32>
      %broadcast_in_dim3A_1299 = vector.shape_cast %reduce_min3A_1298 : vector<256xf32> to vector<1x256xf32>
      %add3A_1300 = arith.addi %select_n3A, %while3A_1279 : i32
      %swap3A_1301 = arith.index_cast %add3A_1300 : i32 to index
      %swap3A_1302 = arith.constant 0 : index
      %swap3A_1303 = vector.load %arg9[%swap3A_1301, %swap3A_1302] : memref<8x256xf32, #tpu.memory_space<vmem>>, vector<1x256xf32>
      tpu.vector_store %arg9[%swap3A_1301, %swap3A_1302], %broadcast_in_dim3A_1299 {strides = array<i32>} : memref<8x256xf32, #tpu.memory_space<vmem>>, vector<1x256xf32>,
      %while3A_1304 = arith.constant 0 : i32
      scf.yield %while3A_1304 : i32
    }
    %while3A_870 = arith.constant 1 : i32
    %while3A_871 = scf.for %while3A_1279 = %while3A_867 to %while3A_863 step %while3A_870 iter_args(%while3A_1280 = %while3A_869) -> (i32)  : i32 {
      %add3A_1281 = arith.addi %select_n3A, %while3A_1279 : i32
      %mul3A_1282 = arith.constant 512 : i32
      %mul3A_1283 = arith.muli %add3A_1281, %mul3A_1282 : i32
      %get3A_1284 = arith.index_cast %mul3A_1283 : i32 to index
      %get3A_1285 = arith.constant 0 : index
      %get3A_1286 = vector.load %arg8[%get3A_1284, %get3A_1285] : memref<4096x256xf32, #tpu.memory_space<vmem>>, vector<512x256xf32>
      %iota3A_1287 = tpu.iota {dimensions = array<i32: 0>} : vector<512x256xi32>
      %add3A_1288 = vector.broadcast %mul3A_1283 : i32 to vector<512x256xi32>
      %add3A_1289 = arith.addi %iota3A_1287, %add3A_1288 : vector<512x256xi32>
      %eq3A = vector.broadcast %while3A_853 : vector<1x256xi32> to vector<512x256xi32>
      %eq3A_1290 = arith.cmpi eq, %add3A_1289, %eq3A : vector<512x256xi32>
      %jit3A_1291 = arith.constant 0x7F800000 : f32
      %broadcast_in_dim3A_1292 = vector.broadcast %jit3A_1291 : f32 to vector<512x256xf32>
      %select_n3A_1293 = arith.select %eq3A_1290, %broadcast_in_dim3A_1292, %get3A_1286 : vector<512x256xi1>, vector<512x256xf32>
      %swap3A_1294 = arith.index_cast %mul3A_1283 : i32 to index
      %swap3A_1295 = arith.constant 0 : index
      %swap3A_1296 = vector.load %arg8[%swap3A_1294, %swap3A_1295] : memref<4096x256xf32, #tpu.memory_space<vmem>>, vector<512x256xf32>
      tpu.vector_store %arg8[%swap3A_1294, %swap3A_1295], %select_n3A_1293 {strides = array<i32>} : memref<4096x256xf32, #tpu.memory_space<vmem>>, vector<512x256xf32>,
      %reduce_min3A_1297 = arith.constant dense<0x7F800000> : vector<256xf32>
      %reduce_min3A_1298 = vector.multi_reduction <minimumf>, %select_n3A_1293, %reduce_min3A_1297 [0] : vector<512x256xf32> to vector<256xf32>
      %broadcast_in_dim3A_1299 = vector.shape_cast %reduce_min3A_1298 : vector<256xf32> to vector<1x256xf32>
      %add3A_1300 = arith.addi %select_n3A, %while3A_1279 : i32
      %swap3A_1301 = arith.index_cast %add3A_1300 : i32 to index
      %swap3A_1302 = arith.constant 0 : index
      %swap3A_1303 = vector.load %arg9[%swap3A_1301, %swap3A_1302] : memref<8x256xf32, #tpu.memory_space<vmem>>, vector<1x256xf32>
      tpu.vector_store %arg9[%swap3A_1301, %swap3A_1302], %broadcast_in_dim3A_1299 {strides = array<i32>} : memref<8x256xf32, #tpu.memory_space<vmem>>, vector<1x256xf32>,
      %while3A_1304 = arith.constant 0 : i32
      scf.yield %while3A_1304 : i32
    }
    %get3A_872 = arith.constant 0 : index
    %get3A_873 = arith.constant 0 : index
    %get3A_874 = vector.load %arg9[%get3A_872, %get3A_873] : memref<8x256xf32, #tpu.memory_space<vmem>>, vector<8x256xf32>
    %reduce_min3A_875 = arith.constant dense<0x7F800000> : vector<256xf32>
    %reduce_min3A_876 = vector.multi_reduction <minimumf>, %get3A_874, %reduce_min3A_875 [0] : vector<8x256xf32> to vector<256xf32>
    %broadcast_in_dim3A_877 = vector.shape_cast %reduce_min3A_876 : vector<256xf32> to vector<1x256xf32>
    %broadcast_in_dim3A_878 = arith.constant 4096 : i32
    %broadcast_in_dim3A_879 = vector.broadcast %broadcast_in_dim3A_878 : i32 to vector<1x256xi32>
    %while3A_880 = arith.constant 0 : i32
    %while3A_881 = arith.subi %add3A_75, %while3A_880 : i32
    %while3A_882 = arith.addi %while3A_880, %while3A_881 : i32
    %while3A_883 = arith.constant 1 : i32
    %while3A_884 = arith.divsi %while3A_881, %while3A_883 : i32
    %while3A_885 = arith.muli %while3A_884, %while3A_883 : i32
    %while3A_886 = arith.addi %while3A_880, %while3A_885 : i32
    %while3A_887 = arith.constant 1 : i32
    %while3A_888 = scf.for %while3A_1279 = %while3A_880 to %while3A_886 step %while3A_887 iter_args(%while3A_1280 = %broadcast_in_dim3A_879) -> (vector<1x256xi32>)  : i32 {
      %add3A_1281 = arith.addi %select_n3A, %while3A_1279 : i32
      %mul3A_1282 = arith.constant 512 : i32
      %mul3A_1283 = arith.muli %add3A_1281, %mul3A_1282 : i32
      %get3A_1284 = arith.index_cast %mul3A_1283 : i32 to index
      %get3A_1285 = arith.constant 0 : index
      %get3A_1286 = vector.load %arg8[%get3A_1284, %get3A_1285] : memref<4096x256xf32, #tpu.memory_space<vmem>>, vector<512x256xf32>
      %iota3A_1287 = tpu.iota {dimensions = array<i32: 0>} : vector<512x256xi32>
      %add3A_1288 = vector.broadcast %mul3A_1283 : i32 to vector<512x256xi32>
      %add3A_1289 = arith.addi %iota3A_1287, %add3A_1288 : vector<512x256xi32>
      %eq3A = vector.broadcast %broadcast_in_dim3A_877 : vector<1x256xf32> to vector<512x256xf32>
      %eq3A_1290 = arith.cmpf oeq, %get3A_1286, %eq3A : vector<512x256xf32>
      %jit3A_1291 = arith.constant 4096 : i32
      %broadcast_in_dim3A_1292 = vector.broadcast %jit3A_1291 : i32 to vector<512x256xi32>
      %select_n3A_1293 = arith.select %eq3A_1290, %add3A_1289, %broadcast_in_dim3A_1292 : vector<512x256xi1>, vector<512x256xi32>
      %reduce_min3A_1294 = arith.constant dense<2147483647> : vector<256xi32>
      %reduce_min3A_1295 = vector.multi_reduction <minsi>, %select_n3A_1293, %reduce_min3A_1294 [0] : vector<512x256xi32> to vector<256xi32>
      %broadcast_in_dim3A_1296 = vector.shape_cast %reduce_min3A_1295 : vector<256xi32> to vector<1x256xi32>
      %min3A = arith.minsi %while3A_1280, %broadcast_in_dim3A_1296 : vector<1x256xi32>
      scf.yield %min3A : vector<1x256xi32>
    }
    %while3A_889 = arith.constant 1 : i32
    %while3A_890 = scf.for %while3A_1279 = %while3A_886 to %while3A_882 step %while3A_889 iter_args(%while3A_1280 = %while3A_888) -> (vector<1x256xi32>)  : i32 {
      %add3A_1281 = arith.addi %select_n3A, %while3A_1279 : i32
      %mul3A_1282 = arith.constant 512 : i32
      %mul3A_1283 = arith.muli %add3A_1281, %mul3A_1282 : i32
      %get3A_1284 = arith.index_cast %mul3A_1283 : i32 to index
      %get3A_1285 = arith.constant 0 : index
      %get3A_1286 = vector.load %arg8[%get3A_1284, %get3A_1285] : memref<4096x256xf32, #tpu.memory_space<vmem>>, vector<512x256xf32>
      %iota3A_1287 = tpu.iota {dimensions = array<i32: 0>} : vector<512x256xi32>
      %add3A_1288 = vector.broadcast %mul3A_1283 : i32 to vector<512x256xi32>
      %add3A_1289 = arith.addi %iota3A_1287, %add3A_1288 : vector<512x256xi32>
      %eq3A = vector.broadcast %broadcast_in_dim3A_877 : vector<1x256xf32> to vector<512x256xf32>
      %eq3A_1290 = arith.cmpf oeq, %get3A_1286, %eq3A : vector<512x256xf32>
      %jit3A_1291 = arith.constant 4096 : i32
      %broadcast_in_dim3A_1292 = vector.broadcast %jit3A_1291 : i32 to vector<512x256xi32>
      %select_n3A_1293 = arith.select %eq3A_1290, %add3A_1289, %broadcast_in_dim3A_1292 : vector<512x256xi1>, vector<512x256xi32>
      %reduce_min3A_1294 = arith.constant dense<2147483647> : vector<256xi32>
      %reduce_min3A_1295 = vector.multi_reduction <minsi>, %select_n3A_1293, %reduce_min3A_1294 [0] : vector<512x256xi32> to vector<256xi32>
      %broadcast_in_dim3A_1296 = vector.shape_cast %reduce_min3A_1295 : vector<256xi32> to vector<1x256xi32>
      %min3A = arith.minsi %while3A_1280, %broadcast_in_dim3A_1296 : vector<1x256xi32>
      scf.yield %min3A : vector<1x256xi32>
    }
    %swap3A_891 = arith.constant 21 : index
    %swap3A_892 = arith.constant 0 : index
    %swap3A_893 = vector.load %arg6[%swap3A_891, %swap3A_892] : memref<32x256xi32, #tpu.memory_space<vmem>>, vector<1x256xi32>
    tpu.vector_store %arg6[%swap3A_891, %swap3A_892], %while3A_890 {strides = array<i32>} : memref<32x256xi32, #tpu.memory_space<vmem>>, vector<1x256xi32>,
    %swap3A_894 = arith.constant 21 : index
    %swap3A_895 = arith.constant 0 : index
    %swap3A_896 = vector.load %arg7[%swap3A_894, %swap3A_895] : memref<32x256xf32, #tpu.memory_space<vmem>>, vector<1x256xf32>
    tpu.vector_store %arg7[%swap3A_894, %swap3A_895], %broadcast_in_dim3A_877 {strides = array<i32>} : memref<32x256xf32, #tpu.memory_space<vmem>>, vector<1x256xf32>,
    %while3A_897 = arith.constant 0 : i32
    %while3A_898 = arith.constant 0 : i32
    %while3A_899 = arith.subi %add3A_75, %while3A_897 : i32
    %while3A_900 = arith.addi %while3A_897, %while3A_899 : i32
    %while3A_901 = arith.constant 1 : i32
    %while3A_902 = arith.divsi %while3A_899, %while3A_901 : i32
    %while3A_903 = arith.muli %while3A_902, %while3A_901 : i32
    %while3A_904 = arith.addi %while3A_897, %while3A_903 : i32
    %while3A_905 = arith.constant 1 : i32
    %while3A_906 = scf.for %while3A_1279 = %while3A_897 to %while3A_904 step %while3A_905 iter_args(%while3A_1280 = %while3A_898) -> (i32)  : i32 {
      %add3A_1281 = arith.addi %select_n3A, %while3A_1279 : i32
      %mul3A_1282 = arith.constant 512 : i32
      %mul3A_1283 = arith.muli %add3A_1281, %mul3A_1282 : i32
      %get3A_1284 = arith.index_cast %mul3A_1283 : i32 to index
      %get3A_1285 = arith.constant 0 : index
      %get3A_1286 = vector.load %arg8[%get3A_1284, %get3A_1285] : memref<4096x256xf32, #tpu.memory_space<vmem>>, vector<512x256xf32>
      %iota3A_1287 = tpu.iota {dimensions = array<i32: 0>} : vector<512x256xi32>
      %add3A_1288 = vector.broadcast %mul3A_1283 : i32 to vector<512x256xi32>
      %add3A_1289 = arith.addi %iota3A_1287, %add3A_1288 : vector<512x256xi32>
      %eq3A = vector.broadcast %while3A_890 : vector<1x256xi32> to vector<512x256xi32>
      %eq3A_1290 = arith.cmpi eq, %add3A_1289, %eq3A : vector<512x256xi32>
      %jit3A_1291 = arith.constant 0x7F800000 : f32
      %broadcast_in_dim3A_1292 = vector.broadcast %jit3A_1291 : f32 to vector<512x256xf32>
      %select_n3A_1293 = arith.select %eq3A_1290, %broadcast_in_dim3A_1292, %get3A_1286 : vector<512x256xi1>, vector<512x256xf32>
      %swap3A_1294 = arith.index_cast %mul3A_1283 : i32 to index
      %swap3A_1295 = arith.constant 0 : index
      %swap3A_1296 = vector.load %arg8[%swap3A_1294, %swap3A_1295] : memref<4096x256xf32, #tpu.memory_space<vmem>>, vector<512x256xf32>
      tpu.vector_store %arg8[%swap3A_1294, %swap3A_1295], %select_n3A_1293 {strides = array<i32>} : memref<4096x256xf32, #tpu.memory_space<vmem>>, vector<512x256xf32>,
      %reduce_min3A_1297 = arith.constant dense<0x7F800000> : vector<256xf32>
      %reduce_min3A_1298 = vector.multi_reduction <minimumf>, %select_n3A_1293, %reduce_min3A_1297 [0] : vector<512x256xf32> to vector<256xf32>
      %broadcast_in_dim3A_1299 = vector.shape_cast %reduce_min3A_1298 : vector<256xf32> to vector<1x256xf32>
      %add3A_1300 = arith.addi %select_n3A, %while3A_1279 : i32
      %swap3A_1301 = arith.index_cast %add3A_1300 : i32 to index
      %swap3A_1302 = arith.constant 0 : index
      %swap3A_1303 = vector.load %arg9[%swap3A_1301, %swap3A_1302] : memref<8x256xf32, #tpu.memory_space<vmem>>, vector<1x256xf32>
      tpu.vector_store %arg9[%swap3A_1301, %swap3A_1302], %broadcast_in_dim3A_1299 {strides = array<i32>} : memref<8x256xf32, #tpu.memory_space<vmem>>, vector<1x256xf32>,
      %while3A_1304 = arith.constant 0 : i32
      scf.yield %while3A_1304 : i32
    }
    %while3A_907 = arith.constant 1 : i32
    %while3A_908 = scf.for %while3A_1279 = %while3A_904 to %while3A_900 step %while3A_907 iter_args(%while3A_1280 = %while3A_906) -> (i32)  : i32 {
      %add3A_1281 = arith.addi %select_n3A, %while3A_1279 : i32
      %mul3A_1282 = arith.constant 512 : i32
      %mul3A_1283 = arith.muli %add3A_1281, %mul3A_1282 : i32
      %get3A_1284 = arith.index_cast %mul3A_1283 : i32 to index
      %get3A_1285 = arith.constant 0 : index
      %get3A_1286 = vector.load %arg8[%get3A_1284, %get3A_1285] : memref<4096x256xf32, #tpu.memory_space<vmem>>, vector<512x256xf32>
      %iota3A_1287 = tpu.iota {dimensions = array<i32: 0>} : vector<512x256xi32>
      %add3A_1288 = vector.broadcast %mul3A_1283 : i32 to vector<512x256xi32>
      %add3A_1289 = arith.addi %iota3A_1287, %add3A_1288 : vector<512x256xi32>
      %eq3A = vector.broadcast %while3A_890 : vector<1x256xi32> to vector<512x256xi32>
      %eq3A_1290 = arith.cmpi eq, %add3A_1289, %eq3A : vector<512x256xi32>
      %jit3A_1291 = arith.constant 0x7F800000 : f32
      %broadcast_in_dim3A_1292 = vector.broadcast %jit3A_1291 : f32 to vector<512x256xf32>
      %select_n3A_1293 = arith.select %eq3A_1290, %broadcast_in_dim3A_1292, %get3A_1286 : vector<512x256xi1>, vector<512x256xf32>
      %swap3A_1294 = arith.index_cast %mul3A_1283 : i32 to index
      %swap3A_1295 = arith.constant 0 : index
      %swap3A_1296 = vector.load %arg8[%swap3A_1294, %swap3A_1295] : memref<4096x256xf32, #tpu.memory_space<vmem>>, vector<512x256xf32>
      tpu.vector_store %arg8[%swap3A_1294, %swap3A_1295], %select_n3A_1293 {strides = array<i32>} : memref<4096x256xf32, #tpu.memory_space<vmem>>, vector<512x256xf32>,
      %reduce_min3A_1297 = arith.constant dense<0x7F800000> : vector<256xf32>
      %reduce_min3A_1298 = vector.multi_reduction <minimumf>, %select_n3A_1293, %reduce_min3A_1297 [0] : vector<512x256xf32> to vector<256xf32>
      %broadcast_in_dim3A_1299 = vector.shape_cast %reduce_min3A_1298 : vector<256xf32> to vector<1x256xf32>
      %add3A_1300 = arith.addi %select_n3A, %while3A_1279 : i32
      %swap3A_1301 = arith.index_cast %add3A_1300 : i32 to index
      %swap3A_1302 = arith.constant 0 : index
      %swap3A_1303 = vector.load %arg9[%swap3A_1301, %swap3A_1302] : memref<8x256xf32, #tpu.memory_space<vmem>>, vector<1x256xf32>
      tpu.vector_store %arg9[%swap3A_1301, %swap3A_1302], %broadcast_in_dim3A_1299 {strides = array<i32>} : memref<8x256xf32, #tpu.memory_space<vmem>>, vector<1x256xf32>,
      %while3A_1304 = arith.constant 0 : i32
      scf.yield %while3A_1304 : i32
    }
    %get3A_909 = arith.constant 0 : index
    %get3A_910 = arith.constant 0 : index
    %get3A_911 = vector.load %arg9[%get3A_909, %get3A_910] : memref<8x256xf32, #tpu.memory_space<vmem>>, vector<8x256xf32>
    %reduce_min3A_912 = arith.constant dense<0x7F800000> : vector<256xf32>
    %reduce_min3A_913 = vector.multi_reduction <minimumf>, %get3A_911, %reduce_min3A_912 [0] : vector<8x256xf32> to vector<256xf32>
    %broadcast_in_dim3A_914 = vector.shape_cast %reduce_min3A_913 : vector<256xf32> to vector<1x256xf32>
    %broadcast_in_dim3A_915 = arith.constant 4096 : i32
    %broadcast_in_dim3A_916 = vector.broadcast %broadcast_in_dim3A_915 : i32 to vector<1x256xi32>
    %while3A_917 = arith.constant 0 : i32
    %while3A_918 = arith.subi %add3A_75, %while3A_917 : i32
    %while3A_919 = arith.addi %while3A_917, %while3A_918 : i32
    %while3A_920 = arith.constant 1 : i32
    %while3A_921 = arith.divsi %while3A_918, %while3A_920 : i32
    %while3A_922 = arith.muli %while3A_921, %while3A_920 : i32
    %while3A_923 = arith.addi %while3A_917, %while3A_922 : i32
    %while3A_924 = arith.constant 1 : i32
    %while3A_925 = scf.for %while3A_1279 = %while3A_917 to %while3A_923 step %while3A_924 iter_args(%while3A_1280 = %broadcast_in_dim3A_916) -> (vector<1x256xi32>)  : i32 {
      %add3A_1281 = arith.addi %select_n3A, %while3A_1279 : i32
      %mul3A_1282 = arith.constant 512 : i32
      %mul3A_1283 = arith.muli %add3A_1281, %mul3A_1282 : i32
      %get3A_1284 = arith.index_cast %mul3A_1283 : i32 to index
      %get3A_1285 = arith.constant 0 : index
      %get3A_1286 = vector.load %arg8[%get3A_1284, %get3A_1285] : memref<4096x256xf32, #tpu.memory_space<vmem>>, vector<512x256xf32>
      %iota3A_1287 = tpu.iota {dimensions = array<i32: 0>} : vector<512x256xi32>
      %add3A_1288 = vector.broadcast %mul3A_1283 : i32 to vector<512x256xi32>
      %add3A_1289 = arith.addi %iota3A_1287, %add3A_1288 : vector<512x256xi32>
      %eq3A = vector.broadcast %broadcast_in_dim3A_914 : vector<1x256xf32> to vector<512x256xf32>
      %eq3A_1290 = arith.cmpf oeq, %get3A_1286, %eq3A : vector<512x256xf32>
      %jit3A_1291 = arith.constant 4096 : i32
      %broadcast_in_dim3A_1292 = vector.broadcast %jit3A_1291 : i32 to vector<512x256xi32>
      %select_n3A_1293 = arith.select %eq3A_1290, %add3A_1289, %broadcast_in_dim3A_1292 : vector<512x256xi1>, vector<512x256xi32>
      %reduce_min3A_1294 = arith.constant dense<2147483647> : vector<256xi32>
      %reduce_min3A_1295 = vector.multi_reduction <minsi>, %select_n3A_1293, %reduce_min3A_1294 [0] : vector<512x256xi32> to vector<256xi32>
      %broadcast_in_dim3A_1296 = vector.shape_cast %reduce_min3A_1295 : vector<256xi32> to vector<1x256xi32>
      %min3A = arith.minsi %while3A_1280, %broadcast_in_dim3A_1296 : vector<1x256xi32>
      scf.yield %min3A : vector<1x256xi32>
    }
    %while3A_926 = arith.constant 1 : i32
    %while3A_927 = scf.for %while3A_1279 = %while3A_923 to %while3A_919 step %while3A_926 iter_args(%while3A_1280 = %while3A_925) -> (vector<1x256xi32>)  : i32 {
      %add3A_1281 = arith.addi %select_n3A, %while3A_1279 : i32
      %mul3A_1282 = arith.constant 512 : i32
      %mul3A_1283 = arith.muli %add3A_1281, %mul3A_1282 : i32
      %get3A_1284 = arith.index_cast %mul3A_1283 : i32 to index
      %get3A_1285 = arith.constant 0 : index
      %get3A_1286 = vector.load %arg8[%get3A_1284, %get3A_1285] : memref<4096x256xf32, #tpu.memory_space<vmem>>, vector<512x256xf32>
      %iota3A_1287 = tpu.iota {dimensions = array<i32: 0>} : vector<512x256xi32>
      %add3A_1288 = vector.broadcast %mul3A_1283 : i32 to vector<512x256xi32>
      %add3A_1289 = arith.addi %iota3A_1287, %add3A_1288 : vector<512x256xi32>
      %eq3A = vector.broadcast %broadcast_in_dim3A_914 : vector<1x256xf32> to vector<512x256xf32>
      %eq3A_1290 = arith.cmpf oeq, %get3A_1286, %eq3A : vector<512x256xf32>
      %jit3A_1291 = arith.constant 4096 : i32
      %broadcast_in_dim3A_1292 = vector.broadcast %jit3A_1291 : i32 to vector<512x256xi32>
      %select_n3A_1293 = arith.select %eq3A_1290, %add3A_1289, %broadcast_in_dim3A_1292 : vector<512x256xi1>, vector<512x256xi32>
      %reduce_min3A_1294 = arith.constant dense<2147483647> : vector<256xi32>
      %reduce_min3A_1295 = vector.multi_reduction <minsi>, %select_n3A_1293, %reduce_min3A_1294 [0] : vector<512x256xi32> to vector<256xi32>
      %broadcast_in_dim3A_1296 = vector.shape_cast %reduce_min3A_1295 : vector<256xi32> to vector<1x256xi32>
      %min3A = arith.minsi %while3A_1280, %broadcast_in_dim3A_1296 : vector<1x256xi32>
      scf.yield %min3A : vector<1x256xi32>
    }
    %swap3A_928 = arith.constant 22 : index
    %swap3A_929 = arith.constant 0 : index
    %swap3A_930 = vector.load %arg6[%swap3A_928, %swap3A_929] : memref<32x256xi32, #tpu.memory_space<vmem>>, vector<1x256xi32>
    tpu.vector_store %arg6[%swap3A_928, %swap3A_929], %while3A_927 {strides = array<i32>} : memref<32x256xi32, #tpu.memory_space<vmem>>, vector<1x256xi32>,
    %swap3A_931 = arith.constant 22 : index
    %swap3A_932 = arith.constant 0 : index
    %swap3A_933 = vector.load %arg7[%swap3A_931, %swap3A_932] : memref<32x256xf32, #tpu.memory_space<vmem>>, vector<1x256xf32>
    tpu.vector_store %arg7[%swap3A_931, %swap3A_932], %broadcast_in_dim3A_914 {strides = array<i32>} : memref<32x256xf32, #tpu.memory_space<vmem>>, vector<1x256xf32>,
    %while3A_934 = arith.constant 0 : i32
    %while3A_935 = arith.constant 0 : i32
    %while3A_936 = arith.subi %add3A_75, %while3A_934 : i32
    %while3A_937 = arith.addi %while3A_934, %while3A_936 : i32
    %while3A_938 = arith.constant 1 : i32
    %while3A_939 = arith.divsi %while3A_936, %while3A_938 : i32
    %while3A_940 = arith.muli %while3A_939, %while3A_938 : i32
    %while3A_941 = arith.addi %while3A_934, %while3A_940 : i32
    %while3A_942 = arith.constant 1 : i32
    %while3A_943 = scf.for %while3A_1279 = %while3A_934 to %while3A_941 step %while3A_942 iter_args(%while3A_1280 = %while3A_935) -> (i32)  : i32 {
      %add3A_1281 = arith.addi %select_n3A, %while3A_1279 : i32
      %mul3A_1282 = arith.constant 512 : i32
      %mul3A_1283 = arith.muli %add3A_1281, %mul3A_1282 : i32
      %get3A_1284 = arith.index_cast %mul3A_1283 : i32 to index
      %get3A_1285 = arith.constant 0 : index
      %get3A_1286 = vector.load %arg8[%get3A_1284, %get3A_1285] : memref<4096x256xf32, #tpu.memory_space<vmem>>, vector<512x256xf32>
      %iota3A_1287 = tpu.iota {dimensions = array<i32: 0>} : vector<512x256xi32>
      %add3A_1288 = vector.broadcast %mul3A_1283 : i32 to vector<512x256xi32>
      %add3A_1289 = arith.addi %iota3A_1287, %add3A_1288 : vector<512x256xi32>
      %eq3A = vector.broadcast %while3A_927 : vector<1x256xi32> to vector<512x256xi32>
      %eq3A_1290 = arith.cmpi eq, %add3A_1289, %eq3A : vector<512x256xi32>
      %jit3A_1291 = arith.constant 0x7F800000 : f32
      %broadcast_in_dim3A_1292 = vector.broadcast %jit3A_1291 : f32 to vector<512x256xf32>
      %select_n3A_1293 = arith.select %eq3A_1290, %broadcast_in_dim3A_1292, %get3A_1286 : vector<512x256xi1>, vector<512x256xf32>
      %swap3A_1294 = arith.index_cast %mul3A_1283 : i32 to index
      %swap3A_1295 = arith.constant 0 : index
      %swap3A_1296 = vector.load %arg8[%swap3A_1294, %swap3A_1295] : memref<4096x256xf32, #tpu.memory_space<vmem>>, vector<512x256xf32>
      tpu.vector_store %arg8[%swap3A_1294, %swap3A_1295], %select_n3A_1293 {strides = array<i32>} : memref<4096x256xf32, #tpu.memory_space<vmem>>, vector<512x256xf32>,
      %reduce_min3A_1297 = arith.constant dense<0x7F800000> : vector<256xf32>
      %reduce_min3A_1298 = vector.multi_reduction <minimumf>, %select_n3A_1293, %reduce_min3A_1297 [0] : vector<512x256xf32> to vector<256xf32>
      %broadcast_in_dim3A_1299 = vector.shape_cast %reduce_min3A_1298 : vector<256xf32> to vector<1x256xf32>
      %add3A_1300 = arith.addi %select_n3A, %while3A_1279 : i32
      %swap3A_1301 = arith.index_cast %add3A_1300 : i32 to index
      %swap3A_1302 = arith.constant 0 : index
      %swap3A_1303 = vector.load %arg9[%swap3A_1301, %swap3A_1302] : memref<8x256xf32, #tpu.memory_space<vmem>>, vector<1x256xf32>
      tpu.vector_store %arg9[%swap3A_1301, %swap3A_1302], %broadcast_in_dim3A_1299 {strides = array<i32>} : memref<8x256xf32, #tpu.memory_space<vmem>>, vector<1x256xf32>,
      %while3A_1304 = arith.constant 0 : i32
      scf.yield %while3A_1304 : i32
    }
    %while3A_944 = arith.constant 1 : i32
    %while3A_945 = scf.for %while3A_1279 = %while3A_941 to %while3A_937 step %while3A_944 iter_args(%while3A_1280 = %while3A_943) -> (i32)  : i32 {
      %add3A_1281 = arith.addi %select_n3A, %while3A_1279 : i32
      %mul3A_1282 = arith.constant 512 : i32
      %mul3A_1283 = arith.muli %add3A_1281, %mul3A_1282 : i32
      %get3A_1284 = arith.index_cast %mul3A_1283 : i32 to index
      %get3A_1285 = arith.constant 0 : index
      %get3A_1286 = vector.load %arg8[%get3A_1284, %get3A_1285] : memref<4096x256xf32, #tpu.memory_space<vmem>>, vector<512x256xf32>
      %iota3A_1287 = tpu.iota {dimensions = array<i32: 0>} : vector<512x256xi32>
      %add3A_1288 = vector.broadcast %mul3A_1283 : i32 to vector<512x256xi32>
      %add3A_1289 = arith.addi %iota3A_1287, %add3A_1288 : vector<512x256xi32>
      %eq3A = vector.broadcast %while3A_927 : vector<1x256xi32> to vector<512x256xi32>
      %eq3A_1290 = arith.cmpi eq, %add3A_1289, %eq3A : vector<512x256xi32>
      %jit3A_1291 = arith.constant 0x7F800000 : f32
      %broadcast_in_dim3A_1292 = vector.broadcast %jit3A_1291 : f32 to vector<512x256xf32>
      %select_n3A_1293 = arith.select %eq3A_1290, %broadcast_in_dim3A_1292, %get3A_1286 : vector<512x256xi1>, vector<512x256xf32>
      %swap3A_1294 = arith.index_cast %mul3A_1283 : i32 to index
      %swap3A_1295 = arith.constant 0 : index
      %swap3A_1296 = vector.load %arg8[%swap3A_1294, %swap3A_1295] : memref<4096x256xf32, #tpu.memory_space<vmem>>, vector<512x256xf32>
      tpu.vector_store %arg8[%swap3A_1294, %swap3A_1295], %select_n3A_1293 {strides = array<i32>} : memref<4096x256xf32, #tpu.memory_space<vmem>>, vector<512x256xf32>,
      %reduce_min3A_1297 = arith.constant dense<0x7F800000> : vector<256xf32>
      %reduce_min3A_1298 = vector.multi_reduction <minimumf>, %select_n3A_1293, %reduce_min3A_1297 [0] : vector<512x256xf32> to vector<256xf32>
      %broadcast_in_dim3A_1299 = vector.shape_cast %reduce_min3A_1298 : vector<256xf32> to vector<1x256xf32>
      %add3A_1300 = arith.addi %select_n3A, %while3A_1279 : i32
      %swap3A_1301 = arith.index_cast %add3A_1300 : i32 to index
      %swap3A_1302 = arith.constant 0 : index
      %swap3A_1303 = vector.load %arg9[%swap3A_1301, %swap3A_1302] : memref<8x256xf32, #tpu.memory_space<vmem>>, vector<1x256xf32>
      tpu.vector_store %arg9[%swap3A_1301, %swap3A_1302], %broadcast_in_dim3A_1299 {strides = array<i32>} : memref<8x256xf32, #tpu.memory_space<vmem>>, vector<1x256xf32>,
      %while3A_1304 = arith.constant 0 : i32
      scf.yield %while3A_1304 : i32
    }
    %get3A_946 = arith.constant 0 : index
    %get3A_947 = arith.constant 0 : index
    %get3A_948 = vector.load %arg9[%get3A_946, %get3A_947] : memref<8x256xf32, #tpu.memory_space<vmem>>, vector<8x256xf32>
    %reduce_min3A_949 = arith.constant dense<0x7F800000> : vector<256xf32>
    %reduce_min3A_950 = vector.multi_reduction <minimumf>, %get3A_948, %reduce_min3A_949 [0] : vector<8x256xf32> to vector<256xf32>
    %broadcast_in_dim3A_951 = vector.shape_cast %reduce_min3A_950 : vector<256xf32> to vector<1x256xf32>
    %broadcast_in_dim3A_952 = arith.constant 4096 : i32
    %broadcast_in_dim3A_953 = vector.broadcast %broadcast_in_dim3A_952 : i32 to vector<1x256xi32>
    %while3A_954 = arith.constant 0 : i32
    %while3A_955 = arith.subi %add3A_75, %while3A_954 : i32
    %while3A_956 = arith.addi %while3A_954, %while3A_955 : i32
    %while3A_957 = arith.constant 1 : i32
    %while3A_958 = arith.divsi %while3A_955, %while3A_957 : i32
    %while3A_959 = arith.muli %while3A_958, %while3A_957 : i32
    %while3A_960 = arith.addi %while3A_954, %while3A_959 : i32
    %while3A_961 = arith.constant 1 : i32
    %while3A_962 = scf.for %while3A_1279 = %while3A_954 to %while3A_960 step %while3A_961 iter_args(%while3A_1280 = %broadcast_in_dim3A_953) -> (vector<1x256xi32>)  : i32 {
      %add3A_1281 = arith.addi %select_n3A, %while3A_1279 : i32
      %mul3A_1282 = arith.constant 512 : i32
      %mul3A_1283 = arith.muli %add3A_1281, %mul3A_1282 : i32
      %get3A_1284 = arith.index_cast %mul3A_1283 : i32 to index
      %get3A_1285 = arith.constant 0 : index
      %get3A_1286 = vector.load %arg8[%get3A_1284, %get3A_1285] : memref<4096x256xf32, #tpu.memory_space<vmem>>, vector<512x256xf32>
      %iota3A_1287 = tpu.iota {dimensions = array<i32: 0>} : vector<512x256xi32>
      %add3A_1288 = vector.broadcast %mul3A_1283 : i32 to vector<512x256xi32>
      %add3A_1289 = arith.addi %iota3A_1287, %add3A_1288 : vector<512x256xi32>
      %eq3A = vector.broadcast %broadcast_in_dim3A_951 : vector<1x256xf32> to vector<512x256xf32>
      %eq3A_1290 = arith.cmpf oeq, %get3A_1286, %eq3A : vector<512x256xf32>
      %jit3A_1291 = arith.constant 4096 : i32
      %broadcast_in_dim3A_1292 = vector.broadcast %jit3A_1291 : i32 to vector<512x256xi32>
      %select_n3A_1293 = arith.select %eq3A_1290, %add3A_1289, %broadcast_in_dim3A_1292 : vector<512x256xi1>, vector<512x256xi32>
      %reduce_min3A_1294 = arith.constant dense<2147483647> : vector<256xi32>
      %reduce_min3A_1295 = vector.multi_reduction <minsi>, %select_n3A_1293, %reduce_min3A_1294 [0] : vector<512x256xi32> to vector<256xi32>
      %broadcast_in_dim3A_1296 = vector.shape_cast %reduce_min3A_1295 : vector<256xi32> to vector<1x256xi32>
      %min3A = arith.minsi %while3A_1280, %broadcast_in_dim3A_1296 : vector<1x256xi32>
      scf.yield %min3A : vector<1x256xi32>
    }
    %while3A_963 = arith.constant 1 : i32
    %while3A_964 = scf.for %while3A_1279 = %while3A_960 to %while3A_956 step %while3A_963 iter_args(%while3A_1280 = %while3A_962) -> (vector<1x256xi32>)  : i32 {
      %add3A_1281 = arith.addi %select_n3A, %while3A_1279 : i32
      %mul3A_1282 = arith.constant 512 : i32
      %mul3A_1283 = arith.muli %add3A_1281, %mul3A_1282 : i32
      %get3A_1284 = arith.index_cast %mul3A_1283 : i32 to index
      %get3A_1285 = arith.constant 0 : index
      %get3A_1286 = vector.load %arg8[%get3A_1284, %get3A_1285] : memref<4096x256xf32, #tpu.memory_space<vmem>>, vector<512x256xf32>
      %iota3A_1287 = tpu.iota {dimensions = array<i32: 0>} : vector<512x256xi32>
      %add3A_1288 = vector.broadcast %mul3A_1283 : i32 to vector<512x256xi32>
      %add3A_1289 = arith.addi %iota3A_1287, %add3A_1288 : vector<512x256xi32>
      %eq3A = vector.broadcast %broadcast_in_dim3A_951 : vector<1x256xf32> to vector<512x256xf32>
      %eq3A_1290 = arith.cmpf oeq, %get3A_1286, %eq3A : vector<512x256xf32>
      %jit3A_1291 = arith.constant 4096 : i32
      %broadcast_in_dim3A_1292 = vector.broadcast %jit3A_1291 : i32 to vector<512x256xi32>
      %select_n3A_1293 = arith.select %eq3A_1290, %add3A_1289, %broadcast_in_dim3A_1292 : vector<512x256xi1>, vector<512x256xi32>
      %reduce_min3A_1294 = arith.constant dense<2147483647> : vector<256xi32>
      %reduce_min3A_1295 = vector.multi_reduction <minsi>, %select_n3A_1293, %reduce_min3A_1294 [0] : vector<512x256xi32> to vector<256xi32>
      %broadcast_in_dim3A_1296 = vector.shape_cast %reduce_min3A_1295 : vector<256xi32> to vector<1x256xi32>
      %min3A = arith.minsi %while3A_1280, %broadcast_in_dim3A_1296 : vector<1x256xi32>
      scf.yield %min3A : vector<1x256xi32>
    }
    %swap3A_965 = arith.constant 23 : index
    %swap3A_966 = arith.constant 0 : index
    %swap3A_967 = vector.load %arg6[%swap3A_965, %swap3A_966] : memref<32x256xi32, #tpu.memory_space<vmem>>, vector<1x256xi32>
    tpu.vector_store %arg6[%swap3A_965, %swap3A_966], %while3A_964 {strides = array<i32>} : memref<32x256xi32, #tpu.memory_space<vmem>>, vector<1x256xi32>,
    %swap3A_968 = arith.constant 23 : index
    %swap3A_969 = arith.constant 0 : index
    %swap3A_970 = vector.load %arg7[%swap3A_968, %swap3A_969] : memref<32x256xf32, #tpu.memory_space<vmem>>, vector<1x256xf32>
    tpu.vector_store %arg7[%swap3A_968, %swap3A_969], %broadcast_in_dim3A_951 {strides = array<i32>} : memref<32x256xf32, #tpu.memory_space<vmem>>, vector<1x256xf32>,
    %while3A_971 = arith.constant 0 : i32
    %while3A_972 = arith.constant 0 : i32
    %while3A_973 = arith.subi %add3A_75, %while3A_971 : i32
    %while3A_974 = arith.addi %while3A_971, %while3A_973 : i32
    %while3A_975 = arith.constant 1 : i32
    %while3A_976 = arith.divsi %while3A_973, %while3A_975 : i32
    %while3A_977 = arith.muli %while3A_976, %while3A_975 : i32
    %while3A_978 = arith.addi %while3A_971, %while3A_977 : i32
    %while3A_979 = arith.constant 1 : i32
    %while3A_980 = scf.for %while3A_1279 = %while3A_971 to %while3A_978 step %while3A_979 iter_args(%while3A_1280 = %while3A_972) -> (i32)  : i32 {
      %add3A_1281 = arith.addi %select_n3A, %while3A_1279 : i32
      %mul3A_1282 = arith.constant 512 : i32
      %mul3A_1283 = arith.muli %add3A_1281, %mul3A_1282 : i32
      %get3A_1284 = arith.index_cast %mul3A_1283 : i32 to index
      %get3A_1285 = arith.constant 0 : index
      %get3A_1286 = vector.load %arg8[%get3A_1284, %get3A_1285] : memref<4096x256xf32, #tpu.memory_space<vmem>>, vector<512x256xf32>
      %iota3A_1287 = tpu.iota {dimensions = array<i32: 0>} : vector<512x256xi32>
      %add3A_1288 = vector.broadcast %mul3A_1283 : i32 to vector<512x256xi32>
      %add3A_1289 = arith.addi %iota3A_1287, %add3A_1288 : vector<512x256xi32>
      %eq3A = vector.broadcast %while3A_964 : vector<1x256xi32> to vector<512x256xi32>
      %eq3A_1290 = arith.cmpi eq, %add3A_1289, %eq3A : vector<512x256xi32>
      %jit3A_1291 = arith.constant 0x7F800000 : f32
      %broadcast_in_dim3A_1292 = vector.broadcast %jit3A_1291 : f32 to vector<512x256xf32>
      %select_n3A_1293 = arith.select %eq3A_1290, %broadcast_in_dim3A_1292, %get3A_1286 : vector<512x256xi1>, vector<512x256xf32>
      %swap3A_1294 = arith.index_cast %mul3A_1283 : i32 to index
      %swap3A_1295 = arith.constant 0 : index
      %swap3A_1296 = vector.load %arg8[%swap3A_1294, %swap3A_1295] : memref<4096x256xf32, #tpu.memory_space<vmem>>, vector<512x256xf32>
      tpu.vector_store %arg8[%swap3A_1294, %swap3A_1295], %select_n3A_1293 {strides = array<i32>} : memref<4096x256xf32, #tpu.memory_space<vmem>>, vector<512x256xf32>,
      %reduce_min3A_1297 = arith.constant dense<0x7F800000> : vector<256xf32>
      %reduce_min3A_1298 = vector.multi_reduction <minimumf>, %select_n3A_1293, %reduce_min3A_1297 [0] : vector<512x256xf32> to vector<256xf32>
      %broadcast_in_dim3A_1299 = vector.shape_cast %reduce_min3A_1298 : vector<256xf32> to vector<1x256xf32>
      %add3A_1300 = arith.addi %select_n3A, %while3A_1279 : i32
      %swap3A_1301 = arith.index_cast %add3A_1300 : i32 to index
      %swap3A_1302 = arith.constant 0 : index
      %swap3A_1303 = vector.load %arg9[%swap3A_1301, %swap3A_1302] : memref<8x256xf32, #tpu.memory_space<vmem>>, vector<1x256xf32>
      tpu.vector_store %arg9[%swap3A_1301, %swap3A_1302], %broadcast_in_dim3A_1299 {strides = array<i32>} : memref<8x256xf32, #tpu.memory_space<vmem>>, vector<1x256xf32>,
      %while3A_1304 = arith.constant 0 : i32
      scf.yield %while3A_1304 : i32
    }
    %while3A_981 = arith.constant 1 : i32
    %while3A_982 = scf.for %while3A_1279 = %while3A_978 to %while3A_974 step %while3A_981 iter_args(%while3A_1280 = %while3A_980) -> (i32)  : i32 {
      %add3A_1281 = arith.addi %select_n3A, %while3A_1279 : i32
      %mul3A_1282 = arith.constant 512 : i32
      %mul3A_1283 = arith.muli %add3A_1281, %mul3A_1282 : i32
      %get3A_1284 = arith.index_cast %mul3A_1283 : i32 to index
      %get3A_1285 = arith.constant 0 : index
      %get3A_1286 = vector.load %arg8[%get3A_1284, %get3A_1285] : memref<4096x256xf32, #tpu.memory_space<vmem>>, vector<512x256xf32>
      %iota3A_1287 = tpu.iota {dimensions = array<i32: 0>} : vector<512x256xi32>
      %add3A_1288 = vector.broadcast %mul3A_1283 : i32 to vector<512x256xi32>
      %add3A_1289 = arith.addi %iota3A_1287, %add3A_1288 : vector<512x256xi32>
      %eq3A = vector.broadcast %while3A_964 : vector<1x256xi32> to vector<512x256xi32>
      %eq3A_1290 = arith.cmpi eq, %add3A_1289, %eq3A : vector<512x256xi32>
      %jit3A_1291 = arith.constant 0x7F800000 : f32
      %broadcast_in_dim3A_1292 = vector.broadcast %jit3A_1291 : f32 to vector<512x256xf32>
      %select_n3A_1293 = arith.select %eq3A_1290, %broadcast_in_dim3A_1292, %get3A_1286 : vector<512x256xi1>, vector<512x256xf32>
      %swap3A_1294 = arith.index_cast %mul3A_1283 : i32 to index
      %swap3A_1295 = arith.constant 0 : index
      %swap3A_1296 = vector.load %arg8[%swap3A_1294, %swap3A_1295] : memref<4096x256xf32, #tpu.memory_space<vmem>>, vector<512x256xf32>
      tpu.vector_store %arg8[%swap3A_1294, %swap3A_1295], %select_n3A_1293 {strides = array<i32>} : memref<4096x256xf32, #tpu.memory_space<vmem>>, vector<512x256xf32>,
      %reduce_min3A_1297 = arith.constant dense<0x7F800000> : vector<256xf32>
      %reduce_min3A_1298 = vector.multi_reduction <minimumf>, %select_n3A_1293, %reduce_min3A_1297 [0] : vector<512x256xf32> to vector<256xf32>
      %broadcast_in_dim3A_1299 = vector.shape_cast %reduce_min3A_1298 : vector<256xf32> to vector<1x256xf32>
      %add3A_1300 = arith.addi %select_n3A, %while3A_1279 : i32
      %swap3A_1301 = arith.index_cast %add3A_1300 : i32 to index
      %swap3A_1302 = arith.constant 0 : index
      %swap3A_1303 = vector.load %arg9[%swap3A_1301, %swap3A_1302] : memref<8x256xf32, #tpu.memory_space<vmem>>, vector<1x256xf32>
      tpu.vector_store %arg9[%swap3A_1301, %swap3A_1302], %broadcast_in_dim3A_1299 {strides = array<i32>} : memref<8x256xf32, #tpu.memory_space<vmem>>, vector<1x256xf32>,
      %while3A_1304 = arith.constant 0 : i32
      scf.yield %while3A_1304 : i32
    }
    %get3A_983 = arith.constant 0 : index
    %get3A_984 = arith.constant 0 : index
    %get3A_985 = vector.load %arg9[%get3A_983, %get3A_984] : memref<8x256xf32, #tpu.memory_space<vmem>>, vector<8x256xf32>
    %reduce_min3A_986 = arith.constant dense<0x7F800000> : vector<256xf32>
    %reduce_min3A_987 = vector.multi_reduction <minimumf>, %get3A_985, %reduce_min3A_986 [0] : vector<8x256xf32> to vector<256xf32>
    %broadcast_in_dim3A_988 = vector.shape_cast %reduce_min3A_987 : vector<256xf32> to vector<1x256xf32>
    %broadcast_in_dim3A_989 = arith.constant 4096 : i32
    %broadcast_in_dim3A_990 = vector.broadcast %broadcast_in_dim3A_989 : i32 to vector<1x256xi32>
    %while3A_991 = arith.constant 0 : i32
    %while3A_992 = arith.subi %add3A_75, %while3A_991 : i32
    %while3A_993 = arith.addi %while3A_991, %while3A_992 : i32
    %while3A_994 = arith.constant 1 : i32
    %while3A_995 = arith.divsi %while3A_992, %while3A_994 : i32
    %while3A_996 = arith.muli %while3A_995, %while3A_994 : i32
    %while3A_997 = arith.addi %while3A_991, %while3A_996 : i32
    %while3A_998 = arith.constant 1 : i32
    %while3A_999 = scf.for %while3A_1279 = %while3A_991 to %while3A_997 step %while3A_998 iter_args(%while3A_1280 = %broadcast_in_dim3A_990) -> (vector<1x256xi32>)  : i32 {
      %add3A_1281 = arith.addi %select_n3A, %while3A_1279 : i32
      %mul3A_1282 = arith.constant 512 : i32
      %mul3A_1283 = arith.muli %add3A_1281, %mul3A_1282 : i32
      %get3A_1284 = arith.index_cast %mul3A_1283 : i32 to index
      %get3A_1285 = arith.constant 0 : index
      %get3A_1286 = vector.load %arg8[%get3A_1284, %get3A_1285] : memref<4096x256xf32, #tpu.memory_space<vmem>>, vector<512x256xf32>
      %iota3A_1287 = tpu.iota {dimensions = array<i32: 0>} : vector<512x256xi32>
      %add3A_1288 = vector.broadcast %mul3A_1283 : i32 to vector<512x256xi32>
      %add3A_1289 = arith.addi %iota3A_1287, %add3A_1288 : vector<512x256xi32>
      %eq3A = vector.broadcast %broadcast_in_dim3A_988 : vector<1x256xf32> to vector<512x256xf32>
      %eq3A_1290 = arith.cmpf oeq, %get3A_1286, %eq3A : vector<512x256xf32>
      %jit3A_1291 = arith.constant 4096 : i32
      %broadcast_in_dim3A_1292 = vector.broadcast %jit3A_1291 : i32 to vector<512x256xi32>
      %select_n3A_1293 = arith.select %eq3A_1290, %add3A_1289, %broadcast_in_dim3A_1292 : vector<512x256xi1>, vector<512x256xi32>
      %reduce_min3A_1294 = arith.constant dense<2147483647> : vector<256xi32>
      %reduce_min3A_1295 = vector.multi_reduction <minsi>, %select_n3A_1293, %reduce_min3A_1294 [0] : vector<512x256xi32> to vector<256xi32>
      %broadcast_in_dim3A_1296 = vector.shape_cast %reduce_min3A_1295 : vector<256xi32> to vector<1x256xi32>
      %min3A = arith.minsi %while3A_1280, %broadcast_in_dim3A_1296 : vector<1x256xi32>
      scf.yield %min3A : vector<1x256xi32>
    }
    %while3A_1000 = arith.constant 1 : i32
    %while3A_1001 = scf.for %while3A_1279 = %while3A_997 to %while3A_993 step %while3A_1000 iter_args(%while3A_1280 = %while3A_999) -> (vector<1x256xi32>)  : i32 {
      %add3A_1281 = arith.addi %select_n3A, %while3A_1279 : i32
      %mul3A_1282 = arith.constant 512 : i32
      %mul3A_1283 = arith.muli %add3A_1281, %mul3A_1282 : i32
      %get3A_1284 = arith.index_cast %mul3A_1283 : i32 to index
      %get3A_1285 = arith.constant 0 : index
      %get3A_1286 = vector.load %arg8[%get3A_1284, %get3A_1285] : memref<4096x256xf32, #tpu.memory_space<vmem>>, vector<512x256xf32>
      %iota3A_1287 = tpu.iota {dimensions = array<i32: 0>} : vector<512x256xi32>
      %add3A_1288 = vector.broadcast %mul3A_1283 : i32 to vector<512x256xi32>
      %add3A_1289 = arith.addi %iota3A_1287, %add3A_1288 : vector<512x256xi32>
      %eq3A = vector.broadcast %broadcast_in_dim3A_988 : vector<1x256xf32> to vector<512x256xf32>
      %eq3A_1290 = arith.cmpf oeq, %get3A_1286, %eq3A : vector<512x256xf32>
      %jit3A_1291 = arith.constant 4096 : i32
      %broadcast_in_dim3A_1292 = vector.broadcast %jit3A_1291 : i32 to vector<512x256xi32>
      %select_n3A_1293 = arith.select %eq3A_1290, %add3A_1289, %broadcast_in_dim3A_1292 : vector<512x256xi1>, vector<512x256xi32>
      %reduce_min3A_1294 = arith.constant dense<2147483647> : vector<256xi32>
      %reduce_min3A_1295 = vector.multi_reduction <minsi>, %select_n3A_1293, %reduce_min3A_1294 [0] : vector<512x256xi32> to vector<256xi32>
      %broadcast_in_dim3A_1296 = vector.shape_cast %reduce_min3A_1295 : vector<256xi32> to vector<1x256xi32>
      %min3A = arith.minsi %while3A_1280, %broadcast_in_dim3A_1296 : vector<1x256xi32>
      scf.yield %min3A : vector<1x256xi32>
    }
    %swap3A_1002 = arith.constant 24 : index
    %swap3A_1003 = arith.constant 0 : index
    %swap3A_1004 = vector.load %arg6[%swap3A_1002, %swap3A_1003] : memref<32x256xi32, #tpu.memory_space<vmem>>, vector<1x256xi32>
    tpu.vector_store %arg6[%swap3A_1002, %swap3A_1003], %while3A_1001 {strides = array<i32>} : memref<32x256xi32, #tpu.memory_space<vmem>>, vector<1x256xi32>,
    %swap3A_1005 = arith.constant 24 : index
    %swap3A_1006 = arith.constant 0 : index
    %swap3A_1007 = vector.load %arg7[%swap3A_1005, %swap3A_1006] : memref<32x256xf32, #tpu.memory_space<vmem>>, vector<1x256xf32>
    tpu.vector_store %arg7[%swap3A_1005, %swap3A_1006], %broadcast_in_dim3A_988 {strides = array<i32>} : memref<32x256xf32, #tpu.memory_space<vmem>>, vector<1x256xf32>,
    %while3A_1008 = arith.constant 0 : i32
    %while3A_1009 = arith.constant 0 : i32
    %while3A_1010 = arith.subi %add3A_75, %while3A_1008 : i32
    %while3A_1011 = arith.addi %while3A_1008, %while3A_1010 : i32
    %while3A_1012 = arith.constant 1 : i32
    %while3A_1013 = arith.divsi %while3A_1010, %while3A_1012 : i32
    %while3A_1014 = arith.muli %while3A_1013, %while3A_1012 : i32
    %while3A_1015 = arith.addi %while3A_1008, %while3A_1014 : i32
    %while3A_1016 = arith.constant 1 : i32
    %while3A_1017 = scf.for %while3A_1279 = %while3A_1008 to %while3A_1015 step %while3A_1016 iter_args(%while3A_1280 = %while3A_1009) -> (i32)  : i32 {
      %add3A_1281 = arith.addi %select_n3A, %while3A_1279 : i32
      %mul3A_1282 = arith.constant 512 : i32
      %mul3A_1283 = arith.muli %add3A_1281, %mul3A_1282 : i32
      %get3A_1284 = arith.index_cast %mul3A_1283 : i32 to index
      %get3A_1285 = arith.constant 0 : index
      %get3A_1286 = vector.load %arg8[%get3A_1284, %get3A_1285] : memref<4096x256xf32, #tpu.memory_space<vmem>>, vector<512x256xf32>
      %iota3A_1287 = tpu.iota {dimensions = array<i32: 0>} : vector<512x256xi32>
      %add3A_1288 = vector.broadcast %mul3A_1283 : i32 to vector<512x256xi32>
      %add3A_1289 = arith.addi %iota3A_1287, %add3A_1288 : vector<512x256xi32>
      %eq3A = vector.broadcast %while3A_1001 : vector<1x256xi32> to vector<512x256xi32>
      %eq3A_1290 = arith.cmpi eq, %add3A_1289, %eq3A : vector<512x256xi32>
      %jit3A_1291 = arith.constant 0x7F800000 : f32
      %broadcast_in_dim3A_1292 = vector.broadcast %jit3A_1291 : f32 to vector<512x256xf32>
      %select_n3A_1293 = arith.select %eq3A_1290, %broadcast_in_dim3A_1292, %get3A_1286 : vector<512x256xi1>, vector<512x256xf32>
      %swap3A_1294 = arith.index_cast %mul3A_1283 : i32 to index
      %swap3A_1295 = arith.constant 0 : index
      %swap3A_1296 = vector.load %arg8[%swap3A_1294, %swap3A_1295] : memref<4096x256xf32, #tpu.memory_space<vmem>>, vector<512x256xf32>
      tpu.vector_store %arg8[%swap3A_1294, %swap3A_1295], %select_n3A_1293 {strides = array<i32>} : memref<4096x256xf32, #tpu.memory_space<vmem>>, vector<512x256xf32>,
      %reduce_min3A_1297 = arith.constant dense<0x7F800000> : vector<256xf32>
      %reduce_min3A_1298 = vector.multi_reduction <minimumf>, %select_n3A_1293, %reduce_min3A_1297 [0] : vector<512x256xf32> to vector<256xf32>
      %broadcast_in_dim3A_1299 = vector.shape_cast %reduce_min3A_1298 : vector<256xf32> to vector<1x256xf32>
      %add3A_1300 = arith.addi %select_n3A, %while3A_1279 : i32
      %swap3A_1301 = arith.index_cast %add3A_1300 : i32 to index
      %swap3A_1302 = arith.constant 0 : index
      %swap3A_1303 = vector.load %arg9[%swap3A_1301, %swap3A_1302] : memref<8x256xf32, #tpu.memory_space<vmem>>, vector<1x256xf32>
      tpu.vector_store %arg9[%swap3A_1301, %swap3A_1302], %broadcast_in_dim3A_1299 {strides = array<i32>} : memref<8x256xf32, #tpu.memory_space<vmem>>, vector<1x256xf32>,
      %while3A_1304 = arith.constant 0 : i32
      scf.yield %while3A_1304 : i32
    }
    %while3A_1018 = arith.constant 1 : i32
    %while3A_1019 = scf.for %while3A_1279 = %while3A_1015 to %while3A_1011 step %while3A_1018 iter_args(%while3A_1280 = %while3A_1017) -> (i32)  : i32 {
      %add3A_1281 = arith.addi %select_n3A, %while3A_1279 : i32
      %mul3A_1282 = arith.constant 512 : i32
      %mul3A_1283 = arith.muli %add3A_1281, %mul3A_1282 : i32
      %get3A_1284 = arith.index_cast %mul3A_1283 : i32 to index
      %get3A_1285 = arith.constant 0 : index
      %get3A_1286 = vector.load %arg8[%get3A_1284, %get3A_1285] : memref<4096x256xf32, #tpu.memory_space<vmem>>, vector<512x256xf32>
      %iota3A_1287 = tpu.iota {dimensions = array<i32: 0>} : vector<512x256xi32>
      %add3A_1288 = vector.broadcast %mul3A_1283 : i32 to vector<512x256xi32>
      %add3A_1289 = arith.addi %iota3A_1287, %add3A_1288 : vector<512x256xi32>
      %eq3A = vector.broadcast %while3A_1001 : vector<1x256xi32> to vector<512x256xi32>
      %eq3A_1290 = arith.cmpi eq, %add3A_1289, %eq3A : vector<512x256xi32>
      %jit3A_1291 = arith.constant 0x7F800000 : f32
      %broadcast_in_dim3A_1292 = vector.broadcast %jit3A_1291 : f32 to vector<512x256xf32>
      %select_n3A_1293 = arith.select %eq3A_1290, %broadcast_in_dim3A_1292, %get3A_1286 : vector<512x256xi1>, vector<512x256xf32>
      %swap3A_1294 = arith.index_cast %mul3A_1283 : i32 to index
      %swap3A_1295 = arith.constant 0 : index
      %swap3A_1296 = vector.load %arg8[%swap3A_1294, %swap3A_1295] : memref<4096x256xf32, #tpu.memory_space<vmem>>, vector<512x256xf32>
      tpu.vector_store %arg8[%swap3A_1294, %swap3A_1295], %select_n3A_1293 {strides = array<i32>} : memref<4096x256xf32, #tpu.memory_space<vmem>>, vector<512x256xf32>,
      %reduce_min3A_1297 = arith.constant dense<0x7F800000> : vector<256xf32>
      %reduce_min3A_1298 = vector.multi_reduction <minimumf>, %select_n3A_1293, %reduce_min3A_1297 [0] : vector<512x256xf32> to vector<256xf32>
      %broadcast_in_dim3A_1299 = vector.shape_cast %reduce_min3A_1298 : vector<256xf32> to vector<1x256xf32>
      %add3A_1300 = arith.addi %select_n3A, %while3A_1279 : i32
      %swap3A_1301 = arith.index_cast %add3A_1300 : i32 to index
      %swap3A_1302 = arith.constant 0 : index
      %swap3A_1303 = vector.load %arg9[%swap3A_1301, %swap3A_1302] : memref<8x256xf32, #tpu.memory_space<vmem>>, vector<1x256xf32>
      tpu.vector_store %arg9[%swap3A_1301, %swap3A_1302], %broadcast_in_dim3A_1299 {strides = array<i32>} : memref<8x256xf32, #tpu.memory_space<vmem>>, vector<1x256xf32>,
      %while3A_1304 = arith.constant 0 : i32
      scf.yield %while3A_1304 : i32
    }
    %get3A_1020 = arith.constant 0 : index
    %get3A_1021 = arith.constant 0 : index
    %get3A_1022 = vector.load %arg9[%get3A_1020, %get3A_1021] : memref<8x256xf32, #tpu.memory_space<vmem>>, vector<8x256xf32>
    %reduce_min3A_1023 = arith.constant dense<0x7F800000> : vector<256xf32>
    %reduce_min3A_1024 = vector.multi_reduction <minimumf>, %get3A_1022, %reduce_min3A_1023 [0] : vector<8x256xf32> to vector<256xf32>
    %broadcast_in_dim3A_1025 = vector.shape_cast %reduce_min3A_1024 : vector<256xf32> to vector<1x256xf32>
    %broadcast_in_dim3A_1026 = arith.constant 4096 : i32
    %broadcast_in_dim3A_1027 = vector.broadcast %broadcast_in_dim3A_1026 : i32 to vector<1x256xi32>
    %while3A_1028 = arith.constant 0 : i32
    %while3A_1029 = arith.subi %add3A_75, %while3A_1028 : i32
    %while3A_1030 = arith.addi %while3A_1028, %while3A_1029 : i32
    %while3A_1031 = arith.constant 1 : i32
    %while3A_1032 = arith.divsi %while3A_1029, %while3A_1031 : i32
    %while3A_1033 = arith.muli %while3A_1032, %while3A_1031 : i32
    %while3A_1034 = arith.addi %while3A_1028, %while3A_1033 : i32
    %while3A_1035 = arith.constant 1 : i32
    %while3A_1036 = scf.for %while3A_1279 = %while3A_1028 to %while3A_1034 step %while3A_1035 iter_args(%while3A_1280 = %broadcast_in_dim3A_1027) -> (vector<1x256xi32>)  : i32 {
      %add3A_1281 = arith.addi %select_n3A, %while3A_1279 : i32
      %mul3A_1282 = arith.constant 512 : i32
      %mul3A_1283 = arith.muli %add3A_1281, %mul3A_1282 : i32
      %get3A_1284 = arith.index_cast %mul3A_1283 : i32 to index
      %get3A_1285 = arith.constant 0 : index
      %get3A_1286 = vector.load %arg8[%get3A_1284, %get3A_1285] : memref<4096x256xf32, #tpu.memory_space<vmem>>, vector<512x256xf32>
      %iota3A_1287 = tpu.iota {dimensions = array<i32: 0>} : vector<512x256xi32>
      %add3A_1288 = vector.broadcast %mul3A_1283 : i32 to vector<512x256xi32>
      %add3A_1289 = arith.addi %iota3A_1287, %add3A_1288 : vector<512x256xi32>
      %eq3A = vector.broadcast %broadcast_in_dim3A_1025 : vector<1x256xf32> to vector<512x256xf32>
      %eq3A_1290 = arith.cmpf oeq, %get3A_1286, %eq3A : vector<512x256xf32>
      %jit3A_1291 = arith.constant 4096 : i32
      %broadcast_in_dim3A_1292 = vector.broadcast %jit3A_1291 : i32 to vector<512x256xi32>
      %select_n3A_1293 = arith.select %eq3A_1290, %add3A_1289, %broadcast_in_dim3A_1292 : vector<512x256xi1>, vector<512x256xi32>
      %reduce_min3A_1294 = arith.constant dense<2147483647> : vector<256xi32>
      %reduce_min3A_1295 = vector.multi_reduction <minsi>, %select_n3A_1293, %reduce_min3A_1294 [0] : vector<512x256xi32> to vector<256xi32>
      %broadcast_in_dim3A_1296 = vector.shape_cast %reduce_min3A_1295 : vector<256xi32> to vector<1x256xi32>
      %min3A = arith.minsi %while3A_1280, %broadcast_in_dim3A_1296 : vector<1x256xi32>
      scf.yield %min3A : vector<1x256xi32>
    }
    %while3A_1037 = arith.constant 1 : i32
    %while3A_1038 = scf.for %while3A_1279 = %while3A_1034 to %while3A_1030 step %while3A_1037 iter_args(%while3A_1280 = %while3A_1036) -> (vector<1x256xi32>)  : i32 {
      %add3A_1281 = arith.addi %select_n3A, %while3A_1279 : i32
      %mul3A_1282 = arith.constant 512 : i32
      %mul3A_1283 = arith.muli %add3A_1281, %mul3A_1282 : i32
      %get3A_1284 = arith.index_cast %mul3A_1283 : i32 to index
      %get3A_1285 = arith.constant 0 : index
      %get3A_1286 = vector.load %arg8[%get3A_1284, %get3A_1285] : memref<4096x256xf32, #tpu.memory_space<vmem>>, vector<512x256xf32>
      %iota3A_1287 = tpu.iota {dimensions = array<i32: 0>} : vector<512x256xi32>
      %add3A_1288 = vector.broadcast %mul3A_1283 : i32 to vector<512x256xi32>
      %add3A_1289 = arith.addi %iota3A_1287, %add3A_1288 : vector<512x256xi32>
      %eq3A = vector.broadcast %broadcast_in_dim3A_1025 : vector<1x256xf32> to vector<512x256xf32>
      %eq3A_1290 = arith.cmpf oeq, %get3A_1286, %eq3A : vector<512x256xf32>
      %jit3A_1291 = arith.constant 4096 : i32
      %broadcast_in_dim3A_1292 = vector.broadcast %jit3A_1291 : i32 to vector<512x256xi32>
      %select_n3A_1293 = arith.select %eq3A_1290, %add3A_1289, %broadcast_in_dim3A_1292 : vector<512x256xi1>, vector<512x256xi32>
      %reduce_min3A_1294 = arith.constant dense<2147483647> : vector<256xi32>
      %reduce_min3A_1295 = vector.multi_reduction <minsi>, %select_n3A_1293, %reduce_min3A_1294 [0] : vector<512x256xi32> to vector<256xi32>
      %broadcast_in_dim3A_1296 = vector.shape_cast %reduce_min3A_1295 : vector<256xi32> to vector<1x256xi32>
      %min3A = arith.minsi %while3A_1280, %broadcast_in_dim3A_1296 : vector<1x256xi32>
      scf.yield %min3A : vector<1x256xi32>
    }
    %swap3A_1039 = arith.constant 25 : index
    %swap3A_1040 = arith.constant 0 : index
    %swap3A_1041 = vector.load %arg6[%swap3A_1039, %swap3A_1040] : memref<32x256xi32, #tpu.memory_space<vmem>>, vector<1x256xi32>
    tpu.vector_store %arg6[%swap3A_1039, %swap3A_1040], %while3A_1038 {strides = array<i32>} : memref<32x256xi32, #tpu.memory_space<vmem>>, vector<1x256xi32>,
    %swap3A_1042 = arith.constant 25 : index
    %swap3A_1043 = arith.constant 0 : index
    %swap3A_1044 = vector.load %arg7[%swap3A_1042, %swap3A_1043] : memref<32x256xf32, #tpu.memory_space<vmem>>, vector<1x256xf32>
    tpu.vector_store %arg7[%swap3A_1042, %swap3A_1043], %broadcast_in_dim3A_1025 {strides = array<i32>} : memref<32x256xf32, #tpu.memory_space<vmem>>, vector<1x256xf32>,
    %while3A_1045 = arith.constant 0 : i32
    %while3A_1046 = arith.constant 0 : i32
    %while3A_1047 = arith.subi %add3A_75, %while3A_1045 : i32
    %while3A_1048 = arith.addi %while3A_1045, %while3A_1047 : i32
    %while3A_1049 = arith.constant 1 : i32
    %while3A_1050 = arith.divsi %while3A_1047, %while3A_1049 : i32
    %while3A_1051 = arith.muli %while3A_1050, %while3A_1049 : i32
    %while3A_1052 = arith.addi %while3A_1045, %while3A_1051 : i32
    %while3A_1053 = arith.constant 1 : i32
    %while3A_1054 = scf.for %while3A_1279 = %while3A_1045 to %while3A_1052 step %while3A_1053 iter_args(%while3A_1280 = %while3A_1046) -> (i32)  : i32 {
      %add3A_1281 = arith.addi %select_n3A, %while3A_1279 : i32
      %mul3A_1282 = arith.constant 512 : i32
      %mul3A_1283 = arith.muli %add3A_1281, %mul3A_1282 : i32
      %get3A_1284 = arith.index_cast %mul3A_1283 : i32 to index
      %get3A_1285 = arith.constant 0 : index
      %get3A_1286 = vector.load %arg8[%get3A_1284, %get3A_1285] : memref<4096x256xf32, #tpu.memory_space<vmem>>, vector<512x256xf32>
      %iota3A_1287 = tpu.iota {dimensions = array<i32: 0>} : vector<512x256xi32>
      %add3A_1288 = vector.broadcast %mul3A_1283 : i32 to vector<512x256xi32>
      %add3A_1289 = arith.addi %iota3A_1287, %add3A_1288 : vector<512x256xi32>
      %eq3A = vector.broadcast %while3A_1038 : vector<1x256xi32> to vector<512x256xi32>
      %eq3A_1290 = arith.cmpi eq, %add3A_1289, %eq3A : vector<512x256xi32>
      %jit3A_1291 = arith.constant 0x7F800000 : f32
      %broadcast_in_dim3A_1292 = vector.broadcast %jit3A_1291 : f32 to vector<512x256xf32>
      %select_n3A_1293 = arith.select %eq3A_1290, %broadcast_in_dim3A_1292, %get3A_1286 : vector<512x256xi1>, vector<512x256xf32>
      %swap3A_1294 = arith.index_cast %mul3A_1283 : i32 to index
      %swap3A_1295 = arith.constant 0 : index
      %swap3A_1296 = vector.load %arg8[%swap3A_1294, %swap3A_1295] : memref<4096x256xf32, #tpu.memory_space<vmem>>, vector<512x256xf32>
      tpu.vector_store %arg8[%swap3A_1294, %swap3A_1295], %select_n3A_1293 {strides = array<i32>} : memref<4096x256xf32, #tpu.memory_space<vmem>>, vector<512x256xf32>,
      %reduce_min3A_1297 = arith.constant dense<0x7F800000> : vector<256xf32>
      %reduce_min3A_1298 = vector.multi_reduction <minimumf>, %select_n3A_1293, %reduce_min3A_1297 [0] : vector<512x256xf32> to vector<256xf32>
      %broadcast_in_dim3A_1299 = vector.shape_cast %reduce_min3A_1298 : vector<256xf32> to vector<1x256xf32>
      %add3A_1300 = arith.addi %select_n3A, %while3A_1279 : i32
      %swap3A_1301 = arith.index_cast %add3A_1300 : i32 to index
      %swap3A_1302 = arith.constant 0 : index
      %swap3A_1303 = vector.load %arg9[%swap3A_1301, %swap3A_1302] : memref<8x256xf32, #tpu.memory_space<vmem>>, vector<1x256xf32>
      tpu.vector_store %arg9[%swap3A_1301, %swap3A_1302], %broadcast_in_dim3A_1299 {strides = array<i32>} : memref<8x256xf32, #tpu.memory_space<vmem>>, vector<1x256xf32>,
      %while3A_1304 = arith.constant 0 : i32
      scf.yield %while3A_1304 : i32
    }
    %while3A_1055 = arith.constant 1 : i32
    %while3A_1056 = scf.for %while3A_1279 = %while3A_1052 to %while3A_1048 step %while3A_1055 iter_args(%while3A_1280 = %while3A_1054) -> (i32)  : i32 {
      %add3A_1281 = arith.addi %select_n3A, %while3A_1279 : i32
      %mul3A_1282 = arith.constant 512 : i32
      %mul3A_1283 = arith.muli %add3A_1281, %mul3A_1282 : i32
      %get3A_1284 = arith.index_cast %mul3A_1283 : i32 to index
      %get3A_1285 = arith.constant 0 : index
      %get3A_1286 = vector.load %arg8[%get3A_1284, %get3A_1285] : memref<4096x256xf32, #tpu.memory_space<vmem>>, vector<512x256xf32>
      %iota3A_1287 = tpu.iota {dimensions = array<i32: 0>} : vector<512x256xi32>
      %add3A_1288 = vector.broadcast %mul3A_1283 : i32 to vector<512x256xi32>
      %add3A_1289 = arith.addi %iota3A_1287, %add3A_1288 : vector<512x256xi32>
      %eq3A = vector.broadcast %while3A_1038 : vector<1x256xi32> to vector<512x256xi32>
      %eq3A_1290 = arith.cmpi eq, %add3A_1289, %eq3A : vector<512x256xi32>
      %jit3A_1291 = arith.constant 0x7F800000 : f32
      %broadcast_in_dim3A_1292 = vector.broadcast %jit3A_1291 : f32 to vector<512x256xf32>
      %select_n3A_1293 = arith.select %eq3A_1290, %broadcast_in_dim3A_1292, %get3A_1286 : vector<512x256xi1>, vector<512x256xf32>
      %swap3A_1294 = arith.index_cast %mul3A_1283 : i32 to index
      %swap3A_1295 = arith.constant 0 : index
      %swap3A_1296 = vector.load %arg8[%swap3A_1294, %swap3A_1295] : memref<4096x256xf32, #tpu.memory_space<vmem>>, vector<512x256xf32>
      tpu.vector_store %arg8[%swap3A_1294, %swap3A_1295], %select_n3A_1293 {strides = array<i32>} : memref<4096x256xf32, #tpu.memory_space<vmem>>, vector<512x256xf32>,
      %reduce_min3A_1297 = arith.constant dense<0x7F800000> : vector<256xf32>
      %reduce_min3A_1298 = vector.multi_reduction <minimumf>, %select_n3A_1293, %reduce_min3A_1297 [0] : vector<512x256xf32> to vector<256xf32>
      %broadcast_in_dim3A_1299 = vector.shape_cast %reduce_min3A_1298 : vector<256xf32> to vector<1x256xf32>
      %add3A_1300 = arith.addi %select_n3A, %while3A_1279 : i32
      %swap3A_1301 = arith.index_cast %add3A_1300 : i32 to index
      %swap3A_1302 = arith.constant 0 : index
      %swap3A_1303 = vector.load %arg9[%swap3A_1301, %swap3A_1302] : memref<8x256xf32, #tpu.memory_space<vmem>>, vector<1x256xf32>
      tpu.vector_store %arg9[%swap3A_1301, %swap3A_1302], %broadcast_in_dim3A_1299 {strides = array<i32>} : memref<8x256xf32, #tpu.memory_space<vmem>>, vector<1x256xf32>,
      %while3A_1304 = arith.constant 0 : i32
      scf.yield %while3A_1304 : i32
    }
    %get3A_1057 = arith.constant 0 : index
    %get3A_1058 = arith.constant 0 : index
    %get3A_1059 = vector.load %arg9[%get3A_1057, %get3A_1058] : memref<8x256xf32, #tpu.memory_space<vmem>>, vector<8x256xf32>
    %reduce_min3A_1060 = arith.constant dense<0x7F800000> : vector<256xf32>
    %reduce_min3A_1061 = vector.multi_reduction <minimumf>, %get3A_1059, %reduce_min3A_1060 [0] : vector<8x256xf32> to vector<256xf32>
    %broadcast_in_dim3A_1062 = vector.shape_cast %reduce_min3A_1061 : vector<256xf32> to vector<1x256xf32>
    %broadcast_in_dim3A_1063 = arith.constant 4096 : i32
    %broadcast_in_dim3A_1064 = vector.broadcast %broadcast_in_dim3A_1063 : i32 to vector<1x256xi32>
    %while3A_1065 = arith.constant 0 : i32
    %while3A_1066 = arith.subi %add3A_75, %while3A_1065 : i32
    %while3A_1067 = arith.addi %while3A_1065, %while3A_1066 : i32
    %while3A_1068 = arith.constant 1 : i32
    %while3A_1069 = arith.divsi %while3A_1066, %while3A_1068 : i32
    %while3A_1070 = arith.muli %while3A_1069, %while3A_1068 : i32
    %while3A_1071 = arith.addi %while3A_1065, %while3A_1070 : i32
    %while3A_1072 = arith.constant 1 : i32
    %while3A_1073 = scf.for %while3A_1279 = %while3A_1065 to %while3A_1071 step %while3A_1072 iter_args(%while3A_1280 = %broadcast_in_dim3A_1064) -> (vector<1x256xi32>)  : i32 {
      %add3A_1281 = arith.addi %select_n3A, %while3A_1279 : i32
      %mul3A_1282 = arith.constant 512 : i32
      %mul3A_1283 = arith.muli %add3A_1281, %mul3A_1282 : i32
      %get3A_1284 = arith.index_cast %mul3A_1283 : i32 to index
      %get3A_1285 = arith.constant 0 : index
      %get3A_1286 = vector.load %arg8[%get3A_1284, %get3A_1285] : memref<4096x256xf32, #tpu.memory_space<vmem>>, vector<512x256xf32>
      %iota3A_1287 = tpu.iota {dimensions = array<i32: 0>} : vector<512x256xi32>
      %add3A_1288 = vector.broadcast %mul3A_1283 : i32 to vector<512x256xi32>
      %add3A_1289 = arith.addi %iota3A_1287, %add3A_1288 : vector<512x256xi32>
      %eq3A = vector.broadcast %broadcast_in_dim3A_1062 : vector<1x256xf32> to vector<512x256xf32>
      %eq3A_1290 = arith.cmpf oeq, %get3A_1286, %eq3A : vector<512x256xf32>
      %jit3A_1291 = arith.constant 4096 : i32
      %broadcast_in_dim3A_1292 = vector.broadcast %jit3A_1291 : i32 to vector<512x256xi32>
      %select_n3A_1293 = arith.select %eq3A_1290, %add3A_1289, %broadcast_in_dim3A_1292 : vector<512x256xi1>, vector<512x256xi32>
      %reduce_min3A_1294 = arith.constant dense<2147483647> : vector<256xi32>
      %reduce_min3A_1295 = vector.multi_reduction <minsi>, %select_n3A_1293, %reduce_min3A_1294 [0] : vector<512x256xi32> to vector<256xi32>
      %broadcast_in_dim3A_1296 = vector.shape_cast %reduce_min3A_1295 : vector<256xi32> to vector<1x256xi32>
      %min3A = arith.minsi %while3A_1280, %broadcast_in_dim3A_1296 : vector<1x256xi32>
      scf.yield %min3A : vector<1x256xi32>
    }
    %while3A_1074 = arith.constant 1 : i32
    %while3A_1075 = scf.for %while3A_1279 = %while3A_1071 to %while3A_1067 step %while3A_1074 iter_args(%while3A_1280 = %while3A_1073) -> (vector<1x256xi32>)  : i32 {
      %add3A_1281 = arith.addi %select_n3A, %while3A_1279 : i32
      %mul3A_1282 = arith.constant 512 : i32
      %mul3A_1283 = arith.muli %add3A_1281, %mul3A_1282 : i32
      %get3A_1284 = arith.index_cast %mul3A_1283 : i32 to index
      %get3A_1285 = arith.constant 0 : index
      %get3A_1286 = vector.load %arg8[%get3A_1284, %get3A_1285] : memref<4096x256xf32, #tpu.memory_space<vmem>>, vector<512x256xf32>
      %iota3A_1287 = tpu.iota {dimensions = array<i32: 0>} : vector<512x256xi32>
      %add3A_1288 = vector.broadcast %mul3A_1283 : i32 to vector<512x256xi32>
      %add3A_1289 = arith.addi %iota3A_1287, %add3A_1288 : vector<512x256xi32>
      %eq3A = vector.broadcast %broadcast_in_dim3A_1062 : vector<1x256xf32> to vector<512x256xf32>
      %eq3A_1290 = arith.cmpf oeq, %get3A_1286, %eq3A : vector<512x256xf32>
      %jit3A_1291 = arith.constant 4096 : i32
      %broadcast_in_dim3A_1292 = vector.broadcast %jit3A_1291 : i32 to vector<512x256xi32>
      %select_n3A_1293 = arith.select %eq3A_1290, %add3A_1289, %broadcast_in_dim3A_1292 : vector<512x256xi1>, vector<512x256xi32>
      %reduce_min3A_1294 = arith.constant dense<2147483647> : vector<256xi32>
      %reduce_min3A_1295 = vector.multi_reduction <minsi>, %select_n3A_1293, %reduce_min3A_1294 [0] : vector<512x256xi32> to vector<256xi32>
      %broadcast_in_dim3A_1296 = vector.shape_cast %reduce_min3A_1295 : vector<256xi32> to vector<1x256xi32>
      %min3A = arith.minsi %while3A_1280, %broadcast_in_dim3A_1296 : vector<1x256xi32>
      scf.yield %min3A : vector<1x256xi32>
    }
    %swap3A_1076 = arith.constant 26 : index
    %swap3A_1077 = arith.constant 0 : index
    %swap3A_1078 = vector.load %arg6[%swap3A_1076, %swap3A_1077] : memref<32x256xi32, #tpu.memory_space<vmem>>, vector<1x256xi32>
    tpu.vector_store %arg6[%swap3A_1076, %swap3A_1077], %while3A_1075 {strides = array<i32>} : memref<32x256xi32, #tpu.memory_space<vmem>>, vector<1x256xi32>,
    %swap3A_1079 = arith.constant 26 : index
    %swap3A_1080 = arith.constant 0 : index
    %swap3A_1081 = vector.load %arg7[%swap3A_1079, %swap3A_1080] : memref<32x256xf32, #tpu.memory_space<vmem>>, vector<1x256xf32>
    tpu.vector_store %arg7[%swap3A_1079, %swap3A_1080], %broadcast_in_dim3A_1062 {strides = array<i32>} : memref<32x256xf32, #tpu.memory_space<vmem>>, vector<1x256xf32>,
    %while3A_1082 = arith.constant 0 : i32
    %while3A_1083 = arith.constant 0 : i32
    %while3A_1084 = arith.subi %add3A_75, %while3A_1082 : i32
    %while3A_1085 = arith.addi %while3A_1082, %while3A_1084 : i32
    %while3A_1086 = arith.constant 1 : i32
    %while3A_1087 = arith.divsi %while3A_1084, %while3A_1086 : i32
    %while3A_1088 = arith.muli %while3A_1087, %while3A_1086 : i32
    %while3A_1089 = arith.addi %while3A_1082, %while3A_1088 : i32
    %while3A_1090 = arith.constant 1 : i32
    %while3A_1091 = scf.for %while3A_1279 = %while3A_1082 to %while3A_1089 step %while3A_1090 iter_args(%while3A_1280 = %while3A_1083) -> (i32)  : i32 {
      %add3A_1281 = arith.addi %select_n3A, %while3A_1279 : i32
      %mul3A_1282 = arith.constant 512 : i32
      %mul3A_1283 = arith.muli %add3A_1281, %mul3A_1282 : i32
      %get3A_1284 = arith.index_cast %mul3A_1283 : i32 to index
      %get3A_1285 = arith.constant 0 : index
      %get3A_1286 = vector.load %arg8[%get3A_1284, %get3A_1285] : memref<4096x256xf32, #tpu.memory_space<vmem>>, vector<512x256xf32>
      %iota3A_1287 = tpu.iota {dimensions = array<i32: 0>} : vector<512x256xi32>
      %add3A_1288 = vector.broadcast %mul3A_1283 : i32 to vector<512x256xi32>
      %add3A_1289 = arith.addi %iota3A_1287, %add3A_1288 : vector<512x256xi32>
      %eq3A = vector.broadcast %while3A_1075 : vector<1x256xi32> to vector<512x256xi32>
      %eq3A_1290 = arith.cmpi eq, %add3A_1289, %eq3A : vector<512x256xi32>
      %jit3A_1291 = arith.constant 0x7F800000 : f32
      %broadcast_in_dim3A_1292 = vector.broadcast %jit3A_1291 : f32 to vector<512x256xf32>
      %select_n3A_1293 = arith.select %eq3A_1290, %broadcast_in_dim3A_1292, %get3A_1286 : vector<512x256xi1>, vector<512x256xf32>
      %swap3A_1294 = arith.index_cast %mul3A_1283 : i32 to index
      %swap3A_1295 = arith.constant 0 : index
      %swap3A_1296 = vector.load %arg8[%swap3A_1294, %swap3A_1295] : memref<4096x256xf32, #tpu.memory_space<vmem>>, vector<512x256xf32>
      tpu.vector_store %arg8[%swap3A_1294, %swap3A_1295], %select_n3A_1293 {strides = array<i32>} : memref<4096x256xf32, #tpu.memory_space<vmem>>, vector<512x256xf32>,
      %reduce_min3A_1297 = arith.constant dense<0x7F800000> : vector<256xf32>
      %reduce_min3A_1298 = vector.multi_reduction <minimumf>, %select_n3A_1293, %reduce_min3A_1297 [0] : vector<512x256xf32> to vector<256xf32>
      %broadcast_in_dim3A_1299 = vector.shape_cast %reduce_min3A_1298 : vector<256xf32> to vector<1x256xf32>
      %add3A_1300 = arith.addi %select_n3A, %while3A_1279 : i32
      %swap3A_1301 = arith.index_cast %add3A_1300 : i32 to index
      %swap3A_1302 = arith.constant 0 : index
      %swap3A_1303 = vector.load %arg9[%swap3A_1301, %swap3A_1302] : memref<8x256xf32, #tpu.memory_space<vmem>>, vector<1x256xf32>
      tpu.vector_store %arg9[%swap3A_1301, %swap3A_1302], %broadcast_in_dim3A_1299 {strides = array<i32>} : memref<8x256xf32, #tpu.memory_space<vmem>>, vector<1x256xf32>,
      %while3A_1304 = arith.constant 0 : i32
      scf.yield %while3A_1304 : i32
    }
    %while3A_1092 = arith.constant 1 : i32
    %while3A_1093 = scf.for %while3A_1279 = %while3A_1089 to %while3A_1085 step %while3A_1092 iter_args(%while3A_1280 = %while3A_1091) -> (i32)  : i32 {
      %add3A_1281 = arith.addi %select_n3A, %while3A_1279 : i32
      %mul3A_1282 = arith.constant 512 : i32
      %mul3A_1283 = arith.muli %add3A_1281, %mul3A_1282 : i32
      %get3A_1284 = arith.index_cast %mul3A_1283 : i32 to index
      %get3A_1285 = arith.constant 0 : index
      %get3A_1286 = vector.load %arg8[%get3A_1284, %get3A_1285] : memref<4096x256xf32, #tpu.memory_space<vmem>>, vector<512x256xf32>
      %iota3A_1287 = tpu.iota {dimensions = array<i32: 0>} : vector<512x256xi32>
      %add3A_1288 = vector.broadcast %mul3A_1283 : i32 to vector<512x256xi32>
      %add3A_1289 = arith.addi %iota3A_1287, %add3A_1288 : vector<512x256xi32>
      %eq3A = vector.broadcast %while3A_1075 : vector<1x256xi32> to vector<512x256xi32>
      %eq3A_1290 = arith.cmpi eq, %add3A_1289, %eq3A : vector<512x256xi32>
      %jit3A_1291 = arith.constant 0x7F800000 : f32
      %broadcast_in_dim3A_1292 = vector.broadcast %jit3A_1291 : f32 to vector<512x256xf32>
      %select_n3A_1293 = arith.select %eq3A_1290, %broadcast_in_dim3A_1292, %get3A_1286 : vector<512x256xi1>, vector<512x256xf32>
      %swap3A_1294 = arith.index_cast %mul3A_1283 : i32 to index
      %swap3A_1295 = arith.constant 0 : index
      %swap3A_1296 = vector.load %arg8[%swap3A_1294, %swap3A_1295] : memref<4096x256xf32, #tpu.memory_space<vmem>>, vector<512x256xf32>
      tpu.vector_store %arg8[%swap3A_1294, %swap3A_1295], %select_n3A_1293 {strides = array<i32>} : memref<4096x256xf32, #tpu.memory_space<vmem>>, vector<512x256xf32>,
      %reduce_min3A_1297 = arith.constant dense<0x7F800000> : vector<256xf32>
      %reduce_min3A_1298 = vector.multi_reduction <minimumf>, %select_n3A_1293, %reduce_min3A_1297 [0] : vector<512x256xf32> to vector<256xf32>
      %broadcast_in_dim3A_1299 = vector.shape_cast %reduce_min3A_1298 : vector<256xf32> to vector<1x256xf32>
      %add3A_1300 = arith.addi %select_n3A, %while3A_1279 : i32
      %swap3A_1301 = arith.index_cast %add3A_1300 : i32 to index
      %swap3A_1302 = arith.constant 0 : index
      %swap3A_1303 = vector.load %arg9[%swap3A_1301, %swap3A_1302] : memref<8x256xf32, #tpu.memory_space<vmem>>, vector<1x256xf32>
      tpu.vector_store %arg9[%swap3A_1301, %swap3A_1302], %broadcast_in_dim3A_1299 {strides = array<i32>} : memref<8x256xf32, #tpu.memory_space<vmem>>, vector<1x256xf32>,
      %while3A_1304 = arith.constant 0 : i32
      scf.yield %while3A_1304 : i32
    }
    %get3A_1094 = arith.constant 0 : index
    %get3A_1095 = arith.constant 0 : index
    %get3A_1096 = vector.load %arg9[%get3A_1094, %get3A_1095] : memref<8x256xf32, #tpu.memory_space<vmem>>, vector<8x256xf32>
    %reduce_min3A_1097 = arith.constant dense<0x7F800000> : vector<256xf32>
    %reduce_min3A_1098 = vector.multi_reduction <minimumf>, %get3A_1096, %reduce_min3A_1097 [0] : vector<8x256xf32> to vector<256xf32>
    %broadcast_in_dim3A_1099 = vector.shape_cast %reduce_min3A_1098 : vector<256xf32> to vector<1x256xf32>
    %broadcast_in_dim3A_1100 = arith.constant 4096 : i32
    %broadcast_in_dim3A_1101 = vector.broadcast %broadcast_in_dim3A_1100 : i32 to vector<1x256xi32>
    %while3A_1102 = arith.constant 0 : i32
    %while3A_1103 = arith.subi %add3A_75, %while3A_1102 : i32
    %while3A_1104 = arith.addi %while3A_1102, %while3A_1103 : i32
    %while3A_1105 = arith.constant 1 : i32
    %while3A_1106 = arith.divsi %while3A_1103, %while3A_1105 : i32
    %while3A_1107 = arith.muli %while3A_1106, %while3A_1105 : i32
    %while3A_1108 = arith.addi %while3A_1102, %while3A_1107 : i32
    %while3A_1109 = arith.constant 1 : i32
    %while3A_1110 = scf.for %while3A_1279 = %while3A_1102 to %while3A_1108 step %while3A_1109 iter_args(%while3A_1280 = %broadcast_in_dim3A_1101) -> (vector<1x256xi32>)  : i32 {
      %add3A_1281 = arith.addi %select_n3A, %while3A_1279 : i32
      %mul3A_1282 = arith.constant 512 : i32
      %mul3A_1283 = arith.muli %add3A_1281, %mul3A_1282 : i32
      %get3A_1284 = arith.index_cast %mul3A_1283 : i32 to index
      %get3A_1285 = arith.constant 0 : index
      %get3A_1286 = vector.load %arg8[%get3A_1284, %get3A_1285] : memref<4096x256xf32, #tpu.memory_space<vmem>>, vector<512x256xf32>
      %iota3A_1287 = tpu.iota {dimensions = array<i32: 0>} : vector<512x256xi32>
      %add3A_1288 = vector.broadcast %mul3A_1283 : i32 to vector<512x256xi32>
      %add3A_1289 = arith.addi %iota3A_1287, %add3A_1288 : vector<512x256xi32>
      %eq3A = vector.broadcast %broadcast_in_dim3A_1099 : vector<1x256xf32> to vector<512x256xf32>
      %eq3A_1290 = arith.cmpf oeq, %get3A_1286, %eq3A : vector<512x256xf32>
      %jit3A_1291 = arith.constant 4096 : i32
      %broadcast_in_dim3A_1292 = vector.broadcast %jit3A_1291 : i32 to vector<512x256xi32>
      %select_n3A_1293 = arith.select %eq3A_1290, %add3A_1289, %broadcast_in_dim3A_1292 : vector<512x256xi1>, vector<512x256xi32>
      %reduce_min3A_1294 = arith.constant dense<2147483647> : vector<256xi32>
      %reduce_min3A_1295 = vector.multi_reduction <minsi>, %select_n3A_1293, %reduce_min3A_1294 [0] : vector<512x256xi32> to vector<256xi32>
      %broadcast_in_dim3A_1296 = vector.shape_cast %reduce_min3A_1295 : vector<256xi32> to vector<1x256xi32>
      %min3A = arith.minsi %while3A_1280, %broadcast_in_dim3A_1296 : vector<1x256xi32>
      scf.yield %min3A : vector<1x256xi32>
    }
    %while3A_1111 = arith.constant 1 : i32
    %while3A_1112 = scf.for %while3A_1279 = %while3A_1108 to %while3A_1104 step %while3A_1111 iter_args(%while3A_1280 = %while3A_1110) -> (vector<1x256xi32>)  : i32 {
      %add3A_1281 = arith.addi %select_n3A, %while3A_1279 : i32
      %mul3A_1282 = arith.constant 512 : i32
      %mul3A_1283 = arith.muli %add3A_1281, %mul3A_1282 : i32
      %get3A_1284 = arith.index_cast %mul3A_1283 : i32 to index
      %get3A_1285 = arith.constant 0 : index
      %get3A_1286 = vector.load %arg8[%get3A_1284, %get3A_1285] : memref<4096x256xf32, #tpu.memory_space<vmem>>, vector<512x256xf32>
      %iota3A_1287 = tpu.iota {dimensions = array<i32: 0>} : vector<512x256xi32>
      %add3A_1288 = vector.broadcast %mul3A_1283 : i32 to vector<512x256xi32>
      %add3A_1289 = arith.addi %iota3A_1287, %add3A_1288 : vector<512x256xi32>
      %eq3A = vector.broadcast %broadcast_in_dim3A_1099 : vector<1x256xf32> to vector<512x256xf32>
      %eq3A_1290 = arith.cmpf oeq, %get3A_1286, %eq3A : vector<512x256xf32>
      %jit3A_1291 = arith.constant 4096 : i32
      %broadcast_in_dim3A_1292 = vector.broadcast %jit3A_1291 : i32 to vector<512x256xi32>
      %select_n3A_1293 = arith.select %eq3A_1290, %add3A_1289, %broadcast_in_dim3A_1292 : vector<512x256xi1>, vector<512x256xi32>
      %reduce_min3A_1294 = arith.constant dense<2147483647> : vector<256xi32>
      %reduce_min3A_1295 = vector.multi_reduction <minsi>, %select_n3A_1293, %reduce_min3A_1294 [0] : vector<512x256xi32> to vector<256xi32>
      %broadcast_in_dim3A_1296 = vector.shape_cast %reduce_min3A_1295 : vector<256xi32> to vector<1x256xi32>
      %min3A = arith.minsi %while3A_1280, %broadcast_in_dim3A_1296 : vector<1x256xi32>
      scf.yield %min3A : vector<1x256xi32>
    }
    %swap3A_1113 = arith.constant 27 : index
    %swap3A_1114 = arith.constant 0 : index
    %swap3A_1115 = vector.load %arg6[%swap3A_1113, %swap3A_1114] : memref<32x256xi32, #tpu.memory_space<vmem>>, vector<1x256xi32>
    tpu.vector_store %arg6[%swap3A_1113, %swap3A_1114], %while3A_1112 {strides = array<i32>} : memref<32x256xi32, #tpu.memory_space<vmem>>, vector<1x256xi32>,
    %swap3A_1116 = arith.constant 27 : index
    %swap3A_1117 = arith.constant 0 : index
    %swap3A_1118 = vector.load %arg7[%swap3A_1116, %swap3A_1117] : memref<32x256xf32, #tpu.memory_space<vmem>>, vector<1x256xf32>
    tpu.vector_store %arg7[%swap3A_1116, %swap3A_1117], %broadcast_in_dim3A_1099 {strides = array<i32>} : memref<32x256xf32, #tpu.memory_space<vmem>>, vector<1x256xf32>,
    %while3A_1119 = arith.constant 0 : i32
    %while3A_1120 = arith.constant 0 : i32
    %while3A_1121 = arith.subi %add3A_75, %while3A_1119 : i32
    %while3A_1122 = arith.addi %while3A_1119, %while3A_1121 : i32
    %while3A_1123 = arith.constant 1 : i32
    %while3A_1124 = arith.divsi %while3A_1121, %while3A_1123 : i32
    %while3A_1125 = arith.muli %while3A_1124, %while3A_1123 : i32
    %while3A_1126 = arith.addi %while3A_1119, %while3A_1125 : i32
    %while3A_1127 = arith.constant 1 : i32
    %while3A_1128 = scf.for %while3A_1279 = %while3A_1119 to %while3A_1126 step %while3A_1127 iter_args(%while3A_1280 = %while3A_1120) -> (i32)  : i32 {
      %add3A_1281 = arith.addi %select_n3A, %while3A_1279 : i32
      %mul3A_1282 = arith.constant 512 : i32
      %mul3A_1283 = arith.muli %add3A_1281, %mul3A_1282 : i32
      %get3A_1284 = arith.index_cast %mul3A_1283 : i32 to index
      %get3A_1285 = arith.constant 0 : index
      %get3A_1286 = vector.load %arg8[%get3A_1284, %get3A_1285] : memref<4096x256xf32, #tpu.memory_space<vmem>>, vector<512x256xf32>
      %iota3A_1287 = tpu.iota {dimensions = array<i32: 0>} : vector<512x256xi32>
      %add3A_1288 = vector.broadcast %mul3A_1283 : i32 to vector<512x256xi32>
      %add3A_1289 = arith.addi %iota3A_1287, %add3A_1288 : vector<512x256xi32>
      %eq3A = vector.broadcast %while3A_1112 : vector<1x256xi32> to vector<512x256xi32>
      %eq3A_1290 = arith.cmpi eq, %add3A_1289, %eq3A : vector<512x256xi32>
      %jit3A_1291 = arith.constant 0x7F800000 : f32
      %broadcast_in_dim3A_1292 = vector.broadcast %jit3A_1291 : f32 to vector<512x256xf32>
      %select_n3A_1293 = arith.select %eq3A_1290, %broadcast_in_dim3A_1292, %get3A_1286 : vector<512x256xi1>, vector<512x256xf32>
      %swap3A_1294 = arith.index_cast %mul3A_1283 : i32 to index
      %swap3A_1295 = arith.constant 0 : index
      %swap3A_1296 = vector.load %arg8[%swap3A_1294, %swap3A_1295] : memref<4096x256xf32, #tpu.memory_space<vmem>>, vector<512x256xf32>
      tpu.vector_store %arg8[%swap3A_1294, %swap3A_1295], %select_n3A_1293 {strides = array<i32>} : memref<4096x256xf32, #tpu.memory_space<vmem>>, vector<512x256xf32>,
      %reduce_min3A_1297 = arith.constant dense<0x7F800000> : vector<256xf32>
      %reduce_min3A_1298 = vector.multi_reduction <minimumf>, %select_n3A_1293, %reduce_min3A_1297 [0] : vector<512x256xf32> to vector<256xf32>
      %broadcast_in_dim3A_1299 = vector.shape_cast %reduce_min3A_1298 : vector<256xf32> to vector<1x256xf32>
      %add3A_1300 = arith.addi %select_n3A, %while3A_1279 : i32
      %swap3A_1301 = arith.index_cast %add3A_1300 : i32 to index
      %swap3A_1302 = arith.constant 0 : index
      %swap3A_1303 = vector.load %arg9[%swap3A_1301, %swap3A_1302] : memref<8x256xf32, #tpu.memory_space<vmem>>, vector<1x256xf32>
      tpu.vector_store %arg9[%swap3A_1301, %swap3A_1302], %broadcast_in_dim3A_1299 {strides = array<i32>} : memref<8x256xf32, #tpu.memory_space<vmem>>, vector<1x256xf32>,
      %while3A_1304 = arith.constant 0 : i32
      scf.yield %while3A_1304 : i32
    }
    %while3A_1129 = arith.constant 1 : i32
    %while3A_1130 = scf.for %while3A_1279 = %while3A_1126 to %while3A_1122 step %while3A_1129 iter_args(%while3A_1280 = %while3A_1128) -> (i32)  : i32 {
      %add3A_1281 = arith.addi %select_n3A, %while3A_1279 : i32
      %mul3A_1282 = arith.constant 512 : i32
      %mul3A_1283 = arith.muli %add3A_1281, %mul3A_1282 : i32
      %get3A_1284 = arith.index_cast %mul3A_1283 : i32 to index
      %get3A_1285 = arith.constant 0 : index
      %get3A_1286 = vector.load %arg8[%get3A_1284, %get3A_1285] : memref<4096x256xf32, #tpu.memory_space<vmem>>, vector<512x256xf32>
      %iota3A_1287 = tpu.iota {dimensions = array<i32: 0>} : vector<512x256xi32>
      %add3A_1288 = vector.broadcast %mul3A_1283 : i32 to vector<512x256xi32>
      %add3A_1289 = arith.addi %iota3A_1287, %add3A_1288 : vector<512x256xi32>
      %eq3A = vector.broadcast %while3A_1112 : vector<1x256xi32> to vector<512x256xi32>
      %eq3A_1290 = arith.cmpi eq, %add3A_1289, %eq3A : vector<512x256xi32>
      %jit3A_1291 = arith.constant 0x7F800000 : f32
      %broadcast_in_dim3A_1292 = vector.broadcast %jit3A_1291 : f32 to vector<512x256xf32>
      %select_n3A_1293 = arith.select %eq3A_1290, %broadcast_in_dim3A_1292, %get3A_1286 : vector<512x256xi1>, vector<512x256xf32>
      %swap3A_1294 = arith.index_cast %mul3A_1283 : i32 to index
      %swap3A_1295 = arith.constant 0 : index
      %swap3A_1296 = vector.load %arg8[%swap3A_1294, %swap3A_1295] : memref<4096x256xf32, #tpu.memory_space<vmem>>, vector<512x256xf32>
      tpu.vector_store %arg8[%swap3A_1294, %swap3A_1295], %select_n3A_1293 {strides = array<i32>} : memref<4096x256xf32, #tpu.memory_space<vmem>>, vector<512x256xf32>,
      %reduce_min3A_1297 = arith.constant dense<0x7F800000> : vector<256xf32>
      %reduce_min3A_1298 = vector.multi_reduction <minimumf>, %select_n3A_1293, %reduce_min3A_1297 [0] : vector<512x256xf32> to vector<256xf32>
      %broadcast_in_dim3A_1299 = vector.shape_cast %reduce_min3A_1298 : vector<256xf32> to vector<1x256xf32>
      %add3A_1300 = arith.addi %select_n3A, %while3A_1279 : i32
      %swap3A_1301 = arith.index_cast %add3A_1300 : i32 to index
      %swap3A_1302 = arith.constant 0 : index
      %swap3A_1303 = vector.load %arg9[%swap3A_1301, %swap3A_1302] : memref<8x256xf32, #tpu.memory_space<vmem>>, vector<1x256xf32>
      tpu.vector_store %arg9[%swap3A_1301, %swap3A_1302], %broadcast_in_dim3A_1299 {strides = array<i32>} : memref<8x256xf32, #tpu.memory_space<vmem>>, vector<1x256xf32>,
      %while3A_1304 = arith.constant 0 : i32
      scf.yield %while3A_1304 : i32
    }
    %get3A_1131 = arith.constant 0 : index
    %get3A_1132 = arith.constant 0 : index
    %get3A_1133 = vector.load %arg9[%get3A_1131, %get3A_1132] : memref<8x256xf32, #tpu.memory_space<vmem>>, vector<8x256xf32>
    %reduce_min3A_1134 = arith.constant dense<0x7F800000> : vector<256xf32>
    %reduce_min3A_1135 = vector.multi_reduction <minimumf>, %get3A_1133, %reduce_min3A_1134 [0] : vector<8x256xf32> to vector<256xf32>
    %broadcast_in_dim3A_1136 = vector.shape_cast %reduce_min3A_1135 : vector<256xf32> to vector<1x256xf32>
    %broadcast_in_dim3A_1137 = arith.constant 4096 : i32
    %broadcast_in_dim3A_1138 = vector.broadcast %broadcast_in_dim3A_1137 : i32 to vector<1x256xi32>
    %while3A_1139 = arith.constant 0 : i32
    %while3A_1140 = arith.subi %add3A_75, %while3A_1139 : i32
    %while3A_1141 = arith.addi %while3A_1139, %while3A_1140 : i32
    %while3A_1142 = arith.constant 1 : i32
    %while3A_1143 = arith.divsi %while3A_1140, %while3A_1142 : i32
    %while3A_1144 = arith.muli %while3A_1143, %while3A_1142 : i32
    %while3A_1145 = arith.addi %while3A_1139, %while3A_1144 : i32
    %while3A_1146 = arith.constant 1 : i32
    %while3A_1147 = scf.for %while3A_1279 = %while3A_1139 to %while3A_1145 step %while3A_1146 iter_args(%while3A_1280 = %broadcast_in_dim3A_1138) -> (vector<1x256xi32>)  : i32 {
      %add3A_1281 = arith.addi %select_n3A, %while3A_1279 : i32
      %mul3A_1282 = arith.constant 512 : i32
      %mul3A_1283 = arith.muli %add3A_1281, %mul3A_1282 : i32
      %get3A_1284 = arith.index_cast %mul3A_1283 : i32 to index
      %get3A_1285 = arith.constant 0 : index
      %get3A_1286 = vector.load %arg8[%get3A_1284, %get3A_1285] : memref<4096x256xf32, #tpu.memory_space<vmem>>, vector<512x256xf32>
      %iota3A_1287 = tpu.iota {dimensions = array<i32: 0>} : vector<512x256xi32>
      %add3A_1288 = vector.broadcast %mul3A_1283 : i32 to vector<512x256xi32>
      %add3A_1289 = arith.addi %iota3A_1287, %add3A_1288 : vector<512x256xi32>
      %eq3A = vector.broadcast %broadcast_in_dim3A_1136 : vector<1x256xf32> to vector<512x256xf32>
      %eq3A_1290 = arith.cmpf oeq, %get3A_1286, %eq3A : vector<512x256xf32>
      %jit3A_1291 = arith.constant 4096 : i32
      %broadcast_in_dim3A_1292 = vector.broadcast %jit3A_1291 : i32 to vector<512x256xi32>
      %select_n3A_1293 = arith.select %eq3A_1290, %add3A_1289, %broadcast_in_dim3A_1292 : vector<512x256xi1>, vector<512x256xi32>
      %reduce_min3A_1294 = arith.constant dense<2147483647> : vector<256xi32>
      %reduce_min3A_1295 = vector.multi_reduction <minsi>, %select_n3A_1293, %reduce_min3A_1294 [0] : vector<512x256xi32> to vector<256xi32>
      %broadcast_in_dim3A_1296 = vector.shape_cast %reduce_min3A_1295 : vector<256xi32> to vector<1x256xi32>
      %min3A = arith.minsi %while3A_1280, %broadcast_in_dim3A_1296 : vector<1x256xi32>
      scf.yield %min3A : vector<1x256xi32>
    }
    %while3A_1148 = arith.constant 1 : i32
    %while3A_1149 = scf.for %while3A_1279 = %while3A_1145 to %while3A_1141 step %while3A_1148 iter_args(%while3A_1280 = %while3A_1147) -> (vector<1x256xi32>)  : i32 {
      %add3A_1281 = arith.addi %select_n3A, %while3A_1279 : i32
      %mul3A_1282 = arith.constant 512 : i32
      %mul3A_1283 = arith.muli %add3A_1281, %mul3A_1282 : i32
      %get3A_1284 = arith.index_cast %mul3A_1283 : i32 to index
      %get3A_1285 = arith.constant 0 : index
      %get3A_1286 = vector.load %arg8[%get3A_1284, %get3A_1285] : memref<4096x256xf32, #tpu.memory_space<vmem>>, vector<512x256xf32>
      %iota3A_1287 = tpu.iota {dimensions = array<i32: 0>} : vector<512x256xi32>
      %add3A_1288 = vector.broadcast %mul3A_1283 : i32 to vector<512x256xi32>
      %add3A_1289 = arith.addi %iota3A_1287, %add3A_1288 : vector<512x256xi32>
      %eq3A = vector.broadcast %broadcast_in_dim3A_1136 : vector<1x256xf32> to vector<512x256xf32>
      %eq3A_1290 = arith.cmpf oeq, %get3A_1286, %eq3A : vector<512x256xf32>
      %jit3A_1291 = arith.constant 4096 : i32
      %broadcast_in_dim3A_1292 = vector.broadcast %jit3A_1291 : i32 to vector<512x256xi32>
      %select_n3A_1293 = arith.select %eq3A_1290, %add3A_1289, %broadcast_in_dim3A_1292 : vector<512x256xi1>, vector<512x256xi32>
      %reduce_min3A_1294 = arith.constant dense<2147483647> : vector<256xi32>
      %reduce_min3A_1295 = vector.multi_reduction <minsi>, %select_n3A_1293, %reduce_min3A_1294 [0] : vector<512x256xi32> to vector<256xi32>
      %broadcast_in_dim3A_1296 = vector.shape_cast %reduce_min3A_1295 : vector<256xi32> to vector<1x256xi32>
      %min3A = arith.minsi %while3A_1280, %broadcast_in_dim3A_1296 : vector<1x256xi32>
      scf.yield %min3A : vector<1x256xi32>
    }
    %swap3A_1150 = arith.constant 28 : index
    %swap3A_1151 = arith.constant 0 : index
    %swap3A_1152 = vector.load %arg6[%swap3A_1150, %swap3A_1151] : memref<32x256xi32, #tpu.memory_space<vmem>>, vector<1x256xi32>
    tpu.vector_store %arg6[%swap3A_1150, %swap3A_1151], %while3A_1149 {strides = array<i32>} : memref<32x256xi32, #tpu.memory_space<vmem>>, vector<1x256xi32>,
    %swap3A_1153 = arith.constant 28 : index
    %swap3A_1154 = arith.constant 0 : index
    %swap3A_1155 = vector.load %arg7[%swap3A_1153, %swap3A_1154] : memref<32x256xf32, #tpu.memory_space<vmem>>, vector<1x256xf32>
    tpu.vector_store %arg7[%swap3A_1153, %swap3A_1154], %broadcast_in_dim3A_1136 {strides = array<i32>} : memref<32x256xf32, #tpu.memory_space<vmem>>, vector<1x256xf32>,
    %while3A_1156 = arith.constant 0 : i32
    %while3A_1157 = arith.constant 0 : i32
    %while3A_1158 = arith.subi %add3A_75, %while3A_1156 : i32
    %while3A_1159 = arith.addi %while3A_1156, %while3A_1158 : i32
    %while3A_1160 = arith.constant 1 : i32
    %while3A_1161 = arith.divsi %while3A_1158, %while3A_1160 : i32
    %while3A_1162 = arith.muli %while3A_1161, %while3A_1160 : i32
    %while3A_1163 = arith.addi %while3A_1156, %while3A_1162 : i32
    %while3A_1164 = arith.constant 1 : i32
    %while3A_1165 = scf.for %while3A_1279 = %while3A_1156 to %while3A_1163 step %while3A_1164 iter_args(%while3A_1280 = %while3A_1157) -> (i32)  : i32 {
      %add3A_1281 = arith.addi %select_n3A, %while3A_1279 : i32
      %mul3A_1282 = arith.constant 512 : i32
      %mul3A_1283 = arith.muli %add3A_1281, %mul3A_1282 : i32
      %get3A_1284 = arith.index_cast %mul3A_1283 : i32 to index
      %get3A_1285 = arith.constant 0 : index
      %get3A_1286 = vector.load %arg8[%get3A_1284, %get3A_1285] : memref<4096x256xf32, #tpu.memory_space<vmem>>, vector<512x256xf32>
      %iota3A_1287 = tpu.iota {dimensions = array<i32: 0>} : vector<512x256xi32>
      %add3A_1288 = vector.broadcast %mul3A_1283 : i32 to vector<512x256xi32>
      %add3A_1289 = arith.addi %iota3A_1287, %add3A_1288 : vector<512x256xi32>
      %eq3A = vector.broadcast %while3A_1149 : vector<1x256xi32> to vector<512x256xi32>
      %eq3A_1290 = arith.cmpi eq, %add3A_1289, %eq3A : vector<512x256xi32>
      %jit3A_1291 = arith.constant 0x7F800000 : f32
      %broadcast_in_dim3A_1292 = vector.broadcast %jit3A_1291 : f32 to vector<512x256xf32>
      %select_n3A_1293 = arith.select %eq3A_1290, %broadcast_in_dim3A_1292, %get3A_1286 : vector<512x256xi1>, vector<512x256xf32>
      %swap3A_1294 = arith.index_cast %mul3A_1283 : i32 to index
      %swap3A_1295 = arith.constant 0 : index
      %swap3A_1296 = vector.load %arg8[%swap3A_1294, %swap3A_1295] : memref<4096x256xf32, #tpu.memory_space<vmem>>, vector<512x256xf32>
      tpu.vector_store %arg8[%swap3A_1294, %swap3A_1295], %select_n3A_1293 {strides = array<i32>} : memref<4096x256xf32, #tpu.memory_space<vmem>>, vector<512x256xf32>,
      %reduce_min3A_1297 = arith.constant dense<0x7F800000> : vector<256xf32>
      %reduce_min3A_1298 = vector.multi_reduction <minimumf>, %select_n3A_1293, %reduce_min3A_1297 [0] : vector<512x256xf32> to vector<256xf32>
      %broadcast_in_dim3A_1299 = vector.shape_cast %reduce_min3A_1298 : vector<256xf32> to vector<1x256xf32>
      %add3A_1300 = arith.addi %select_n3A, %while3A_1279 : i32
      %swap3A_1301 = arith.index_cast %add3A_1300 : i32 to index
      %swap3A_1302 = arith.constant 0 : index
      %swap3A_1303 = vector.load %arg9[%swap3A_1301, %swap3A_1302] : memref<8x256xf32, #tpu.memory_space<vmem>>, vector<1x256xf32>
      tpu.vector_store %arg9[%swap3A_1301, %swap3A_1302], %broadcast_in_dim3A_1299 {strides = array<i32>} : memref<8x256xf32, #tpu.memory_space<vmem>>, vector<1x256xf32>,
      %while3A_1304 = arith.constant 0 : i32
      scf.yield %while3A_1304 : i32
    }
    %while3A_1166 = arith.constant 1 : i32
    %while3A_1167 = scf.for %while3A_1279 = %while3A_1163 to %while3A_1159 step %while3A_1166 iter_args(%while3A_1280 = %while3A_1165) -> (i32)  : i32 {
      %add3A_1281 = arith.addi %select_n3A, %while3A_1279 : i32
      %mul3A_1282 = arith.constant 512 : i32
      %mul3A_1283 = arith.muli %add3A_1281, %mul3A_1282 : i32
      %get3A_1284 = arith.index_cast %mul3A_1283 : i32 to index
      %get3A_1285 = arith.constant 0 : index
      %get3A_1286 = vector.load %arg8[%get3A_1284, %get3A_1285] : memref<4096x256xf32, #tpu.memory_space<vmem>>, vector<512x256xf32>
      %iota3A_1287 = tpu.iota {dimensions = array<i32: 0>} : vector<512x256xi32>
      %add3A_1288 = vector.broadcast %mul3A_1283 : i32 to vector<512x256xi32>
      %add3A_1289 = arith.addi %iota3A_1287, %add3A_1288 : vector<512x256xi32>
      %eq3A = vector.broadcast %while3A_1149 : vector<1x256xi32> to vector<512x256xi32>
      %eq3A_1290 = arith.cmpi eq, %add3A_1289, %eq3A : vector<512x256xi32>
      %jit3A_1291 = arith.constant 0x7F800000 : f32
      %broadcast_in_dim3A_1292 = vector.broadcast %jit3A_1291 : f32 to vector<512x256xf32>
      %select_n3A_1293 = arith.select %eq3A_1290, %broadcast_in_dim3A_1292, %get3A_1286 : vector<512x256xi1>, vector<512x256xf32>
      %swap3A_1294 = arith.index_cast %mul3A_1283 : i32 to index
      %swap3A_1295 = arith.constant 0 : index
      %swap3A_1296 = vector.load %arg8[%swap3A_1294, %swap3A_1295] : memref<4096x256xf32, #tpu.memory_space<vmem>>, vector<512x256xf32>
      tpu.vector_store %arg8[%swap3A_1294, %swap3A_1295], %select_n3A_1293 {strides = array<i32>} : memref<4096x256xf32, #tpu.memory_space<vmem>>, vector<512x256xf32>,
      %reduce_min3A_1297 = arith.constant dense<0x7F800000> : vector<256xf32>
      %reduce_min3A_1298 = vector.multi_reduction <minimumf>, %select_n3A_1293, %reduce_min3A_1297 [0] : vector<512x256xf32> to vector<256xf32>
      %broadcast_in_dim3A_1299 = vector.shape_cast %reduce_min3A_1298 : vector<256xf32> to vector<1x256xf32>
      %add3A_1300 = arith.addi %select_n3A, %while3A_1279 : i32
      %swap3A_1301 = arith.index_cast %add3A_1300 : i32 to index
      %swap3A_1302 = arith.constant 0 : index
      %swap3A_1303 = vector.load %arg9[%swap3A_1301, %swap3A_1302] : memref<8x256xf32, #tpu.memory_space<vmem>>, vector<1x256xf32>
      tpu.vector_store %arg9[%swap3A_1301, %swap3A_1302], %broadcast_in_dim3A_1299 {strides = array<i32>} : memref<8x256xf32, #tpu.memory_space<vmem>>, vector<1x256xf32>,
      %while3A_1304 = arith.constant 0 : i32
      scf.yield %while3A_1304 : i32
    }
    %get3A_1168 = arith.constant 0 : index
    %get3A_1169 = arith.constant 0 : index
    %get3A_1170 = vector.load %arg9[%get3A_1168, %get3A_1169] : memref<8x256xf32, #tpu.memory_space<vmem>>, vector<8x256xf32>
    %reduce_min3A_1171 = arith.constant dense<0x7F800000> : vector<256xf32>
    %reduce_min3A_1172 = vector.multi_reduction <minimumf>, %get3A_1170, %reduce_min3A_1171 [0] : vector<8x256xf32> to vector<256xf32>
    %broadcast_in_dim3A_1173 = vector.shape_cast %reduce_min3A_1172 : vector<256xf32> to vector<1x256xf32>
    %broadcast_in_dim3A_1174 = arith.constant 4096 : i32
    %broadcast_in_dim3A_1175 = vector.broadcast %broadcast_in_dim3A_1174 : i32 to vector<1x256xi32>
    %while3A_1176 = arith.constant 0 : i32
    %while3A_1177 = arith.subi %add3A_75, %while3A_1176 : i32
    %while3A_1178 = arith.addi %while3A_1176, %while3A_1177 : i32
    %while3A_1179 = arith.constant 1 : i32
    %while3A_1180 = arith.divsi %while3A_1177, %while3A_1179 : i32
    %while3A_1181 = arith.muli %while3A_1180, %while3A_1179 : i32
    %while3A_1182 = arith.addi %while3A_1176, %while3A_1181 : i32
    %while3A_1183 = arith.constant 1 : i32
    %while3A_1184 = scf.for %while3A_1279 = %while3A_1176 to %while3A_1182 step %while3A_1183 iter_args(%while3A_1280 = %broadcast_in_dim3A_1175) -> (vector<1x256xi32>)  : i32 {
      %add3A_1281 = arith.addi %select_n3A, %while3A_1279 : i32
      %mul3A_1282 = arith.constant 512 : i32
      %mul3A_1283 = arith.muli %add3A_1281, %mul3A_1282 : i32
      %get3A_1284 = arith.index_cast %mul3A_1283 : i32 to index
      %get3A_1285 = arith.constant 0 : index
      %get3A_1286 = vector.load %arg8[%get3A_1284, %get3A_1285] : memref<4096x256xf32, #tpu.memory_space<vmem>>, vector<512x256xf32>
      %iota3A_1287 = tpu.iota {dimensions = array<i32: 0>} : vector<512x256xi32>
      %add3A_1288 = vector.broadcast %mul3A_1283 : i32 to vector<512x256xi32>
      %add3A_1289 = arith.addi %iota3A_1287, %add3A_1288 : vector<512x256xi32>
      %eq3A = vector.broadcast %broadcast_in_dim3A_1173 : vector<1x256xf32> to vector<512x256xf32>
      %eq3A_1290 = arith.cmpf oeq, %get3A_1286, %eq3A : vector<512x256xf32>
      %jit3A_1291 = arith.constant 4096 : i32
      %broadcast_in_dim3A_1292 = vector.broadcast %jit3A_1291 : i32 to vector<512x256xi32>
      %select_n3A_1293 = arith.select %eq3A_1290, %add3A_1289, %broadcast_in_dim3A_1292 : vector<512x256xi1>, vector<512x256xi32>
      %reduce_min3A_1294 = arith.constant dense<2147483647> : vector<256xi32>
      %reduce_min3A_1295 = vector.multi_reduction <minsi>, %select_n3A_1293, %reduce_min3A_1294 [0] : vector<512x256xi32> to vector<256xi32>
      %broadcast_in_dim3A_1296 = vector.shape_cast %reduce_min3A_1295 : vector<256xi32> to vector<1x256xi32>
      %min3A = arith.minsi %while3A_1280, %broadcast_in_dim3A_1296 : vector<1x256xi32>
      scf.yield %min3A : vector<1x256xi32>
    }
    %while3A_1185 = arith.constant 1 : i32
    %while3A_1186 = scf.for %while3A_1279 = %while3A_1182 to %while3A_1178 step %while3A_1185 iter_args(%while3A_1280 = %while3A_1184) -> (vector<1x256xi32>)  : i32 {
      %add3A_1281 = arith.addi %select_n3A, %while3A_1279 : i32
      %mul3A_1282 = arith.constant 512 : i32
      %mul3A_1283 = arith.muli %add3A_1281, %mul3A_1282 : i32
      %get3A_1284 = arith.index_cast %mul3A_1283 : i32 to index
      %get3A_1285 = arith.constant 0 : index
      %get3A_1286 = vector.load %arg8[%get3A_1284, %get3A_1285] : memref<4096x256xf32, #tpu.memory_space<vmem>>, vector<512x256xf32>
      %iota3A_1287 = tpu.iota {dimensions = array<i32: 0>} : vector<512x256xi32>
      %add3A_1288 = vector.broadcast %mul3A_1283 : i32 to vector<512x256xi32>
      %add3A_1289 = arith.addi %iota3A_1287, %add3A_1288 : vector<512x256xi32>
      %eq3A = vector.broadcast %broadcast_in_dim3A_1173 : vector<1x256xf32> to vector<512x256xf32>
      %eq3A_1290 = arith.cmpf oeq, %get3A_1286, %eq3A : vector<512x256xf32>
      %jit3A_1291 = arith.constant 4096 : i32
      %broadcast_in_dim3A_1292 = vector.broadcast %jit3A_1291 : i32 to vector<512x256xi32>
      %select_n3A_1293 = arith.select %eq3A_1290, %add3A_1289, %broadcast_in_dim3A_1292 : vector<512x256xi1>, vector<512x256xi32>
      %reduce_min3A_1294 = arith.constant dense<2147483647> : vector<256xi32>
      %reduce_min3A_1295 = vector.multi_reduction <minsi>, %select_n3A_1293, %reduce_min3A_1294 [0] : vector<512x256xi32> to vector<256xi32>
      %broadcast_in_dim3A_1296 = vector.shape_cast %reduce_min3A_1295 : vector<256xi32> to vector<1x256xi32>
      %min3A = arith.minsi %while3A_1280, %broadcast_in_dim3A_1296 : vector<1x256xi32>
      scf.yield %min3A : vector<1x256xi32>
    }
    %swap3A_1187 = arith.constant 29 : index
    %swap3A_1188 = arith.constant 0 : index
    %swap3A_1189 = vector.load %arg6[%swap3A_1187, %swap3A_1188] : memref<32x256xi32, #tpu.memory_space<vmem>>, vector<1x256xi32>
    tpu.vector_store %arg6[%swap3A_1187, %swap3A_1188], %while3A_1186 {strides = array<i32>} : memref<32x256xi32, #tpu.memory_space<vmem>>, vector<1x256xi32>,
    %swap3A_1190 = arith.constant 29 : index
    %swap3A_1191 = arith.constant 0 : index
    %swap3A_1192 = vector.load %arg7[%swap3A_1190, %swap3A_1191] : memref<32x256xf32, #tpu.memory_space<vmem>>, vector<1x256xf32>
    tpu.vector_store %arg7[%swap3A_1190, %swap3A_1191], %broadcast_in_dim3A_1173 {strides = array<i32>} : memref<32x256xf32, #tpu.memory_space<vmem>>, vector<1x256xf32>,
    %while3A_1193 = arith.constant 0 : i32
    %while3A_1194 = arith.constant 0 : i32
    %while3A_1195 = arith.subi %add3A_75, %while3A_1193 : i32
    %while3A_1196 = arith.addi %while3A_1193, %while3A_1195 : i32
    %while3A_1197 = arith.constant 1 : i32
    %while3A_1198 = arith.divsi %while3A_1195, %while3A_1197 : i32
    %while3A_1199 = arith.muli %while3A_1198, %while3A_1197 : i32
    %while3A_1200 = arith.addi %while3A_1193, %while3A_1199 : i32
    %while3A_1201 = arith.constant 1 : i32
    %while3A_1202 = scf.for %while3A_1279 = %while3A_1193 to %while3A_1200 step %while3A_1201 iter_args(%while3A_1280 = %while3A_1194) -> (i32)  : i32 {
      %add3A_1281 = arith.addi %select_n3A, %while3A_1279 : i32
      %mul3A_1282 = arith.constant 512 : i32
      %mul3A_1283 = arith.muli %add3A_1281, %mul3A_1282 : i32
      %get3A_1284 = arith.index_cast %mul3A_1283 : i32 to index
      %get3A_1285 = arith.constant 0 : index
      %get3A_1286 = vector.load %arg8[%get3A_1284, %get3A_1285] : memref<4096x256xf32, #tpu.memory_space<vmem>>, vector<512x256xf32>
      %iota3A_1287 = tpu.iota {dimensions = array<i32: 0>} : vector<512x256xi32>
      %add3A_1288 = vector.broadcast %mul3A_1283 : i32 to vector<512x256xi32>
      %add3A_1289 = arith.addi %iota3A_1287, %add3A_1288 : vector<512x256xi32>
      %eq3A = vector.broadcast %while3A_1186 : vector<1x256xi32> to vector<512x256xi32>
      %eq3A_1290 = arith.cmpi eq, %add3A_1289, %eq3A : vector<512x256xi32>
      %jit3A_1291 = arith.constant 0x7F800000 : f32
      %broadcast_in_dim3A_1292 = vector.broadcast %jit3A_1291 : f32 to vector<512x256xf32>
      %select_n3A_1293 = arith.select %eq3A_1290, %broadcast_in_dim3A_1292, %get3A_1286 : vector<512x256xi1>, vector<512x256xf32>
      %swap3A_1294 = arith.index_cast %mul3A_1283 : i32 to index
      %swap3A_1295 = arith.constant 0 : index
      %swap3A_1296 = vector.load %arg8[%swap3A_1294, %swap3A_1295] : memref<4096x256xf32, #tpu.memory_space<vmem>>, vector<512x256xf32>
      tpu.vector_store %arg8[%swap3A_1294, %swap3A_1295], %select_n3A_1293 {strides = array<i32>} : memref<4096x256xf32, #tpu.memory_space<vmem>>, vector<512x256xf32>,
      %reduce_min3A_1297 = arith.constant dense<0x7F800000> : vector<256xf32>
      %reduce_min3A_1298 = vector.multi_reduction <minimumf>, %select_n3A_1293, %reduce_min3A_1297 [0] : vector<512x256xf32> to vector<256xf32>
      %broadcast_in_dim3A_1299 = vector.shape_cast %reduce_min3A_1298 : vector<256xf32> to vector<1x256xf32>
      %add3A_1300 = arith.addi %select_n3A, %while3A_1279 : i32
      %swap3A_1301 = arith.index_cast %add3A_1300 : i32 to index
      %swap3A_1302 = arith.constant 0 : index
      %swap3A_1303 = vector.load %arg9[%swap3A_1301, %swap3A_1302] : memref<8x256xf32, #tpu.memory_space<vmem>>, vector<1x256xf32>
      tpu.vector_store %arg9[%swap3A_1301, %swap3A_1302], %broadcast_in_dim3A_1299 {strides = array<i32>} : memref<8x256xf32, #tpu.memory_space<vmem>>, vector<1x256xf32>,
      %while3A_1304 = arith.constant 0 : i32
      scf.yield %while3A_1304 : i32
    }
    %while3A_1203 = arith.constant 1 : i32
    %while3A_1204 = scf.for %while3A_1279 = %while3A_1200 to %while3A_1196 step %while3A_1203 iter_args(%while3A_1280 = %while3A_1202) -> (i32)  : i32 {
      %add3A_1281 = arith.addi %select_n3A, %while3A_1279 : i32
      %mul3A_1282 = arith.constant 512 : i32
      %mul3A_1283 = arith.muli %add3A_1281, %mul3A_1282 : i32
      %get3A_1284 = arith.index_cast %mul3A_1283 : i32 to index
      %get3A_1285 = arith.constant 0 : index
      %get3A_1286 = vector.load %arg8[%get3A_1284, %get3A_1285] : memref<4096x256xf32, #tpu.memory_space<vmem>>, vector<512x256xf32>
      %iota3A_1287 = tpu.iota {dimensions = array<i32: 0>} : vector<512x256xi32>
      %add3A_1288 = vector.broadcast %mul3A_1283 : i32 to vector<512x256xi32>
      %add3A_1289 = arith.addi %iota3A_1287, %add3A_1288 : vector<512x256xi32>
      %eq3A = vector.broadcast %while3A_1186 : vector<1x256xi32> to vector<512x256xi32>
      %eq3A_1290 = arith.cmpi eq, %add3A_1289, %eq3A : vector<512x256xi32>
      %jit3A_1291 = arith.constant 0x7F800000 : f32
      %broadcast_in_dim3A_1292 = vector.broadcast %jit3A_1291 : f32 to vector<512x256xf32>
      %select_n3A_1293 = arith.select %eq3A_1290, %broadcast_in_dim3A_1292, %get3A_1286 : vector<512x256xi1>, vector<512x256xf32>
      %swap3A_1294 = arith.index_cast %mul3A_1283 : i32 to index
      %swap3A_1295 = arith.constant 0 : index
      %swap3A_1296 = vector.load %arg8[%swap3A_1294, %swap3A_1295] : memref<4096x256xf32, #tpu.memory_space<vmem>>, vector<512x256xf32>
      tpu.vector_store %arg8[%swap3A_1294, %swap3A_1295], %select_n3A_1293 {strides = array<i32>} : memref<4096x256xf32, #tpu.memory_space<vmem>>, vector<512x256xf32>,
      %reduce_min3A_1297 = arith.constant dense<0x7F800000> : vector<256xf32>
      %reduce_min3A_1298 = vector.multi_reduction <minimumf>, %select_n3A_1293, %reduce_min3A_1297 [0] : vector<512x256xf32> to vector<256xf32>
      %broadcast_in_dim3A_1299 = vector.shape_cast %reduce_min3A_1298 : vector<256xf32> to vector<1x256xf32>
      %add3A_1300 = arith.addi %select_n3A, %while3A_1279 : i32
      %swap3A_1301 = arith.index_cast %add3A_1300 : i32 to index
      %swap3A_1302 = arith.constant 0 : index
      %swap3A_1303 = vector.load %arg9[%swap3A_1301, %swap3A_1302] : memref<8x256xf32, #tpu.memory_space<vmem>>, vector<1x256xf32>
      tpu.vector_store %arg9[%swap3A_1301, %swap3A_1302], %broadcast_in_dim3A_1299 {strides = array<i32>} : memref<8x256xf32, #tpu.memory_space<vmem>>, vector<1x256xf32>,
      %while3A_1304 = arith.constant 0 : i32
      scf.yield %while3A_1304 : i32
    }
    %get3A_1205 = arith.constant 0 : index
    %get3A_1206 = arith.constant 0 : index
    %get3A_1207 = vector.load %arg9[%get3A_1205, %get3A_1206] : memref<8x256xf32, #tpu.memory_space<vmem>>, vector<8x256xf32>
    %reduce_min3A_1208 = arith.constant dense<0x7F800000> : vector<256xf32>
    %reduce_min3A_1209 = vector.multi_reduction <minimumf>, %get3A_1207, %reduce_min3A_1208 [0] : vector<8x256xf32> to vector<256xf32>
    %broadcast_in_dim3A_1210 = vector.shape_cast %reduce_min3A_1209 : vector<256xf32> to vector<1x256xf32>
    %broadcast_in_dim3A_1211 = arith.constant 4096 : i32
    %broadcast_in_dim3A_1212 = vector.broadcast %broadcast_in_dim3A_1211 : i32 to vector<1x256xi32>
    %while3A_1213 = arith.constant 0 : i32
    %while3A_1214 = arith.subi %add3A_75, %while3A_1213 : i32
    %while3A_1215 = arith.addi %while3A_1213, %while3A_1214 : i32
    %while3A_1216 = arith.constant 1 : i32
    %while3A_1217 = arith.divsi %while3A_1214, %while3A_1216 : i32
    %while3A_1218 = arith.muli %while3A_1217, %while3A_1216 : i32
    %while3A_1219 = arith.addi %while3A_1213, %while3A_1218 : i32
    %while3A_1220 = arith.constant 1 : i32
    %while3A_1221 = scf.for %while3A_1279 = %while3A_1213 to %while3A_1219 step %while3A_1220 iter_args(%while3A_1280 = %broadcast_in_dim3A_1212) -> (vector<1x256xi32>)  : i32 {
      %add3A_1281 = arith.addi %select_n3A, %while3A_1279 : i32
      %mul3A_1282 = arith.constant 512 : i32
      %mul3A_1283 = arith.muli %add3A_1281, %mul3A_1282 : i32
      %get3A_1284 = arith.index_cast %mul3A_1283 : i32 to index
      %get3A_1285 = arith.constant 0 : index
      %get3A_1286 = vector.load %arg8[%get3A_1284, %get3A_1285] : memref<4096x256xf32, #tpu.memory_space<vmem>>, vector<512x256xf32>
      %iota3A_1287 = tpu.iota {dimensions = array<i32: 0>} : vector<512x256xi32>
      %add3A_1288 = vector.broadcast %mul3A_1283 : i32 to vector<512x256xi32>
      %add3A_1289 = arith.addi %iota3A_1287, %add3A_1288 : vector<512x256xi32>
      %eq3A = vector.broadcast %broadcast_in_dim3A_1210 : vector<1x256xf32> to vector<512x256xf32>
      %eq3A_1290 = arith.cmpf oeq, %get3A_1286, %eq3A : vector<512x256xf32>
      %jit3A_1291 = arith.constant 4096 : i32
      %broadcast_in_dim3A_1292 = vector.broadcast %jit3A_1291 : i32 to vector<512x256xi32>
      %select_n3A_1293 = arith.select %eq3A_1290, %add3A_1289, %broadcast_in_dim3A_1292 : vector<512x256xi1>, vector<512x256xi32>
      %reduce_min3A_1294 = arith.constant dense<2147483647> : vector<256xi32>
      %reduce_min3A_1295 = vector.multi_reduction <minsi>, %select_n3A_1293, %reduce_min3A_1294 [0] : vector<512x256xi32> to vector<256xi32>
      %broadcast_in_dim3A_1296 = vector.shape_cast %reduce_min3A_1295 : vector<256xi32> to vector<1x256xi32>
      %min3A = arith.minsi %while3A_1280, %broadcast_in_dim3A_1296 : vector<1x256xi32>
      scf.yield %min3A : vector<1x256xi32>
    }
    %while3A_1222 = arith.constant 1 : i32
    %while3A_1223 = scf.for %while3A_1279 = %while3A_1219 to %while3A_1215 step %while3A_1222 iter_args(%while3A_1280 = %while3A_1221) -> (vector<1x256xi32>)  : i32 {
      %add3A_1281 = arith.addi %select_n3A, %while3A_1279 : i32
      %mul3A_1282 = arith.constant 512 : i32
      %mul3A_1283 = arith.muli %add3A_1281, %mul3A_1282 : i32
      %get3A_1284 = arith.index_cast %mul3A_1283 : i32 to index
      %get3A_1285 = arith.constant 0 : index
      %get3A_1286 = vector.load %arg8[%get3A_1284, %get3A_1285] : memref<4096x256xf32, #tpu.memory_space<vmem>>, vector<512x256xf32>
      %iota3A_1287 = tpu.iota {dimensions = array<i32: 0>} : vector<512x256xi32>
      %add3A_1288 = vector.broadcast %mul3A_1283 : i32 to vector<512x256xi32>
      %add3A_1289 = arith.addi %iota3A_1287, %add3A_1288 : vector<512x256xi32>
      %eq3A = vector.broadcast %broadcast_in_dim3A_1210 : vector<1x256xf32> to vector<512x256xf32>
      %eq3A_1290 = arith.cmpf oeq, %get3A_1286, %eq3A : vector<512x256xf32>
      %jit3A_1291 = arith.constant 4096 : i32
      %broadcast_in_dim3A_1292 = vector.broadcast %jit3A_1291 : i32 to vector<512x256xi32>
      %select_n3A_1293 = arith.select %eq3A_1290, %add3A_1289, %broadcast_in_dim3A_1292 : vector<512x256xi1>, vector<512x256xi32>
      %reduce_min3A_1294 = arith.constant dense<2147483647> : vector<256xi32>
      %reduce_min3A_1295 = vector.multi_reduction <minsi>, %select_n3A_1293, %reduce_min3A_1294 [0] : vector<512x256xi32> to vector<256xi32>
      %broadcast_in_dim3A_1296 = vector.shape_cast %reduce_min3A_1295 : vector<256xi32> to vector<1x256xi32>
      %min3A = arith.minsi %while3A_1280, %broadcast_in_dim3A_1296 : vector<1x256xi32>
      scf.yield %min3A : vector<1x256xi32>
    }
    %swap3A_1224 = arith.constant 30 : index
    %swap3A_1225 = arith.constant 0 : index
    %swap3A_1226 = vector.load %arg6[%swap3A_1224, %swap3A_1225] : memref<32x256xi32, #tpu.memory_space<vmem>>, vector<1x256xi32>
    tpu.vector_store %arg6[%swap3A_1224, %swap3A_1225], %while3A_1223 {strides = array<i32>} : memref<32x256xi32, #tpu.memory_space<vmem>>, vector<1x256xi32>,
    %swap3A_1227 = arith.constant 30 : index
    %swap3A_1228 = arith.constant 0 : index
    %swap3A_1229 = vector.load %arg7[%swap3A_1227, %swap3A_1228] : memref<32x256xf32, #tpu.memory_space<vmem>>, vector<1x256xf32>
    tpu.vector_store %arg7[%swap3A_1227, %swap3A_1228], %broadcast_in_dim3A_1210 {strides = array<i32>} : memref<32x256xf32, #tpu.memory_space<vmem>>, vector<1x256xf32>,
    %while3A_1230 = arith.constant 0 : i32
    %while3A_1231 = arith.constant 0 : i32
    %while3A_1232 = arith.subi %add3A_75, %while3A_1230 : i32
    %while3A_1233 = arith.addi %while3A_1230, %while3A_1232 : i32
    %while3A_1234 = arith.constant 1 : i32
    %while3A_1235 = arith.divsi %while3A_1232, %while3A_1234 : i32
    %while3A_1236 = arith.muli %while3A_1235, %while3A_1234 : i32
    %while3A_1237 = arith.addi %while3A_1230, %while3A_1236 : i32
    %while3A_1238 = arith.constant 1 : i32
    %while3A_1239 = scf.for %while3A_1279 = %while3A_1230 to %while3A_1237 step %while3A_1238 iter_args(%while3A_1280 = %while3A_1231) -> (i32)  : i32 {
      %add3A_1281 = arith.addi %select_n3A, %while3A_1279 : i32
      %mul3A_1282 = arith.constant 512 : i32
      %mul3A_1283 = arith.muli %add3A_1281, %mul3A_1282 : i32
      %get3A_1284 = arith.index_cast %mul3A_1283 : i32 to index
      %get3A_1285 = arith.constant 0 : index
      %get3A_1286 = vector.load %arg8[%get3A_1284, %get3A_1285] : memref<4096x256xf32, #tpu.memory_space<vmem>>, vector<512x256xf32>
      %iota3A_1287 = tpu.iota {dimensions = array<i32: 0>} : vector<512x256xi32>
      %add3A_1288 = vector.broadcast %mul3A_1283 : i32 to vector<512x256xi32>
      %add3A_1289 = arith.addi %iota3A_1287, %add3A_1288 : vector<512x256xi32>
      %eq3A = vector.broadcast %while3A_1223 : vector<1x256xi32> to vector<512x256xi32>
      %eq3A_1290 = arith.cmpi eq, %add3A_1289, %eq3A : vector<512x256xi32>
      %jit3A_1291 = arith.constant 0x7F800000 : f32
      %broadcast_in_dim3A_1292 = vector.broadcast %jit3A_1291 : f32 to vector<512x256xf32>
      %select_n3A_1293 = arith.select %eq3A_1290, %broadcast_in_dim3A_1292, %get3A_1286 : vector<512x256xi1>, vector<512x256xf32>
      %swap3A_1294 = arith.index_cast %mul3A_1283 : i32 to index
      %swap3A_1295 = arith.constant 0 : index
      %swap3A_1296 = vector.load %arg8[%swap3A_1294, %swap3A_1295] : memref<4096x256xf32, #tpu.memory_space<vmem>>, vector<512x256xf32>
      tpu.vector_store %arg8[%swap3A_1294, %swap3A_1295], %select_n3A_1293 {strides = array<i32>} : memref<4096x256xf32, #tpu.memory_space<vmem>>, vector<512x256xf32>,
      %reduce_min3A_1297 = arith.constant dense<0x7F800000> : vector<256xf32>
      %reduce_min3A_1298 = vector.multi_reduction <minimumf>, %select_n3A_1293, %reduce_min3A_1297 [0] : vector<512x256xf32> to vector<256xf32>
      %broadcast_in_dim3A_1299 = vector.shape_cast %reduce_min3A_1298 : vector<256xf32> to vector<1x256xf32>
      %add3A_1300 = arith.addi %select_n3A, %while3A_1279 : i32
      %swap3A_1301 = arith.index_cast %add3A_1300 : i32 to index
      %swap3A_1302 = arith.constant 0 : index
      %swap3A_1303 = vector.load %arg9[%swap3A_1301, %swap3A_1302] : memref<8x256xf32, #tpu.memory_space<vmem>>, vector<1x256xf32>
      tpu.vector_store %arg9[%swap3A_1301, %swap3A_1302], %broadcast_in_dim3A_1299 {strides = array<i32>} : memref<8x256xf32, #tpu.memory_space<vmem>>, vector<1x256xf32>,
      %while3A_1304 = arith.constant 0 : i32
      scf.yield %while3A_1304 : i32
    }
    %while3A_1240 = arith.constant 1 : i32
    %while3A_1241 = scf.for %while3A_1279 = %while3A_1237 to %while3A_1233 step %while3A_1240 iter_args(%while3A_1280 = %while3A_1239) -> (i32)  : i32 {
      %add3A_1281 = arith.addi %select_n3A, %while3A_1279 : i32
      %mul3A_1282 = arith.constant 512 : i32
      %mul3A_1283 = arith.muli %add3A_1281, %mul3A_1282 : i32
      %get3A_1284 = arith.index_cast %mul3A_1283 : i32 to index
      %get3A_1285 = arith.constant 0 : index
      %get3A_1286 = vector.load %arg8[%get3A_1284, %get3A_1285] : memref<4096x256xf32, #tpu.memory_space<vmem>>, vector<512x256xf32>
      %iota3A_1287 = tpu.iota {dimensions = array<i32: 0>} : vector<512x256xi32>
      %add3A_1288 = vector.broadcast %mul3A_1283 : i32 to vector<512x256xi32>
      %add3A_1289 = arith.addi %iota3A_1287, %add3A_1288 : vector<512x256xi32>
      %eq3A = vector.broadcast %while3A_1223 : vector<1x256xi32> to vector<512x256xi32>
      %eq3A_1290 = arith.cmpi eq, %add3A_1289, %eq3A : vector<512x256xi32>
      %jit3A_1291 = arith.constant 0x7F800000 : f32
      %broadcast_in_dim3A_1292 = vector.broadcast %jit3A_1291 : f32 to vector<512x256xf32>
      %select_n3A_1293 = arith.select %eq3A_1290, %broadcast_in_dim3A_1292, %get3A_1286 : vector<512x256xi1>, vector<512x256xf32>
      %swap3A_1294 = arith.index_cast %mul3A_1283 : i32 to index
      %swap3A_1295 = arith.constant 0 : index
      %swap3A_1296 = vector.load %arg8[%swap3A_1294, %swap3A_1295] : memref<4096x256xf32, #tpu.memory_space<vmem>>, vector<512x256xf32>
      tpu.vector_store %arg8[%swap3A_1294, %swap3A_1295], %select_n3A_1293 {strides = array<i32>} : memref<4096x256xf32, #tpu.memory_space<vmem>>, vector<512x256xf32>,
      %reduce_min3A_1297 = arith.constant dense<0x7F800000> : vector<256xf32>
      %reduce_min3A_1298 = vector.multi_reduction <minimumf>, %select_n3A_1293, %reduce_min3A_1297 [0] : vector<512x256xf32> to vector<256xf32>
      %broadcast_in_dim3A_1299 = vector.shape_cast %reduce_min3A_1298 : vector<256xf32> to vector<1x256xf32>
      %add3A_1300 = arith.addi %select_n3A, %while3A_1279 : i32
      %swap3A_1301 = arith.index_cast %add3A_1300 : i32 to index
      %swap3A_1302 = arith.constant 0 : index
      %swap3A_1303 = vector.load %arg9[%swap3A_1301, %swap3A_1302] : memref<8x256xf32, #tpu.memory_space<vmem>>, vector<1x256xf32>
      tpu.vector_store %arg9[%swap3A_1301, %swap3A_1302], %broadcast_in_dim3A_1299 {strides = array<i32>} : memref<8x256xf32, #tpu.memory_space<vmem>>, vector<1x256xf32>,
      %while3A_1304 = arith.constant 0 : i32
      scf.yield %while3A_1304 : i32
    }
    %get3A_1242 = arith.constant 0 : index
    %get3A_1243 = arith.constant 0 : index
    %get3A_1244 = vector.load %arg9[%get3A_1242, %get3A_1243] : memref<8x256xf32, #tpu.memory_space<vmem>>, vector<8x256xf32>
    %reduce_min3A_1245 = arith.constant dense<0x7F800000> : vector<256xf32>
    %reduce_min3A_1246 = vector.multi_reduction <minimumf>, %get3A_1244, %reduce_min3A_1245 [0] : vector<8x256xf32> to vector<256xf32>
    %broadcast_in_dim3A_1247 = vector.shape_cast %reduce_min3A_1246 : vector<256xf32> to vector<1x256xf32>
    %broadcast_in_dim3A_1248 = arith.constant 4096 : i32
    %broadcast_in_dim3A_1249 = vector.broadcast %broadcast_in_dim3A_1248 : i32 to vector<1x256xi32>
    %while3A_1250 = arith.constant 0 : i32
    %while3A_1251 = arith.subi %add3A_75, %while3A_1250 : i32
    %while3A_1252 = arith.addi %while3A_1250, %while3A_1251 : i32
    %while3A_1253 = arith.constant 1 : i32
    %while3A_1254 = arith.divsi %while3A_1251, %while3A_1253 : i32
    %while3A_1255 = arith.muli %while3A_1254, %while3A_1253 : i32
    %while3A_1256 = arith.addi %while3A_1250, %while3A_1255 : i32
    %while3A_1257 = arith.constant 1 : i32
    %while3A_1258 = scf.for %while3A_1279 = %while3A_1250 to %while3A_1256 step %while3A_1257 iter_args(%while3A_1280 = %broadcast_in_dim3A_1249) -> (vector<1x256xi32>)  : i32 {
      %add3A_1281 = arith.addi %select_n3A, %while3A_1279 : i32
      %mul3A_1282 = arith.constant 512 : i32
      %mul3A_1283 = arith.muli %add3A_1281, %mul3A_1282 : i32
      %get3A_1284 = arith.index_cast %mul3A_1283 : i32 to index
      %get3A_1285 = arith.constant 0 : index
      %get3A_1286 = vector.load %arg8[%get3A_1284, %get3A_1285] : memref<4096x256xf32, #tpu.memory_space<vmem>>, vector<512x256xf32>
      %iota3A_1287 = tpu.iota {dimensions = array<i32: 0>} : vector<512x256xi32>
      %add3A_1288 = vector.broadcast %mul3A_1283 : i32 to vector<512x256xi32>
      %add3A_1289 = arith.addi %iota3A_1287, %add3A_1288 : vector<512x256xi32>
      %eq3A = vector.broadcast %broadcast_in_dim3A_1247 : vector<1x256xf32> to vector<512x256xf32>
      %eq3A_1290 = arith.cmpf oeq, %get3A_1286, %eq3A : vector<512x256xf32>
      %jit3A_1291 = arith.constant 4096 : i32
      %broadcast_in_dim3A_1292 = vector.broadcast %jit3A_1291 : i32 to vector<512x256xi32>
      %select_n3A_1293 = arith.select %eq3A_1290, %add3A_1289, %broadcast_in_dim3A_1292 : vector<512x256xi1>, vector<512x256xi32>
      %reduce_min3A_1294 = arith.constant dense<2147483647> : vector<256xi32>
      %reduce_min3A_1295 = vector.multi_reduction <minsi>, %select_n3A_1293, %reduce_min3A_1294 [0] : vector<512x256xi32> to vector<256xi32>
      %broadcast_in_dim3A_1296 = vector.shape_cast %reduce_min3A_1295 : vector<256xi32> to vector<1x256xi32>
      %min3A = arith.minsi %while3A_1280, %broadcast_in_dim3A_1296 : vector<1x256xi32>
      scf.yield %min3A : vector<1x256xi32>
    }
    %while3A_1259 = arith.constant 1 : i32
    %while3A_1260 = scf.for %while3A_1279 = %while3A_1256 to %while3A_1252 step %while3A_1259 iter_args(%while3A_1280 = %while3A_1258) -> (vector<1x256xi32>)  : i32 {
      %add3A_1281 = arith.addi %select_n3A, %while3A_1279 : i32
      %mul3A_1282 = arith.constant 512 : i32
      %mul3A_1283 = arith.muli %add3A_1281, %mul3A_1282 : i32
      %get3A_1284 = arith.index_cast %mul3A_1283 : i32 to index
      %get3A_1285 = arith.constant 0 : index
      %get3A_1286 = vector.load %arg8[%get3A_1284, %get3A_1285] : memref<4096x256xf32, #tpu.memory_space<vmem>>, vector<512x256xf32>
      %iota3A_1287 = tpu.iota {dimensions = array<i32: 0>} : vector<512x256xi32>
      %add3A_1288 = vector.broadcast %mul3A_1283 : i32 to vector<512x256xi32>
      %add3A_1289 = arith.addi %iota3A_1287, %add3A_1288 : vector<512x256xi32>
      %eq3A = vector.broadcast %broadcast_in_dim3A_1247 : vector<1x256xf32> to vector<512x256xf32>
      %eq3A_1290 = arith.cmpf oeq, %get3A_1286, %eq3A : vector<512x256xf32>
      %jit3A_1291 = arith.constant 4096 : i32
      %broadcast_in_dim3A_1292 = vector.broadcast %jit3A_1291 : i32 to vector<512x256xi32>
      %select_n3A_1293 = arith.select %eq3A_1290, %add3A_1289, %broadcast_in_dim3A_1292 : vector<512x256xi1>, vector<512x256xi32>
      %reduce_min3A_1294 = arith.constant dense<2147483647> : vector<256xi32>
      %reduce_min3A_1295 = vector.multi_reduction <minsi>, %select_n3A_1293, %reduce_min3A_1294 [0] : vector<512x256xi32> to vector<256xi32>
      %broadcast_in_dim3A_1296 = vector.shape_cast %reduce_min3A_1295 : vector<256xi32> to vector<1x256xi32>
      %min3A = arith.minsi %while3A_1280, %broadcast_in_dim3A_1296 : vector<1x256xi32>
      scf.yield %min3A : vector<1x256xi32>
    }
    %swap3A_1261 = arith.constant 31 : index
    %swap3A_1262 = arith.constant 0 : index
    %swap3A_1263 = vector.load %arg6[%swap3A_1261, %swap3A_1262] : memref<32x256xi32, #tpu.memory_space<vmem>>, vector<1x256xi32>
    tpu.vector_store %arg6[%swap3A_1261, %swap3A_1262], %while3A_1260 {strides = array<i32>} : memref<32x256xi32, #tpu.memory_space<vmem>>, vector<1x256xi32>,
    %swap3A_1264 = arith.constant 31 : index
    %swap3A_1265 = arith.constant 0 : index
    %swap3A_1266 = vector.load %arg7[%swap3A_1264, %swap3A_1265] : memref<32x256xf32, #tpu.memory_space<vmem>>, vector<1x256xf32>
    tpu.vector_store %arg7[%swap3A_1264, %swap3A_1265], %broadcast_in_dim3A_1247 {strides = array<i32>} : memref<32x256xf32, #tpu.memory_space<vmem>>, vector<1x256xf32>,
    %while3A_1267 = arith.constant 0 : i32
    %while3A_1268 = arith.constant 0 : i32
    %while3A_1269 = arith.subi %add3A_75, %while3A_1267 : i32
    %while3A_1270 = arith.addi %while3A_1267, %while3A_1269 : i32
    %while3A_1271 = arith.constant 1 : i32
    %while3A_1272 = arith.divsi %while3A_1269, %while3A_1271 : i32
    %while3A_1273 = arith.muli %while3A_1272, %while3A_1271 : i32
    %while3A_1274 = arith.addi %while3A_1267, %while3A_1273 : i32
    %while3A_1275 = arith.constant 1 : i32
    %while3A_1276 = scf.for %while3A_1279 = %while3A_1267 to %while3A_1274 step %while3A_1275 iter_args(%while3A_1280 = %while3A_1268) -> (i32)  : i32 {
      %add3A_1281 = arith.addi %select_n3A, %while3A_1279 : i32
      %mul3A_1282 = arith.constant 512 : i32
      %mul3A_1283 = arith.muli %add3A_1281, %mul3A_1282 : i32
      %get3A_1284 = arith.index_cast %mul3A_1283 : i32 to index
      %get3A_1285 = arith.constant 0 : index
      %get3A_1286 = vector.load %arg8[%get3A_1284, %get3A_1285] : memref<4096x256xf32, #tpu.memory_space<vmem>>, vector<512x256xf32>
      %iota3A_1287 = tpu.iota {dimensions = array<i32: 0>} : vector<512x256xi32>
      %add3A_1288 = vector.broadcast %mul3A_1283 : i32 to vector<512x256xi32>
      %add3A_1289 = arith.addi %iota3A_1287, %add3A_1288 : vector<512x256xi32>
      %eq3A = vector.broadcast %while3A_1260 : vector<1x256xi32> to vector<512x256xi32>
      %eq3A_1290 = arith.cmpi eq, %add3A_1289, %eq3A : vector<512x256xi32>
      %jit3A_1291 = arith.constant 0x7F800000 : f32
      %broadcast_in_dim3A_1292 = vector.broadcast %jit3A_1291 : f32 to vector<512x256xf32>
      %select_n3A_1293 = arith.select %eq3A_1290, %broadcast_in_dim3A_1292, %get3A_1286 : vector<512x256xi1>, vector<512x256xf32>
      %swap3A_1294 = arith.index_cast %mul3A_1283 : i32 to index
      %swap3A_1295 = arith.constant 0 : index
      %swap3A_1296 = vector.load %arg8[%swap3A_1294, %swap3A_1295] : memref<4096x256xf32, #tpu.memory_space<vmem>>, vector<512x256xf32>
      tpu.vector_store %arg8[%swap3A_1294, %swap3A_1295], %select_n3A_1293 {strides = array<i32>} : memref<4096x256xf32, #tpu.memory_space<vmem>>, vector<512x256xf32>,
      %reduce_min3A_1297 = arith.constant dense<0x7F800000> : vector<256xf32>
      %reduce_min3A_1298 = vector.multi_reduction <minimumf>, %select_n3A_1293, %reduce_min3A_1297 [0] : vector<512x256xf32> to vector<256xf32>
      %broadcast_in_dim3A_1299 = vector.shape_cast %reduce_min3A_1298 : vector<256xf32> to vector<1x256xf32>
      %add3A_1300 = arith.addi %select_n3A, %while3A_1279 : i32
      %swap3A_1301 = arith.index_cast %add3A_1300 : i32 to index
      %swap3A_1302 = arith.constant 0 : index
      %swap3A_1303 = vector.load %arg9[%swap3A_1301, %swap3A_1302] : memref<8x256xf32, #tpu.memory_space<vmem>>, vector<1x256xf32>
      tpu.vector_store %arg9[%swap3A_1301, %swap3A_1302], %broadcast_in_dim3A_1299 {strides = array<i32>} : memref<8x256xf32, #tpu.memory_space<vmem>>, vector<1x256xf32>,
      %while3A_1304 = arith.constant 0 : i32
      scf.yield %while3A_1304 : i32
    }
    %while3A_1277 = arith.constant 1 : i32
    %while3A_1278 = scf.for %while3A_1279 = %while3A_1274 to %while3A_1270 step %while3A_1277 iter_args(%while3A_1280 = %while3A_1276) -> (i32)  : i32 {
      %add3A_1281 = arith.addi %select_n3A, %while3A_1279 : i32
      %mul3A_1282 = arith.constant 512 : i32
      %mul3A_1283 = arith.muli %add3A_1281, %mul3A_1282 : i32
      %get3A_1284 = arith.index_cast %mul3A_1283 : i32 to index
      %get3A_1285 = arith.constant 0 : index
      %get3A_1286 = vector.load %arg8[%get3A_1284, %get3A_1285] : memref<4096x256xf32, #tpu.memory_space<vmem>>, vector<512x256xf32>
      %iota3A_1287 = tpu.iota {dimensions = array<i32: 0>} : vector<512x256xi32>
      %add3A_1288 = vector.broadcast %mul3A_1283 : i32 to vector<512x256xi32>
      %add3A_1289 = arith.addi %iota3A_1287, %add3A_1288 : vector<512x256xi32>
      %eq3A = vector.broadcast %while3A_1260 : vector<1x256xi32> to vector<512x256xi32>
      %eq3A_1290 = arith.cmpi eq, %add3A_1289, %eq3A : vector<512x256xi32>
      %jit3A_1291 = arith.constant 0x7F800000 : f32
      %broadcast_in_dim3A_1292 = vector.broadcast %jit3A_1291 : f32 to vector<512x256xf32>
      %select_n3A_1293 = arith.select %eq3A_1290, %broadcast_in_dim3A_1292, %get3A_1286 : vector<512x256xi1>, vector<512x256xf32>
      %swap3A_1294 = arith.index_cast %mul3A_1283 : i32 to index
      %swap3A_1295 = arith.constant 0 : index
      %swap3A_1296 = vector.load %arg8[%swap3A_1294, %swap3A_1295] : memref<4096x256xf32, #tpu.memory_space<vmem>>, vector<512x256xf32>
      tpu.vector_store %arg8[%swap3A_1294, %swap3A_1295], %select_n3A_1293 {strides = array<i32>} : memref<4096x256xf32, #tpu.memory_space<vmem>>, vector<512x256xf32>,
      %reduce_min3A_1297 = arith.constant dense<0x7F800000> : vector<256xf32>
      %reduce_min3A_1298 = vector.multi_reduction <minimumf>, %select_n3A_1293, %reduce_min3A_1297 [0] : vector<512x256xf32> to vector<256xf32>
      %broadcast_in_dim3A_1299 = vector.shape_cast %reduce_min3A_1298 : vector<256xf32> to vector<1x256xf32>
      %add3A_1300 = arith.addi %select_n3A, %while3A_1279 : i32
      %swap3A_1301 = arith.index_cast %add3A_1300 : i32 to index
      %swap3A_1302 = arith.constant 0 : index
      %swap3A_1303 = vector.load %arg9[%swap3A_1301, %swap3A_1302] : memref<8x256xf32, #tpu.memory_space<vmem>>, vector<1x256xf32>
      tpu.vector_store %arg9[%swap3A_1301, %swap3A_1302], %broadcast_in_dim3A_1299 {strides = array<i32>} : memref<8x256xf32, #tpu.memory_space<vmem>>, vector<1x256xf32>,
      %while3A_1304 = arith.constant 0 : i32
      scf.yield %while3A_1304 : i32
    }
    return
  }
  func.func @transform_0(%arg0: i32) -> (i32, i32) {
    %c0_i32 = arith.constant 0 : i32
    %c0_i32_0 = arith.constant 0 : i32
    return %c0_i32, %arg0 : i32, i32
  }
  func.func @transform_1(%arg0: i32) -> (i32, i32) {
    %c0_i32 = arith.constant 0 : i32
    %c0_i32_0 = arith.constant 0 : i32
    %c0_i32_1 = arith.constant 0 : i32
    return %c0_i32, %c0_i32_0 : i32, i32
  }
  func.func @transform_2(%arg0: i32) -> (i32, i32) {
    %c0_i32 = arith.constant 0 : i32
    %c0_i32_0 = arith.constant 0 : i32
    return %c0_i32, %arg0 : i32, i32
  }
  func.func @transform_3(%arg0: i32) -> (i32, i32) {
    %c0_i32 = arith.constant 0 : i32
    %c0_i32_0 = arith.constant 0 : i32
    %c0_i32_1 = arith.constant 0 : i32
    return %c0_i32, %c0_i32_0 : i32, i32
  }
  func.func @transform_4(%arg0: i32) -> (i32, i32) {
    %c0_i32 = arith.constant 0 : i32
    %c0_i32_0 = arith.constant 0 : i32
    %c0_i32_1 = arith.constant 0 : i32
    return %c0_i32, %c0_i32_0 : i32, i32
  }
  func.func @transform_5(%arg0: i32) -> (i32, i32) {
    %c0_i32 = arith.constant 0 : i32
    %c0_i32_0 = arith.constant 0 : i32
    return %arg0, %c0_i32 : i32, i32
  }
  func.func @transform_6(%arg0: i32) -> (i32, i32) {
    %c0_i32 = arith.constant 0 : i32
    %c0_i32_0 = arith.constant 0 : i32
    return %arg0, %c0_i32 : i32, i32
  }
}

module attributes {stable_mosaic.version = 14 : i64} {
  func.func @_edge_kernel(%arg0: i32, %arg1: memref<8192x1xf32, #tpu.memory_space<vmem>>, %arg2: memref<8192x1xi32, #tpu.memory_space<vmem>>, %arg3: memref<8192x52xf32, #tpu.memory_space<vmem>>) attributes {dimension_semantics = [#tpu.dimension_semantics<arbitrary>], iteration_bounds = array<i64: 16>, scalar_prefetch = 0 : i64, scratch_operands = 0 : i64, tpu.core_type = #tpu.core_type<tc>, window_params = [{transform_indices = @transform_0, window_bounds = array<i64: 8192, 1>}, {transform_indices = @transform_1, window_bounds = array<i64: 8192, 1>}, {transform_indices = @transform_2, window_bounds = array<i64: 8192, 52>}]} {
    %get3A = arith.constant 0 : index
    %get3A_0 = arith.constant 0 : index
    %get3A_1 = vector.load %arg1[%get3A, %get3A_0] : memref<8192x1xf32, #tpu.memory_space<vmem>>, vector<8192x1xf32>
    %is_finite3A = tpu.weird %get3A_1 : vector<8192x1xf32> -> vector<8192x1xi1>
    %is_finite3A_2 = arith.constant dense<true> : vector<8192x1xi1>
    %is_finite3A_3 = arith.xori %is_finite3A, %is_finite3A_2 : vector<8192x1xi1>
    %jit3A = arith.constant 0.000000e+00 : f32
    %broadcast_in_dim3A = vector.broadcast %jit3A : f32 to vector<8192x1xf32>
    %select_n3A = arith.select %is_finite3A_3, %get3A_1, %broadcast_in_dim3A : vector<8192x1xi1>, vector<8192x1xf32>
    %iota3A = tpu.iota {dimensions = array<i32: 1>} : vector<8192x50xi32>
    %convert_element_type3A = arith.sitofp %iota3A : vector<8192x50xi32> to vector<8192x50xf32>
    %mul3A = arith.constant 0.10204082 : f32
    %mul3A_4 = vector.broadcast %mul3A : f32 to vector<8192x50xf32>
    %mul3A_5 = arith.mulf %convert_element_type3A, %mul3A_4 : vector<8192x50xf32>
    %sub3A = vector.broadcast %select_n3A : vector<8192x1xf32> to vector<8192x50xf32>
    %sub3A_6 = arith.subf %sub3A, %mul3A_5 : vector<8192x50xf32>
    %mul3A_7 = arith.constant -4.802000e+01 : f32
    %mul3A_8 = vector.broadcast %mul3A_7 : f32 to vector<8192x50xf32>
    %mul3A_9 = arith.mulf %mul3A_8, %sub3A_6 : vector<8192x50xf32>
    %mul3A_10 = arith.mulf %mul3A_9, %sub3A_6 : vector<8192x50xf32>
    %exp3A = math.exp %mul3A_10 : vector<8192x50xf32>
    %mul3A_11 = arith.constant 0.628318548 : f32
    %mul3A_12 = vector.broadcast %mul3A_11 : f32 to vector<8192x1xf32>
    %mul3A_13 = arith.mulf %select_n3A, %mul3A_12 : vector<8192x1xf32>
    %mul3A_14 = arith.mulf %mul3A_13, %mul3A_13 : vector<8192x1xf32>
    %mul3A_15 = arith.constant 2.48015876E-5 : f32
    %mul3A_16 = vector.broadcast %mul3A_15 : f32 to vector<8192x1xf32>
    %mul3A_17 = arith.mulf %mul3A_14, %mul3A_16 : vector<8192x1xf32>
    %add3A = arith.constant -0.00138888892 : f32
    %add3A_18 = vector.broadcast %add3A : f32 to vector<8192x1xf32>
    %add3A_19 = arith.addf %add3A_18, %mul3A_17 : vector<8192x1xf32>
    %mul3A_20 = arith.mulf %mul3A_14, %add3A_19 : vector<8192x1xf32>
    %add3A_21 = arith.constant 0.0416666679 : f32
    %add3A_22 = vector.broadcast %add3A_21 : f32 to vector<8192x1xf32>
    %add3A_23 = arith.addf %add3A_22, %mul3A_20 : vector<8192x1xf32>
    %mul3A_24 = arith.mulf %mul3A_14, %add3A_23 : vector<8192x1xf32>
    %add3A_25 = arith.constant -5.000000e-01 : f32
    %add3A_26 = vector.broadcast %add3A_25 : f32 to vector<8192x1xf32>
    %add3A_27 = arith.addf %add3A_26, %mul3A_24 : vector<8192x1xf32>
    %mul3A_28 = arith.mulf %mul3A_14, %add3A_27 : vector<8192x1xf32>
    %add3A_29 = arith.constant 1.000000e+00 : f32
    %add3A_30 = vector.broadcast %add3A_29 : f32 to vector<8192x1xf32>
    %add3A_31 = arith.addf %add3A_30, %mul3A_28 : vector<8192x1xf32>
    %add3A_32 = arith.constant 1.000000e+00 : f32
    %add3A_33 = vector.broadcast %add3A_32 : f32 to vector<8192x1xf32>
    %add3A_34 = arith.addf %add3A_31, %add3A_33 : vector<8192x1xf32>
    %mul3A_35 = arith.constant 5.000000e-01 : f32
    %mul3A_36 = vector.broadcast %mul3A_35 : f32 to vector<8192x1xf32>
    %mul3A_37 = arith.mulf %mul3A_36, %add3A_34 : vector<8192x1xf32>
    %convert_element_type3A_38 = arith.extui %is_finite3A_3 : vector<8192x1xi1> to vector<8192x1xi32>
    %convert_element_type3A_39 = arith.sitofp %convert_element_type3A_38 : vector<8192x1xi32> to vector<8192x1xf32>
    %mul3A_40 = arith.mulf %mul3A_37, %convert_element_type3A_39 : vector<8192x1xf32>
    %get3A_41 = arith.constant 0 : index
    %get3A_42 = arith.constant 0 : index
    %get3A_43 = vector.load %arg2[%get3A_41, %get3A_42] : memref<8192x1xi32, #tpu.memory_space<vmem>>, vector<8192x1xi32>
    %convert_element_type3A_44 = arith.sitofp %get3A_43 : vector<8192x1xi32> to vector<8192x1xf32>
    %concatenate3A = tpu.concatenate %exp3A, %mul3A_40, %convert_element_type3A_44 in 1 : vector<8192x50xf32>, vector<8192x1xf32>, vector<8192x1xf32> -> vector<8192x52xf32>
    %swap3A = arith.constant 0 : index
    %swap3A_45 = arith.constant 0 : index
    %swap3A_46 = vector.load %arg3[%swap3A, %swap3A_45] : memref<8192x52xf32, #tpu.memory_space<vmem>>, vector<8192x52xf32>
    tpu.vector_store %arg3[%swap3A, %swap3A_45], %concatenate3A {strides = array<i32>} : memref<8192x52xf32, #tpu.memory_space<vmem>>, vector<8192x52xf32>,
    return
  }
  func.func @transform_0(%arg0: i32) -> (i32, i32) {
    %c0_i32 = arith.constant 0 : i32
    %c0_i32_0 = arith.constant 0 : i32
    return %arg0, %c0_i32 : i32, i32
  }
  func.func @transform_1(%arg0: i32) -> (i32, i32) {
    %c0_i32 = arith.constant 0 : i32
    %c0_i32_0 = arith.constant 0 : i32
    return %arg0, %c0_i32 : i32, i32
  }
  func.func @transform_2(%arg0: i32) -> (i32, i32) {
    %c0_i32 = arith.constant 0 : i32
    %c0_i32_0 = arith.constant 0 : i32
    return %arg0, %c0_i32 : i32, i32
  }
}

module attributes {stable_mosaic.version = 14 : i64} {
  func.func @_layers_kernel(%arg0: i32, %arg1: i32, %arg2: memref<4096x128xf32, #tpu.memory_space<vmem>>, %arg3: memref<8192x52xf32, #tpu.memory_space<vmem>>, %arg4: memref<1x50x128xf32, #tpu.memory_space<vmem>>, %arg5: memref<1x1x128xf32, #tpu.memory_space<vmem>>, %arg6: memref<1x128x128xf32, #tpu.memory_space<vmem>>, %arg7: memref<1x1x128xf32, #tpu.memory_space<vmem>>, %arg8: memref<1x128x128xf32, #tpu.memory_space<vmem>>, %arg9: memref<1x128x128xf32, #tpu.memory_space<vmem>>, %arg10: memref<1x1x128xf32, #tpu.memory_space<vmem>>, %arg11: memref<1x128x128xf32, #tpu.memory_space<vmem>>, %arg12: memref<1x1x128xf32, #tpu.memory_space<vmem>>, %arg13: memref<256x128xf32, #tpu.memory_space<vmem>>, %arg14: memref<4096x128xf32, #tpu.memory_space<vmem>>, %arg15: memref<4096x128xbf16, #tpu.memory_space<vmem>>, %arg16: memref<8192x128xf32, #tpu.memory_space<vmem>>) attributes {dimension_semantics = [#tpu.dimension_semantics<arbitrary>, #tpu.dimension_semantics<arbitrary>], iteration_bounds = array<i64: 6, 17>, scalar_prefetch = 0 : i64, scratch_operands = 3 : i64, tpu.core_type = #tpu.core_type<tc>, window_params = [{pipeline_mode = #tpu.pipeline_mode<synchronous>, transform_indices = @transform_0, window_bounds = array<i64: 4096, 128>}, {transform_indices = @transform_1, window_bounds = array<i64: 8192, 52>}, {transform_indices = @transform_2, window_bounds = array<i64: 1, 50, 128>}, {transform_indices = @transform_3, window_bounds = array<i64: 1, 1, 128>}, {transform_indices = @transform_4, window_bounds = array<i64: 1, 128, 128>}, {transform_indices = @transform_5, window_bounds = array<i64: 1, 1, 128>}, {transform_indices = @transform_6, window_bounds = array<i64: 1, 128, 128>}, {transform_indices = @transform_7, window_bounds = array<i64: 1, 128, 128>}, {transform_indices = @transform_8, window_bounds = array<i64: 1, 1, 128>}, {transform_indices = @transform_9, window_bounds = array<i64: 1, 128, 128>}, {transform_indices = @transform_10, window_bounds = array<i64: 1, 1, 128>}, {transform_indices = @transform_11, window_bounds = array<i64: 256, 128>}]} {
    %eq3A = arith.constant 0 : i32
    %eq3A_0 = arith.cmpi eq, %arg0, %eq3A : i32
    %eq3A_1 = arith.constant 0 : i32
    %eq3A_2 = arith.cmpi eq, %arg1, %eq3A_1 : i32
    %and3A = arith.andi %eq3A_0, %eq3A_2 : i1
    %convert_element_type3A = arith.extui %and3A : i1 to i32
    %cond3A = arith.constant 0 : i32
    %cond3A_3 = arith.cmpi ne, %convert_element_type3A, %cond3A : i32
    scf.if %cond3A_3 {
      %get3A = arith.constant 0 : index
      %get3A_13 = arith.constant 0 : index
      %get3A_14 = vector.load %arg2[%get3A, %get3A_13] : memref<4096x128xf32, #tpu.memory_space<vmem>>, vector<4096x128xf32>
      %swap3A = arith.constant 0 : index
      %swap3A_15 = arith.constant 0 : index
      %swap3A_16 = vector.load %arg14[%swap3A, %swap3A_15] : memref<4096x128xf32, #tpu.memory_space<vmem>>, vector<4096x128xf32>
      tpu.vector_store %arg14[%swap3A, %swap3A_15], %get3A_14 {strides = array<i32>} : memref<4096x128xf32, #tpu.memory_space<vmem>>, vector<4096x128xf32>,
    } else {
    }
    %eq3A_4 = arith.constant 0 : i32
    %eq3A_5 = arith.cmpi eq, %arg1, %eq3A_4 : i32
    %convert_element_type3A_6 = arith.extui %eq3A_5 : i1 to i32
    %cond3A_7 = arith.constant 0 : i32
    %cond3A_8 = arith.cmpi ne, %convert_element_type3A_6, %cond3A_7 : i32
    scf.if %cond3A_8 {
      %get3A = arith.constant 0 : index
      %get3A_13 = arith.constant 0 : index
      %get3A_14 = vector.load %arg14[%get3A, %get3A_13] : memref<4096x128xf32, #tpu.memory_space<vmem>>, vector<4096x128xf32>
      %get3A_15 = arith.constant 0 : index
      %get3A_16 = arith.constant 0 : index
      %get3A_17 = arith.constant 0 : index
      %get3A_18 = vector.load %arg8[%get3A_15, %get3A_16, %get3A_17] : memref<1x128x128xf32, #tpu.memory_space<vmem>>, vector<1x128x128xf32>
      %get3A_19 = vector.shape_cast %get3A_18 : vector<1x128x128xf32> to vector<128x128xf32>
      %convert_element_type3A_20 = arith.truncf %get3A_14 : vector<4096x128xf32> to vector<4096x128xbf16>
      %convert_element_type3A_21 = arith.truncf %get3A_19 : vector<128x128xf32> to vector<128x128xbf16>
      %dot_general3A = arith.constant dense<0.000000e+00> : vector<4096x128xf32>
      %dot_general3A_22 = tpu.matmul %convert_element_type3A_20, %convert_element_type3A_21, %dot_general3A {dimension_numbers = #tpu.dot_dimension_numbers<[1], [0], [0], [1], [0, 0, 1, 1], [], []>, transpose_lhs_hint = false} : vector<4096x128xbf16>, vector<128x128xbf16>, vector<4096x128xf32> -> vector<4096x128xf32>
      %convert_element_type3A_23 = arith.truncf %dot_general3A_22 : vector<4096x128xf32> to vector<4096x128xbf16>
      %swap3A = arith.constant 0 : index
      %swap3A_24 = arith.constant 0 : index
      %swap3A_25 = vector.load %arg15[%swap3A, %swap3A_24] : memref<4096x128xbf16, #tpu.memory_space<vmem>>, vector<4096x128xbf16>
      tpu.vector_store %arg15[%swap3A, %swap3A_24], %convert_element_type3A_23 {strides = array<i32>} : memref<4096x128xbf16, #tpu.memory_space<vmem>>, vector<4096x128xbf16>,
    } else {
    }
    %gt3A = arith.constant 0 : i32
    %gt3A_9 = arith.cmpi sgt, %arg1, %gt3A : i32
    %convert_element_type3A_10 = arith.extui %gt3A_9 : i1 to i32
    %cond3A_11 = arith.constant 0 : i32
    %cond3A_12 = arith.cmpi ne, %convert_element_type3A_10, %cond3A_11 : i32
    scf.if %cond3A_12 {
      %sub3A = arith.constant 1 : i32
      %sub3A_13 = arith.subi %arg1, %sub3A : i32
      %get3A = arith.constant 0 : index
      %get3A_14 = arith.constant 0 : index
      %get3A_15 = vector.load %arg3[%get3A, %get3A_14] : memref<8192x52xf32, #tpu.memory_space<vmem>>, vector<8192x52xf32>
      %slice3A = vector.extract_strided_slice %get3A_15 {offsets = [0, 0], sizes = [8192, 50], strides = [1, 1]} : vector<8192x52xf32> to vector<8192x50xf32>
      %slice3A_16 = vector.extract_strided_slice %get3A_15 {offsets = [0, 50], sizes = [8192, 1], strides = [1, 1]} : vector<8192x52xf32> to vector<8192x1xf32>
      %slice3A_17 = vector.extract_strided_slice %get3A_15 {offsets = [0, 51], sizes = [8192, 1], strides = [1, 1]} : vector<8192x52xf32> to vector<8192x1xf32>
      %get3A_18 = arith.constant 0 : index
      %get3A_19 = arith.constant 0 : index
      %get3A_20 = arith.constant 0 : index
      %get3A_21 = vector.load %arg4[%get3A_18, %get3A_19, %get3A_20] : memref<1x50x128xf32, #tpu.memory_space<vmem>>, vector<1x50x128xf32>
      %get3A_22 = vector.shape_cast %get3A_21 : vector<1x50x128xf32> to vector<50x128xf32>
      %convert_element_type3A_23 = arith.truncf %slice3A : vector<8192x50xf32> to vector<8192x50xbf16>
      %convert_element_type3A_24 = arith.truncf %get3A_22 : vector<50x128xf32> to vector<50x128xbf16>
      %dot_general3A = arith.constant dense<0.000000e+00> : vector<8192x128xf32>
      %dot_general3A_25 = tpu.matmul %convert_element_type3A_23, %convert_element_type3A_24, %dot_general3A {dimension_numbers = #tpu.dot_dimension_numbers<[1], [0], [0], [1], [0, 0, 1, 1], [], []>, transpose_lhs_hint = false} : vector<8192x50xbf16>, vector<50x128xbf16>, vector<8192x128xf32> -> vector<8192x128xf32>
      %get3A_26 = arith.constant 0 : index
      %get3A_27 = arith.constant 0 : index
      %get3A_28 = arith.constant 0 : index
      %get3A_29 = vector.load %arg5[%get3A_26, %get3A_27, %get3A_28] : memref<1x1x128xf32, #tpu.memory_space<vmem>>, vector<1x1x128xf32>
      %get3A_30 = vector.shape_cast %get3A_29 : vector<1x1x128xf32> to vector<1x128xf32>
      %add3A = vector.broadcast %get3A_30 : vector<1x128xf32> to vector<8192x128xf32>
      %add3A_31 = arith.addf %dot_general3A_25, %add3A : vector<8192x128xf32>
      %custom_jvp_call3A = arith.constant 0.000000e+00 : f32
      %max3A = vector.broadcast %custom_jvp_call3A : f32 to vector<8192x128xf32>
      %max3A_32 = arith.maximumf %add3A_31, %max3A : vector<8192x128xf32>
      %sub3A_33 = vector.broadcast %custom_jvp_call3A : f32 to vector<8192x128xf32>
      %sub3A_34 = arith.subf %add3A_31, %sub3A_33 : vector<8192x128xf32>
      %ne3A = arith.cmpf one, %sub3A_34, %sub3A_34 : vector<8192x128xf32>
      %add3A_35 = vector.broadcast %custom_jvp_call3A : f32 to vector<8192x128xf32>
      %add3A_36 = arith.addf %add3A_31, %add3A_35 : vector<8192x128xf32>
      %abs3A = math.absf %sub3A_34 : vector<8192x128xf32>
      %neg3A = arith.constant 0.000000e+00 : f32
      %neg3A_37 = vector.broadcast %neg3A : f32 to vector<8192x128xf32>
      %neg3A_38 = arith.subf %neg3A_37, %abs3A : vector<8192x128xf32>
      %exp3A = math.exp %neg3A_38 : vector<8192x128xf32>
      %log1p3A = math.log1p %exp3A : vector<8192x128xf32>
      %add3A_39 = arith.addf %max3A_32, %log1p3A : vector<8192x128xf32>
      %select_n3A = arith.select %ne3A, %add3A_36, %add3A_39 : vector<8192x128xi1>, vector<8192x128xf32>
      %log3A = arith.constant 2.000000e+00 : f32
      %log3A_40 = math.log %log3A : f32
      %sub3A_41 = vector.broadcast %log3A_40 : f32 to vector<8192x128xf32>
      %sub3A_42 = arith.subf %select_n3A, %sub3A_41 : vector<8192x128xf32>
      %get3A_43 = arith.constant 0 : index
      %get3A_44 = arith.constant 0 : index
      %get3A_45 = arith.constant 0 : index
      %get3A_46 = vector.load %arg6[%get3A_43, %get3A_44, %get3A_45] : memref<1x128x128xf32, #tpu.memory_space<vmem>>, vector<1x128x128xf32>
      %get3A_47 = vector.shape_cast %get3A_46 : vector<1x128x128xf32> to vector<128x128xf32>
      %convert_element_type3A_48 = arith.truncf %sub3A_42 : vector<8192x128xf32> to vector<8192x128xbf16>
      %convert_element_type3A_49 = arith.truncf %get3A_47 : vector<128x128xf32> to vector<128x128xbf16>
      %dot_general3A_50 = arith.constant dense<0.000000e+00> : vector<8192x128xf32>
      %dot_general3A_51 = tpu.matmul %convert_element_type3A_48, %convert_element_type3A_49, %dot_general3A_50 {dimension_numbers = #tpu.dot_dimension_numbers<[1], [0], [0], [1], [0, 0, 1, 1], [], []>, transpose_lhs_hint = false} : vector<8192x128xbf16>, vector<128x128xbf16>, vector<8192x128xf32> -> vector<8192x128xf32>
      %get3A_52 = arith.constant 0 : index
      %get3A_53 = arith.constant 0 : index
      %get3A_54 = arith.constant 0 : index
      %get3A_55 = vector.load %arg7[%get3A_52, %get3A_53, %get3A_54] : memref<1x1x128xf32, #tpu.memory_space<vmem>>, vector<1x1x128xf32>
      %get3A_56 = vector.shape_cast %get3A_55 : vector<1x1x128xf32> to vector<1x128xf32>
      %add3A_57 = vector.broadcast %get3A_56 : vector<1x128xf32> to vector<8192x128xf32>
      %add3A_58 = arith.addf %dot_general3A_51, %add3A_57 : vector<8192x128xf32>
      %mul3A = vector.broadcast %slice3A_16 : vector<8192x1xf32> to vector<8192x128xf32>
      %mul3A_59 = arith.mulf %add3A_58, %mul3A : vector<8192x128xf32>
      %reduce_min3A = vector.shape_cast %slice3A_17 : vector<8192x1xf32> to vector<1x8192x1xf32>
      %reduce_min3A_60 = arith.constant dense<0x7F800000> : vector<1xf32>
      %reduce_min3A_61 = vector.multi_reduction <minimumf>, %reduce_min3A, %reduce_min3A_60 [1, 2] : vector<1x8192x1xf32> to vector<1xf32>
      %reduce_min3A_62 = vector.shape_cast %reduce_min3A_61 : vector<1xf32> to vector<1x1x1xf32>
      %reduce_min3A_63 = vector.extract %reduce_min3A_62[0, 0, 0] : f32 from vector<1x1x1xf32>
      %convert_element_type3A_64 = arith.fptosi %reduce_min3A_63 : f32 to i32
      %reduce_max3A = vector.shape_cast %slice3A_17 : vector<8192x1xf32> to vector<1x8192x1xf32>
      %reduce_max3A_65 = arith.constant dense<0xFF800000> : vector<1xf32>
      %reduce_max3A_66 = vector.multi_reduction <maximumf>, %reduce_max3A, %reduce_max3A_65 [1, 2] : vector<1x8192x1xf32> to vector<1xf32>
      %reduce_max3A_67 = vector.shape_cast %reduce_max3A_66 : vector<1xf32> to vector<1x1x1xf32>
      %reduce_max3A_68 = vector.extract %reduce_max3A_67[0, 0, 0] : f32 from vector<1x1x1xf32>
      %convert_element_type3A_69 = arith.fptosi %reduce_max3A_68 : f32 to i32
      %jit3A = arith.constant 256 : i32
      %div3A = arith.divsi %convert_element_type3A_64, %jit3A : i32
      %sign3A = arith.constant 0 : i32
      %sign3A_70 = arith.cmpi sgt, %convert_element_type3A_64, %sign3A : i32
      %sign3A_71 = arith.extui %sign3A_70 : i1 to i32
      %sign3A_72 = arith.constant 0 : i32
      %sign3A_73 = arith.cmpi slt, %convert_element_type3A_64, %sign3A_72 : i32
      %sign3A_74 = arith.extui %sign3A_73 : i1 to i32
      %sign3A_75 = arith.subi %sign3A_71, %sign3A_74 : i32
      %sign3A_76 = arith.constant 0 : i32
      %sign3A_77 = arith.cmpi sgt, %jit3A, %sign3A_76 : i32
      %sign3A_78 = arith.extui %sign3A_77 : i1 to i32
      %sign3A_79 = arith.constant 0 : i32
      %sign3A_80 = arith.cmpi slt, %jit3A, %sign3A_79 : i32
      %sign3A_81 = arith.extui %sign3A_80 : i1 to i32
      %sign3A_82 = arith.subi %sign3A_78, %sign3A_81 : i32
      %ne3A_83 = arith.cmpi ne, %sign3A_75, %sign3A_82 : i32
      %rem3A = arith.remsi %convert_element_type3A_64, %jit3A : i32
      %ne3A_84 = arith.constant 0 : i32
      %ne3A_85 = arith.cmpi ne, %rem3A, %ne3A_84 : i32
      %and3A_86 = arith.andi %ne3A_83, %ne3A_85 : i1
      %sub3A_87 = arith.constant 1 : i32
      %sub3A_88 = arith.subi %div3A, %sub3A_87 : i32
      %select_n3A_89 = arith.select %and3A_86, %sub3A_88, %div3A : i32
      %jit3A_90 = arith.constant 256 : i32
      %div3A_91 = arith.divsi %convert_element_type3A_69, %jit3A_90 : i32
      %sign3A_92 = arith.constant 0 : i32
      %sign3A_93 = arith.cmpi sgt, %convert_element_type3A_69, %sign3A_92 : i32
      %sign3A_94 = arith.extui %sign3A_93 : i1 to i32
      %sign3A_95 = arith.constant 0 : i32
      %sign3A_96 = arith.cmpi slt, %convert_element_type3A_69, %sign3A_95 : i32
      %sign3A_97 = arith.extui %sign3A_96 : i1 to i32
      %sign3A_98 = arith.subi %sign3A_94, %sign3A_97 : i32
      %sign3A_99 = arith.constant 0 : i32
      %sign3A_100 = arith.cmpi sgt, %jit3A_90, %sign3A_99 : i32
      %sign3A_101 = arith.extui %sign3A_100 : i1 to i32
      %sign3A_102 = arith.constant 0 : i32
      %sign3A_103 = arith.cmpi slt, %jit3A_90, %sign3A_102 : i32
      %sign3A_104 = arith.extui %sign3A_103 : i1 to i32
      %sign3A_105 = arith.subi %sign3A_101, %sign3A_104 : i32
      %ne3A_106 = arith.cmpi ne, %sign3A_98, %sign3A_105 : i32
      %rem3A_107 = arith.remsi %convert_element_type3A_69, %jit3A_90 : i32
      %ne3A_108 = arith.constant 0 : i32
      %ne3A_109 = arith.cmpi ne, %rem3A_107, %ne3A_108 : i32
      %and3A_110 = arith.andi %ne3A_106, %ne3A_109 : i1
      %sub3A_111 = arith.constant 1 : i32
      %sub3A_112 = arith.subi %div3A_91, %sub3A_111 : i32
      %select_n3A_113 = arith.select %and3A_110, %sub3A_112, %div3A_91 : i32
      %sub3A_114 = arith.subi %select_n3A_113, %select_n3A_89 : i32
      %add3A_115 = arith.constant 1 : i32
      %add3A_116 = arith.addi %sub3A_114, %add3A_115 : i32
      %broadcast_in_dim3A = arith.constant 0.000000e+00 : f32
      %broadcast_in_dim3A_117 = vector.broadcast %broadcast_in_dim3A : f32 to vector<8192x128xf32>
      %swap3A = arith.constant 0 : index
      %swap3A_118 = arith.constant 0 : index
      %swap3A_119 = vector.load %arg16[%swap3A, %swap3A_118] : memref<8192x128xf32, #tpu.memory_space<vmem>>, vector<8192x128xf32>
      tpu.vector_store %arg16[%swap3A, %swap3A_118], %broadcast_in_dim3A_117 {strides = array<i32>} : memref<8192x128xf32, #tpu.memory_space<vmem>>, vector<8192x128xf32>,
      %iota3A = tpu.iota {dimensions = array<i32: 1>} : vector<8192x256xi32>
      %convert_element_type3A_120 = arith.sitofp %iota3A : vector<8192x256xi32> to vector<8192x256xbf16>
      %while3A = arith.constant 1.000000e+00 : bf16
      %while3A_121 = arith.constant 0.000000e+00 : bf16
      %while3A_122 = arith.constant 0 : i32
      %while3A_123 = arith.constant 0 : i32
      %while3A_124 = arith.subi %add3A_116, %while3A_122 : i32
      %while3A_125 = arith.addi %while3A_122, %while3A_124 : i32
      %while3A_126 = arith.constant 1 : i32
      %while3A_127 = arith.divsi %while3A_124, %while3A_126 : i32
      %while3A_128 = arith.muli %while3A_127, %while3A_126 : i32
      %while3A_129 = arith.addi %while3A_122, %while3A_128 : i32
      %while3A_130 = arith.constant 1 : i32
      %while3A_131 = scf.for %while3A_269 = %while3A_122 to %while3A_129 step %while3A_130 iter_args(%while3A_270 = %while3A_123) -> (i32)  : i32 {
        %add3A_271 = arith.addi %select_n3A_89, %while3A_269 : i32
        %mul3A_272 = arith.constant 256 : i32
        %mul3A_273 = arith.muli %add3A_271, %mul3A_272 : i32
        %convert_element_type3A_274 = arith.sitofp %mul3A_273 : i32 to f32
        %sub3A_275 = vector.broadcast %convert_element_type3A_274 : f32 to vector<8192x1xf32>
        %sub3A_276 = arith.subf %slice3A_17, %sub3A_275 : vector<8192x1xf32>
        %convert_element_type3A_277 = arith.truncf %sub3A_276 : vector<8192x1xf32> to vector<8192x1xbf16>
        %eq3A_278 = vector.broadcast %convert_element_type3A_277 : vector<8192x1xbf16> to vector<8192x256xbf16>
        %eq3A_279 = arith.cmpf oeq, %eq3A_278, %convert_element_type3A_120 : vector<8192x256xbf16>
        %broadcast_in_dim3A_280 = vector.broadcast %while3A : bf16 to vector<8192x256xbf16>
        %broadcast_in_dim3A_281 = vector.broadcast %while3A_121 : bf16 to vector<8192x256xbf16>
        %select_n3A_282 = arith.select %eq3A_279, %broadcast_in_dim3A_280, %broadcast_in_dim3A_281 : vector<8192x256xi1>, vector<8192x256xbf16>
        %get3A_283 = arith.constant 0 : index
        %get3A_284 = arith.constant 0 : index
        %get3A_285 = vector.load %arg16[%get3A_283, %get3A_284] : memref<8192x128xf32, #tpu.memory_space<vmem>>, vector<8192x128xf32>
        %get3A_286 = arith.index_cast %mul3A_273 : i32 to index
        %get3A_287 = arith.constant 0 : index
        %get3A_288 = vector.load %arg15[%get3A_286, %get3A_287] : memref<4096x128xbf16, #tpu.memory_space<vmem>>, vector<256x128xbf16>
        %dot_general3A_289 = arith.constant dense<0.000000e+00> : vector<8192x128xf32>
        %dot_general3A_290 = tpu.matmul %select_n3A_282, %get3A_288, %dot_general3A_289 {dimension_numbers = #tpu.dot_dimension_numbers<[1], [0], [0], [1], [0, 0, 1, 1], [], []>, transpose_lhs_hint = false} : vector<8192x256xbf16>, vector<256x128xbf16>, vector<8192x128xf32> -> vector<8192x128xf32>
        %add3A_291 = arith.addf %get3A_285, %dot_general3A_290 : vector<8192x128xf32>
        %swap3A_292 = arith.constant 0 : index
        %swap3A_293 = arith.constant 0 : index
        %swap3A_294 = vector.load %arg16[%swap3A_292, %swap3A_293] : memref<8192x128xf32, #tpu.memory_space<vmem>>, vector<8192x128xf32>
        tpu.vector_store %arg16[%swap3A_292, %swap3A_293], %add3A_291 {strides = array<i32>} : memref<8192x128xf32, #tpu.memory_space<vmem>>, vector<8192x128xf32>,
        %while3A_295 = arith.constant 0 : i32
        scf.yield %while3A_295 : i32
      }
      %while3A_132 = arith.constant 1 : i32
      %while3A_133 = scf.for %while3A_269 = %while3A_129 to %while3A_125 step %while3A_132 iter_args(%while3A_270 = %while3A_131) -> (i32)  : i32 {
        %add3A_271 = arith.addi %select_n3A_89, %while3A_269 : i32
        %mul3A_272 = arith.constant 256 : i32
        %mul3A_273 = arith.muli %add3A_271, %mul3A_272 : i32
        %convert_element_type3A_274 = arith.sitofp %mul3A_273 : i32 to f32
        %sub3A_275 = vector.broadcast %convert_element_type3A_274 : f32 to vector<8192x1xf32>
        %sub3A_276 = arith.subf %slice3A_17, %sub3A_275 : vector<8192x1xf32>
        %convert_element_type3A_277 = arith.truncf %sub3A_276 : vector<8192x1xf32> to vector<8192x1xbf16>
        %eq3A_278 = vector.broadcast %convert_element_type3A_277 : vector<8192x1xbf16> to vector<8192x256xbf16>
        %eq3A_279 = arith.cmpf oeq, %eq3A_278, %convert_element_type3A_120 : vector<8192x256xbf16>
        %broadcast_in_dim3A_280 = vector.broadcast %while3A : bf16 to vector<8192x256xbf16>
        %broadcast_in_dim3A_281 = vector.broadcast %while3A_121 : bf16 to vector<8192x256xbf16>
        %select_n3A_282 = arith.select %eq3A_279, %broadcast_in_dim3A_280, %broadcast_in_dim3A_281 : vector<8192x256xi1>, vector<8192x256xbf16>
        %get3A_283 = arith.constant 0 : index
        %get3A_284 = arith.constant 0 : index
        %get3A_285 = vector.load %arg16[%get3A_283, %get3A_284] : memref<8192x128xf32, #tpu.memory_space<vmem>>, vector<8192x128xf32>
        %get3A_286 = arith.index_cast %mul3A_273 : i32 to index
        %get3A_287 = arith.constant 0 : index
        %get3A_288 = vector.load %arg15[%get3A_286, %get3A_287] : memref<4096x128xbf16, #tpu.memory_space<vmem>>, vector<256x128xbf16>
        %dot_general3A_289 = arith.constant dense<0.000000e+00> : vector<8192x128xf32>
        %dot_general3A_290 = tpu.matmul %select_n3A_282, %get3A_288, %dot_general3A_289 {dimension_numbers = #tpu.dot_dimension_numbers<[1], [0], [0], [1], [0, 0, 1, 1], [], []>, transpose_lhs_hint = false} : vector<8192x256xbf16>, vector<256x128xbf16>, vector<8192x128xf32> -> vector<8192x128xf32>
        %add3A_291 = arith.addf %get3A_285, %dot_general3A_290 : vector<8192x128xf32>
        %swap3A_292 = arith.constant 0 : index
        %swap3A_293 = arith.constant 0 : index
        %swap3A_294 = vector.load %arg16[%swap3A_292, %swap3A_293] : memref<8192x128xf32, #tpu.memory_space<vmem>>, vector<8192x128xf32>
        tpu.vector_store %arg16[%swap3A_292, %swap3A_293], %add3A_291 {strides = array<i32>} : memref<8192x128xf32, #tpu.memory_space<vmem>>, vector<8192x128xf32>,
        %while3A_295 = arith.constant 0 : i32
        scf.yield %while3A_295 : i32
      }
      %get3A_134 = arith.constant 0 : index
      %get3A_135 = arith.constant 0 : index
      %get3A_136 = vector.load %arg16[%get3A_134, %get3A_135] : memref<8192x128xf32, #tpu.memory_space<vmem>>, vector<8192x128xf32>
      %mul3A_137 = arith.mulf %get3A_136, %mul3A_59 : vector<8192x128xf32>
      %slice3A_138 = vector.extract_strided_slice %mul3A_137 {offsets = [0, 0], sizes = [256, 128], strides = [1, 1]} : vector<8192x128xf32> to vector<256x128xf32>
      %slice3A_139 = vector.extract_strided_slice %mul3A_137 {offsets = [256, 0], sizes = [256, 128], strides = [1, 1]} : vector<8192x128xf32> to vector<256x128xf32>
      %add3A_140 = arith.addf %slice3A_138, %slice3A_139 : vector<256x128xf32>
      %slice3A_141 = vector.extract_strided_slice %mul3A_137 {offsets = [512, 0], sizes = [256, 128], strides = [1, 1]} : vector<8192x128xf32> to vector<256x128xf32>
      %add3A_142 = arith.addf %add3A_140, %slice3A_141 : vector<256x128xf32>
      %slice3A_143 = vector.extract_strided_slice %mul3A_137 {offsets = [768, 0], sizes = [256, 128], strides = [1, 1]} : vector<8192x128xf32> to vector<256x128xf32>
      %add3A_144 = arith.addf %add3A_142, %slice3A_143 : vector<256x128xf32>
      %slice3A_145 = vector.extract_strided_slice %mul3A_137 {offsets = [1024, 0], sizes = [256, 128], strides = [1, 1]} : vector<8192x128xf32> to vector<256x128xf32>
      %add3A_146 = arith.addf %add3A_144, %slice3A_145 : vector<256x128xf32>
      %slice3A_147 = vector.extract_strided_slice %mul3A_137 {offsets = [1280, 0], sizes = [256, 128], strides = [1, 1]} : vector<8192x128xf32> to vector<256x128xf32>
      %add3A_148 = arith.addf %add3A_146, %slice3A_147 : vector<256x128xf32>
      %slice3A_149 = vector.extract_strided_slice %mul3A_137 {offsets = [1536, 0], sizes = [256, 128], strides = [1, 1]} : vector<8192x128xf32> to vector<256x128xf32>
      %add3A_150 = arith.addf %add3A_148, %slice3A_149 : vector<256x128xf32>
      %slice3A_151 = vector.extract_strided_slice %mul3A_137 {offsets = [1792, 0], sizes = [256, 128], strides = [1, 1]} : vector<8192x128xf32> to vector<256x128xf32>
      %add3A_152 = arith.addf %add3A_150, %slice3A_151 : vector<256x128xf32>
      %slice3A_153 = vector.extract_strided_slice %mul3A_137 {offsets = [2048, 0], sizes = [256, 128], strides = [1, 1]} : vector<8192x128xf32> to vector<256x128xf32>
      %add3A_154 = arith.addf %add3A_152, %slice3A_153 : vector<256x128xf32>
      %slice3A_155 = vector.extract_strided_slice %mul3A_137 {offsets = [2304, 0], sizes = [256, 128], strides = [1, 1]} : vector<8192x128xf32> to vector<256x128xf32>
      %add3A_156 = arith.addf %add3A_154, %slice3A_155 : vector<256x128xf32>
      %slice3A_157 = vector.extract_strided_slice %mul3A_137 {offsets = [2560, 0], sizes = [256, 128], strides = [1, 1]} : vector<8192x128xf32> to vector<256x128xf32>
      %add3A_158 = arith.addf %add3A_156, %slice3A_157 : vector<256x128xf32>
      %slice3A_159 = vector.extract_strided_slice %mul3A_137 {offsets = [2816, 0], sizes = [256, 128], strides = [1, 1]} : vector<8192x128xf32> to vector<256x128xf32>
      %add3A_160 = arith.addf %add3A_158, %slice3A_159 : vector<256x128xf32>
      %slice3A_161 = vector.extract_strided_slice %mul3A_137 {offsets = [3072, 0], sizes = [256, 128], strides = [1, 1]} : vector<8192x128xf32> to vector<256x128xf32>
      %add3A_162 = arith.addf %add3A_160, %slice3A_161 : vector<256x128xf32>
      %slice3A_163 = vector.extract_strided_slice %mul3A_137 {offsets = [3328, 0], sizes = [256, 128], strides = [1, 1]} : vector<8192x128xf32> to vector<256x128xf32>
      %add3A_164 = arith.addf %add3A_162, %slice3A_163 : vector<256x128xf32>
      %slice3A_165 = vector.extract_strided_slice %mul3A_137 {offsets = [3584, 0], sizes = [256, 128], strides = [1, 1]} : vector<8192x128xf32> to vector<256x128xf32>
      %add3A_166 = arith.addf %add3A_164, %slice3A_165 : vector<256x128xf32>
      %slice3A_167 = vector.extract_strided_slice %mul3A_137 {offsets = [3840, 0], sizes = [256, 128], strides = [1, 1]} : vector<8192x128xf32> to vector<256x128xf32>
      %add3A_168 = arith.addf %add3A_166, %slice3A_167 : vector<256x128xf32>
      %slice3A_169 = vector.extract_strided_slice %mul3A_137 {offsets = [4096, 0], sizes = [256, 128], strides = [1, 1]} : vector<8192x128xf32> to vector<256x128xf32>
      %add3A_170 = arith.addf %add3A_168, %slice3A_169 : vector<256x128xf32>
      %slice3A_171 = vector.extract_strided_slice %mul3A_137 {offsets = [4352, 0], sizes = [256, 128], strides = [1, 1]} : vector<8192x128xf32> to vector<256x128xf32>
      %add3A_172 = arith.addf %add3A_170, %slice3A_171 : vector<256x128xf32>
      %slice3A_173 = vector.extract_strided_slice %mul3A_137 {offsets = [4608, 0], sizes = [256, 128], strides = [1, 1]} : vector<8192x128xf32> to vector<256x128xf32>
      %add3A_174 = arith.addf %add3A_172, %slice3A_173 : vector<256x128xf32>
      %slice3A_175 = vector.extract_strided_slice %mul3A_137 {offsets = [4864, 0], sizes = [256, 128], strides = [1, 1]} : vector<8192x128xf32> to vector<256x128xf32>
      %add3A_176 = arith.addf %add3A_174, %slice3A_175 : vector<256x128xf32>
      %slice3A_177 = vector.extract_strided_slice %mul3A_137 {offsets = [5120, 0], sizes = [256, 128], strides = [1, 1]} : vector<8192x128xf32> to vector<256x128xf32>
      %add3A_178 = arith.addf %add3A_176, %slice3A_177 : vector<256x128xf32>
      %slice3A_179 = vector.extract_strided_slice %mul3A_137 {offsets = [5376, 0], sizes = [256, 128], strides = [1, 1]} : vector<8192x128xf32> to vector<256x128xf32>
      %add3A_180 = arith.addf %add3A_178, %slice3A_179 : vector<256x128xf32>
      %slice3A_181 = vector.extract_strided_slice %mul3A_137 {offsets = [5632, 0], sizes = [256, 128], strides = [1, 1]} : vector<8192x128xf32> to vector<256x128xf32>
      %add3A_182 = arith.addf %add3A_180, %slice3A_181 : vector<256x128xf32>
      %slice3A_183 = vector.extract_strided_slice %mul3A_137 {offsets = [5888, 0], sizes = [256, 128], strides = [1, 1]} : vector<8192x128xf32> to vector<256x128xf32>
      %add3A_184 = arith.addf %add3A_182, %slice3A_183 : vector<256x128xf32>
      %slice3A_185 = vector.extract_strided_slice %mul3A_137 {offsets = [6144, 0], sizes = [256, 128], strides = [1, 1]} : vector<8192x128xf32> to vector<256x128xf32>
      %add3A_186 = arith.addf %add3A_184, %slice3A_185 : vector<256x128xf32>
      %slice3A_187 = vector.extract_strided_slice %mul3A_137 {offsets = [6400, 0], sizes = [256, 128], strides = [1, 1]} : vector<8192x128xf32> to vector<256x128xf32>
      %add3A_188 = arith.addf %add3A_186, %slice3A_187 : vector<256x128xf32>
      %slice3A_189 = vector.extract_strided_slice %mul3A_137 {offsets = [6656, 0], sizes = [256, 128], strides = [1, 1]} : vector<8192x128xf32> to vector<256x128xf32>
      %add3A_190 = arith.addf %add3A_188, %slice3A_189 : vector<256x128xf32>
      %slice3A_191 = vector.extract_strided_slice %mul3A_137 {offsets = [6912, 0], sizes = [256, 128], strides = [1, 1]} : vector<8192x128xf32> to vector<256x128xf32>
      %add3A_192 = arith.addf %add3A_190, %slice3A_191 : vector<256x128xf32>
      %slice3A_193 = vector.extract_strided_slice %mul3A_137 {offsets = [7168, 0], sizes = [256, 128], strides = [1, 1]} : vector<8192x128xf32> to vector<256x128xf32>
      %add3A_194 = arith.addf %add3A_192, %slice3A_193 : vector<256x128xf32>
      %slice3A_195 = vector.extract_strided_slice %mul3A_137 {offsets = [7424, 0], sizes = [256, 128], strides = [1, 1]} : vector<8192x128xf32> to vector<256x128xf32>
      %add3A_196 = arith.addf %add3A_194, %slice3A_195 : vector<256x128xf32>
      %slice3A_197 = vector.extract_strided_slice %mul3A_137 {offsets = [7680, 0], sizes = [256, 128], strides = [1, 1]} : vector<8192x128xf32> to vector<256x128xf32>
      %add3A_198 = arith.addf %add3A_196, %slice3A_197 : vector<256x128xf32>
      %slice3A_199 = vector.extract_strided_slice %mul3A_137 {offsets = [7936, 0], sizes = [256, 128], strides = [1, 1]} : vector<8192x128xf32> to vector<256x128xf32>
      %add3A_200 = arith.addf %add3A_198, %slice3A_199 : vector<256x128xf32>
      %get3A_201 = arith.constant 0 : index
      %get3A_202 = arith.constant 0 : index
      %get3A_203 = arith.constant 0 : index
      %get3A_204 = vector.load %arg9[%get3A_201, %get3A_202, %get3A_203] : memref<1x128x128xf32, #tpu.memory_space<vmem>>, vector<1x128x128xf32>
      %get3A_205 = vector.shape_cast %get3A_204 : vector<1x128x128xf32> to vector<128x128xf32>
      %convert_element_type3A_206 = arith.truncf %add3A_200 : vector<256x128xf32> to vector<256x128xbf16>
      %convert_element_type3A_207 = arith.truncf %get3A_205 : vector<128x128xf32> to vector<128x128xbf16>
      %dot_general3A_208 = arith.constant dense<0.000000e+00> : vector<256x128xf32>
      %dot_general3A_209 = tpu.matmul %convert_element_type3A_206, %convert_element_type3A_207, %dot_general3A_208 {dimension_numbers = #tpu.dot_dimension_numbers<[1], [0], [0], [1], [0, 0, 1, 1], [], []>, transpose_lhs_hint = false} : vector<256x128xbf16>, vector<128x128xbf16>, vector<256x128xf32> -> vector<256x128xf32>
      %get3A_210 = arith.constant 0 : index
      %get3A_211 = arith.constant 0 : index
      %get3A_212 = arith.constant 0 : index
      %get3A_213 = vector.load %arg10[%get3A_210, %get3A_211, %get3A_212] : memref<1x1x128xf32, #tpu.memory_space<vmem>>, vector<1x1x128xf32>
      %get3A_214 = vector.shape_cast %get3A_213 : vector<1x1x128xf32> to vector<1x128xf32>
      %add3A_215 = vector.broadcast %get3A_214 : vector<1x128xf32> to vector<256x128xf32>
      %add3A_216 = arith.addf %dot_general3A_209, %add3A_215 : vector<256x128xf32>
      %custom_jvp_call3A_217 = arith.constant 0.000000e+00 : f32
      %max3A_218 = vector.broadcast %custom_jvp_call3A_217 : f32 to vector<256x128xf32>
      %max3A_219 = arith.maximumf %add3A_216, %max3A_218 : vector<256x128xf32>
      %sub3A_220 = vector.broadcast %custom_jvp_call3A_217 : f32 to vector<256x128xf32>
      %sub3A_221 = arith.subf %add3A_216, %sub3A_220 : vector<256x128xf32>
      %ne3A_222 = arith.cmpf one, %sub3A_221, %sub3A_221 : vector<256x128xf32>
      %add3A_223 = vector.broadcast %custom_jvp_call3A_217 : f32 to vector<256x128xf32>
      %add3A_224 = arith.addf %add3A_216, %add3A_223 : vector<256x128xf32>
      %abs3A_225 = math.absf %sub3A_221 : vector<256x128xf32>
      %neg3A_226 = arith.constant 0.000000e+00 : f32
      %neg3A_227 = vector.broadcast %neg3A_226 : f32 to vector<256x128xf32>
      %neg3A_228 = arith.subf %neg3A_227, %abs3A_225 : vector<256x128xf32>
      %exp3A_229 = math.exp %neg3A_228 : vector<256x128xf32>
      %log1p3A_230 = math.log1p %exp3A_229 : vector<256x128xf32>
      %add3A_231 = arith.addf %max3A_219, %log1p3A_230 : vector<256x128xf32>
      %select_n3A_232 = arith.select %ne3A_222, %add3A_224, %add3A_231 : vector<256x128xi1>, vector<256x128xf32>
      %log3A_233 = arith.constant 2.000000e+00 : f32
      %log3A_234 = math.log %log3A_233 : f32
      %sub3A_235 = vector.broadcast %log3A_234 : f32 to vector<256x128xf32>
      %sub3A_236 = arith.subf %select_n3A_232, %sub3A_235 : vector<256x128xf32>
      %get3A_237 = arith.constant 0 : index
      %get3A_238 = arith.constant 0 : index
      %get3A_239 = arith.constant 0 : index
      %get3A_240 = vector.load %arg11[%get3A_237, %get3A_238, %get3A_239] : memref<1x128x128xf32, #tpu.memory_space<vmem>>, vector<1x128x128xf32>
      %get3A_241 = vector.shape_cast %get3A_240 : vector<1x128x128xf32> to vector<128x128xf32>
      %convert_element_type3A_242 = arith.truncf %sub3A_236 : vector<256x128xf32> to vector<256x128xbf16>
      %convert_element_type3A_243 = arith.truncf %get3A_241 : vector<128x128xf32> to vector<128x128xbf16>
      %dot_general3A_244 = arith.constant dense<0.000000e+00> : vector<256x128xf32>
      %dot_general3A_245 = tpu.matmul %convert_element_type3A_242, %convert_element_type3A_243, %dot_general3A_244 {dimension_numbers = #tpu.dot_dimension_numbers<[1], [0], [0], [1], [0, 0, 1, 1], [], []>, transpose_lhs_hint = false} : vector<256x128xbf16>, vector<128x128xbf16>, vector<256x128xf32> -> vector<256x128xf32>
      %get3A_246 = arith.constant 0 : index
      %get3A_247 = arith.constant 0 : index
      %get3A_248 = arith.constant 0 : index
      %get3A_249 = vector.load %arg12[%get3A_246, %get3A_247, %get3A_248] : memref<1x1x128xf32, #tpu.memory_space<vmem>>, vector<1x1x128xf32>
      %get3A_250 = vector.shape_cast %get3A_249 : vector<1x1x128xf32> to vector<1x128xf32>
      %add3A_251 = vector.broadcast %get3A_250 : vector<1x128xf32> to vector<256x128xf32>
      %add3A_252 = arith.addf %dot_general3A_245, %add3A_251 : vector<256x128xf32>
      %mul3A_253 = arith.constant 256 : i32
      %mul3A_254 = arith.muli %sub3A_13, %mul3A_253 : i32
      %get3A_255 = arith.index_cast %mul3A_254 : i32 to index
      %get3A_256 = arith.constant 0 : index
      %get3A_257 = vector.load %arg14[%get3A_255, %get3A_256] : memref<4096x128xf32, #tpu.memory_space<vmem>>, vector<256x128xf32>
      %add3A_258 = arith.addf %get3A_257, %add3A_252 : vector<256x128xf32>
      %mul3A_259 = arith.constant 256 : i32
      %mul3A_260 = arith.muli %sub3A_13, %mul3A_259 : i32
      %swap3A_261 = arith.index_cast %mul3A_260 : i32 to index
      %swap3A_262 = arith.constant 0 : index
      %swap3A_263 = vector.load %arg14[%swap3A_261, %swap3A_262] : memref<4096x128xf32, #tpu.memory_space<vmem>>, vector<256x128xf32>
      tpu.vector_store %arg14[%swap3A_261, %swap3A_262], %add3A_258 {strides = array<i32>} : memref<4096x128xf32, #tpu.memory_space<vmem>>, vector<256x128xf32>,
      %eq3A_264 = arith.constant 5 : i32
      %eq3A_265 = arith.cmpi eq, %arg0, %eq3A_264 : i32
      %convert_element_type3A_266 = arith.extui %eq3A_265 : i1 to i32
      %cond3A_267 = arith.constant 0 : i32
      %cond3A_268 = arith.cmpi ne, %convert_element_type3A_266, %cond3A_267 : i32
      scf.if %cond3A_268 {
        %swap3A_269 = arith.constant 0 : index
        %swap3A_270 = arith.constant 0 : index
        %swap3A_271 = vector.load %arg13[%swap3A_269, %swap3A_270] : memref<256x128xf32, #tpu.memory_space<vmem>>, vector<256x128xf32>
        tpu.vector_store %arg13[%swap3A_269, %swap3A_270], %add3A_258 {strides = array<i32>} : memref<256x128xf32, #tpu.memory_space<vmem>>, vector<256x128xf32>,
      } else {
      }
    } else {
    }
    return
  }
  func.func @transform_0(%arg0: i32, %arg1: i32) -> (i32, i32) {
    %c0_i32 = arith.constant 0 : i32
    %c0_i32_0 = arith.constant 0 : i32
    %c0_i32_1 = arith.constant 0 : i32
    return %c0_i32, %c0_i32_0 : i32, i32
  }
  func.func @transform_1(%arg0: i32, %arg1: i32) -> (i32, i32) {
    %sub3A = arith.constant 1 : i32
    %sub3A_0 = arith.subi %arg1, %sub3A : i32
    %max3A = arith.constant 0 : i32
    %max3A_1 = arith.maxsi %sub3A_0, %max3A : i32
    %c0_i32 = arith.constant 0 : i32
    %c0_i32_2 = arith.constant 0 : i32
    return %max3A_1, %c0_i32 : i32, i32
  }
  func.func @transform_2(%arg0: i32, %arg1: i32) -> (i32, i32, i32) {
    %c0_i32 = arith.constant 0 : i32
    %c0_i32_0 = arith.constant 0 : i32
    %c0_i32_1 = arith.constant 0 : i32
    return %arg0, %c0_i32, %c0_i32_0 : i32, i32, i32
  }
  func.func @transform_3(%arg0: i32, %arg1: i32) -> (i32, i32, i32) {
    %c0_i32 = arith.constant 0 : i32
    %c0_i32_0 = arith.constant 0 : i32
    %c0_i32_1 = arith.constant 0 : i32
    return %arg0, %c0_i32, %c0_i32_0 : i32, i32, i32
  }
  func.func @transform_4(%arg0: i32, %arg1: i32) -> (i32, i32, i32) {
    %c0_i32 = arith.constant 0 : i32
    %c0_i32_0 = arith.constant 0 : i32
    %c0_i32_1 = arith.constant 0 : i32
    return %arg0, %c0_i32, %c0_i32_0 : i32, i32, i32
  }
  func.func @transform_5(%arg0: i32, %arg1: i32) -> (i32, i32, i32) {
    %c0_i32 = arith.constant 0 : i32
    %c0_i32_0 = arith.constant 0 : i32
    %c0_i32_1 = arith.constant 0 : i32
    return %arg0, %c0_i32, %c0_i32_0 : i32, i32, i32
  }
  func.func @transform_6(%arg0: i32, %arg1: i32) -> (i32, i32, i32) {
    %c0_i32 = arith.constant 0 : i32
    %c0_i32_0 = arith.constant 0 : i32
    %c0_i32_1 = arith.constant 0 : i32
    return %arg0, %c0_i32, %c0_i32_0 : i32, i32, i32
  }
  func.func @transform_7(%arg0: i32, %arg1: i32) -> (i32, i32, i32) {
    %c0_i32 = arith.constant 0 : i32
    %c0_i32_0 = arith.constant 0 : i32
    %c0_i32_1 = arith.constant 0 : i32
    return %arg0, %c0_i32, %c0_i32_0 : i32, i32, i32
  }
  func.func @transform_8(%arg0: i32, %arg1: i32) -> (i32, i32, i32) {
    %c0_i32 = arith.constant 0 : i32
    %c0_i32_0 = arith.constant 0 : i32
    %c0_i32_1 = arith.constant 0 : i32
    return %arg0, %c0_i32, %c0_i32_0 : i32, i32, i32
  }
  func.func @transform_9(%arg0: i32, %arg1: i32) -> (i32, i32, i32) {
    %c0_i32 = arith.constant 0 : i32
    %c0_i32_0 = arith.constant 0 : i32
    %c0_i32_1 = arith.constant 0 : i32
    return %arg0, %c0_i32, %c0_i32_0 : i32, i32, i32
  }
  func.func @transform_10(%arg0: i32, %arg1: i32) -> (i32, i32, i32) {
    %c0_i32 = arith.constant 0 : i32
    %c0_i32_0 = arith.constant 0 : i32
    %c0_i32_1 = arith.constant 0 : i32
    return %arg0, %c0_i32, %c0_i32_0 : i32, i32, i32
  }
  func.func @transform_11(%arg0: i32, %arg1: i32) -> (i32, i32) {
    %sub3A = arith.constant 1 : i32
    %sub3A_0 = arith.subi %arg1, %sub3A : i32
    %max3A = arith.constant 0 : i32
    %max3A_1 = arith.maxsi %sub3A_0, %max3A : i32
    %c0_i32 = arith.constant 0 : i32
    %c0_i32_2 = arith.constant 0 : i32
    return %max3A_1, %c0_i32 : i32, i32
  }
}

module attributes {stable_mosaic.version = 14 : i64} {
  func.func @_readout_kernel(%arg0: memref<4096x128xf32, #tpu.memory_space<vmem>>, %arg1: memref<1x4096xi32, #tpu.memory_space<vmem>>, %arg2: memref<128x64xf32, #tpu.memory_space<vmem>>, %arg3: memref<1x64xf32, #tpu.memory_space<vmem>>, %arg4: memref<64x1xf32, #tpu.memory_space<vmem>>, %arg5: memref<1x1xf32, #tpu.memory_space<vmem>>, %arg6: memref<16x1xf32, #tpu.memory_space<vmem>>) attributes {dimension_semantics = [], scalar_prefetch = 0 : i64, scratch_operands = 0 : i64, tpu.core_type = #tpu.core_type<tc>} {
    %get3A = arith.constant 0 : index
    %get3A_0 = arith.constant 0 : index
    %get3A_1 = vector.load %arg0[%get3A, %get3A_0] : memref<4096x128xf32, #tpu.memory_space<vmem>>, vector<4096x128xf32>
    %get3A_2 = arith.constant 0 : index
    %get3A_3 = arith.constant 0 : index
    %get3A_4 = vector.load %arg2[%get3A_2, %get3A_3] : memref<128x64xf32, #tpu.memory_space<vmem>>, vector<128x64xf32>
    %convert_element_type3A = arith.truncf %get3A_1 : vector<4096x128xf32> to vector<4096x128xbf16>
    %convert_element_type3A_5 = arith.truncf %get3A_4 : vector<128x64xf32> to vector<128x64xbf16>
    %dot_general3A = arith.constant dense<0.000000e+00> : vector<4096x64xf32>
    %dot_general3A_6 = tpu.matmul %convert_element_type3A, %convert_element_type3A_5, %dot_general3A {dimension_numbers = #tpu.dot_dimension_numbers<[1], [0], [0], [1], [0, 0, 1, 1], [], []>, transpose_lhs_hint = false} : vector<4096x128xbf16>, vector<128x64xbf16>, vector<4096x64xf32> -> vector<4096x64xf32>
    %get3A_7 = arith.constant 0 : index
    %get3A_8 = arith.constant 0 : index
    %get3A_9 = vector.load %arg3[%get3A_7, %get3A_8] : memref<1x64xf32, #tpu.memory_space<vmem>>, vector<1x64xf32>
    %add3A = vector.broadcast %get3A_9 : vector<1x64xf32> to vector<4096x64xf32>
    %add3A_10 = arith.addf %dot_general3A_6, %add3A : vector<4096x64xf32>
    %custom_jvp_call3A = arith.constant 0.000000e+00 : f32
    %max3A = vector.broadcast %custom_jvp_call3A : f32 to vector<4096x64xf32>
    %max3A_11 = arith.maximumf %add3A_10, %max3A : vector<4096x64xf32>
    %sub3A = vector.broadcast %custom_jvp_call3A : f32 to vector<4096x64xf32>
    %sub3A_12 = arith.subf %add3A_10, %sub3A : vector<4096x64xf32>
    %ne3A = arith.cmpf one, %sub3A_12, %sub3A_12 : vector<4096x64xf32>
    %add3A_13 = vector.broadcast %custom_jvp_call3A : f32 to vector<4096x64xf32>
    %add3A_14 = arith.addf %add3A_10, %add3A_13 : vector<4096x64xf32>
    %abs3A = math.absf %sub3A_12 : vector<4096x64xf32>
    %neg3A = arith.constant 0.000000e+00 : f32
    %neg3A_15 = vector.broadcast %neg3A : f32 to vector<4096x64xf32>
    %neg3A_16 = arith.subf %neg3A_15, %abs3A : vector<4096x64xf32>
    %exp3A = math.exp %neg3A_16 : vector<4096x64xf32>
    %log1p3A = math.log1p %exp3A : vector<4096x64xf32>
    %add3A_17 = arith.addf %max3A_11, %log1p3A : vector<4096x64xf32>
    %select_n3A = arith.select %ne3A, %add3A_14, %add3A_17 : vector<4096x64xi1>, vector<4096x64xf32>
    %log3A = arith.constant 2.000000e+00 : f32
    %log3A_18 = math.log %log3A : f32
    %sub3A_19 = vector.broadcast %log3A_18 : f32 to vector<4096x64xf32>
    %sub3A_20 = arith.subf %select_n3A, %sub3A_19 : vector<4096x64xf32>
    %get3A_21 = arith.constant 0 : index
    %get3A_22 = arith.constant 0 : index
    %get3A_23 = vector.load %arg4[%get3A_21, %get3A_22] : memref<64x1xf32, #tpu.memory_space<vmem>>, vector<64x1xf32>
    %convert_element_type3A_24 = arith.truncf %sub3A_20 : vector<4096x64xf32> to vector<4096x64xbf16>
    %convert_element_type3A_25 = arith.truncf %get3A_23 : vector<64x1xf32> to vector<64x1xbf16>
    %dot_general3A_26 = arith.constant dense<0.000000e+00> : vector<4096x1xf32>
    %dot_general3A_27 = tpu.matmul %convert_element_type3A_24, %convert_element_type3A_25, %dot_general3A_26 {dimension_numbers = #tpu.dot_dimension_numbers<[1], [0], [0], [1], [0, 0, 1, 1], [], []>, transpose_lhs_hint = false} : vector<4096x64xbf16>, vector<64x1xbf16>, vector<4096x1xf32> -> vector<4096x1xf32>
    %get3A_28 = arith.constant 0 : index
    %get3A_29 = arith.constant 0 : index
    %get3A_30 = vector.load %arg5[%get3A_28, %get3A_29] : memref<1x1xf32, #tpu.memory_space<vmem>>, vector<1x1xf32>
    %add3A_31 = vector.broadcast %get3A_30 : vector<1x1xf32> to vector<4096x1xf32>
    %add3A_32 = arith.addf %dot_general3A_27, %add3A_31 : vector<4096x1xf32>
    %iota3A = tpu.iota {dimensions = array<i32: 0>} : vector<16x4096xi32>
    %get3A_33 = arith.constant 0 : index
    %get3A_34 = arith.constant 0 : index
    %get3A_35 = vector.load %arg1[%get3A_33, %get3A_34] : memref<1x4096xi32, #tpu.memory_space<vmem>>, vector<1x4096xi32>
    %eq3A = vector.broadcast %get3A_35 : vector<1x4096xi32> to vector<16x4096xi32>
    %eq3A_36 = arith.cmpi eq, %iota3A, %eq3A : vector<16x4096xi32>
    %convert_element_type3A_37 = arith.extui %eq3A_36 : vector<16x4096xi1> to vector<16x4096xi32>
    %convert_element_type3A_38 = arith.sitofp %convert_element_type3A_37 : vector<16x4096xi32> to vector<16x4096xf32>
    %dot_general3A_39 = arith.constant dense<0.000000e+00> : vector<16x1xf32>
    %dot_general3A_40 = tpu.matmul %convert_element_type3A_38, %add3A_32, %dot_general3A_39 {dimension_numbers = #tpu.dot_dimension_numbers<[1], [0], [0], [1], [0, 0, 1, 1], [], []>, precision = #tpu.contract_precision<fp32>, transpose_lhs_hint = false} : vector<16x4096xf32>, vector<4096x1xf32>, vector<16x1xf32> -> vector<16x1xf32>
    %swap3A = arith.constant 0 : index
    %swap3A_41 = arith.constant 0 : index
    %swap3A_42 = vector.load %arg6[%swap3A, %swap3A_41] : memref<16x1xf32, #tpu.memory_space<vmem>>, vector<16x1xf32>
    tpu.vector_store %arg6[%swap3A, %swap3A_41], %dot_general3A_40 {strides = array<i32>} : memref<16x1xf32, #tpu.memory_space<vmem>>, vector<16x1xf32>,
    return
  }
}

</mosaic_0001>

<sc_bundles>
// kernel: kernel.7.cloned.1.call-start
scs
__scs_entry_jumppad:
0x0: {  	(pc) =	sbr.rel $0x88, $3  }
0x1: {  	(tag) =	ssettag $0x0;
	lr =	simm.s32 $0x1  }
0x2: {  	[smem:$0x3F90] =	sst lr;
	_ =	strace $0xD0000000  }
0x3: {  	_ = 	snop  }
0x4: {  	_ = 	snop  }
0x5: {  	_ = 	snop  }
0x6: {  	_ = 	snop  }
0x7: {  	_ = 	snop  }
__scs_overlays_trampoline_lowered:
0x8: {  	[smem:$0x3F9F] =	sst s0  }
0x9: {  	[smem:$0x3FA0] =	sst s1  }
0xa: {  	[smem:$0x3FA1] =	sst s2  }
0xb: {  	[smem:$0x3FA2] =	sst s3  }
0xc: {  	[smem:$0x3FA3] =	sst s4  }
0xd: {  	[smem:$0x3FA4] =	sst s5  }
0xe: {  	[smem:$0x3FA5] =	sst s6  }
0xf: {  	[smem:$0x3FA6] =	sst s7  }
0x10: {  	[smem:$0x3FA7] =	sst s8  }
0x11: {  	[smem:$0x3FA8] =	sst s9;
	s0 =	simm.s32 @!p0 $0x0  }
0x12: {  	s1 =	sld [smem:$0x3F8E];
	s0 =	simm.s32 @p0 $0x1  }
0x13: {  	[smem:$0x3FA9] =	sst s0;
	s0 =	simm.s32 @!p1 $0x0  }
0x14: {  	s2 =	sld [smem:$0x3F8D];
	s0 =	simm.s32 @p1 $0x1  }
0x15: {  	[smem:$0x3FAA] =	sst s0;
	s0 =	simm.s32 @!p2 $0x0  }
0x16: {  	s3 =	sld [smem:$0x3FDB];
	s0 =	simm.s32 @p2 $0x1  }
0x17: {  	s4 =	simm.s32 $0x1BF5;
	[smem:$0x3FAC] =	sst s0  }
0x18: {  	s0 =	sld [smem:$0x3F8F];
	_ =	swait.ge [sflag:s4], $0x0  }
0x19: {  	s7 =	sld [smem:$0x3F90]  }
0x1a: {  	s8 =	sadd.s32 $0xFFFFE003, lr  }
0x1b: {  	s9 =	sadd.s32 $0xFFFFFEF7, lr;
	s5 =	simm.s32 $0xFFFFFFFF;
	p2 =	slt.u32 s8, $0xFFFFF086  }
0x1c: {  	p1 =	slt.u32 s9, $0xF7A;
	s5 =	simm.s32 @!p2 $0x0  }
0x1d: {  	s5 =	simm.s32 @p1 $0x1;
	p0 =	seq.s32 s7, s2  }
0x1e: {  	s7 =	smul.u32 @!p0 $0xF7A, s2;
	p2 =	seq.s32 @!p0 s5, $0x0  }
0x1f: {  	s9 =	smul.u32 $0xF7A, s1;
	s8 =	simm.s32 @!p0 $0x1BF5;
	p2 =	por !p2, p0  }
0x20: {  	[sflag:s8] =	ssyncset.s32 @!p0 $0xFFFFF086;
	s6 =	sadd.s32 @!p0 s3, s7;
	s7 =	simm.s32 @!p0 $0x108  }
0x21: {  	s3 =	sadd.s32 s3, s9;
	s6 =	sadd.s32 @!p0 $0x88, s6;
	s7 =	simm.s32 @p2 $0x1082  }
0x22: {  	[simem:s7], [sflag:s8] =	dma.local @!p0 [hbm:s6], $0xF7A  }
0x23: {  	s9 =	sor.u32 $0xD0000000, s2;
	s6 =	simm.s32 $0x108;
	_ =	swait.ge @!p0 [sflag:s8], $0x0  }
0x24: {  	s3 =	sadd.s32 $0x88, s3;
	s6 =	simm.s32 @!p1 $0x1082;
	[sflag:s4] =	ssyncset.s32 $0xFFFFF086  }
0x25: {  	[simem:s6], [sflag:s4] =	dma.local [hbm:s3], $0xF7A  }
0x26: {  	[smem:$0x3F90] =	sst s1;
	(tag) =	ssettag s2;
	_ =	strace s9  }
0x27: {  	s1 =	sld [smem:$0x3FA0]  }
0x28: {  	s2 =	sld [smem:$0x3FA1]  }
0x29: {  	s4 =	sld [smem:$0x3FA3]  }
0x2a: {  	p0 =	seq.s32 s5, $0x0;
	s5 =	sld [smem:$0x3FA4]  }
0x2b: {  	s6 =	sld [smem:$0x3FA5]  }
0x2c: {  	s7 =	sld [smem:$0x3FA6]  }
0x2d: {  	s3 =	simm.s32 $0x108;
	s8 =	sld [smem:$0x3FA7]  }
0x2e: {  	s3 =	simm.s32 @!p0 $0x1082;
	s9 =	sld [smem:$0x3FA8]  }
0x2f: {  	lr =	sadd.s32 s0, s3;
	s0 =	sld [smem:$0x3F9F]  }
0x30: {  	s3 =	sld [smem:$0x3FA2]  }
0x31: {  	[smem:$0x3FAB] =	sst s10  }
0x32: {  	s10 =	sld [smem:$0x3FA9];
	_ =	sdelay $0x3  }
0x33: {  	p0 =	seq.s32 s10, $0x1;
	s10 =	sld [smem:$0x3FAB];
	_ =	sdelay $0x3  }
0x34: {  	[smem:$0x3FAB] =	sst s10  }
0x35: {  	s10 =	sld [smem:$0x3FAA];
	_ =	sdelay $0x3  }
0x36: {  	p1 =	seq.s32 s10, $0x1;
	s10 =	sld [smem:$0x3FAB];
	_ =	sdelay $0x3  }
0x37: {  	[smem:$0x3FAB] =	sst s10  }
0x38: {  	s10 =	sld [smem:$0x3FAC]  }
0x39: {  	_ = 	snop;
	(pc) =	sbr.ind lr, $3  }
0x3a: {  	_ = 	snop  }
0x3b: {  	_ = 	snop  }
0x3c: {  	p2 =	seq.s32 s10, $0x1;
	s10 =	sld [smem:$0x3FAB]  }
0x3d: {  	_ =	shalt  }
0x3e: {  	_ =	shalt  }
0x3f: {  	_ =	shalt  }
0x40: {  	_ =	shalt  }
0x41: {  	_ =	shalt  }
0x42: {  	_ =	shalt  }
0x43: {  	_ =	shalt  }
0x44: {  	_ =	shalt  }
0x45: {  	_ =	shalt  }
0x46: {  	_ =	shalt  }
0x47: {  	_ =	shalt  }
0x48: {  	_ =	shalt  }
0x49: {  	_ =	shalt  }
0x4a: {  	_ =	shalt  }
0x4b: {  	_ =	shalt  }
0x4c: {  	_ =	shalt  }
0x4d: {  	_ =	shalt  }
0x4e: {  	_ =	shalt  }
0x4f: {  	_ =	shalt  }
0x50: {  	_ =	shalt  }
0x51: {  	_ =	shalt  }
0x52: {  	_ =	shalt  }
0x53: {  	_ =	shalt  }
0x54: {  	_ =	shalt  }
0x55: {  	_ =	shalt  }
0x56: {  	_ =	shalt  }
0x57: {  	_ =	shalt  }
0x58: {  	_ =	shalt  }
0x59: {  	_ =	shalt  }
0x5a: {  	_ =	shalt  }
0x5b: {  	_ =	shalt  }
0x5c: {  	_ =	shalt  }
0x5d: {  	_ =	shalt  }
0x5e: {  	_ =	shalt  }
0x5f: {  	_ =	shalt  }
0x60: {  	_ =	shalt  }
0x61: {  	_ =	shalt  }
0x62: {  	_ =	shalt  }
0x63: {  	_ =	shalt  }
0x64: {  	_ =	shalt  }
0x65: {  	_ =	shalt  }
0x66: {  	_ =	shalt  }
0x67: {  	_ =	shalt  }
0x68: {  	_ =	shalt  }
0x69: {  	_ =	shalt  }
0x6a: {  	_ =	shalt  }
0x6b: {  	_ =	shalt  }
0x6c: {  	_ =	shalt  }
0x6d: {  	_ =	shalt  }
0x6e: {  	_ =	shalt  }
0x6f: {  	_ =	shalt  }
0x70: {  	_ =	shalt  }
0x71: {  	_ =	shalt  }
0x72: {  	_ =	shalt  }
0x73: {  	_ =	shalt  }
0x74: {  	_ =	shalt  }
0x75: {  	_ =	shalt  }
0x76: {  	_ =	shalt  }
0x77: {  	_ =	shalt  }
0x78: {  	_ =	shalt  }
0x79: {  	_ =	shalt  }
0x7a: {  	_ =	shalt  }
0x7b: {  	_ =	shalt  }
0x7c: {  	_ =	shalt  }
0x7d: {  	_ =	shalt  }
0x7e: {  	_ =	shalt  }
0x7f: {  	_ =	shalt  }
0x80: {  	_ =	shalt  }
0x81: {  	_ =	shalt  }
0x82: {  	_ =	shalt  }
0x83: {  	_ =	shalt  }
0x84: {  	_ =	shalt  }
0x85: {  	_ =	shalt  }
0x86: {  	_ =	shalt  }
0x87: {  	_ =	shalt  }
.Lfunc_end0:
.L_simem_size_0:
called_computation_lowered:
.L_overlay_start_0:
0x88: {  	s2 =	sld [smem:$0x3FD9]  }
0x89: {  	s3 =	sld [smem:$0x3FFE];
	_ =	sdelay $0x1  }
0x8a: {  	s1 =	srdreg.scid  }
0x8b: {  	s0 =	sand.u32 $0x1, s1  }
0x8c: {  	s17 =	sshll.u32 s0, $0xA;
	s2 =	sadd.s32 s3, s2  }
0x8d: {  	s2 =	sadd.s32 s2, s17  }
0x8e: {  	[smem:$0x3FB7] =	sst s2  }
0x8f: {  	_ = 	snop  }
0x90: {  	s2 =	sld [smem:$0x3FC9]  }
0x91: {  	s18 =	sld [smem:$0x3FC6];
	(tm) =	ssettm $0x1  }
0x92: {  	s4 =	sld [smem:$0x3FFB];
	_ =	sdelay $0x3  }
0x93: {  	_ =	strace s4  }
0x94: {  	s4 =	sld [smem:$0x3FFC];
	_ =	sdelay $0x3  }
0x95: {  	_ =	strace s4  }
0x96: {  	s4 =	sld [smem:$0x3FFD];
	_ =	sdelay $0x3  }
0x97: {  	_ =	strace s4  }
0x98: {  	_ =	strace $0x8FFFFFFF  }
0x99: {  	s19 =	sld [smem:$0x3FDB];
	_ =	sdelay $0x1  }
0x9a: {  	s5 =	simm.s32 $_scs_section_size  }
0x9b: {  	s6 =	simm.s32 $_size__tile_overlayer_lowered;
	s7 =	simm.s32 $_tile_overlayer_lowered  }
0x9c: {  	s22 =	simm.s32 $0x1BFF;
	s21 =	sshll.u32 s7, $0x1;
	s4 =	sadd.s32 s5, s19  }
0x9d: {  	s8 =	simm.s32 $0x0;
	s20 =	sshll.u32 s6, $0x1;
	s6 =	sadd.s32 s21, s4  }
0x9e: {  	[timem:s8], [sflag:s22] =	dma.local [hbm:s6], s20  }
0x9f: {  	_ =	swait.ge [sflag:s22], s20  }
0xa0: {  	s5 =	ssub.s32 $0x0, s20;
	[sflag:s22] =	ssyncset.done $0x0  }
0xa1: {  	[sflag:s22] =	ssyncadd.s32 s5;
	_ =	sdelay $0x1  }
0xa2: {  	s23 =	simm.s32 $0x1B8B  }
0xa3: {  	_ =	swait.ge [sflag:s23], $0x1  }
0xa4: {  	[sflag:s23] =	ssyncset.done $0x0  }
0xa5: {  	s25 =	simm.s32 $0x1B8E;
	s24 =	sld [smem:$0x3FFE];
	[sflag:s23] =	ssyncadd.s32 $0xFFFFFFFF  }
0xa6: {  	s26 =	simm.s32 $execute0_lowered;
	[smem:$0x3FD2] =	sst s25  }
0xa7: {  	s6 =	sshll.u32 s26, $0x1;
	_ =	strace $0x80000046;
	[dreg:$0x1] =	wrdreg $0xFFFFFFFF  }
0xa8: {  	s28 =	simm.s32 $_size_execute0_lowered;
	s4 =	sadd.s32 s4, s6;
	[dreg:$0x0] =	wrdreg $0x0  }
0xa9: {  	s6 =	sshll.u32 s28, $0x1;
	[dreg:$0x2] =	wrdreg s4  }
0xaa: {  	[dreg:$0x3] =	wrdreg s6  }
0xab: {  	[dreg:$0x4] =	wrdreg $0xC0  }
0xac: {  	_ =	task [dreg:s8], $0x5FFFF  }
0xad: {  	[dreg:$0x1] =	wrdreg $0xFFFFFFFF  }
0xae: {  	[dreg:$0x0] =	wrdreg $0x60  }
0xaf: {  	[dreg:$0x2] =	wrdreg s18  }
0xb0: {  	[dreg:$0x3] =	wrdreg s2  }
0xb1: {  	[dreg:$0x4] =	wrdreg s24  }
0xb2: {  	[dreg:$0x5] =	wrdreg $0x9  }
0xb3: {  	_ =	task.clear_ibuf [dreg:s8], $0x6FFFF;
	_ =	strace $0x90000046  }
0xb4: {  	s29 =	simm.s32 $0x9;
	_ =	strace $0x80000048  }
0xb5: {  	_ =	swait.ge [sflag:s29], $0x1  }
0xb6: {  	[sflag:s29] =	ssyncadd.s32 $0xFFFFFFFF  }
0xb7: {  	_ =	strace $0x90000048  }
0xb8: {  	_ =	sfence  }
0xb9: {  	s30 =	sld [smem:$0x0];
	_ =	sdelay $0x2  }
0xba: {  	s31 =	sshll.u32 s1, $0xD;
	s1 =	sshrl.u32 s1, $0x2  }
0xbb: {  	s3 =	sand.u32 $0x4000, s31;
	s1 =	sadd.s32 s1, s30  }
0xbc: {  	s0 =	sor.u32 s3, s0;
	s1 =	sshll.u32 s1, $0x11  }
0xbd: {  	s0 =	sor.u32 s1, s0  }
0xbe: {  	s0 =	sadd.s32 $0x8F2B, s0  }
0xbf: {  	[sflag:s0] =	ssyncadd.remote.s32 $0x1  }
0xc0: {  	_ =	sfence.sel $0xFFFF  }
0xc1: {  	[dreg:$0x0] =	wrdreg $0xFFFFFFFF;
	(pc) =	sbr.abs _section_cstart, $3  }
0xc2: {  	[dreg:$0x1] =	wrdreg $0xFFFFFFFF  }
0xc3: {  	_ =	task.clear_ibuf [dreg:s8], $0x2FFFF;
	_ =	strace $0x9FFFFFFF  }
0xc4: {  	(tm) =	ssettm $0x7FFFFFFF  }
0xc5: {  	_ =	shalt  }
tec
execute0_lowered:
.L_overlay_start_1:
0x0: {  	(tag) =	ssettag $0x1  }
0x1: {  	s1 =	rddreg [dreg:$0x0];
	s2 =	srdreg.scid  }
0x2: {  	s4 =	rddreg [dreg:$0x1];
	s0 =	stileid.u32  }
0x3: {  	s8 =	rddreg [dreg:$0x2];
	s3 =	simm.s32 $0x0;
	s6 =	sand.u32 $0x1, s2  }
0x4: {  	s5 =	sshll.u32 s0, $0x8;
	s2 =	rddreg [dreg:$0x3];
	s7 =	sshll.u32 s6, $0x7  }
0x5: {  	[smem:$0x7FF] =	sst s3;
	s9 =	sor.u32 s7, s5  }
0x6: {  	_ =	strace $0x80000047;
	s10 =	ssub.s32 $0x2, s6;
	s5 =	sshrl.u32 s9, $0x3  }
0x7: {  	s6 =	simm.s32 $0x80;
	s5 =	sadd.s32 s4, s5;
	s4 =	simm.s32 $0x2  }
0x8: {  	[tilespmem:s3], [sflag:$0x2] =	stream.linear.gather [hbm4b:s5+s3], $0x80, $0x38;
	[tilespmem:$0x4080] =	vst v63  }
0x9: {  	s7 =	simm.s32 $0x1;
	s11 =	sshrl.u32 s10, $0x1;
	_ =	swait.ge [sflag:s4], $0x80  }
0xa: {  	s9 =	sshll.u32 s9, $0x4;
	s31 =	ssub.s32 s10, s11;
	[sflag:s4] =	ssyncset.done $0x0  }
0xb: {  	s8 =	sadd.s32 s9, s8;
	s9 =	smax.u32 s31, $0x1;
	[sflag:s4] =	ssyncadd.s32 $0xFFFFFF80  }
0xc: {  	[tilespmem:s6], [sflag:$0x1] =	stream.indirect.gather [hbm4b:s1+s6], $0x80, s3, s6, $0xb8;
	[tilespmem:$0x4080] =	vst v63  }
0xd: {  	p0 =	sne.s32 s9, $0x1;
	_ =	swait.ge [sflag:s7], $0x4000  }
.Ltmp0:
0xe: {  	[sflag:s7] =	ssyncset.done $0x0;
	(pc) =	sbr.rel @!p0 .LBB2_2-.Ltmp0, $4  }
0xf: {  	s8 =	sadd.s32 $0x2400, s8;
	[sflag:s7] =	ssyncadd.s32 $0xFFFFC000  }
0x10: {  	[hbm4b:s8+s3] =	stream.linear.scatter [tilespmem:s6], [sflag:$0x2], $0x4000, $0x38;
	[tilespmem:$0x4080] =	vst v63  }
0x11: {  	_ =	swait.ge [sflag:s4], $0x4000  }
0x12: {  	s9 =	sadd.s32 $0xFFFFFFFF, s9;
	[sflag:s4] =	ssyncset.done $0x0  }
.LBB2_1:
0x13: {  	p0 =	sne.s32 s9, $0x1;
	s9 =	sadd.s32 $0xFFFFFFFF, s9;
	[sflag:s4] =	ssyncadd.s32 $0xFFFFC000  }
0x14: {  	[tilespmem:s3], [sflag:$0x2] =	stream.linear.gather [hbm4b:s5+s3], $0x80, $0x38;
	[tilespmem:$0x4080] =	vst v63  }
0x15: {  	_ =	swait.ge [sflag:s4], $0x80  }
0x16: {  	[sflag:s4] =	ssyncset.done $0x0  }
0x17: {  	[sflag:s4] =	ssyncadd.s32 $0xFFFFFF80  }
0x18: {  	[tilespmem:s6], [sflag:$0x1] =	stream.indirect.gather [hbm4b:s1+s6], $0x80, s3, s6, $0xb8;
	[tilespmem:$0x4080] =	vst v63  }
0x19: {  	_ =	swait.ge [sflag:s7], $0x4000  }
.Ltmp1:
0x1a: {  	[sflag:s7] =	ssyncset.done $0x0;
	(pc) =	sbr.rel @p0 .LBB2_1-.Ltmp1, $4  }
0x1b: {  	[sflag:s7] =	ssyncadd.s32 $0xFFFFC000  }
0x1c: {  	[hbm4b:s8+s3] =	stream.linear.scatter [tilespmem:s6], [sflag:$0x2], $0x4000, $0x38;
	[tilespmem:$0x4080] =	vst v63  }
0x1d: {  	_ =	swait.ge [sflag:s4], $0x4000  }
0x1e: {  	[sflag:s4] =	ssyncset.done $0x0  }
.LBB2_2:
0x1f: {  	[sflag:s4] =	ssyncadd.s32 $0xFFFFC000  }
0x20: {  	_ =	sfence.sel $0x180000  }
0x21: {  	[bflag:$0x0] =	sbarrier.arrive $0xFFFF  }
0x22: {  	p0 =	sne.s32 s0, $0x0;
	_ =	strace $0x90000047  }
0x23: {  	s0 =	sadd.s32 @!p0 $0x100000, s2;
	[bflag:$0x2] =	sbarrier.arrive $0xFFFF  }
0x24: {  	[sflag:s0] =	ssyncadd.tile.s32 @!p0 $0x1;
	_ =	shalt  }
.Lfunc_end2:
_tile_overlayer_lowered:
.L_overlay_start_2:
0x25: {  	(tag) =	ssettag $0x2  }
0x26: {  	s0 =	rddreg [dreg:$0x0];
	s2 =	stileid.u32  }
0x27: {  	s1 =	rddreg [dreg:$0x1];
	p0 =	sne.s32 s2, $0x0  }
0x28: {  	s3 =	rddreg [dreg:$0x2];
	[bflag:$0x3] =	sbarrier.arrive $0xFFFF;
	s2 =	simm.s32 @!p0 $0x1C02  }
0x29: {  	[timem:s3], [sflag:s2] =	dma.local @!p0 [hbm:s0], s1  }
0x2a: {  	s0 =	simm.s32 @!p0 $0x2  }
0x2b: {  	_ =	swait.ge @!p0 [sflag:s0], s1  }
0x2c: {  	s1 =	ssub.s32 @!p0 $0x0, s1;
	[sflag:s0] =	ssyncset.done @!p0 $0x0  }
0x2d: {  	[sflag:s0] =	ssyncadd.s32 @!p0 s1  }
0x2e: {  	[bflag:$0x3] =	sbarrier.arrive $0xFFFF  }
0x2f: {  	_ =	shalt  }

</sc_bundles>
